<compile_context>
chip_gen: v7x
topology: tpu7x:2x2x1
jax: 0.10.2.dev20260603
libtpu: 0.0.44.dev20260713+nightly
codegen_flags: <defaults>
</compile_context>

<pallas_src>
import functools

import jax
import jax.numpy as jnp
from jax import lax
from jax.experimental import pallas as pl
from jax.experimental.pallas import tpu as pltpu
from jax.experimental.pallas import tpu_sc as plsc

N = 10000
NFEAT = 128
HID = 16
HEADS = 8
NCLASS = 16
E = 320000

NW = 32
CHUNK = 10496
E_PAD = NW * CHUNK
NPAD = 10112
ROWS_PER_TILE = NPAD // 16

_NEG = -1.0e30

_GATHER_DN = lax.GatherDimensionNumbers(
    offset_dims=(), collapsed_slice_dims=(0,), start_index_map=(0,))


def _lane_bcast(v, h):
    idx = jnp.full((16, 1), h, dtype=jnp.int32)
    return lax.gather(v, idx, _GATHER_DN, (1,),
                      mode=lax.GatherScatterMode.PROMISE_IN_BOUNDS)



def _pad_rows(a, value):
    return jnp.pad(a, ((0, NPAD - N), (0, 0)), constant_values=value)


def _tc1_body(x_ref, w1_ref, acs_ref, acd_ref, h_ref, as_ref, ad_ref):
    h = jnp.dot(x_ref[...], w1_ref[...], preferred_element_type=jnp.float32)
    h_ref[...] = _pad_rows(h, 0.0)
    as_ref[...] = _pad_rows(
        jnp.dot(h, acs_ref[...], preferred_element_type=jnp.float32), _NEG)
    ad_ref[...] = _pad_rows(
        jnp.dot(h, acd_ref[...], preferred_element_type=jnp.float32), _NEG)


def _tc2_body(num_ref, den_ref, s_ref, b1_ref, w2_ref,
              a2s_ref, a2d_ref, h2_ref, as2_ref, ad2_ref):
    den = den_ref[0, :N] + den_ref[1, :N]
    div = jnp.dot(den, s_ref[...], preferred_element_type=jnp.float32)
    out1 = (num_ref[0, :N] + num_ref[1, :N]) / div + b1_ref[...]
    x2 = jnp.where(out1 > 0, out1, jnp.exp(out1) - 1.0)
    h2 = jnp.dot(x2, w2_ref[...], preferred_element_type=jnp.float32)
    h2_ref[...] = _pad_rows(h2, 0.0)
    as2_ref[...] = _pad_rows(
        jnp.dot(h2, a2s_ref[...], preferred_element_type=jnp.float32), _NEG)
    ad2_ref[...] = _pad_rows(
        jnp.dot(h2, a2d_ref[...], preferred_element_type=jnp.float32), _NEG)


def _tc3_body(num_ref, den_ref, b2_ref, fin_ref, lp_ref):
    fin = ((num_ref[0, :N] + num_ref[1, :N])
           / (den_ref[0, :N] + den_ref[1, :N]) + b2_ref[...])
    fin_ref[...] = fin
    m = jnp.max(fin, axis=1, keepdims=True)
    lse = jnp.log(jnp.sum(jnp.exp(fin - m), axis=1, keepdims=True)) + m
    lp_ref[...] = fin - lse



def _make_sc_gat(D, heads, B, chunk0, chunk1, packed=False):
    mesh = plsc.VectorSubcoreMesh(core_axis_name="c", subcore_axis_name="s")
    chan = D // heads
    assert chunk0 + chunk1 == 2 * CHUNK
    nb0, nb1 = chunk0 // B, chunk1 // B
    assert nb0 * B == chunk0 and nb1 * B == chunk1
    assert nb0 % 2 == 0 and nb1 % 2 == 0
    pairs0, pairs1 = nb0 // 2, nb1 // 2
    off1 = 16 * chunk0

    @functools.partial(
        pl.kernel,
        out_type=[
            jax.ShapeDtypeStruct((2, NPAD, D), jnp.float32),
            jax.ShapeDtypeStruct((2, NPAD, 16), jnp.float32),
        ],
        mesh=mesh,
        compiler_params=pltpu.CompilerParams(use_tc_tiling_on_sc=False, needs_layout_passes=False),
        scratch_types=[
            pltpu.VMEM((B,), jnp.int32),
            pltpu.VMEM((B,), jnp.int32),
            (pltpu.VMEM((B, D // 2), jnp.uint32) if packed
             else pltpu.VMEM((B, D), jnp.float32)),
            pltpu.VMEM((B, D), jnp.float32),
            pltpu.VMEM((B, 16), jnp.float32),
            pltpu.VMEM((B, 16), jnp.float32),
            pltpu.VMEM((B, 16), jnp.float32),
            pltpu.VMEM((B,), jnp.int32),
            pltpu.VMEM((B,), jnp.int32),
            (pltpu.VMEM((B, D // 2), jnp.uint32) if packed
             else pltpu.VMEM((B, D), jnp.float32)),
            pltpu.VMEM((B, D), jnp.float32),
            pltpu.VMEM((B, 16), jnp.float32),
            pltpu.VMEM((B, 16), jnp.float32),
            pltpu.VMEM((B, 16), jnp.float32),
            pltpu.VMEM_SHARED((NPAD, D), jnp.float32),
            pltpu.VMEM_SHARED((NPAD, 16), jnp.float32),
            pltpu.SemaphoreType.DMA,
            pltpu.SemaphoreType.DMA,
            pltpu.SemaphoreType.DMA,
            pltpu.SemaphoreType.DMA,
        ],
    )
    def sc_gat(src_hbm, dst_hbm, h_hbm, as_hbm, ad_hbm, num_hbm, den_hbm,
               src0, dst0, hs0, msg0, as0, ad0, w0,
               src1, dst1, hs1, msg1, as1, ad1, w1,
               num_s, den_s, sg0, sg1, ss0, ss1):
        c = lax.axis_index("c")
        s = lax.axis_index("s")
        tile_base = jnp.where(c == 0, s * chunk0, off1 + s * chunk1)
        my_pairs = jnp.where(c == 0, pairs0, pairs1)
        slots = ((src0, dst0, hs0, msg0, as0, ad0, w0, sg0, ss0),
                 (src1, dst1, hs1, msg1, as1, ad1, w1, sg1, ss1))

        def prime(S, b):
            sv, dv, hs, msg, asv, adv, wv, sg, ss = S
            base = tile_base + b * B
            pltpu.sync_copy(src_hbm.at[pl.ds(base, B)], sv)
            pltpu.sync_copy(dst_hbm.at[pl.ds(base, B)], dv)
            pltpu.async_copy(h_hbm.at[sv], hs, sg)
            pltpu.async_copy(as_hbm.at[sv], asv, sg)
            pltpu.async_copy(ad_hbm.at[dv], adv, sg)

        def wait_gathers(S):
            sv, dv, hs, msg, asv, adv, wv, sg, ss = S
            pltpu.make_async_copy(h_hbm.at[sv], hs, sg).wait()
            pltpu.make_async_copy(as_hbm.at[sv], asv, sg).wait()
            pltpu.make_async_copy(ad_hbm.at[dv], adv, sg).wait()

        def scatter(S):
            sv, dv, hs, msg, asv, adv, wv, sg, ss = S
            pltpu.async_copy(msg, num_s.at[dv], ss, add=True)
            pltpu.async_copy(wv, den_s.at[dv], ss, add=True)

        def wait_scatter(S):
            sv, dv, hs, msg, asv, adv, wv, sg, ss = S
            pltpu.make_async_copy(msg, num_s.at[dv], ss).wait()
            pltpu.make_async_copy(wv, den_s.at[dv], ss).wait()

        def compute(S):
            sv, dv, hs, msg, asv, adv, wv, sg, ss = S

            @plsc.parallel_loop(0, B, 1, unroll=8)
            def _edge(i):
                e = asv[i] + adv[i]
                e = jnp.maximum(e, 0.2 * e)
                w = jnp.exp(e)
                wv[i] = w
                if heads == 1:
                    msg[i] = hs[i] * w
                elif packed:
                    for g in range(heads // 2):
                        wrd = hs[i, pl.ds(g * chan, chan)]
                        lo = plsc.bitcast(wrd << 16, jnp.float32)
                        hi = plsc.bitcast(
                            wrd & jnp.uint32(0xFFFF0000), jnp.float32)
                        msg[i, pl.ds((2 * g) * chan, chan)] = (
                            lo * _lane_bcast(w, 2 * g))
                        msg[i, pl.ds((2 * g + 1) * chan, chan)] = (
                            hi * _lane_bcast(w, 2 * g + 1))
                else:
                    for h in range(heads):
                        wh = _lane_bcast(w, h)
                        msg[i, pl.ds(h * chan, chan)] = (
                            hs[i, pl.ds(h * chan, chan)] * wh)

        def _zrow(i, _):
            zero = jnp.zeros((16,), jnp.float32)
            for j in range(D // 16):
                msg0[i, pl.ds(j * 16, 16)] = zero
            w0[i, pl.ds(0, 16)] = zero
            return 0
        lax.fori_loop(0, B, _zrow, 0)
        rb = s * ROWS_PER_TILE
        full, rem = ROWS_PER_TILE // B, ROWS_PER_TILE % B
        for k in range(full):
            pltpu.sync_copy(msg0, num_s.at[pl.ds(rb + k * B, B)])
            pltpu.sync_copy(w0, den_s.at[pl.ds(rb + k * B, B)])
        if rem:
            pltpu.sync_copy(msg0.at[pl.ds(0, rem)],
                            num_s.at[pl.ds(rb + full * B, rem)])
            pltpu.sync_copy(w0.at[pl.ds(0, rem)],
                            den_s.at[pl.ds(rb + full * B, rem)])
        prime(slots[0], 0)
        prime(slots[1], 1)
        plsc.subcore_barrier()

        def _pair(p, _):
            b0 = 2 * p
            wait_gathers(slots[0])
            compute(slots[0])
            scatter(slots[0])
            wait_gathers(slots[1])
            compute(slots[1])
            scatter(slots[1])

            @pl.when(p < my_pairs - 1)
            def _():
                wait_scatter(slots[0])
                prime(slots[0], b0 + 2)
                wait_scatter(slots[1])
                prime(slots[1], b0 + 3)
            return 0
        lax.fori_loop(0, my_pairs, _pair, 0)
        wait_scatter(slots[0])
        wait_scatter(slots[1])

        plsc.subcore_barrier()
        pltpu.sync_copy(num_s.at[pl.ds(rb, ROWS_PER_TILE)],
                        num_hbm.at[c, pl.ds(rb, ROWS_PER_TILE)])
        pltpu.sync_copy(den_s.at[pl.ds(rb, ROWS_PER_TILE)],
                        den_hbm.at[c, pl.ds(rb, ROWS_PER_TILE)])

    return sc_gat


_sc_gat_l1 = _make_sc_gat(HEADS * HID, HEADS, 64, 12672, 8320, packed=True)
_sc_gat_l2 = _make_sc_gat(NCLASS, 1, 128, 10752, 10240)



def _head_matrix(a):
    h, cch = a.shape
    rows = jnp.arange(h * cch)
    cols = rows // cch
    m = jnp.zeros((h * cch, 8), jnp.float32).at[rows, cols].set(a.reshape(-1))
    return jnp.concatenate([m, m], axis=1)


def kernel(x, edge_index, edge_attr, W1, a_src1, a_dst1, b1,
           W2, a_src2, a_dst2, b2):
    acs = _head_matrix(a_src1)
    acd = _head_matrix(a_dst1)
    a2s = jnp.tile(a_src2.reshape(NCLASS, 1), (1, 16))
    a2d = jnp.tile(a_dst2.reshape(NCLASS, 1), (1, 16))
    s_rows = jnp.arange(16)
    s_cols = jnp.arange(HEADS * HID)
    s_mat = (s_rows[:, None] == (s_cols[None, :] // HID)).astype(jnp.float32)

    loop = jnp.arange(N, dtype=jnp.int32)
    pad = jnp.full((E_PAD - E - N,), N, dtype=jnp.int32)
    src_all = jnp.concatenate([edge_index[0], loop, pad])
    dst_all = jnp.concatenate([edge_index[1], loop, pad])

    h1, as1, ad1 = pl.pallas_call(
        _tc1_body,
        out_shape=[
            jax.ShapeDtypeStruct((NPAD, HEADS * HID), jnp.float32),
            jax.ShapeDtypeStruct((NPAD, 16), jnp.float32),
            jax.ShapeDtypeStruct((NPAD, 16), jnp.float32),
        ],
    )(x, W1, acs, acd)

    u = lax.bitcast_convert_type(h1.astype(jnp.bfloat16),
                                 jnp.uint16).astype(jnp.uint32)
    ur = u.reshape(NPAD, 4, 2, 16)
    h1w = (ur[:, :, 0, :] | (ur[:, :, 1, :] << 16)).reshape(NPAD, 64)

    num1, den1 = _sc_gat_l1(src_all, dst_all, h1w, as1, ad1)

    h2, as2, ad2 = pl.pallas_call(
        _tc2_body,
        out_shape=[
            jax.ShapeDtypeStruct((NPAD, NCLASS), jnp.float32),
            jax.ShapeDtypeStruct((NPAD, 16), jnp.float32),
            jax.ShapeDtypeStruct((NPAD, 16), jnp.float32),
        ],
    )(num1, den1, s_mat, b1.reshape(1, HEADS * HID), W2, a2s, a2d)

    num2, den2 = _sc_gat_l2(src_all, dst_all, h2, as2, ad2)

    final, logp = pl.pallas_call(
        _tc3_body,
        out_shape=[
            jax.ShapeDtypeStruct((N, NCLASS), jnp.float32),
            jax.ShapeDtypeStruct((N, NCLASS), jnp.float32),
        ],
    )(num2, den2, b2.reshape(1, NCLASS))

    return (final, logp)

# --- scband reference (transcript-rebuilt; emitter-appended) ---
"""Pipeline reference for scband-our-gat-75273596830286 (READ-ONLY COPY).

The authoritative reference and input builder live on the scoring server;
editing this copy changes nothing except your own understanding.
"""

import jax, jax.numpy as jnp
import numpy as np

N_NODES = 10000
NFEAT = 128
HIDDEN = 16
HEADS = 8
NCLASS = 16
N_EDGES = 320000
D_EDGE = 4


def setup_inputs(seed: int = 0) -> dict:
    key = jax.random.key(seed)
    ks = jax.random.split(key, 12)
    x = jax.random.normal(ks[0], (N_NODES, NFEAT), dtype=jnp.float32)
    edge_index = jax.random.randint(ks[1], (2, N_EDGES), 0, N_NODES, dtype=jnp.int32)
    edge_attr = jax.random.normal(ks[2], (N_EDGES, D_EDGE), dtype=jnp.float32)
    # layer 1 (GAT4ConvSIGIR, treated as multi-head GATConv): nfeat -> hidden per head, heads=8, concat
    W1 = jax.random.normal(ks[3], (NFEAT, HEADS * HIDDEN), dtype=jnp.float32) * 0.1
    a_src1 = jax.random.normal(ks[4], (HEADS, HIDDEN), dtype=jnp.float32) * 0.1
    a_dst1 = jax.random.normal(ks[5], (HEADS, HIDDEN), dtype=jnp.float32) * 0.1
    b1 = jnp.zeros((HEADS * HIDDEN,), dtype=jnp.float32)
    # layer 2 (GATConv): hidden*heads -> nclass, heads=1, concat=False
    W2 = jax.random.normal(ks[6], (HEADS * HIDDEN, 1 * NCLASS), dtype=jnp.float32) * 0.1
    a_src2 = jax.random.normal(ks[7], (1, NCLASS), dtype=jnp.float32) * 0.1
    a_dst2 = jax.random.normal(ks[8], (1, NCLASS), dtype=jnp.float32) * 0.1
    b2 = jnp.zeros((NCLASS,), dtype=jnp.float32)
    return {"x": x, "edge_index": edge_index, "edge_attr": edge_attr,
            "W1": W1, "a_src1": a_src1, "a_dst1": a_dst1, "b1": b1,
            "W2": W2, "a_src2": a_src2, "a_dst2": a_dst2, "b2": b2}


def gat_layer(x, edge_index, W, a_src, a_dst, b, heads, out_ch, concat, negative_slope=0.2):
    N = x.shape[0]
    src = edge_index[0]
    dst = edge_index[1]
    # add self loops (PyG GATConv default)
    loop = jnp.arange(N, dtype=src.dtype)
    src = jnp.concatenate([src, loop])
    dst = jnp.concatenate([dst, loop])
    h = (x @ W).reshape(N, heads, out_ch)
    alpha_s = jnp.sum(h * a_src[None, :, :], axis=-1)  # [N, H]
    alpha_d = jnp.sum(h * a_dst[None, :, :], axis=-1)  # [N, H]
    e = alpha_s[src] + alpha_d[dst]                    # [E, H]
    e = jax.nn.leaky_relu(e, negative_slope)
    # segment softmax over destination nodes
    m = jax.ops.segment_max(e, dst, num_segments=N)
    m = jnp.where(jnp.isfinite(m), m, 0.0)
    ee = jnp.exp(e - m[dst])
    denom = jax.ops.segment_sum(ee, dst, num_segments=N)
    attn = ee / (denom[dst] + 1e-16)                   # [E, H]
    msg = h[src] * attn[:, :, None]                    # [E, H, C]
    out = jax.ops.segment_sum(msg, dst, num_segments=N)  # [N, H, C]
    if concat:
        out = out.reshape(N, heads * out_ch)
    else:
        out = jnp.mean(out, axis=1)
    return out + b


def reference(x, edge_index, edge_attr, W1, a_src1, a_dst1, b1, W2, a_src2, a_dst2, b2):
    # dropout is identity in eval mode; edge_attr is accepted but unused by forward
    h = gat_layer(x, edge_index, W1, a_src1, a_dst1, b1, HEADS, HIDDEN, True)
    h = jax.nn.elu(h)
    final = gat_layer(h, edge_index, W2, a_src2, a_dst2, b2, 1, NCLASS, False)
    return (final, jax.nn.log_softmax(final, axis=1))

if __name__ == "__main__":
    import jax
    _d = setup_inputs()
    print(jax.jit(kernel)(*tuple(_d.values())))

</pallas_src>

<mosaic_0001>
#map = affine_map<(d0, d1) -> (0)>
#map1 = affine_map<(d0, d1) -> (0, 0)>
#map2 = affine_map<(d0, d1) -> (0, 0, 0)>
module attributes {stable_mosaic.version = 14 : i64} {
  func.func @sc_gat(%arg0: i32, %arg1: i32, %arg2: memref<335872xi32, #tpu.memory_space<hbm>>, %arg3: memref<335872xi32, #tpu.memory_space<hbm>>, %arg4: memref<10112x16xf32, #tpu.memory_space<hbm>>, %arg5: memref<10112x16xf32, #tpu.memory_space<hbm>>, %arg6: memref<10112x16xf32, #tpu.memory_space<hbm>>, %arg7: memref<2x10112x16xf32, #tpu.memory_space<hbm>>, %arg8: memref<2x10112x16xf32, #tpu.memory_space<hbm>>, %arg9: memref<128xi32, #tpu.memory_space<vmem>>, %arg10: memref<128xi32, #tpu.memory_space<vmem>>, %arg11: memref<128x16xf32, #tpu.memory_space<vmem>>, %arg12: memref<128x16xf32, #tpu.memory_space<vmem>>, %arg13: memref<128x16xf32, #tpu.memory_space<vmem>>, %arg14: memref<128x16xf32, #tpu.memory_space<vmem>>, %arg15: memref<128x16xf32, #tpu.memory_space<vmem>>, %arg16: memref<128xi32, #tpu.memory_space<vmem>>, %arg17: memref<128xi32, #tpu.memory_space<vmem>>, %arg18: memref<128x16xf32, #tpu.memory_space<vmem>>, %arg19: memref<128x16xf32, #tpu.memory_space<vmem>>, %arg20: memref<128x16xf32, #tpu.memory_space<vmem>>, %arg21: memref<128x16xf32, #tpu.memory_space<vmem>>, %arg22: memref<128x16xf32, #tpu.memory_space<vmem>>, %arg23: memref<10112x16xf32, #tpu.memory_space<vmem_shared>>, %arg24: memref<10112x16xf32, #tpu.memory_space<vmem_shared>>, %arg25: memref<!tpu.dma_semaphore, #tpu.memory_space<semaphore_mem>>, %arg26: memref<!tpu.dma_semaphore, #tpu.memory_space<semaphore_mem>>, %arg27: memref<!tpu.dma_semaphore, #tpu.memory_space<semaphore_mem>>, %arg28: memref<!tpu.dma_semaphore, #tpu.memory_space<semaphore_mem>>) attributes {dimension_semantics = [#tpu.dimension_semantics<core_parallel>, #tpu.dimension_semantics<subcore_parallel>], iteration_bounds = array<i64: 2, 16>, scalar_prefetch = 0 : i64, scratch_operands = 20 : i64, tpu.core_type = #tpu.core_type<sc_vector_subcore>, window_params = [{transform_indices = #map}, {transform_indices = #map}, {transform_indices = #map1}, {transform_indices = #map1}, {transform_indices = #map1}, {transform_indices = #map2}, {transform_indices = #map2}]} {
    %eq3A = arith.constant 0 : i32
    %eq3A_0 = arith.cmpi eq, %arg0, %eq3A : i32
    %mul3A = arith.constant 10752 : i32
    %mul3A_1 = arith.muli %arg1, %mul3A : i32
    %mul3A_2 = arith.constant 10240 : i32
    %mul3A_3 = arith.muli %arg1, %mul3A_2 : i32
    %add3A = arith.constant 172032 : i32
    %add3A_4 = arith.addi %add3A, %mul3A_3 : i32
    %select_n3A = arith.select %eq3A_0, %mul3A_1, %add3A_4 : i32
    %eq3A_5 = arith.constant 0 : i32
    %eq3A_6 = arith.cmpi eq, %arg0, %eq3A_5 : i32
    %jit3A = arith.constant 42 : i32
    %jit3A_7 = arith.constant 40 : i32
    %select_n3A_8 = arith.select %eq3A_6, %jit3A, %jit3A_7 : i32
    %scan3A = arith.constant 0 : i32
    %scan3A_9 = arith.constant 0 : i32
    %scan3A_10 = arith.constant 128 : i32
    %scan3A_11 = arith.addi %scan3A_9, %scan3A_10 : i32
    %scan3A_12 = arith.constant 1 : i32
    %scan3A_13 = scf.for %scan3A_81 = %scan3A_9 to %scan3A_11 step %scan3A_12 iter_args(%scan3A_82 = %scan3A) -> (i32)  : i32 {
      %broadcast_in_dim3A = arith.constant 0.000000e+00 : f32
      %broadcast_in_dim3A_83 = vector.broadcast %broadcast_in_dim3A : f32 to vector<16xf32>
      %swap3A = arith.index_cast %scan3A_81 : i32 to index
      %swap3A_84 = arith.constant 0 : index
      %swap3A_85 = tpu.vector_load %arg12[%swap3A, %swap3A_84] {strides = array<i32>} : memref<128x16xf32, #tpu.memory_space<vmem>>, vector<16xf32>,
      tpu.vector_store %arg12[%swap3A, %swap3A_84], %broadcast_in_dim3A_83 {strides = array<i32>} : memref<128x16xf32, #tpu.memory_space<vmem>>, vector<16xf32>,
      %swap3A_86 = arith.index_cast %scan3A_81 : i32 to index
      %swap3A_87 = arith.constant 0 : index
      %swap3A_88 = tpu.vector_load %arg15[%swap3A_86, %swap3A_87] {strides = array<i32>} : memref<128x16xf32, #tpu.memory_space<vmem>>, vector<16xf32>,
      tpu.vector_store %arg15[%swap3A_86, %swap3A_87], %broadcast_in_dim3A_83 {strides = array<i32>} : memref<128x16xf32, #tpu.memory_space<vmem>>, vector<16xf32>,
      %scan3A_89 = arith.constant 0 : i32
      scf.yield %scan3A_89 : i32
    }
    %scan3A_14 = arith.constant 128 : i32
    %mul3A_15 = arith.constant 632 : i32
    %mul3A_16 = arith.muli %arg1, %mul3A_15 : i32
    %add3A_17 = arith.constant 0 : i32
    %add3A_18 = arith.addi %mul3A_16, %add3A_17 : i32
    "tpu.region"() ({
      %run_scoped3A = tpu.sem_alloc : memref<!tpu.dma_semaphore, #tpu.memory_space<semaphore_mem>>
      %dma_start3A_81 = arith.constant 0 : i32
      %dma_start3A_82 = tpu.memref_slice %arg23[%add3A_18, %dma_start3A_81] : memref<10112x16xf32, #tpu.memory_space<vmem_shared>> -> memref<128x16xf32, #tpu.memory_space<vmem_shared>>
      %dma_start3A_83 = arith.constant 0 : i32
      %dma_start3A_84 = tpu.memref_slice %arg23[%add3A_18, %dma_start3A_83] : memref<10112x16xf32, #tpu.memory_space<vmem_shared>> -> memref<128x16xf32, #tpu.memory_space<vmem_shared>>
      tpu.enqueue_dma source(%arg12 : memref<128x16xf32, #tpu.memory_space<vmem>>) target(%dma_start3A_84 : memref<128x16xf32, #tpu.memory_space<vmem_shared>>) target_semaphore(%run_scoped3A : memref<!tpu.dma_semaphore, #tpu.memory_space<semaphore_mem>>)
      %dma_wait3A_85 = arith.constant 0 : i32
      %dma_wait3A_86 = tpu.memref_slice %arg23[%add3A_18, %dma_wait3A_85] : memref<10112x16xf32, #tpu.memory_space<vmem_shared>> -> memref<128x16xf32, #tpu.memory_space<vmem_shared>>
      %dma_wait3A_87 = arith.constant 0 : i32
      %dma_wait3A_88 = tpu.memref_slice %arg23[%add3A_18, %dma_wait3A_87] : memref<10112x16xf32, #tpu.memory_space<vmem_shared>> -> memref<128x16xf32, #tpu.memory_space<vmem_shared>>
      tpu.wait_dma2 semaphore(%run_scoped3A : memref<!tpu.dma_semaphore, #tpu.memory_space<semaphore_mem>>) src(%arg12 : memref<128x16xf32, #tpu.memory_space<vmem>>) dst(%dma_wait3A_88 : memref<128x16xf32, #tpu.memory_space<vmem_shared>>)
      tpu.yield
    }) : () -> ()
    %add3A_19 = arith.constant 0 : i32
    %add3A_20 = arith.addi %mul3A_16, %add3A_19 : i32
    "tpu.region"() ({
      %run_scoped3A = tpu.sem_alloc : memref<!tpu.dma_semaphore, #tpu.memory_space<semaphore_mem>>
      %dma_start3A_81 = arith.constant 0 : i32
      %dma_start3A_82 = tpu.memref_slice %arg24[%add3A_20, %dma_start3A_81] : memref<10112x16xf32, #tpu.memory_space<vmem_shared>> -> memref<128x16xf32, #tpu.memory_space<vmem_shared>>
      %dma_start3A_83 = arith.constant 0 : i32
      %dma_start3A_84 = tpu.memref_slice %arg24[%add3A_20, %dma_start3A_83] : memref<10112x16xf32, #tpu.memory_space<vmem_shared>> -> memref<128x16xf32, #tpu.memory_space<vmem_shared>>
      tpu.enqueue_dma source(%arg15 : memref<128x16xf32, #tpu.memory_space<vmem>>) target(%dma_start3A_84 : memref<128x16xf32, #tpu.memory_space<vmem_shared>>) target_semaphore(%run_scoped3A : memref<!tpu.dma_semaphore, #tpu.memory_space<semaphore_mem>>)
      %dma_wait3A_85 = arith.constant 0 : i32
      %dma_wait3A_86 = tpu.memref_slice %arg24[%add3A_20, %dma_wait3A_85] : memref<10112x16xf32, #tpu.memory_space<vmem_shared>> -> memref<128x16xf32, #tpu.memory_space<vmem_shared>>
      %dma_wait3A_87 = arith.constant 0 : i32
      %dma_wait3A_88 = tpu.memref_slice %arg24[%add3A_20, %dma_wait3A_87] : memref<10112x16xf32, #tpu.memory_space<vmem_shared>> -> memref<128x16xf32, #tpu.memory_space<vmem_shared>>
      tpu.wait_dma2 semaphore(%run_scoped3A : memref<!tpu.dma_semaphore, #tpu.memory_space<semaphore_mem>>) src(%arg15 : memref<128x16xf32, #tpu.memory_space<vmem>>) dst(%dma_wait3A_88 : memref<128x16xf32, #tpu.memory_space<vmem_shared>>)
      tpu.yield
    }) : () -> ()
    %add3A_21 = arith.constant 128 : i32
    %add3A_22 = arith.addi %mul3A_16, %add3A_21 : i32
    "tpu.region"() ({
      %run_scoped3A = tpu.sem_alloc : memref<!tpu.dma_semaphore, #tpu.memory_space<semaphore_mem>>
      %dma_start3A_81 = arith.constant 0 : i32
      %dma_start3A_82 = tpu.memref_slice %arg23[%add3A_22, %dma_start3A_81] : memref<10112x16xf32, #tpu.memory_space<vmem_shared>> -> memref<128x16xf32, #tpu.memory_space<vmem_shared>>
      %dma_start3A_83 = arith.constant 0 : i32
      %dma_start3A_84 = tpu.memref_slice %arg23[%add3A_22, %dma_start3A_83] : memref<10112x16xf32, #tpu.memory_space<vmem_shared>> -> memref<128x16xf32, #tpu.memory_space<vmem_shared>>
      tpu.enqueue_dma source(%arg12 : memref<128x16xf32, #tpu.memory_space<vmem>>) target(%dma_start3A_84 : memref<128x16xf32, #tpu.memory_space<vmem_shared>>) target_semaphore(%run_scoped3A : memref<!tpu.dma_semaphore, #tpu.memory_space<semaphore_mem>>)
      %dma_wait3A_85 = arith.constant 0 : i32
      %dma_wait3A_86 = tpu.memref_slice %arg23[%add3A_22, %dma_wait3A_85] : memref<10112x16xf32, #tpu.memory_space<vmem_shared>> -> memref<128x16xf32, #tpu.memory_space<vmem_shared>>
      %dma_wait3A_87 = arith.constant 0 : i32
      %dma_wait3A_88 = tpu.memref_slice %arg23[%add3A_22, %dma_wait3A_87] : memref<10112x16xf32, #tpu.memory_space<vmem_shared>> -> memref<128x16xf32, #tpu.memory_space<vmem_shared>>
      tpu.wait_dma2 semaphore(%run_scoped3A : memref<!tpu.dma_semaphore, #tpu.memory_space<semaphore_mem>>) src(%arg12 : memref<128x16xf32, #tpu.memory_space<vmem>>) dst(%dma_wait3A_88 : memref<128x16xf32, #tpu.memory_space<vmem_shared>>)
      tpu.yield
    }) : () -> ()
    %add3A_23 = arith.constant 128 : i32
    %add3A_24 = arith.addi %mul3A_16, %add3A_23 : i32
    "tpu.region"() ({
      %run_scoped3A = tpu.sem_alloc : memref<!tpu.dma_semaphore, #tpu.memory_space<semaphore_mem>>
      %dma_start3A_81 = arith.constant 0 : i32
      %dma_start3A_82 = tpu.memref_slice %arg24[%add3A_24, %dma_start3A_81] : memref<10112x16xf32, #tpu.memory_space<vmem_shared>> -> memref<128x16xf32, #tpu.memory_space<vmem_shared>>
      %dma_start3A_83 = arith.constant 0 : i32
      %dma_start3A_84 = tpu.memref_slice %arg24[%add3A_24, %dma_start3A_83] : memref<10112x16xf32, #tpu.memory_space<vmem_shared>> -> memref<128x16xf32, #tpu.memory_space<vmem_shared>>
      tpu.enqueue_dma source(%arg15 : memref<128x16xf32, #tpu.memory_space<vmem>>) target(%dma_start3A_84 : memref<128x16xf32, #tpu.memory_space<vmem_shared>>) target_semaphore(%run_scoped3A : memref<!tpu.dma_semaphore, #tpu.memory_space<semaphore_mem>>)
      %dma_wait3A_85 = arith.constant 0 : i32
      %dma_wait3A_86 = tpu.memref_slice %arg24[%add3A_24, %dma_wait3A_85] : memref<10112x16xf32, #tpu.memory_space<vmem_shared>> -> memref<128x16xf32, #tpu.memory_space<vmem_shared>>
      %dma_wait3A_87 = arith.constant 0 : i32
      %dma_wait3A_88 = tpu.memref_slice %arg24[%add3A_24, %dma_wait3A_87] : memref<10112x16xf32, #tpu.memory_space<vmem_shared>> -> memref<128x16xf32, #tpu.memory_space<vmem_shared>>
      tpu.wait_dma2 semaphore(%run_scoped3A : memref<!tpu.dma_semaphore, #tpu.memory_space<semaphore_mem>>) src(%arg15 : memref<128x16xf32, #tpu.memory_space<vmem>>) dst(%dma_wait3A_88 : memref<128x16xf32, #tpu.memory_space<vmem_shared>>)
      tpu.yield
    }) : () -> ()
    %add3A_25 = arith.constant 256 : i32
    %add3A_26 = arith.addi %mul3A_16, %add3A_25 : i32
    "tpu.region"() ({
      %run_scoped3A = tpu.sem_alloc : memref<!tpu.dma_semaphore, #tpu.memory_space<semaphore_mem>>
      %dma_start3A_81 = arith.constant 0 : i32
      %dma_start3A_82 = tpu.memref_slice %arg23[%add3A_26, %dma_start3A_81] : memref<10112x16xf32, #tpu.memory_space<vmem_shared>> -> memref<128x16xf32, #tpu.memory_space<vmem_shared>>
      %dma_start3A_83 = arith.constant 0 : i32
      %dma_start3A_84 = tpu.memref_slice %arg23[%add3A_26, %dma_start3A_83] : memref<10112x16xf32, #tpu.memory_space<vmem_shared>> -> memref<128x16xf32, #tpu.memory_space<vmem_shared>>
      tpu.enqueue_dma source(%arg12 : memref<128x16xf32, #tpu.memory_space<vmem>>) target(%dma_start3A_84 : memref<128x16xf32, #tpu.memory_space<vmem_shared>>) target_semaphore(%run_scoped3A : memref<!tpu.dma_semaphore, #tpu.memory_space<semaphore_mem>>)
      %dma_wait3A_85 = arith.constant 0 : i32
      %dma_wait3A_86 = tpu.memref_slice %arg23[%add3A_26, %dma_wait3A_85] : memref<10112x16xf32, #tpu.memory_space<vmem_shared>> -> memref<128x16xf32, #tpu.memory_space<vmem_shared>>
      %dma_wait3A_87 = arith.constant 0 : i32
      %dma_wait3A_88 = tpu.memref_slice %arg23[%add3A_26, %dma_wait3A_87] : memref<10112x16xf32, #tpu.memory_space<vmem_shared>> -> memref<128x16xf32, #tpu.memory_space<vmem_shared>>
      tpu.wait_dma2 semaphore(%run_scoped3A : memref<!tpu.dma_semaphore, #tpu.memory_space<semaphore_mem>>) src(%arg12 : memref<128x16xf32, #tpu.memory_space<vmem>>) dst(%dma_wait3A_88 : memref<128x16xf32, #tpu.memory_space<vmem_shared>>)
      tpu.yield
    }) : () -> ()
    %add3A_27 = arith.constant 256 : i32
    %add3A_28 = arith.addi %mul3A_16, %add3A_27 : i32
    "tpu.region"() ({
      %run_scoped3A = tpu.sem_alloc : memref<!tpu.dma_semaphore, #tpu.memory_space<semaphore_mem>>
      %dma_start3A_81 = arith.constant 0 : i32
      %dma_start3A_82 = tpu.memref_slice %arg24[%add3A_28, %dma_start3A_81] : memref<10112x16xf32, #tpu.memory_space<vmem_shared>> -> memref<128x16xf32, #tpu.memory_space<vmem_shared>>
      %dma_start3A_83 = arith.constant 0 : i32
      %dma_start3A_84 = tpu.memref_slice %arg24[%add3A_28, %dma_start3A_83] : memref<10112x16xf32, #tpu.memory_space<vmem_shared>> -> memref<128x16xf32, #tpu.memory_space<vmem_shared>>
      tpu.enqueue_dma source(%arg15 : memref<128x16xf32, #tpu.memory_space<vmem>>) target(%dma_start3A_84 : memref<128x16xf32, #tpu.memory_space<vmem_shared>>) target_semaphore(%run_scoped3A : memref<!tpu.dma_semaphore, #tpu.memory_space<semaphore_mem>>)
      %dma_wait3A_85 = arith.constant 0 : i32
      %dma_wait3A_86 = tpu.memref_slice %arg24[%add3A_28, %dma_wait3A_85] : memref<10112x16xf32, #tpu.memory_space<vmem_shared>> -> memref<128x16xf32, #tpu.memory_space<vmem_shared>>
      %dma_wait3A_87 = arith.constant 0 : i32
      %dma_wait3A_88 = tpu.memref_slice %arg24[%add3A_28, %dma_wait3A_87] : memref<10112x16xf32, #tpu.memory_space<vmem_shared>> -> memref<128x16xf32, #tpu.memory_space<vmem_shared>>
      tpu.wait_dma2 semaphore(%run_scoped3A : memref<!tpu.dma_semaphore, #tpu.memory_space<semaphore_mem>>) src(%arg15 : memref<128x16xf32, #tpu.memory_space<vmem>>) dst(%dma_wait3A_88 : memref<128x16xf32, #tpu.memory_space<vmem_shared>>)
      tpu.yield
    }) : () -> ()
    %add3A_29 = arith.constant 384 : i32
    %add3A_30 = arith.addi %mul3A_16, %add3A_29 : i32
    "tpu.region"() ({
      %run_scoped3A = tpu.sem_alloc : memref<!tpu.dma_semaphore, #tpu.memory_space<semaphore_mem>>
      %dma_start3A_81 = arith.constant 0 : i32
      %dma_start3A_82 = tpu.memref_slice %arg23[%add3A_30, %dma_start3A_81] : memref<10112x16xf32, #tpu.memory_space<vmem_shared>> -> memref<128x16xf32, #tpu.memory_space<vmem_shared>>
      %dma_start3A_83 = arith.constant 0 : i32
      %dma_start3A_84 = tpu.memref_slice %arg23[%add3A_30, %dma_start3A_83] : memref<10112x16xf32, #tpu.memory_space<vmem_shared>> -> memref<128x16xf32, #tpu.memory_space<vmem_shared>>
      tpu.enqueue_dma source(%arg12 : memref<128x16xf32, #tpu.memory_space<vmem>>) target(%dma_start3A_84 : memref<128x16xf32, #tpu.memory_space<vmem_shared>>) target_semaphore(%run_scoped3A : memref<!tpu.dma_semaphore, #tpu.memory_space<semaphore_mem>>)
      %dma_wait3A_85 = arith.constant 0 : i32
      %dma_wait3A_86 = tpu.memref_slice %arg23[%add3A_30, %dma_wait3A_85] : memref<10112x16xf32, #tpu.memory_space<vmem_shared>> -> memref<128x16xf32, #tpu.memory_space<vmem_shared>>
      %dma_wait3A_87 = arith.constant 0 : i32
      %dma_wait3A_88 = tpu.memref_slice %arg23[%add3A_30, %dma_wait3A_87] : memref<10112x16xf32, #tpu.memory_space<vmem_shared>> -> memref<128x16xf32, #tpu.memory_space<vmem_shared>>
      tpu.wait_dma2 semaphore(%run_scoped3A : memref<!tpu.dma_semaphore, #tpu.memory_space<semaphore_mem>>) src(%arg12 : memref<128x16xf32, #tpu.memory_space<vmem>>) dst(%dma_wait3A_88 : memref<128x16xf32, #tpu.memory_space<vmem_shared>>)
      tpu.yield
    }) : () -> ()
    %add3A_31 = arith.constant 384 : i32
    %add3A_32 = arith.addi %mul3A_16, %add3A_31 : i32
    "tpu.region"() ({
      %run_scoped3A = tpu.sem_alloc : memref<!tpu.dma_semaphore, #tpu.memory_space<semaphore_mem>>
      %dma_start3A_81 = arith.constant 0 : i32
      %dma_start3A_82 = tpu.memref_slice %arg24[%add3A_32, %dma_start3A_81] : memref<10112x16xf32, #tpu.memory_space<vmem_shared>> -> memref<128x16xf32, #tpu.memory_space<vmem_shared>>
      %dma_start3A_83 = arith.constant 0 : i32
      %dma_start3A_84 = tpu.memref_slice %arg24[%add3A_32, %dma_start3A_83] : memref<10112x16xf32, #tpu.memory_space<vmem_shared>> -> memref<128x16xf32, #tpu.memory_space<vmem_shared>>
      tpu.enqueue_dma source(%arg15 : memref<128x16xf32, #tpu.memory_space<vmem>>) target(%dma_start3A_84 : memref<128x16xf32, #tpu.memory_space<vmem_shared>>) target_semaphore(%run_scoped3A : memref<!tpu.dma_semaphore, #tpu.memory_space<semaphore_mem>>)
      %dma_wait3A_85 = arith.constant 0 : i32
      %dma_wait3A_86 = tpu.memref_slice %arg24[%add3A_32, %dma_wait3A_85] : memref<10112x16xf32, #tpu.memory_space<vmem_shared>> -> memref<128x16xf32, #tpu.memory_space<vmem_shared>>
      %dma_wait3A_87 = arith.constant 0 : i32
      %dma_wait3A_88 = tpu.memref_slice %arg24[%add3A_32, %dma_wait3A_87] : memref<10112x16xf32, #tpu.memory_space<vmem_shared>> -> memref<128x16xf32, #tpu.memory_space<vmem_shared>>
      tpu.wait_dma2 semaphore(%run_scoped3A : memref<!tpu.dma_semaphore, #tpu.memory_space<semaphore_mem>>) src(%arg15 : memref<128x16xf32, #tpu.memory_space<vmem>>) dst(%dma_wait3A_88 : memref<128x16xf32, #tpu.memory_space<vmem_shared>>)
      tpu.yield
    }) : () -> ()
    %add3A_33 = arith.constant 512 : i32
    %add3A_34 = arith.addi %mul3A_16, %add3A_33 : i32
    "tpu.region"() ({
      %run_scoped3A = tpu.sem_alloc : memref<!tpu.dma_semaphore, #tpu.memory_space<semaphore_mem>>
      %dma_start3A_81 = arith.constant 0 : i32
      %dma_start3A_82 = arith.constant 0 : i32
      %dma_start3A_83 = tpu.memref_slice %arg12[%dma_start3A_81, %dma_start3A_82] : memref<128x16xf32, #tpu.memory_space<vmem>> -> memref<120x16xf32, #tpu.memory_space<vmem>>
      %dma_start3A_84 = arith.constant 0 : i32
      %dma_start3A_85 = tpu.memref_slice %arg23[%add3A_34, %dma_start3A_84] : memref<10112x16xf32, #tpu.memory_space<vmem_shared>> -> memref<120x16xf32, #tpu.memory_space<vmem_shared>>
      %dma_start3A_86 = arith.constant 0 : i32
      %dma_start3A_87 = tpu.memref_slice %arg23[%add3A_34, %dma_start3A_86] : memref<10112x16xf32, #tpu.memory_space<vmem_shared>> -> memref<120x16xf32, #tpu.memory_space<vmem_shared>>
      %dma_start3A_88 = arith.constant 0 : i32
      %dma_start3A_89 = arith.constant 0 : i32
      %dma_start3A_90 = tpu.memref_slice %arg12[%dma_start3A_88, %dma_start3A_89] : memref<128x16xf32, #tpu.memory_space<vmem>> -> memref<120x16xf32, #tpu.memory_space<vmem>>
      tpu.enqueue_dma source(%dma_start3A_90 : memref<120x16xf32, #tpu.memory_space<vmem>>) target(%dma_start3A_87 : memref<120x16xf32, #tpu.memory_space<vmem_shared>>) target_semaphore(%run_scoped3A : memref<!tpu.dma_semaphore, #tpu.memory_space<semaphore_mem>>)
      %dma_wait3A_91 = arith.constant 0 : i32
      %dma_wait3A_92 = arith.constant 0 : i32
      %dma_wait3A_93 = tpu.memref_slice %arg12[%dma_wait3A_91, %dma_wait3A_92] : memref<128x16xf32, #tpu.memory_space<vmem>> -> memref<120x16xf32, #tpu.memory_space<vmem>>
      %dma_wait3A_94 = arith.constant 0 : i32
      %dma_wait3A_95 = tpu.memref_slice %arg23[%add3A_34, %dma_wait3A_94] : memref<10112x16xf32, #tpu.memory_space<vmem_shared>> -> memref<120x16xf32, #tpu.memory_space<vmem_shared>>
      %dma_wait3A_96 = arith.constant 0 : i32
      %dma_wait3A_97 = tpu.memref_slice %arg23[%add3A_34, %dma_wait3A_96] : memref<10112x16xf32, #tpu.memory_space<vmem_shared>> -> memref<120x16xf32, #tpu.memory_space<vmem_shared>>
      %dma_wait3A_98 = arith.constant 0 : i32
      %dma_wait3A_99 = arith.constant 0 : i32
      %dma_wait3A_100 = tpu.memref_slice %arg12[%dma_wait3A_98, %dma_wait3A_99] : memref<128x16xf32, #tpu.memory_space<vmem>> -> memref<120x16xf32, #tpu.memory_space<vmem>>
      tpu.wait_dma2 semaphore(%run_scoped3A : memref<!tpu.dma_semaphore, #tpu.memory_space<semaphore_mem>>) src(%dma_wait3A_100 : memref<120x16xf32, #tpu.memory_space<vmem>>) dst(%dma_wait3A_97 : memref<120x16xf32, #tpu.memory_space<vmem_shared>>)
      tpu.yield
    }) : () -> ()
    %add3A_35 = arith.constant 512 : i32
    %add3A_36 = arith.addi %mul3A_16, %add3A_35 : i32
    "tpu.region"() ({
      %run_scoped3A = tpu.sem_alloc : memref<!tpu.dma_semaphore, #tpu.memory_space<semaphore_mem>>
      %dma_start3A_81 = arith.constant 0 : i32
      %dma_start3A_82 = arith.constant 0 : i32
      %dma_start3A_83 = tpu.memref_slice %arg15[%dma_start3A_81, %dma_start3A_82] : memref<128x16xf32, #tpu.memory_space<vmem>> -> memref<120x16xf32, #tpu.memory_space<vmem>>
      %dma_start3A_84 = arith.constant 0 : i32
      %dma_start3A_85 = tpu.memref_slice %arg24[%add3A_36, %dma_start3A_84] : memref<10112x16xf32, #tpu.memory_space<vmem_shared>> -> memref<120x16xf32, #tpu.memory_space<vmem_shared>>
      %dma_start3A_86 = arith.constant 0 : i32
      %dma_start3A_87 = tpu.memref_slice %arg24[%add3A_36, %dma_start3A_86] : memref<10112x16xf32, #tpu.memory_space<vmem_shared>> -> memref<120x16xf32, #tpu.memory_space<vmem_shared>>
      %dma_start3A_88 = arith.constant 0 : i32
      %dma_start3A_89 = arith.constant 0 : i32
      %dma_start3A_90 = tpu.memref_slice %arg15[%dma_start3A_88, %dma_start3A_89] : memref<128x16xf32, #tpu.memory_space<vmem>> -> memref<120x16xf32, #tpu.memory_space<vmem>>
      tpu.enqueue_dma source(%dma_start3A_90 : memref<120x16xf32, #tpu.memory_space<vmem>>) target(%dma_start3A_87 : memref<120x16xf32, #tpu.memory_space<vmem_shared>>) target_semaphore(%run_scoped3A : memref<!tpu.dma_semaphore, #tpu.memory_space<semaphore_mem>>)
      %dma_wait3A_91 = arith.constant 0 : i32
      %dma_wait3A_92 = arith.constant 0 : i32
      %dma_wait3A_93 = tpu.memref_slice %arg15[%dma_wait3A_91, %dma_wait3A_92] : memref<128x16xf32, #tpu.memory_space<vmem>> -> memref<120x16xf32, #tpu.memory_space<vmem>>
      %dma_wait3A_94 = arith.constant 0 : i32
      %dma_wait3A_95 = tpu.memref_slice %arg24[%add3A_36, %dma_wait3A_94] : memref<10112x16xf32, #tpu.memory_space<vmem_shared>> -> memref<120x16xf32, #tpu.memory_space<vmem_shared>>
      %dma_wait3A_96 = arith.constant 0 : i32
      %dma_wait3A_97 = tpu.memref_slice %arg24[%add3A_36, %dma_wait3A_96] : memref<10112x16xf32, #tpu.memory_space<vmem_shared>> -> memref<120x16xf32, #tpu.memory_space<vmem_shared>>
      %dma_wait3A_98 = arith.constant 0 : i32
      %dma_wait3A_99 = arith.constant 0 : i32
      %dma_wait3A_100 = tpu.memref_slice %arg15[%dma_wait3A_98, %dma_wait3A_99] : memref<128x16xf32, #tpu.memory_space<vmem>> -> memref<120x16xf32, #tpu.memory_space<vmem>>
      tpu.wait_dma2 semaphore(%run_scoped3A : memref<!tpu.dma_semaphore, #tpu.memory_space<semaphore_mem>>) src(%dma_wait3A_100 : memref<120x16xf32, #tpu.memory_space<vmem>>) dst(%dma_wait3A_97 : memref<120x16xf32, #tpu.memory_space<vmem_shared>>)
      tpu.yield
    }) : () -> ()
    %add3A_37 = arith.constant 0 : i32
    %add3A_38 = arith.addi %select_n3A, %add3A_37 : i32
    "tpu.region"() ({
      %run_scoped3A = tpu.sem_alloc : memref<!tpu.dma_semaphore, #tpu.memory_space<semaphore_mem>>
      %dma_start3A_81 = tpu.memref_slice %arg2[%add3A_38] : memref<335872xi32, #tpu.memory_space<hbm>> -> memref<128xi32, #tpu.memory_space<hbm>>
      %dma_start3A_82 = tpu.memref_slice %arg2[%add3A_38] : memref<335872xi32, #tpu.memory_space<hbm>> -> memref<128xi32, #tpu.memory_space<hbm>>
      tpu.enqueue_dma source(%dma_start3A_82 : memref<128xi32, #tpu.memory_space<hbm>>) target(%arg9 : memref<128xi32, #tpu.memory_space<vmem>>) target_semaphore(%run_scoped3A : memref<!tpu.dma_semaphore, #tpu.memory_space<semaphore_mem>>)
      %dma_wait3A_83 = tpu.memref_slice %arg2[%add3A_38] : memref<335872xi32, #tpu.memory_space<hbm>> -> memref<128xi32, #tpu.memory_space<hbm>>
      %dma_wait3A_84 = tpu.memref_slice %arg2[%add3A_38] : memref<335872xi32, #tpu.memory_space<hbm>> -> memref<128xi32, #tpu.memory_space<hbm>>
      tpu.wait_dma2 semaphore(%run_scoped3A : memref<!tpu.dma_semaphore, #tpu.memory_space<semaphore_mem>>) src(%dma_wait3A_84 : memref<128xi32, #tpu.memory_space<hbm>>) dst(%arg9 : memref<128xi32, #tpu.memory_space<vmem>>)
      tpu.yield
    }) : () -> ()
    "tpu.region"() ({
      %run_scoped3A = tpu.sem_alloc : memref<!tpu.dma_semaphore, #tpu.memory_space<semaphore_mem>>
      %dma_start3A_81 = tpu.memref_slice %arg3[%add3A_38] : memref<335872xi32, #tpu.memory_space<hbm>> -> memref<128xi32, #tpu.memory_space<hbm>>
      %dma_start3A_82 = tpu.memref_slice %arg3[%add3A_38] : memref<335872xi32, #tpu.memory_space<hbm>> -> memref<128xi32, #tpu.memory_space<hbm>>
      tpu.enqueue_dma source(%dma_start3A_82 : memref<128xi32, #tpu.memory_space<hbm>>) target(%arg10 : memref<128xi32, #tpu.memory_space<vmem>>) target_semaphore(%run_scoped3A : memref<!tpu.dma_semaphore, #tpu.memory_space<semaphore_mem>>)
      %dma_wait3A_83 = tpu.memref_slice %arg3[%add3A_38] : memref<335872xi32, #tpu.memory_space<hbm>> -> memref<128xi32, #tpu.memory_space<hbm>>
      %dma_wait3A_84 = tpu.memref_slice %arg3[%add3A_38] : memref<335872xi32, #tpu.memory_space<hbm>> -> memref<128xi32, #tpu.memory_space<hbm>>
      tpu.wait_dma2 semaphore(%run_scoped3A : memref<!tpu.dma_semaphore, #tpu.memory_space<semaphore_mem>>) src(%dma_wait3A_84 : memref<128xi32, #tpu.memory_space<hbm>>) dst(%arg10 : memref<128xi32, #tpu.memory_space<vmem>>)
      tpu.yield
    }) : () -> ()
    %dma_start3A = arith.constant 0 : i32
    %dma_start3A_39 = arith.constant 0 : i32
    %dma_start3A_40 = tpu.memref_slice %arg4[%dma_start3A, %dma_start3A_39] : memref<10112x16xf32, #tpu.memory_space<hbm>> -> memref<10112x16xf32, #tpu.memory_space<hbm>>
    tpu.enqueue_indirect_dma source(%dma_start3A_40 : memref<10112x16xf32, #tpu.memory_space<hbm>>) target(%arg11 : memref<128x16xf32, #tpu.memory_space<vmem>>) offsets(%arg9 : memref<128xi32, #tpu.memory_space<vmem>>) semaphore(%arg25 : memref<!tpu.dma_semaphore, #tpu.memory_space<semaphore_mem>>)
    %dma_start3A_41 = arith.constant 0 : i32
    %dma_start3A_42 = arith.constant 0 : i32
    %dma_start3A_43 = tpu.memref_slice %arg5[%dma_start3A_41, %dma_start3A_42] : memref<10112x16xf32, #tpu.memory_space<hbm>> -> memref<10112x16xf32, #tpu.memory_space<hbm>>
    tpu.enqueue_indirect_dma source(%dma_start3A_43 : memref<10112x16xf32, #tpu.memory_space<hbm>>) target(%arg13 : memref<128x16xf32, #tpu.memory_space<vmem>>) offsets(%arg9 : memref<128xi32, #tpu.memory_space<vmem>>) semaphore(%arg25 : memref<!tpu.dma_semaphore, #tpu.memory_space<semaphore_mem>>)
    %dma_start3A_44 = arith.constant 0 : i32
    %dma_start3A_45 = arith.constant 0 : i32
    %dma_start3A_46 = tpu.memref_slice %arg6[%dma_start3A_44, %dma_start3A_45] : memref<10112x16xf32, #tpu.memory_space<hbm>> -> memref<10112x16xf32, #tpu.memory_space<hbm>>
    tpu.enqueue_indirect_dma source(%dma_start3A_46 : memref<10112x16xf32, #tpu.memory_space<hbm>>) target(%arg14 : memref<128x16xf32, #tpu.memory_space<vmem>>) offsets(%arg10 : memref<128xi32, #tpu.memory_space<vmem>>) semaphore(%arg25 : memref<!tpu.dma_semaphore, #tpu.memory_space<semaphore_mem>>)
    %add3A_47 = arith.constant 128 : i32
    %add3A_48 = arith.addi %select_n3A, %add3A_47 : i32
    "tpu.region"() ({
      %run_scoped3A = tpu.sem_alloc : memref<!tpu.dma_semaphore, #tpu.memory_space<semaphore_mem>>
      %dma_start3A_81 = tpu.memref_slice %arg2[%add3A_48] : memref<335872xi32, #tpu.memory_space<hbm>> -> memref<128xi32, #tpu.memory_space<hbm>>
      %dma_start3A_82 = tpu.memref_slice %arg2[%add3A_48] : memref<335872xi32, #tpu.memory_space<hbm>> -> memref<128xi32, #tpu.memory_space<hbm>>
      tpu.enqueue_dma source(%dma_start3A_82 : memref<128xi32, #tpu.memory_space<hbm>>) target(%arg16 : memref<128xi32, #tpu.memory_space<vmem>>) target_semaphore(%run_scoped3A : memref<!tpu.dma_semaphore, #tpu.memory_space<semaphore_mem>>)
      %dma_wait3A_83 = tpu.memref_slice %arg2[%add3A_48] : memref<335872xi32, #tpu.memory_space<hbm>> -> memref<128xi32, #tpu.memory_space<hbm>>
      %dma_wait3A_84 = tpu.memref_slice %arg2[%add3A_48] : memref<335872xi32, #tpu.memory_space<hbm>> -> memref<128xi32, #tpu.memory_space<hbm>>
      tpu.wait_dma2 semaphore(%run_scoped3A : memref<!tpu.dma_semaphore, #tpu.memory_space<semaphore_mem>>) src(%dma_wait3A_84 : memref<128xi32, #tpu.memory_space<hbm>>) dst(%arg16 : memref<128xi32, #tpu.memory_space<vmem>>)
      tpu.yield
    }) : () -> ()
    "tpu.region"() ({
      %run_scoped3A = tpu.sem_alloc : memref<!tpu.dma_semaphore, #tpu.memory_space<semaphore_mem>>
      %dma_start3A_81 = tpu.memref_slice %arg3[%add3A_48] : memref<335872xi32, #tpu.memory_space<hbm>> -> memref<128xi32, #tpu.memory_space<hbm>>
      %dma_start3A_82 = tpu.memref_slice %arg3[%add3A_48] : memref<335872xi32, #tpu.memory_space<hbm>> -> memref<128xi32, #tpu.memory_space<hbm>>
      tpu.enqueue_dma source(%dma_start3A_82 : memref<128xi32, #tpu.memory_space<hbm>>) target(%arg17 : memref<128xi32, #tpu.memory_space<vmem>>) target_semaphore(%run_scoped3A : memref<!tpu.dma_semaphore, #tpu.memory_space<semaphore_mem>>)
      %dma_wait3A_83 = tpu.memref_slice %arg3[%add3A_48] : memref<335872xi32, #tpu.memory_space<hbm>> -> memref<128xi32, #tpu.memory_space<hbm>>
      %dma_wait3A_84 = tpu.memref_slice %arg3[%add3A_48] : memref<335872xi32, #tpu.memory_space<hbm>> -> memref<128xi32, #tpu.memory_space<hbm>>
      tpu.wait_dma2 semaphore(%run_scoped3A : memref<!tpu.dma_semaphore, #tpu.memory_space<semaphore_mem>>) src(%dma_wait3A_84 : memref<128xi32, #tpu.memory_space<hbm>>) dst(%arg17 : memref<128xi32, #tpu.memory_space<vmem>>)
      tpu.yield
    }) : () -> ()
    %dma_start3A_49 = arith.constant 0 : i32
    %dma_start3A_50 = arith.constant 0 : i32
    %dma_start3A_51 = tpu.memref_slice %arg4[%dma_start3A_49, %dma_start3A_50] : memref<10112x16xf32, #tpu.memory_space<hbm>> -> memref<10112x16xf32, #tpu.memory_space<hbm>>
    tpu.enqueue_indirect_dma source(%dma_start3A_51 : memref<10112x16xf32, #tpu.memory_space<hbm>>) target(%arg18 : memref<128x16xf32, #tpu.memory_space<vmem>>) offsets(%arg16 : memref<128xi32, #tpu.memory_space<vmem>>) semaphore(%arg26 : memref<!tpu.dma_semaphore, #tpu.memory_space<semaphore_mem>>)
    %dma_start3A_52 = arith.constant 0 : i32
    %dma_start3A_53 = arith.constant 0 : i32
    %dma_start3A_54 = tpu.memref_slice %arg5[%dma_start3A_52, %dma_start3A_53] : memref<10112x16xf32, #tpu.memory_space<hbm>> -> memref<10112x16xf32, #tpu.memory_space<hbm>>
    tpu.enqueue_indirect_dma source(%dma_start3A_54 : memref<10112x16xf32, #tpu.memory_space<hbm>>) target(%arg20 : memref<128x16xf32, #tpu.memory_space<vmem>>) offsets(%arg16 : memref<128xi32, #tpu.memory_space<vmem>>) semaphore(%arg26 : memref<!tpu.dma_semaphore, #tpu.memory_space<semaphore_mem>>)
    %dma_start3A_55 = arith.constant 0 : i32
    %dma_start3A_56 = arith.constant 0 : i32
    %dma_start3A_57 = tpu.memref_slice %arg6[%dma_start3A_55, %dma_start3A_56] : memref<10112x16xf32, #tpu.memory_space<hbm>> -> memref<10112x16xf32, #tpu.memory_space<hbm>>
    tpu.enqueue_indirect_dma source(%dma_start3A_57 : memref<10112x16xf32, #tpu.memory_space<hbm>>) target(%arg21 : memref<128x16xf32, #tpu.memory_space<vmem>>) offsets(%arg17 : memref<128xi32, #tpu.memory_space<vmem>>) semaphore(%arg26 : memref<!tpu.dma_semaphore, #tpu.memory_space<semaphore_mem>>)
    %barrier3A = arith.constant 0 : index
    tpu.barrier barrier_id(%barrier3A)
    %while3A = arith.constant 0 : i32
    %while3A_58 = arith.constant 0 : i32
    %while3A_59 = arith.subi %select_n3A_8, %while3A : i32
    %while3A_60 = arith.addi %while3A, %while3A_59 : i32
    %while3A_61 = arith.constant 1 : i32
    %while3A_62 = arith.divsi %while3A_59, %while3A_61 : i32
    %while3A_63 = arith.muli %while3A_62, %while3A_61 : i32
    %while3A_64 = arith.addi %while3A, %while3A_63 : i32
    %while3A_65 = arith.constant 1 : i32
    %while3A_66 = scf.for %while3A_81 = %while3A to %while3A_64 step %while3A_65 iter_args(%while3A_82 = %while3A_58) -> (i32)  : i32 {
      %mul3A_83 = arith.constant 2 : i32
      %mul3A_84 = arith.muli %mul3A_83, %while3A_81 : i32
      %dma_wait3A_85 = arith.constant 0 : i32
      %dma_wait3A_86 = arith.constant 0 : i32
      %dma_wait3A_87 = tpu.memref_slice %arg4[%dma_wait3A_85, %dma_wait3A_86] : memref<10112x16xf32, #tpu.memory_space<hbm>> -> memref<10112x16xf32, #tpu.memory_space<hbm>>
      tpu.wait_indirect_dma semaphore(%arg25 : memref<!tpu.dma_semaphore, #tpu.memory_space<semaphore_mem>>) src(%dma_wait3A_87 : memref<10112x16xf32, #tpu.memory_space<hbm>>) dst(%arg11 : memref<128x16xf32, #tpu.memory_space<vmem>>)
      %dma_wait3A_88 = arith.constant 0 : i32
      %dma_wait3A_89 = arith.constant 0 : i32
      %dma_wait3A_90 = tpu.memref_slice %arg5[%dma_wait3A_88, %dma_wait3A_89] : memref<10112x16xf32, #tpu.memory_space<hbm>> -> memref<10112x16xf32, #tpu.memory_space<hbm>>
      tpu.wait_indirect_dma semaphore(%arg25 : memref<!tpu.dma_semaphore, #tpu.memory_space<semaphore_mem>>) src(%dma_wait3A_90 : memref<10112x16xf32, #tpu.memory_space<hbm>>) dst(%arg13 : memref<128x16xf32, #tpu.memory_space<vmem>>)
      %dma_wait3A_91 = arith.constant 0 : i32
      %dma_wait3A_92 = arith.constant 0 : i32
      %dma_wait3A_93 = tpu.memref_slice %arg6[%dma_wait3A_91, %dma_wait3A_92] : memref<10112x16xf32, #tpu.memory_space<hbm>> -> memref<10112x16xf32, #tpu.memory_space<hbm>>
      tpu.wait_indirect_dma semaphore(%arg25 : memref<!tpu.dma_semaphore, #tpu.memory_space<semaphore_mem>>) src(%dma_wait3A_93 : memref<10112x16xf32, #tpu.memory_space<hbm>>) dst(%arg14 : memref<128x16xf32, #tpu.memory_space<vmem>>)
      %parallel_loop3A = arith.constant 0 : i32
      %parallel_loop3A_94 = arith.constant 128 : i32
      %parallel_loop3A_95 = arith.constant 1 : i32
      scf.for %parallel_loop3A_123 = %parallel_loop3A to %parallel_loop3A_94 step %parallel_loop3A_95  : i32 {
        %parallel_loop3A_124 = arith.index_cast %parallel_loop3A_123 : i32 to index
        %parallel_loop3A_125 = arith.constant 0 : index
        %parallel_loop3A_126 = tpu.vector_load %arg13[%parallel_loop3A_124, %parallel_loop3A_125] {strides = array<i32>} : memref<128x16xf32, #tpu.memory_space<vmem>>, vector<16xf32>,
        %parallel_loop3A_127 = arith.index_cast %parallel_loop3A_123 : i32 to index
        %parallel_loop3A_128 = arith.constant 0 : index
        %parallel_loop3A_129 = tpu.vector_load %arg14[%parallel_loop3A_127, %parallel_loop3A_128] {strides = array<i32>} : memref<128x16xf32, #tpu.memory_space<vmem>>, vector<16xf32>,
        %parallel_loop3A_130 = arith.addf %parallel_loop3A_126, %parallel_loop3A_129 : vector<16xf32>
        %parallel_loop3A_131 = arith.constant 2.000000e-01 : f32
        %parallel_loop3A_132 = vector.broadcast %parallel_loop3A_131 : f32 to vector<16xf32>
        %parallel_loop3A_133 = arith.mulf %parallel_loop3A_132, %parallel_loop3A_130 : vector<16xf32>
        %parallel_loop3A_134 = arith.maximumf %parallel_loop3A_130, %parallel_loop3A_133 : vector<16xf32>
        %parallel_loop3A_135 = math.exp %parallel_loop3A_134 : vector<16xf32>
        %parallel_loop3A_136 = arith.index_cast %parallel_loop3A_123 : i32 to index
        %parallel_loop3A_137 = arith.constant 0 : index
        %parallel_loop3A_138 = tpu.vector_load %arg15[%parallel_loop3A_136, %parallel_loop3A_137] {strides = array<i32>} : memref<128x16xf32, #tpu.memory_space<vmem>>, vector<16xf32>,
        tpu.vector_store %arg15[%parallel_loop3A_136, %parallel_loop3A_137], %parallel_loop3A_135 {strides = array<i32>} : memref<128x16xf32, #tpu.memory_space<vmem>>, vector<16xf32>,
        %parallel_loop3A_139 = arith.index_cast %parallel_loop3A_123 : i32 to index
        %parallel_loop3A_140 = arith.constant 0 : index
        %parallel_loop3A_141 = tpu.vector_load %arg11[%parallel_loop3A_139, %parallel_loop3A_140] {strides = array<i32>} : memref<128x16xf32, #tpu.memory_space<vmem>>, vector<16xf32>,
        %parallel_loop3A_142 = arith.mulf %parallel_loop3A_141, %parallel_loop3A_135 : vector<16xf32>
        %parallel_loop3A_143 = arith.index_cast %parallel_loop3A_123 : i32 to index
        %parallel_loop3A_144 = arith.constant 0 : index
        %parallel_loop3A_145 = tpu.vector_load %arg12[%parallel_loop3A_143, %parallel_loop3A_144] {strides = array<i32>} : memref<128x16xf32, #tpu.memory_space<vmem>>, vector<16xf32>,
        tpu.vector_store %arg12[%parallel_loop3A_143, %parallel_loop3A_144], %parallel_loop3A_142 {strides = array<i32>} : memref<128x16xf32, #tpu.memory_space<vmem>>, vector<16xf32>,
      } {sc.loop_unroll_factor = 8 : i64, sc.parallel_access}
      %dma_start3A_96 = arith.constant 0 : i32
      %dma_start3A_97 = arith.constant 0 : i32
      %dma_start3A_98 = tpu.memref_slice %arg23[%dma_start3A_96, %dma_start3A_97] : memref<10112x16xf32, #tpu.memory_space<vmem_shared>> -> memref<10112x16xf32, #tpu.memory_space<vmem_shared>>
      tpu.enqueue_indirect_dma source(%arg12 : memref<128x16xf32, #tpu.memory_space<vmem>>) target(%dma_start3A_98 : memref<10112x16xf32, #tpu.memory_space<vmem_shared>>) offsets(%arg10 : memref<128xi32, #tpu.memory_space<vmem>>) semaphore(%arg27 : memref<!tpu.dma_semaphore, #tpu.memory_space<semaphore_mem>>) {add = true}
      %dma_start3A_99 = arith.constant 0 : i32
      %dma_start3A_100 = arith.constant 0 : i32
      %dma_start3A_101 = tpu.memref_slice %arg24[%dma_start3A_99, %dma_start3A_100] : memref<10112x16xf32, #tpu.memory_space<vmem_shared>> -> memref<10112x16xf32, #tpu.memory_space<vmem_shared>>
      tpu.enqueue_indirect_dma source(%arg15 : memref<128x16xf32, #tpu.memory_space<vmem>>) target(%dma_start3A_101 : memref<10112x16xf32, #tpu.memory_space<vmem_shared>>) offsets(%arg10 : memref<128xi32, #tpu.memory_space<vmem>>) semaphore(%arg27 : memref<!tpu.dma_semaphore, #tpu.memory_space<semaphore_mem>>) {add = true}
      %dma_wait3A_102 = arith.constant 0 : i32
      %dma_wait3A_103 = arith.constant 0 : i32
      %dma_wait3A_104 = tpu.memref_slice %arg4[%dma_wait3A_102, %dma_wait3A_103] : memref<10112x16xf32, #tpu.memory_space<hbm>> -> memref<10112x16xf32, #tpu.memory_space<hbm>>
      tpu.wait_indirect_dma semaphore(%arg26 : memref<!tpu.dma_semaphore, #tpu.memory_space<semaphore_mem>>) src(%dma_wait3A_104 : memref<10112x16xf32, #tpu.memory_space<hbm>>) dst(%arg18 : memref<128x16xf32, #tpu.memory_space<vmem>>)
      %dma_wait3A_105 = arith.constant 0 : i32
      %dma_wait3A_106 = arith.constant 0 : i32
      %dma_wait3A_107 = tpu.memref_slice %arg5[%dma_wait3A_105, %dma_wait3A_106] : memref<10112x16xf32, #tpu.memory_space<hbm>> -> memref<10112x16xf32, #tpu.memory_space<hbm>>
      tpu.wait_indirect_dma semaphore(%arg26 : memref<!tpu.dma_semaphore, #tpu.memory_space<semaphore_mem>>) src(%dma_wait3A_107 : memref<10112x16xf32, #tpu.memory_space<hbm>>) dst(%arg20 : memref<128x16xf32, #tpu.memory_space<vmem>>)
      %dma_wait3A_108 = arith.constant 0 : i32
      %dma_wait3A_109 = arith.constant 0 : i32
      %dma_wait3A_110 = tpu.memref_slice %arg6[%dma_wait3A_108, %dma_wait3A_109] : memref<10112x16xf32, #tpu.memory_space<hbm>> -> memref<10112x16xf32, #tpu.memory_space<hbm>>
      tpu.wait_indirect_dma semaphore(%arg26 : memref<!tpu.dma_semaphore, #tpu.memory_space<semaphore_mem>>) src(%dma_wait3A_110 : memref<10112x16xf32, #tpu.memory_space<hbm>>) dst(%arg21 : memref<128x16xf32, #tpu.memory_space<vmem>>)
      %parallel_loop3A_111 = arith.constant 0 : i32
      %parallel_loop3A_112 = arith.constant 128 : i32
      %parallel_loop3A_113 = arith.constant 1 : i32
      scf.for %parallel_loop3A_123 = %parallel_loop3A_111 to %parallel_loop3A_112 step %parallel_loop3A_113  : i32 {
        %parallel_loop3A_124 = arith.index_cast %parallel_loop3A_123 : i32 to index
        %parallel_loop3A_125 = arith.constant 0 : index
        %parallel_loop3A_126 = tpu.vector_load %arg20[%parallel_loop3A_124, %parallel_loop3A_125] {strides = array<i32>} : memref<128x16xf32, #tpu.memory_space<vmem>>, vector<16xf32>,
        %parallel_loop3A_127 = arith.index_cast %parallel_loop3A_123 : i32 to index
        %parallel_loop3A_128 = arith.constant 0 : index
        %parallel_loop3A_129 = tpu.vector_load %arg21[%parallel_loop3A_127, %parallel_loop3A_128] {strides = array<i32>} : memref<128x16xf32, #tpu.memory_space<vmem>>, vector<16xf32>,
        %parallel_loop3A_130 = arith.addf %parallel_loop3A_126, %parallel_loop3A_129 : vector<16xf32>
        %parallel_loop3A_131 = arith.constant 2.000000e-01 : f32
        %parallel_loop3A_132 = vector.broadcast %parallel_loop3A_131 : f32 to vector<16xf32>
        %parallel_loop3A_133 = arith.mulf %parallel_loop3A_132, %parallel_loop3A_130 : vector<16xf32>
        %parallel_loop3A_134 = arith.maximumf %parallel_loop3A_130, %parallel_loop3A_133 : vector<16xf32>
        %parallel_loop3A_135 = math.exp %parallel_loop3A_134 : vector<16xf32>
        %parallel_loop3A_136 = arith.index_cast %parallel_loop3A_123 : i32 to index
        %parallel_loop3A_137 = arith.constant 0 : index
        %parallel_loop3A_138 = tpu.vector_load %arg22[%parallel_loop3A_136, %parallel_loop3A_137] {strides = array<i32>} : memref<128x16xf32, #tpu.memory_space<vmem>>, vector<16xf32>,
        tpu.vector_store %arg22[%parallel_loop3A_136, %parallel_loop3A_137], %parallel_loop3A_135 {strides = array<i32>} : memref<128x16xf32, #tpu.memory_space<vmem>>, vector<16xf32>,
        %parallel_loop3A_139 = arith.index_cast %parallel_loop3A_123 : i32 to index
        %parallel_loop3A_140 = arith.constant 0 : index
        %parallel_loop3A_141 = tpu.vector_load %arg18[%parallel_loop3A_139, %parallel_loop3A_140] {strides = array<i32>} : memref<128x16xf32, #tpu.memory_space<vmem>>, vector<16xf32>,
        %parallel_loop3A_142 = arith.mulf %parallel_loop3A_141, %parallel_loop3A_135 : vector<16xf32>
        %parallel_loop3A_143 = arith.index_cast %parallel_loop3A_123 : i32 to index
        %parallel_loop3A_144 = arith.constant 0 : index
        %parallel_loop3A_145 = tpu.vector_load %arg19[%parallel_loop3A_143, %parallel_loop3A_144] {strides = array<i32>} : memref<128x16xf32, #tpu.memory_space<vmem>>, vector<16xf32>,
        tpu.vector_store %arg19[%parallel_loop3A_143, %parallel_loop3A_144], %parallel_loop3A_142 {strides = array<i32>} : memref<128x16xf32, #tpu.memory_space<vmem>>, vector<16xf32>,
      } {sc.loop_unroll_factor = 8 : i64, sc.parallel_access}
      %dma_start3A_114 = arith.constant 0 : i32
      %dma_start3A_115 = arith.constant 0 : i32
      %dma_start3A_116 = tpu.memref_slice %arg23[%dma_start3A_114, %dma_start3A_115] : memref<10112x16xf32, #tpu.memory_space<vmem_shared>> -> memref<10112x16xf32, #tpu.memory_space<vmem_shared>>
      tpu.enqueue_indirect_dma source(%arg19 : memref<128x16xf32, #tpu.memory_space<vmem>>) target(%dma_start3A_116 : memref<10112x16xf32, #tpu.memory_space<vmem_shared>>) offsets(%arg17 : memref<128xi32, #tpu.memory_space<vmem>>) semaphore(%arg28 : memref<!tpu.dma_semaphore, #tpu.memory_space<semaphore_mem>>) {add = true}
      %dma_start3A_117 = arith.constant 0 : i32
      %dma_start3A_118 = arith.constant 0 : i32
      %dma_start3A_119 = tpu.memref_slice %arg24[%dma_start3A_117, %dma_start3A_118] : memref<10112x16xf32, #tpu.memory_space<vmem_shared>> -> memref<10112x16xf32, #tpu.memory_space<vmem_shared>>
      tpu.enqueue_indirect_dma source(%arg22 : memref<128x16xf32, #tpu.memory_space<vmem>>) target(%dma_start3A_119 : memref<10112x16xf32, #tpu.memory_space<vmem_shared>>) offsets(%arg17 : memref<128xi32, #tpu.memory_space<vmem>>) semaphore(%arg28 : memref<!tpu.dma_semaphore, #tpu.memory_space<semaphore_mem>>) {add = true}
      %sub3A = arith.constant 1 : i32
      %sub3A_120 = arith.subi %select_n3A_8, %sub3A : i32
      %lt3A = arith.cmpi slt, %while3A_81, %sub3A_120 : i32
      %convert_element_type3A = arith.extui %lt3A : i1 to i32
      %cond3A = arith.constant 0 : i32
      %cond3A_121 = arith.cmpi ne, %convert_element_type3A, %cond3A : i32
      scf.if %cond3A_121 {
        %dma_wait3A_123 = arith.constant 0 : i32
        %dma_wait3A_124 = arith.constant 0 : i32
        %dma_wait3A_125 = tpu.memref_slice %arg23[%dma_wait3A_123, %dma_wait3A_124] : memref<10112x16xf32, #tpu.memory_space<vmem_shared>> -> memref<10112x16xf32, #tpu.memory_space<vmem_shared>>
        tpu.wait_indirect_dma semaphore(%arg27 : memref<!tpu.dma_semaphore, #tpu.memory_space<semaphore_mem>>) src(%arg12 : memref<128x16xf32, #tpu.memory_space<vmem>>) dst(%dma_wait3A_125 : memref<10112x16xf32, #tpu.memory_space<vmem_shared>>)
        %dma_wait3A_126 = arith.constant 0 : i32
        %dma_wait3A_127 = arith.constant 0 : i32
        %dma_wait3A_128 = tpu.memref_slice %arg24[%dma_wait3A_126, %dma_wait3A_127] : memref<10112x16xf32, #tpu.memory_space<vmem_shared>> -> memref<10112x16xf32, #tpu.memory_space<vmem_shared>>
        tpu.wait_indirect_dma semaphore(%arg27 : memref<!tpu.dma_semaphore, #tpu.memory_space<semaphore_mem>>) src(%arg15 : memref<128x16xf32, #tpu.memory_space<vmem>>) dst(%dma_wait3A_128 : memref<10112x16xf32, #tpu.memory_space<vmem_shared>>)
        %add3A_129 = arith.constant 2 : i32
        %add3A_130 = arith.addi %mul3A_84, %add3A_129 : i32
        %mul3A_131 = arith.constant 128 : i32
        %mul3A_132 = arith.muli %add3A_130, %mul3A_131 : i32
        %add3A_133 = arith.addi %select_n3A, %mul3A_132 : i32
        "tpu.region"() ({
          %run_scoped3A = tpu.sem_alloc : memref<!tpu.dma_semaphore, #tpu.memory_space<semaphore_mem>>
          %dma_start3A_163 = tpu.memref_slice %arg2[%add3A_133] : memref<335872xi32, #tpu.memory_space<hbm>> -> memref<128xi32, #tpu.memory_space<hbm>>
          %dma_start3A_164 = tpu.memref_slice %arg2[%add3A_133] : memref<335872xi32, #tpu.memory_space<hbm>> -> memref<128xi32, #tpu.memory_space<hbm>>
          tpu.enqueue_dma source(%dma_start3A_164 : memref<128xi32, #tpu.memory_space<hbm>>) target(%arg9 : memref<128xi32, #tpu.memory_space<vmem>>) target_semaphore(%run_scoped3A : memref<!tpu.dma_semaphore, #tpu.memory_space<semaphore_mem>>)
          %dma_wait3A_165 = tpu.memref_slice %arg2[%add3A_133] : memref<335872xi32, #tpu.memory_space<hbm>> -> memref<128xi32, #tpu.memory_space<hbm>>
          %dma_wait3A_166 = tpu.memref_slice %arg2[%add3A_133] : memref<335872xi32, #tpu.memory_space<hbm>> -> memref<128xi32, #tpu.memory_space<hbm>>
          tpu.wait_dma2 semaphore(%run_scoped3A : memref<!tpu.dma_semaphore, #tpu.memory_space<semaphore_mem>>) src(%dma_wait3A_166 : memref<128xi32, #tpu.memory_space<hbm>>) dst(%arg9 : memref<128xi32, #tpu.memory_space<vmem>>)
          tpu.yield
        }) : () -> ()
        "tpu.region"() ({
          %run_scoped3A = tpu.sem_alloc : memref<!tpu.dma_semaphore, #tpu.memory_space<semaphore_mem>>
          %dma_start3A_163 = tpu.memref_slice %arg3[%add3A_133] : memref<335872xi32, #tpu.memory_space<hbm>> -> memref<128xi32, #tpu.memory_space<hbm>>
          %dma_start3A_164 = tpu.memref_slice %arg3[%add3A_133] : memref<335872xi32, #tpu.memory_space<hbm>> -> memref<128xi32, #tpu.memory_space<hbm>>
          tpu.enqueue_dma source(%dma_start3A_164 : memref<128xi32, #tpu.memory_space<hbm>>) target(%arg10 : memref<128xi32, #tpu.memory_space<vmem>>) target_semaphore(%run_scoped3A : memref<!tpu.dma_semaphore, #tpu.memory_space<semaphore_mem>>)
          %dma_wait3A_165 = tpu.memref_slice %arg3[%add3A_133] : memref<335872xi32, #tpu.memory_space<hbm>> -> memref<128xi32, #tpu.memory_space<hbm>>
          %dma_wait3A_166 = tpu.memref_slice %arg3[%add3A_133] : memref<335872xi32, #tpu.memory_space<hbm>> -> memref<128xi32, #tpu.memory_space<hbm>>
          tpu.wait_dma2 semaphore(%run_scoped3A : memref<!tpu.dma_semaphore, #tpu.memory_space<semaphore_mem>>) src(%dma_wait3A_166 : memref<128xi32, #tpu.memory_space<hbm>>) dst(%arg10 : memref<128xi32, #tpu.memory_space<vmem>>)
          tpu.yield
        }) : () -> ()
        %dma_start3A_134 = arith.constant 0 : i32
        %dma_start3A_135 = arith.constant 0 : i32
        %dma_start3A_136 = tpu.memref_slice %arg4[%dma_start3A_134, %dma_start3A_135] : memref<10112x16xf32, #tpu.memory_space<hbm>> -> memref<10112x16xf32, #tpu.memory_space<hbm>>
        tpu.enqueue_indirect_dma source(%dma_start3A_136 : memref<10112x16xf32, #tpu.memory_space<hbm>>) target(%arg11 : memref<128x16xf32, #tpu.memory_space<vmem>>) offsets(%arg9 : memref<128xi32, #tpu.memory_space<vmem>>) semaphore(%arg25 : memref<!tpu.dma_semaphore, #tpu.memory_space<semaphore_mem>>)
        %dma_start3A_137 = arith.constant 0 : i32
        %dma_start3A_138 = arith.constant 0 : i32
        %dma_start3A_139 = tpu.memref_slice %arg5[%dma_start3A_137, %dma_start3A_138] : memref<10112x16xf32, #tpu.memory_space<hbm>> -> memref<10112x16xf32, #tpu.memory_space<hbm>>
        tpu.enqueue_indirect_dma source(%dma_start3A_139 : memref<10112x16xf32, #tpu.memory_space<hbm>>) target(%arg13 : memref<128x16xf32, #tpu.memory_space<vmem>>) offsets(%arg9 : memref<128xi32, #tpu.memory_space<vmem>>) semaphore(%arg25 : memref<!tpu.dma_semaphore, #tpu.memory_space<semaphore_mem>>)
        %dma_start3A_140 = arith.constant 0 : i32
        %dma_start3A_141 = arith.constant 0 : i32
        %dma_start3A_142 = tpu.memref_slice %arg6[%dma_start3A_140, %dma_start3A_141] : memref<10112x16xf32, #tpu.memory_space<hbm>> -> memref<10112x16xf32, #tpu.memory_space<hbm>>
        tpu.enqueue_indirect_dma source(%dma_start3A_142 : memref<10112x16xf32, #tpu.memory_space<hbm>>) target(%arg14 : memref<128x16xf32, #tpu.memory_space<vmem>>) offsets(%arg10 : memref<128xi32, #tpu.memory_space<vmem>>) semaphore(%arg25 : memref<!tpu.dma_semaphore, #tpu.memory_space<semaphore_mem>>)
        %dma_wait3A_143 = arith.constant 0 : i32
        %dma_wait3A_144 = arith.constant 0 : i32
        %dma_wait3A_145 = tpu.memref_slice %arg23[%dma_wait3A_143, %dma_wait3A_144] : memref<10112x16xf32, #tpu.memory_space<vmem_shared>> -> memref<10112x16xf32, #tpu.memory_space<vmem_shared>>
        tpu.wait_indirect_dma semaphore(%arg28 : memref<!tpu.dma_semaphore, #tpu.memory_space<semaphore_mem>>) src(%arg19 : memref<128x16xf32, #tpu.memory_space<vmem>>) dst(%dma_wait3A_145 : memref<10112x16xf32, #tpu.memory_space<vmem_shared>>)
        %dma_wait3A_146 = arith.constant 0 : i32
        %dma_wait3A_147 = arith.constant 0 : i32
        %dma_wait3A_148 = tpu.memref_slice %arg24[%dma_wait3A_146, %dma_wait3A_147] : memref<10112x16xf32, #tpu.memory_space<vmem_shared>> -> memref<10112x16xf32, #tpu.memory_space<vmem_shared>>
        tpu.wait_indirect_dma semaphore(%arg28 : memref<!tpu.dma_semaphore, #tpu.memory_space<semaphore_mem>>) src(%arg22 : memref<128x16xf32, #tpu.memory_space<vmem>>) dst(%dma_wait3A_148 : memref<10112x16xf32, #tpu.memory_space<vmem_shared>>)
        %add3A_149 = arith.constant 3 : i32
        %add3A_150 = arith.addi %mul3A_84, %add3A_149 : i32
        %mul3A_151 = arith.constant 128 : i32
        %mul3A_152 = arith.muli %add3A_150, %mul3A_151 : i32
        %add3A_153 = arith.addi %select_n3A, %mul3A_152 : i32
        "tpu.region"() ({
          %run_scoped3A = tpu.sem_alloc : memref<!tpu.dma_semaphore, #tpu.memory_space<semaphore_mem>>
          %dma_start3A_163 = tpu.memref_slice %arg2[%add3A_153] : memref<335872xi32, #tpu.memory_space<hbm>> -> memref<128xi32, #tpu.memory_space<hbm>>
          %dma_start3A_164 = tpu.memref_slice %arg2[%add3A_153] : memref<335872xi32, #tpu.memory_space<hbm>> -> memref<128xi32, #tpu.memory_space<hbm>>
          tpu.enqueue_dma source(%dma_start3A_164 : memref<128xi32, #tpu.memory_space<hbm>>) target(%arg16 : memref<128xi32, #tpu.memory_space<vmem>>) target_semaphore(%run_scoped3A : memref<!tpu.dma_semaphore, #tpu.memory_space<semaphore_mem>>)
          %dma_wait3A_165 = tpu.memref_slice %arg2[%add3A_153] : memref<335872xi32, #tpu.memory_space<hbm>> -> memref<128xi32, #tpu.memory_space<hbm>>
          %dma_wait3A_166 = tpu.memref_slice %arg2[%add3A_153] : memref<335872xi32, #tpu.memory_space<hbm>> -> memref<128xi32, #tpu.memory_space<hbm>>
          tpu.wait_dma2 semaphore(%run_scoped3A : memref<!tpu.dma_semaphore, #tpu.memory_space<semaphore_mem>>) src(%dma_wait3A_166 : memref<128xi32, #tpu.memory_space<hbm>>) dst(%arg16 : memref<128xi32, #tpu.memory_space<vmem>>)
          tpu.yield
        }) : () -> ()
        "tpu.region"() ({
          %run_scoped3A = tpu.sem_alloc : memref<!tpu.dma_semaphore, #tpu.memory_space<semaphore_mem>>
          %dma_start3A_163 = tpu.memref_slice %arg3[%add3A_153] : memref<335872xi32, #tpu.memory_space<hbm>> -> memref<128xi32, #tpu.memory_space<hbm>>
          %dma_start3A_164 = tpu.memref_slice %arg3[%add3A_153] : memref<335872xi32, #tpu.memory_space<hbm>> -> memref<128xi32, #tpu.memory_space<hbm>>
          tpu.enqueue_dma source(%dma_start3A_164 : memref<128xi32, #tpu.memory_space<hbm>>) target(%arg17 : memref<128xi32, #tpu.memory_space<vmem>>) target_semaphore(%run_scoped3A : memref<!tpu.dma_semaphore, #tpu.memory_space<semaphore_mem>>)
          %dma_wait3A_165 = tpu.memref_slice %arg3[%add3A_153] : memref<335872xi32, #tpu.memory_space<hbm>> -> memref<128xi32, #tpu.memory_space<hbm>>
          %dma_wait3A_166 = tpu.memref_slice %arg3[%add3A_153] : memref<335872xi32, #tpu.memory_space<hbm>> -> memref<128xi32, #tpu.memory_space<hbm>>
          tpu.wait_dma2 semaphore(%run_scoped3A : memref<!tpu.dma_semaphore, #tpu.memory_space<semaphore_mem>>) src(%dma_wait3A_166 : memref<128xi32, #tpu.memory_space<hbm>>) dst(%arg17 : memref<128xi32, #tpu.memory_space<vmem>>)
          tpu.yield
        }) : () -> ()
        %dma_start3A_154 = arith.constant 0 : i32
        %dma_start3A_155 = arith.constant 0 : i32
        %dma_start3A_156 = tpu.memref_slice %arg4[%dma_start3A_154, %dma_start3A_155] : memref<10112x16xf32, #tpu.memory_space<hbm>> -> memref<10112x16xf32, #tpu.memory_space<hbm>>
        tpu.enqueue_indirect_dma source(%dma_start3A_156 : memref<10112x16xf32, #tpu.memory_space<hbm>>) target(%arg18 : memref<128x16xf32, #tpu.memory_space<vmem>>) offsets(%arg16 : memref<128xi32, #tpu.memory_space<vmem>>) semaphore(%arg26 : memref<!tpu.dma_semaphore, #tpu.memory_space<semaphore_mem>>)
        %dma_start3A_157 = arith.constant 0 : i32
        %dma_start3A_158 = arith.constant 0 : i32
        %dma_start3A_159 = tpu.memref_slice %arg5[%dma_start3A_157, %dma_start3A_158] : memref<10112x16xf32, #tpu.memory_space<hbm>> -> memref<10112x16xf32, #tpu.memory_space<hbm>>
        tpu.enqueue_indirect_dma source(%dma_start3A_159 : memref<10112x16xf32, #tpu.memory_space<hbm>>) target(%arg20 : memref<128x16xf32, #tpu.memory_space<vmem>>) offsets(%arg16 : memref<128xi32, #tpu.memory_space<vmem>>) semaphore(%arg26 : memref<!tpu.dma_semaphore, #tpu.memory_space<semaphore_mem>>)
        %dma_start3A_160 = arith.constant 0 : i32
        %dma_start3A_161 = arith.constant 0 : i32
        %dma_start3A_162 = tpu.memref_slice %arg6[%dma_start3A_160, %dma_start3A_161] : memref<10112x16xf32, #tpu.memory_space<hbm>> -> memref<10112x16xf32, #tpu.memory_space<hbm>>
        tpu.enqueue_indirect_dma source(%dma_start3A_162 : memref<10112x16xf32, #tpu.memory_space<hbm>>) target(%arg21 : memref<128x16xf32, #tpu.memory_space<vmem>>) offsets(%arg17 : memref<128xi32, #tpu.memory_space<vmem>>) semaphore(%arg26 : memref<!tpu.dma_semaphore, #tpu.memory_space<semaphore_mem>>)
      } else {
      }
      %while3A_122 = arith.constant 0 : i32
      scf.yield %while3A_122 : i32
    }
    %while3A_67 = arith.constant 1 : i32
    %while3A_68 = scf.for %while3A_81 = %while3A_64 to %while3A_60 step %while3A_67 iter_args(%while3A_82 = %while3A_66) -> (i32)  : i32 {
      %mul3A_83 = arith.constant 2 : i32
      %mul3A_84 = arith.muli %mul3A_83, %while3A_81 : i32
      %dma_wait3A_85 = arith.constant 0 : i32
      %dma_wait3A_86 = arith.constant 0 : i32
      %dma_wait3A_87 = tpu.memref_slice %arg4[%dma_wait3A_85, %dma_wait3A_86] : memref<10112x16xf32, #tpu.memory_space<hbm>> -> memref<10112x16xf32, #tpu.memory_space<hbm>>
      tpu.wait_indirect_dma semaphore(%arg25 : memref<!tpu.dma_semaphore, #tpu.memory_space<semaphore_mem>>) src(%dma_wait3A_87 : memref<10112x16xf32, #tpu.memory_space<hbm>>) dst(%arg11 : memref<128x16xf32, #tpu.memory_space<vmem>>)
      %dma_wait3A_88 = arith.constant 0 : i32
      %dma_wait3A_89 = arith.constant 0 : i32
      %dma_wait3A_90 = tpu.memref_slice %arg5[%dma_wait3A_88, %dma_wait3A_89] : memref<10112x16xf32, #tpu.memory_space<hbm>> -> memref<10112x16xf32, #tpu.memory_space<hbm>>
      tpu.wait_indirect_dma semaphore(%arg25 : memref<!tpu.dma_semaphore, #tpu.memory_space<semaphore_mem>>) src(%dma_wait3A_90 : memref<10112x16xf32, #tpu.memory_space<hbm>>) dst(%arg13 : memref<128x16xf32, #tpu.memory_space<vmem>>)
      %dma_wait3A_91 = arith.constant 0 : i32
      %dma_wait3A_92 = arith.constant 0 : i32
      %dma_wait3A_93 = tpu.memref_slice %arg6[%dma_wait3A_91, %dma_wait3A_92] : memref<10112x16xf32, #tpu.memory_space<hbm>> -> memref<10112x16xf32, #tpu.memory_space<hbm>>
      tpu.wait_indirect_dma semaphore(%arg25 : memref<!tpu.dma_semaphore, #tpu.memory_space<semaphore_mem>>) src(%dma_wait3A_93 : memref<10112x16xf32, #tpu.memory_space<hbm>>) dst(%arg14 : memref<128x16xf32, #tpu.memory_space<vmem>>)
      %parallel_loop3A = arith.constant 0 : i32
      %parallel_loop3A_94 = arith.constant 128 : i32
      %parallel_loop3A_95 = arith.constant 1 : i32
      scf.for %parallel_loop3A_123 = %parallel_loop3A to %parallel_loop3A_94 step %parallel_loop3A_95  : i32 {
        %parallel_loop3A_124 = arith.index_cast %parallel_loop3A_123 : i32 to index
        %parallel_loop3A_125 = arith.constant 0 : index
        %parallel_loop3A_126 = tpu.vector_load %arg13[%parallel_loop3A_124, %parallel_loop3A_125] {strides = array<i32>} : memref<128x16xf32, #tpu.memory_space<vmem>>, vector<16xf32>,
        %parallel_loop3A_127 = arith.index_cast %parallel_loop3A_123 : i32 to index
        %parallel_loop3A_128 = arith.constant 0 : index
        %parallel_loop3A_129 = tpu.vector_load %arg14[%parallel_loop3A_127, %parallel_loop3A_128] {strides = array<i32>} : memref<128x16xf32, #tpu.memory_space<vmem>>, vector<16xf32>,
        %parallel_loop3A_130 = arith.addf %parallel_loop3A_126, %parallel_loop3A_129 : vector<16xf32>
        %parallel_loop3A_131 = arith.constant 2.000000e-01 : f32
        %parallel_loop3A_132 = vector.broadcast %parallel_loop3A_131 : f32 to vector<16xf32>
        %parallel_loop3A_133 = arith.mulf %parallel_loop3A_132, %parallel_loop3A_130 : vector<16xf32>
        %parallel_loop3A_134 = arith.maximumf %parallel_loop3A_130, %parallel_loop3A_133 : vector<16xf32>
        %parallel_loop3A_135 = math.exp %parallel_loop3A_134 : vector<16xf32>
        %parallel_loop3A_136 = arith.index_cast %parallel_loop3A_123 : i32 to index
        %parallel_loop3A_137 = arith.constant 0 : index
        %parallel_loop3A_138 = tpu.vector_load %arg15[%parallel_loop3A_136, %parallel_loop3A_137] {strides = array<i32>} : memref<128x16xf32, #tpu.memory_space<vmem>>, vector<16xf32>,
        tpu.vector_store %arg15[%parallel_loop3A_136, %parallel_loop3A_137], %parallel_loop3A_135 {strides = array<i32>} : memref<128x16xf32, #tpu.memory_space<vmem>>, vector<16xf32>,
        %parallel_loop3A_139 = arith.index_cast %parallel_loop3A_123 : i32 to index
        %parallel_loop3A_140 = arith.constant 0 : index
        %parallel_loop3A_141 = tpu.vector_load %arg11[%parallel_loop3A_139, %parallel_loop3A_140] {strides = array<i32>} : memref<128x16xf32, #tpu.memory_space<vmem>>, vector<16xf32>,
        %parallel_loop3A_142 = arith.mulf %parallel_loop3A_141, %parallel_loop3A_135 : vector<16xf32>
        %parallel_loop3A_143 = arith.index_cast %parallel_loop3A_123 : i32 to index
        %parallel_loop3A_144 = arith.constant 0 : index
        %parallel_loop3A_145 = tpu.vector_load %arg12[%parallel_loop3A_143, %parallel_loop3A_144] {strides = array<i32>} : memref<128x16xf32, #tpu.memory_space<vmem>>, vector<16xf32>,
        tpu.vector_store %arg12[%parallel_loop3A_143, %parallel_loop3A_144], %parallel_loop3A_142 {strides = array<i32>} : memref<128x16xf32, #tpu.memory_space<vmem>>, vector<16xf32>,
      } {sc.loop_unroll_factor = 8 : i64, sc.parallel_access}
      %dma_start3A_96 = arith.constant 0 : i32
      %dma_start3A_97 = arith.constant 0 : i32
      %dma_start3A_98 = tpu.memref_slice %arg23[%dma_start3A_96, %dma_start3A_97] : memref<10112x16xf32, #tpu.memory_space<vmem_shared>> -> memref<10112x16xf32, #tpu.memory_space<vmem_shared>>
      tpu.enqueue_indirect_dma source(%arg12 : memref<128x16xf32, #tpu.memory_space<vmem>>) target(%dma_start3A_98 : memref<10112x16xf32, #tpu.memory_space<vmem_shared>>) offsets(%arg10 : memref<128xi32, #tpu.memory_space<vmem>>) semaphore(%arg27 : memref<!tpu.dma_semaphore, #tpu.memory_space<semaphore_mem>>) {add = true}
      %dma_start3A_99 = arith.constant 0 : i32
      %dma_start3A_100 = arith.constant 0 : i32
      %dma_start3A_101 = tpu.memref_slice %arg24[%dma_start3A_99, %dma_start3A_100] : memref<10112x16xf32, #tpu.memory_space<vmem_shared>> -> memref<10112x16xf32, #tpu.memory_space<vmem_shared>>
      tpu.enqueue_indirect_dma source(%arg15 : memref<128x16xf32, #tpu.memory_space<vmem>>) target(%dma_start3A_101 : memref<10112x16xf32, #tpu.memory_space<vmem_shared>>) offsets(%arg10 : memref<128xi32, #tpu.memory_space<vmem>>) semaphore(%arg27 : memref<!tpu.dma_semaphore, #tpu.memory_space<semaphore_mem>>) {add = true}
      %dma_wait3A_102 = arith.constant 0 : i32
      %dma_wait3A_103 = arith.constant 0 : i32
      %dma_wait3A_104 = tpu.memref_slice %arg4[%dma_wait3A_102, %dma_wait3A_103] : memref<10112x16xf32, #tpu.memory_space<hbm>> -> memref<10112x16xf32, #tpu.memory_space<hbm>>
      tpu.wait_indirect_dma semaphore(%arg26 : memref<!tpu.dma_semaphore, #tpu.memory_space<semaphore_mem>>) src(%dma_wait3A_104 : memref<10112x16xf32, #tpu.memory_space<hbm>>) dst(%arg18 : memref<128x16xf32, #tpu.memory_space<vmem>>)
      %dma_wait3A_105 = arith.constant 0 : i32
      %dma_wait3A_106 = arith.constant 0 : i32
      %dma_wait3A_107 = tpu.memref_slice %arg5[%dma_wait3A_105, %dma_wait3A_106] : memref<10112x16xf32, #tpu.memory_space<hbm>> -> memref<10112x16xf32, #tpu.memory_space<hbm>>
      tpu.wait_indirect_dma semaphore(%arg26 : memref<!tpu.dma_semaphore, #tpu.memory_space<semaphore_mem>>) src(%dma_wait3A_107 : memref<10112x16xf32, #tpu.memory_space<hbm>>) dst(%arg20 : memref<128x16xf32, #tpu.memory_space<vmem>>)
      %dma_wait3A_108 = arith.constant 0 : i32
      %dma_wait3A_109 = arith.constant 0 : i32
      %dma_wait3A_110 = tpu.memref_slice %arg6[%dma_wait3A_108, %dma_wait3A_109] : memref<10112x16xf32, #tpu.memory_space<hbm>> -> memref<10112x16xf32, #tpu.memory_space<hbm>>
      tpu.wait_indirect_dma semaphore(%arg26 : memref<!tpu.dma_semaphore, #tpu.memory_space<semaphore_mem>>) src(%dma_wait3A_110 : memref<10112x16xf32, #tpu.memory_space<hbm>>) dst(%arg21 : memref<128x16xf32, #tpu.memory_space<vmem>>)
      %parallel_loop3A_111 = arith.constant 0 : i32
      %parallel_loop3A_112 = arith.constant 128 : i32
      %parallel_loop3A_113 = arith.constant 1 : i32
      scf.for %parallel_loop3A_123 = %parallel_loop3A_111 to %parallel_loop3A_112 step %parallel_loop3A_113  : i32 {
        %parallel_loop3A_124 = arith.index_cast %parallel_loop3A_123 : i32 to index
        %parallel_loop3A_125 = arith.constant 0 : index
        %parallel_loop3A_126 = tpu.vector_load %arg20[%parallel_loop3A_124, %parallel_loop3A_125] {strides = array<i32>} : memref<128x16xf32, #tpu.memory_space<vmem>>, vector<16xf32>,
        %parallel_loop3A_127 = arith.index_cast %parallel_loop3A_123 : i32 to index
        %parallel_loop3A_128 = arith.constant 0 : index
        %parallel_loop3A_129 = tpu.vector_load %arg21[%parallel_loop3A_127, %parallel_loop3A_128] {strides = array<i32>} : memref<128x16xf32, #tpu.memory_space<vmem>>, vector<16xf32>,
        %parallel_loop3A_130 = arith.addf %parallel_loop3A_126, %parallel_loop3A_129 : vector<16xf32>
        %parallel_loop3A_131 = arith.constant 2.000000e-01 : f32
        %parallel_loop3A_132 = vector.broadcast %parallel_loop3A_131 : f32 to vector<16xf32>
        %parallel_loop3A_133 = arith.mulf %parallel_loop3A_132, %parallel_loop3A_130 : vector<16xf32>
        %parallel_loop3A_134 = arith.maximumf %parallel_loop3A_130, %parallel_loop3A_133 : vector<16xf32>
        %parallel_loop3A_135 = math.exp %parallel_loop3A_134 : vector<16xf32>
        %parallel_loop3A_136 = arith.index_cast %parallel_loop3A_123 : i32 to index
        %parallel_loop3A_137 = arith.constant 0 : index
        %parallel_loop3A_138 = tpu.vector_load %arg22[%parallel_loop3A_136, %parallel_loop3A_137] {strides = array<i32>} : memref<128x16xf32, #tpu.memory_space<vmem>>, vector<16xf32>,
        tpu.vector_store %arg22[%parallel_loop3A_136, %parallel_loop3A_137], %parallel_loop3A_135 {strides = array<i32>} : memref<128x16xf32, #tpu.memory_space<vmem>>, vector<16xf32>,
        %parallel_loop3A_139 = arith.index_cast %parallel_loop3A_123 : i32 to index
        %parallel_loop3A_140 = arith.constant 0 : index
        %parallel_loop3A_141 = tpu.vector_load %arg18[%parallel_loop3A_139, %parallel_loop3A_140] {strides = array<i32>} : memref<128x16xf32, #tpu.memory_space<vmem>>, vector<16xf32>,
        %parallel_loop3A_142 = arith.mulf %parallel_loop3A_141, %parallel_loop3A_135 : vector<16xf32>
        %parallel_loop3A_143 = arith.index_cast %parallel_loop3A_123 : i32 to index
        %parallel_loop3A_144 = arith.constant 0 : index
        %parallel_loop3A_145 = tpu.vector_load %arg19[%parallel_loop3A_143, %parallel_loop3A_144] {strides = array<i32>} : memref<128x16xf32, #tpu.memory_space<vmem>>, vector<16xf32>,
        tpu.vector_store %arg19[%parallel_loop3A_143, %parallel_loop3A_144], %parallel_loop3A_142 {strides = array<i32>} : memref<128x16xf32, #tpu.memory_space<vmem>>, vector<16xf32>,
      } {sc.loop_unroll_factor = 8 : i64, sc.parallel_access}
      %dma_start3A_114 = arith.constant 0 : i32
      %dma_start3A_115 = arith.constant 0 : i32
      %dma_start3A_116 = tpu.memref_slice %arg23[%dma_start3A_114, %dma_start3A_115] : memref<10112x16xf32, #tpu.memory_space<vmem_shared>> -> memref<10112x16xf32, #tpu.memory_space<vmem_shared>>
      tpu.enqueue_indirect_dma source(%arg19 : memref<128x16xf32, #tpu.memory_space<vmem>>) target(%dma_start3A_116 : memref<10112x16xf32, #tpu.memory_space<vmem_shared>>) offsets(%arg17 : memref<128xi32, #tpu.memory_space<vmem>>) semaphore(%arg28 : memref<!tpu.dma_semaphore, #tpu.memory_space<semaphore_mem>>) {add = true}
      %dma_start3A_117 = arith.constant 0 : i32
      %dma_start3A_118 = arith.constant 0 : i32
      %dma_start3A_119 = tpu.memref_slice %arg24[%dma_start3A_117, %dma_start3A_118] : memref<10112x16xf32, #tpu.memory_space<vmem_shared>> -> memref<10112x16xf32, #tpu.memory_space<vmem_shared>>
      tpu.enqueue_indirect_dma source(%arg22 : memref<128x16xf32, #tpu.memory_space<vmem>>) target(%dma_start3A_119 : memref<10112x16xf32, #tpu.memory_space<vmem_shared>>) offsets(%arg17 : memref<128xi32, #tpu.memory_space<vmem>>) semaphore(%arg28 : memref<!tpu.dma_semaphore, #tpu.memory_space<semaphore_mem>>) {add = true}
      %sub3A = arith.constant 1 : i32
      %sub3A_120 = arith.subi %select_n3A_8, %sub3A : i32
      %lt3A = arith.cmpi slt, %while3A_81, %sub3A_120 : i32
      %convert_element_type3A = arith.extui %lt3A : i1 to i32
      %cond3A = arith.constant 0 : i32
      %cond3A_121 = arith.cmpi ne, %convert_element_type3A, %cond3A : i32
      scf.if %cond3A_121 {
        %dma_wait3A_123 = arith.constant 0 : i32
        %dma_wait3A_124 = arith.constant 0 : i32
        %dma_wait3A_125 = tpu.memref_slice %arg23[%dma_wait3A_123, %dma_wait3A_124] : memref<10112x16xf32, #tpu.memory_space<vmem_shared>> -> memref<10112x16xf32, #tpu.memory_space<vmem_shared>>
        tpu.wait_indirect_dma semaphore(%arg27 : memref<!tpu.dma_semaphore, #tpu.memory_space<semaphore_mem>>) src(%arg12 : memref<128x16xf32, #tpu.memory_space<vmem>>) dst(%dma_wait3A_125 : memref<10112x16xf32, #tpu.memory_space<vmem_shared>>)
        %dma_wait3A_126 = arith.constant 0 : i32
        %dma_wait3A_127 = arith.constant 0 : i32
        %dma_wait3A_128 = tpu.memref_slice %arg24[%dma_wait3A_126, %dma_wait3A_127] : memref<10112x16xf32, #tpu.memory_space<vmem_shared>> -> memref<10112x16xf32, #tpu.memory_space<vmem_shared>>
        tpu.wait_indirect_dma semaphore(%arg27 : memref<!tpu.dma_semaphore, #tpu.memory_space<semaphore_mem>>) src(%arg15 : memref<128x16xf32, #tpu.memory_space<vmem>>) dst(%dma_wait3A_128 : memref<10112x16xf32, #tpu.memory_space<vmem_shared>>)
        %add3A_129 = arith.constant 2 : i32
        %add3A_130 = arith.addi %mul3A_84, %add3A_129 : i32
        %mul3A_131 = arith.constant 128 : i32
        %mul3A_132 = arith.muli %add3A_130, %mul3A_131 : i32
        %add3A_133 = arith.addi %select_n3A, %mul3A_132 : i32
        "tpu.region"() ({
          %run_scoped3A = tpu.sem_alloc : memref<!tpu.dma_semaphore, #tpu.memory_space<semaphore_mem>>
          %dma_start3A_163 = tpu.memref_slice %arg2[%add3A_133] : memref<335872xi32, #tpu.memory_space<hbm>> -> memref<128xi32, #tpu.memory_space<hbm>>
          %dma_start3A_164 = tpu.memref_slice %arg2[%add3A_133] : memref<335872xi32, #tpu.memory_space<hbm>> -> memref<128xi32, #tpu.memory_space<hbm>>
          tpu.enqueue_dma source(%dma_start3A_164 : memref<128xi32, #tpu.memory_space<hbm>>) target(%arg9 : memref<128xi32, #tpu.memory_space<vmem>>) target_semaphore(%run_scoped3A : memref<!tpu.dma_semaphore, #tpu.memory_space<semaphore_mem>>)
          %dma_wait3A_165 = tpu.memref_slice %arg2[%add3A_133] : memref<335872xi32, #tpu.memory_space<hbm>> -> memref<128xi32, #tpu.memory_space<hbm>>
          %dma_wait3A_166 = tpu.memref_slice %arg2[%add3A_133] : memref<335872xi32, #tpu.memory_space<hbm>> -> memref<128xi32, #tpu.memory_space<hbm>>
          tpu.wait_dma2 semaphore(%run_scoped3A : memref<!tpu.dma_semaphore, #tpu.memory_space<semaphore_mem>>) src(%dma_wait3A_166 : memref<128xi32, #tpu.memory_space<hbm>>) dst(%arg9 : memref<128xi32, #tpu.memory_space<vmem>>)
          tpu.yield
        }) : () -> ()
        "tpu.region"() ({
          %run_scoped3A = tpu.sem_alloc : memref<!tpu.dma_semaphore, #tpu.memory_space<semaphore_mem>>
          %dma_start3A_163 = tpu.memref_slice %arg3[%add3A_133] : memref<335872xi32, #tpu.memory_space<hbm>> -> memref<128xi32, #tpu.memory_space<hbm>>
          %dma_start3A_164 = tpu.memref_slice %arg3[%add3A_133] : memref<335872xi32, #tpu.memory_space<hbm>> -> memref<128xi32, #tpu.memory_space<hbm>>
          tpu.enqueue_dma source(%dma_start3A_164 : memref<128xi32, #tpu.memory_space<hbm>>) target(%arg10 : memref<128xi32, #tpu.memory_space<vmem>>) target_semaphore(%run_scoped3A : memref<!tpu.dma_semaphore, #tpu.memory_space<semaphore_mem>>)
          %dma_wait3A_165 = tpu.memref_slice %arg3[%add3A_133] : memref<335872xi32, #tpu.memory_space<hbm>> -> memref<128xi32, #tpu.memory_space<hbm>>
          %dma_wait3A_166 = tpu.memref_slice %arg3[%add3A_133] : memref<335872xi32, #tpu.memory_space<hbm>> -> memref<128xi32, #tpu.memory_space<hbm>>
          tpu.wait_dma2 semaphore(%run_scoped3A : memref<!tpu.dma_semaphore, #tpu.memory_space<semaphore_mem>>) src(%dma_wait3A_166 : memref<128xi32, #tpu.memory_space<hbm>>) dst(%arg10 : memref<128xi32, #tpu.memory_space<vmem>>)
          tpu.yield
        }) : () -> ()
        %dma_start3A_134 = arith.constant 0 : i32
        %dma_start3A_135 = arith.constant 0 : i32
        %dma_start3A_136 = tpu.memref_slice %arg4[%dma_start3A_134, %dma_start3A_135] : memref<10112x16xf32, #tpu.memory_space<hbm>> -> memref<10112x16xf32, #tpu.memory_space<hbm>>
        tpu.enqueue_indirect_dma source(%dma_start3A_136 : memref<10112x16xf32, #tpu.memory_space<hbm>>) target(%arg11 : memref<128x16xf32, #tpu.memory_space<vmem>>) offsets(%arg9 : memref<128xi32, #tpu.memory_space<vmem>>) semaphore(%arg25 : memref<!tpu.dma_semaphore, #tpu.memory_space<semaphore_mem>>)
        %dma_start3A_137 = arith.constant 0 : i32
        %dma_start3A_138 = arith.constant 0 : i32
        %dma_start3A_139 = tpu.memref_slice %arg5[%dma_start3A_137, %dma_start3A_138] : memref<10112x16xf32, #tpu.memory_space<hbm>> -> memref<10112x16xf32, #tpu.memory_space<hbm>>
        tpu.enqueue_indirect_dma source(%dma_start3A_139 : memref<10112x16xf32, #tpu.memory_space<hbm>>) target(%arg13 : memref<128x16xf32, #tpu.memory_space<vmem>>) offsets(%arg9 : memref<128xi32, #tpu.memory_space<vmem>>) semaphore(%arg25 : memref<!tpu.dma_semaphore, #tpu.memory_space<semaphore_mem>>)
        %dma_start3A_140 = arith.constant 0 : i32
        %dma_start3A_141 = arith.constant 0 : i32
        %dma_start3A_142 = tpu.memref_slice %arg6[%dma_start3A_140, %dma_start3A_141] : memref<10112x16xf32, #tpu.memory_space<hbm>> -> memref<10112x16xf32, #tpu.memory_space<hbm>>
        tpu.enqueue_indirect_dma source(%dma_start3A_142 : memref<10112x16xf32, #tpu.memory_space<hbm>>) target(%arg14 : memref<128x16xf32, #tpu.memory_space<vmem>>) offsets(%arg10 : memref<128xi32, #tpu.memory_space<vmem>>) semaphore(%arg25 : memref<!tpu.dma_semaphore, #tpu.memory_space<semaphore_mem>>)
        %dma_wait3A_143 = arith.constant 0 : i32
        %dma_wait3A_144 = arith.constant 0 : i32
        %dma_wait3A_145 = tpu.memref_slice %arg23[%dma_wait3A_143, %dma_wait3A_144] : memref<10112x16xf32, #tpu.memory_space<vmem_shared>> -> memref<10112x16xf32, #tpu.memory_space<vmem_shared>>
        tpu.wait_indirect_dma semaphore(%arg28 : memref<!tpu.dma_semaphore, #tpu.memory_space<semaphore_mem>>) src(%arg19 : memref<128x16xf32, #tpu.memory_space<vmem>>) dst(%dma_wait3A_145 : memref<10112x16xf32, #tpu.memory_space<vmem_shared>>)
        %dma_wait3A_146 = arith.constant 0 : i32
        %dma_wait3A_147 = arith.constant 0 : i32
        %dma_wait3A_148 = tpu.memref_slice %arg24[%dma_wait3A_146, %dma_wait3A_147] : memref<10112x16xf32, #tpu.memory_space<vmem_shared>> -> memref<10112x16xf32, #tpu.memory_space<vmem_shared>>
        tpu.wait_indirect_dma semaphore(%arg28 : memref<!tpu.dma_semaphore, #tpu.memory_space<semaphore_mem>>) src(%arg22 : memref<128x16xf32, #tpu.memory_space<vmem>>) dst(%dma_wait3A_148 : memref<10112x16xf32, #tpu.memory_space<vmem_shared>>)
        %add3A_149 = arith.constant 3 : i32
        %add3A_150 = arith.addi %mul3A_84, %add3A_149 : i32
        %mul3A_151 = arith.constant 128 : i32
        %mul3A_152 = arith.muli %add3A_150, %mul3A_151 : i32
        %add3A_153 = arith.addi %select_n3A, %mul3A_152 : i32
        "tpu.region"() ({
          %run_scoped3A = tpu.sem_alloc : memref<!tpu.dma_semaphore, #tpu.memory_space<semaphore_mem>>
          %dma_start3A_163 = tpu.memref_slice %arg2[%add3A_153] : memref<335872xi32, #tpu.memory_space<hbm>> -> memref<128xi32, #tpu.memory_space<hbm>>
          %dma_start3A_164 = tpu.memref_slice %arg2[%add3A_153] : memref<335872xi32, #tpu.memory_space<hbm>> -> memref<128xi32, #tpu.memory_space<hbm>>
          tpu.enqueue_dma source(%dma_start3A_164 : memref<128xi32, #tpu.memory_space<hbm>>) target(%arg16 : memref<128xi32, #tpu.memory_space<vmem>>) target_semaphore(%run_scoped3A : memref<!tpu.dma_semaphore, #tpu.memory_space<semaphore_mem>>)
          %dma_wait3A_165 = tpu.memref_slice %arg2[%add3A_153] : memref<335872xi32, #tpu.memory_space<hbm>> -> memref<128xi32, #tpu.memory_space<hbm>>
          %dma_wait3A_166 = tpu.memref_slice %arg2[%add3A_153] : memref<335872xi32, #tpu.memory_space<hbm>> -> memref<128xi32, #tpu.memory_space<hbm>>
          tpu.wait_dma2 semaphore(%run_scoped3A : memref<!tpu.dma_semaphore, #tpu.memory_space<semaphore_mem>>) src(%dma_wait3A_166 : memref<128xi32, #tpu.memory_space<hbm>>) dst(%arg16 : memref<128xi32, #tpu.memory_space<vmem>>)
          tpu.yield
        }) : () -> ()
        "tpu.region"() ({
          %run_scoped3A = tpu.sem_alloc : memref<!tpu.dma_semaphore, #tpu.memory_space<semaphore_mem>>
          %dma_start3A_163 = tpu.memref_slice %arg3[%add3A_153] : memref<335872xi32, #tpu.memory_space<hbm>> -> memref<128xi32, #tpu.memory_space<hbm>>
          %dma_start3A_164 = tpu.memref_slice %arg3[%add3A_153] : memref<335872xi32, #tpu.memory_space<hbm>> -> memref<128xi32, #tpu.memory_space<hbm>>
          tpu.enqueue_dma source(%dma_start3A_164 : memref<128xi32, #tpu.memory_space<hbm>>) target(%arg17 : memref<128xi32, #tpu.memory_space<vmem>>) target_semaphore(%run_scoped3A : memref<!tpu.dma_semaphore, #tpu.memory_space<semaphore_mem>>)
          %dma_wait3A_165 = tpu.memref_slice %arg3[%add3A_153] : memref<335872xi32, #tpu.memory_space<hbm>> -> memref<128xi32, #tpu.memory_space<hbm>>
          %dma_wait3A_166 = tpu.memref_slice %arg3[%add3A_153] : memref<335872xi32, #tpu.memory_space<hbm>> -> memref<128xi32, #tpu.memory_space<hbm>>
          tpu.wait_dma2 semaphore(%run_scoped3A : memref<!tpu.dma_semaphore, #tpu.memory_space<semaphore_mem>>) src(%dma_wait3A_166 : memref<128xi32, #tpu.memory_space<hbm>>) dst(%arg17 : memref<128xi32, #tpu.memory_space<vmem>>)
          tpu.yield
        }) : () -> ()
        %dma_start3A_154 = arith.constant 0 : i32
        %dma_start3A_155 = arith.constant 0 : i32
        %dma_start3A_156 = tpu.memref_slice %arg4[%dma_start3A_154, %dma_start3A_155] : memref<10112x16xf32, #tpu.memory_space<hbm>> -> memref<10112x16xf32, #tpu.memory_space<hbm>>
        tpu.enqueue_indirect_dma source(%dma_start3A_156 : memref<10112x16xf32, #tpu.memory_space<hbm>>) target(%arg18 : memref<128x16xf32, #tpu.memory_space<vmem>>) offsets(%arg16 : memref<128xi32, #tpu.memory_space<vmem>>) semaphore(%arg26 : memref<!tpu.dma_semaphore, #tpu.memory_space<semaphore_mem>>)
        %dma_start3A_157 = arith.constant 0 : i32
        %dma_start3A_158 = arith.constant 0 : i32
        %dma_start3A_159 = tpu.memref_slice %arg5[%dma_start3A_157, %dma_start3A_158] : memref<10112x16xf32, #tpu.memory_space<hbm>> -> memref<10112x16xf32, #tpu.memory_space<hbm>>
        tpu.enqueue_indirect_dma source(%dma_start3A_159 : memref<10112x16xf32, #tpu.memory_space<hbm>>) target(%arg20 : memref<128x16xf32, #tpu.memory_space<vmem>>) offsets(%arg16 : memref<128xi32, #tpu.memory_space<vmem>>) semaphore(%arg26 : memref<!tpu.dma_semaphore, #tpu.memory_space<semaphore_mem>>)
        %dma_start3A_160 = arith.constant 0 : i32
        %dma_start3A_161 = arith.constant 0 : i32
        %dma_start3A_162 = tpu.memref_slice %arg6[%dma_start3A_160, %dma_start3A_161] : memref<10112x16xf32, #tpu.memory_space<hbm>> -> memref<10112x16xf32, #tpu.memory_space<hbm>>
        tpu.enqueue_indirect_dma source(%dma_start3A_162 : memref<10112x16xf32, #tpu.memory_space<hbm>>) target(%arg21 : memref<128x16xf32, #tpu.memory_space<vmem>>) offsets(%arg17 : memref<128xi32, #tpu.memory_space<vmem>>) semaphore(%arg26 : memref<!tpu.dma_semaphore, #tpu.memory_space<semaphore_mem>>)
      } else {
      }
      %while3A_122 = arith.constant 0 : i32
      scf.yield %while3A_122 : i32
    }
    %dma_wait3A = arith.constant 0 : i32
    %dma_wait3A_69 = arith.constant 0 : i32
    %dma_wait3A_70 = tpu.memref_slice %arg23[%dma_wait3A, %dma_wait3A_69] : memref<10112x16xf32, #tpu.memory_space<vmem_shared>> -> memref<10112x16xf32, #tpu.memory_space<vmem_shared>>
    tpu.wait_indirect_dma semaphore(%arg27 : memref<!tpu.dma_semaphore, #tpu.memory_space<semaphore_mem>>) src(%arg12 : memref<128x16xf32, #tpu.memory_space<vmem>>) dst(%dma_wait3A_70 : memref<10112x16xf32, #tpu.memory_space<vmem_shared>>)
    %dma_wait3A_71 = arith.constant 0 : i32
    %dma_wait3A_72 = arith.constant 0 : i32
    %dma_wait3A_73 = tpu.memref_slice %arg24[%dma_wait3A_71, %dma_wait3A_72] : memref<10112x16xf32, #tpu.memory_space<vmem_shared>> -> memref<10112x16xf32, #tpu.memory_space<vmem_shared>>
    tpu.wait_indirect_dma semaphore(%arg27 : memref<!tpu.dma_semaphore, #tpu.memory_space<semaphore_mem>>) src(%arg15 : memref<128x16xf32, #tpu.memory_space<vmem>>) dst(%dma_wait3A_73 : memref<10112x16xf32, #tpu.memory_space<vmem_shared>>)
    %dma_wait3A_74 = arith.constant 0 : i32
    %dma_wait3A_75 = arith.constant 0 : i32
    %dma_wait3A_76 = tpu.memref_slice %arg23[%dma_wait3A_74, %dma_wait3A_75] : memref<10112x16xf32, #tpu.memory_space<vmem_shared>> -> memref<10112x16xf32, #tpu.memory_space<vmem_shared>>
    tpu.wait_indirect_dma semaphore(%arg28 : memref<!tpu.dma_semaphore, #tpu.memory_space<semaphore_mem>>) src(%arg19 : memref<128x16xf32, #tpu.memory_space<vmem>>) dst(%dma_wait3A_76 : memref<10112x16xf32, #tpu.memory_space<vmem_shared>>)
    %dma_wait3A_77 = arith.constant 0 : i32
    %dma_wait3A_78 = arith.constant 0 : i32
    %dma_wait3A_79 = tpu.memref_slice %arg24[%dma_wait3A_77, %dma_wait3A_78] : memref<10112x16xf32, #tpu.memory_space<vmem_shared>> -> memref<10112x16xf32, #tpu.memory_space<vmem_shared>>
    tpu.wait_indirect_dma semaphore(%arg28 : memref<!tpu.dma_semaphore, #tpu.memory_space<semaphore_mem>>) src(%arg22 : memref<128x16xf32, #tpu.memory_space<vmem>>) dst(%dma_wait3A_79 : memref<10112x16xf32, #tpu.memory_space<vmem_shared>>)
    %barrier3A_80 = arith.constant 0 : index
    tpu.barrier barrier_id(%barrier3A_80)
    "tpu.region"() ({
      %run_scoped3A = tpu.sem_alloc : memref<!tpu.dma_semaphore, #tpu.memory_space<semaphore_mem>>
      %dma_start3A_81 = arith.constant 0 : i32
      %dma_start3A_82 = tpu.memref_slice %arg7[%arg0, %mul3A_16, %dma_start3A_81] : memref<2x10112x16xf32, #tpu.memory_space<hbm>> -> memref<1x632x16xf32, #tpu.memory_space<hbm>>
      %dma_start3A_83 = tpu.memref_squeeze %dma_start3A_82 : memref<1x632x16xf32, #tpu.memory_space<hbm>> -> memref<632x16xf32, #tpu.memory_space<hbm>>
      %dma_start3A_84 = arith.constant 0 : i32
      %dma_start3A_85 = tpu.memref_slice %arg23[%mul3A_16, %dma_start3A_84] : memref<10112x16xf32, #tpu.memory_space<vmem_shared>> -> memref<632x16xf32, #tpu.memory_space<vmem_shared>>
      tpu.enqueue_dma source(%dma_start3A_85 : memref<632x16xf32, #tpu.memory_space<vmem_shared>>) target(%dma_start3A_83 : memref<632x16xf32, #tpu.memory_space<hbm>>) target_semaphore(%run_scoped3A : memref<!tpu.dma_semaphore, #tpu.memory_space<semaphore_mem>>)
      %dma_wait3A_86 = arith.constant 0 : i32
      %dma_wait3A_87 = tpu.memref_slice %arg7[%arg0, %mul3A_16, %dma_wait3A_86] : memref<2x10112x16xf32, #tpu.memory_space<hbm>> -> memref<1x632x16xf32, #tpu.memory_space<hbm>>
      %dma_wait3A_88 = tpu.memref_squeeze %dma_wait3A_87 : memref<1x632x16xf32, #tpu.memory_space<hbm>> -> memref<632x16xf32, #tpu.memory_space<hbm>>
      %dma_wait3A_89 = arith.constant 0 : i32
      %dma_wait3A_90 = tpu.memref_slice %arg23[%mul3A_16, %dma_wait3A_89] : memref<10112x16xf32, #tpu.memory_space<vmem_shared>> -> memref<632x16xf32, #tpu.memory_space<vmem_shared>>
      tpu.wait_dma2 semaphore(%run_scoped3A : memref<!tpu.dma_semaphore, #tpu.memory_space<semaphore_mem>>) src(%dma_wait3A_90 : memref<632x16xf32, #tpu.memory_space<vmem_shared>>) dst(%dma_wait3A_88 : memref<632x16xf32, #tpu.memory_space<hbm>>)
      tpu.yield
    }) : () -> ()
    "tpu.region"() ({
      %run_scoped3A = tpu.sem_alloc : memref<!tpu.dma_semaphore, #tpu.memory_space<semaphore_mem>>
      %dma_start3A_81 = arith.constant 0 : i32
      %dma_start3A_82 = tpu.memref_slice %arg8[%arg0, %mul3A_16, %dma_start3A_81] : memref<2x10112x16xf32, #tpu.memory_space<hbm>> -> memref<1x632x16xf32, #tpu.memory_space<hbm>>
      %dma_start3A_83 = tpu.memref_squeeze %dma_start3A_82 : memref<1x632x16xf32, #tpu.memory_space<hbm>> -> memref<632x16xf32, #tpu.memory_space<hbm>>
      %dma_start3A_84 = arith.constant 0 : i32
      %dma_start3A_85 = tpu.memref_slice %arg24[%mul3A_16, %dma_start3A_84] : memref<10112x16xf32, #tpu.memory_space<vmem_shared>> -> memref<632x16xf32, #tpu.memory_space<vmem_shared>>
      tpu.enqueue_dma source(%dma_start3A_85 : memref<632x16xf32, #tpu.memory_space<vmem_shared>>) target(%dma_start3A_83 : memref<632x16xf32, #tpu.memory_space<hbm>>) target_semaphore(%run_scoped3A : memref<!tpu.dma_semaphore, #tpu.memory_space<semaphore_mem>>)
      %dma_wait3A_86 = arith.constant 0 : i32
      %dma_wait3A_87 = tpu.memref_slice %arg8[%arg0, %mul3A_16, %dma_wait3A_86] : memref<2x10112x16xf32, #tpu.memory_space<hbm>> -> memref<1x632x16xf32, #tpu.memory_space<hbm>>
      %dma_wait3A_88 = tpu.memref_squeeze %dma_wait3A_87 : memref<1x632x16xf32, #tpu.memory_space<hbm>> -> memref<632x16xf32, #tpu.memory_space<hbm>>
      %dma_wait3A_89 = arith.constant 0 : i32
      %dma_wait3A_90 = tpu.memref_slice %arg24[%mul3A_16, %dma_wait3A_89] : memref<10112x16xf32, #tpu.memory_space<vmem_shared>> -> memref<632x16xf32, #tpu.memory_space<vmem_shared>>
      tpu.wait_dma2 semaphore(%run_scoped3A : memref<!tpu.dma_semaphore, #tpu.memory_space<semaphore_mem>>) src(%dma_wait3A_90 : memref<632x16xf32, #tpu.memory_space<vmem_shared>>) dst(%dma_wait3A_88 : memref<632x16xf32, #tpu.memory_space<hbm>>)
      tpu.yield
    }) : () -> ()
    return
  }
}

#map = affine_map<(d0, d1) -> (0)>
#map1 = affine_map<(d0, d1) -> (0, 0)>
#map2 = affine_map<(d0, d1) -> (0, 0, 0)>
module attributes {stable_mosaic.version = 14 : i64} {
  func.func @sc_gat(%arg0: i32, %arg1: i32, %arg2: memref<335872xi32, #tpu.memory_space<hbm>>, %arg3: memref<335872xi32, #tpu.memory_space<hbm>>, %arg4: memref<10112x64xi32, #tpu.memory_space<hbm>>, %arg5: memref<10112x16xf32, #tpu.memory_space<hbm>>, %arg6: memref<10112x16xf32, #tpu.memory_space<hbm>>, %arg7: memref<2x10112x128xf32, #tpu.memory_space<hbm>>, %arg8: memref<2x10112x16xf32, #tpu.memory_space<hbm>>, %arg9: memref<64xi32, #tpu.memory_space<vmem>>, %arg10: memref<64xi32, #tpu.memory_space<vmem>>, %arg11: memref<64x64xi32, #tpu.memory_space<vmem>>, %arg12: memref<64x128xf32, #tpu.memory_space<vmem>>, %arg13: memref<64x16xf32, #tpu.memory_space<vmem>>, %arg14: memref<64x16xf32, #tpu.memory_space<vmem>>, %arg15: memref<64x16xf32, #tpu.memory_space<vmem>>, %arg16: memref<64xi32, #tpu.memory_space<vmem>>, %arg17: memref<64xi32, #tpu.memory_space<vmem>>, %arg18: memref<64x64xi32, #tpu.memory_space<vmem>>, %arg19: memref<64x128xf32, #tpu.memory_space<vmem>>, %arg20: memref<64x16xf32, #tpu.memory_space<vmem>>, %arg21: memref<64x16xf32, #tpu.memory_space<vmem>>, %arg22: memref<64x16xf32, #tpu.memory_space<vmem>>, %arg23: memref<10112x128xf32, #tpu.memory_space<vmem_shared>>, %arg24: memref<10112x16xf32, #tpu.memory_space<vmem_shared>>, %arg25: memref<!tpu.dma_semaphore, #tpu.memory_space<semaphore_mem>>, %arg26: memref<!tpu.dma_semaphore, #tpu.memory_space<semaphore_mem>>, %arg27: memref<!tpu.dma_semaphore, #tpu.memory_space<semaphore_mem>>, %arg28: memref<!tpu.dma_semaphore, #tpu.memory_space<semaphore_mem>>) attributes {dimension_semantics = [#tpu.dimension_semantics<core_parallel>, #tpu.dimension_semantics<subcore_parallel>], iteration_bounds = array<i64: 2, 16>, scalar_prefetch = 0 : i64, scratch_operands = 20 : i64, tpu.core_type = #tpu.core_type<sc_vector_subcore>, window_params = [{transform_indices = #map}, {transform_indices = #map}, {transform_indices = #map1}, {transform_indices = #map1}, {transform_indices = #map1}, {transform_indices = #map2}, {transform_indices = #map2}]} {
    %eq3A = arith.constant 0 : i32
    %eq3A_0 = arith.cmpi eq, %arg0, %eq3A : i32
    %mul3A = arith.constant 12672 : i32
    %mul3A_1 = arith.muli %arg1, %mul3A : i32
    %mul3A_2 = arith.constant 8320 : i32
    %mul3A_3 = arith.muli %arg1, %mul3A_2 : i32
    %add3A = arith.constant 202752 : i32
    %add3A_4 = arith.addi %add3A, %mul3A_3 : i32
    %select_n3A = arith.select %eq3A_0, %mul3A_1, %add3A_4 : i32
    %eq3A_5 = arith.constant 0 : i32
    %eq3A_6 = arith.cmpi eq, %arg0, %eq3A_5 : i32
    %jit3A = arith.constant 99 : i32
    %jit3A_7 = arith.constant 65 : i32
    %select_n3A_8 = arith.select %eq3A_6, %jit3A, %jit3A_7 : i32
    %scan3A = arith.constant 0 : i32
    %scan3A_9 = arith.constant 0 : i32
    %scan3A_10 = arith.constant 64 : i32
    %scan3A_11 = arith.addi %scan3A_9, %scan3A_10 : i32
    %scan3A_12 = arith.constant 1 : i32
    %scan3A_13 = scf.for %scan3A_101 = %scan3A_9 to %scan3A_11 step %scan3A_12 iter_args(%scan3A_102 = %scan3A) -> (i32)  : i32 {
      %broadcast_in_dim3A = arith.constant 0.000000e+00 : f32
      %broadcast_in_dim3A_103 = vector.broadcast %broadcast_in_dim3A : f32 to vector<16xf32>
      %swap3A = arith.index_cast %scan3A_101 : i32 to index
      %swap3A_104 = arith.constant 0 : index
      %swap3A_105 = tpu.vector_load %arg12[%swap3A, %swap3A_104] {strides = array<i32>} : memref<64x128xf32, #tpu.memory_space<vmem>>, vector<16xf32>,
      tpu.vector_store %arg12[%swap3A, %swap3A_104], %broadcast_in_dim3A_103 {strides = array<i32>} : memref<64x128xf32, #tpu.memory_space<vmem>>, vector<16xf32>,
      %swap3A_106 = arith.index_cast %scan3A_101 : i32 to index
      %swap3A_107 = arith.constant 16 : index
      %swap3A_108 = tpu.vector_load %arg12[%swap3A_106, %swap3A_107] {strides = array<i32>} : memref<64x128xf32, #tpu.memory_space<vmem>>, vector<16xf32>,
      tpu.vector_store %arg12[%swap3A_106, %swap3A_107], %broadcast_in_dim3A_103 {strides = array<i32>} : memref<64x128xf32, #tpu.memory_space<vmem>>, vector<16xf32>,
      %swap3A_109 = arith.index_cast %scan3A_101 : i32 to index
      %swap3A_110 = arith.constant 32 : index
      %swap3A_111 = tpu.vector_load %arg12[%swap3A_109, %swap3A_110] {strides = array<i32>} : memref<64x128xf32, #tpu.memory_space<vmem>>, vector<16xf32>,
      tpu.vector_store %arg12[%swap3A_109, %swap3A_110], %broadcast_in_dim3A_103 {strides = array<i32>} : memref<64x128xf32, #tpu.memory_space<vmem>>, vector<16xf32>,
      %swap3A_112 = arith.index_cast %scan3A_101 : i32 to index
      %swap3A_113 = arith.constant 48 : index
      %swap3A_114 = tpu.vector_load %arg12[%swap3A_112, %swap3A_113] {strides = array<i32>} : memref<64x128xf32, #tpu.memory_space<vmem>>, vector<16xf32>,
      tpu.vector_store %arg12[%swap3A_112, %swap3A_113], %broadcast_in_dim3A_103 {strides = array<i32>} : memref<64x128xf32, #tpu.memory_space<vmem>>, vector<16xf32>,
      %swap3A_115 = arith.index_cast %scan3A_101 : i32 to index
      %swap3A_116 = arith.constant 64 : index
      %swap3A_117 = tpu.vector_load %arg12[%swap3A_115, %swap3A_116] {strides = array<i32>} : memref<64x128xf32, #tpu.memory_space<vmem>>, vector<16xf32>,
      tpu.vector_store %arg12[%swap3A_115, %swap3A_116], %broadcast_in_dim3A_103 {strides = array<i32>} : memref<64x128xf32, #tpu.memory_space<vmem>>, vector<16xf32>,
      %swap3A_118 = arith.index_cast %scan3A_101 : i32 to index
      %swap3A_119 = arith.constant 80 : index
      %swap3A_120 = tpu.vector_load %arg12[%swap3A_118, %swap3A_119] {strides = array<i32>} : memref<64x128xf32, #tpu.memory_space<vmem>>, vector<16xf32>,
      tpu.vector_store %arg12[%swap3A_118, %swap3A_119], %broadcast_in_dim3A_103 {strides = array<i32>} : memref<64x128xf32, #tpu.memory_space<vmem>>, vector<16xf32>,
      %swap3A_121 = arith.index_cast %scan3A_101 : i32 to index
      %swap3A_122 = arith.constant 96 : index
      %swap3A_123 = tpu.vector_load %arg12[%swap3A_121, %swap3A_122] {strides = array<i32>} : memref<64x128xf32, #tpu.memory_space<vmem>>, vector<16xf32>,
      tpu.vector_store %arg12[%swap3A_121, %swap3A_122], %broadcast_in_dim3A_103 {strides = array<i32>} : memref<64x128xf32, #tpu.memory_space<vmem>>, vector<16xf32>,
      %swap3A_124 = arith.index_cast %scan3A_101 : i32 to index
      %swap3A_125 = arith.constant 112 : index
      %swap3A_126 = tpu.vector_load %arg12[%swap3A_124, %swap3A_125] {strides = array<i32>} : memref<64x128xf32, #tpu.memory_space<vmem>>, vector<16xf32>,
      tpu.vector_store %arg12[%swap3A_124, %swap3A_125], %broadcast_in_dim3A_103 {strides = array<i32>} : memref<64x128xf32, #tpu.memory_space<vmem>>, vector<16xf32>,
      %swap3A_127 = arith.index_cast %scan3A_101 : i32 to index
      %swap3A_128 = arith.constant 0 : index
      %swap3A_129 = tpu.vector_load %arg15[%swap3A_127, %swap3A_128] {strides = array<i32>} : memref<64x16xf32, #tpu.memory_space<vmem>>, vector<16xf32>,
      tpu.vector_store %arg15[%swap3A_127, %swap3A_128], %broadcast_in_dim3A_103 {strides = array<i32>} : memref<64x16xf32, #tpu.memory_space<vmem>>, vector<16xf32>,
      %scan3A_130 = arith.constant 0 : i32
      scf.yield %scan3A_130 : i32
    }
    %scan3A_14 = arith.constant 64 : i32
    %mul3A_15 = arith.constant 632 : i32
    %mul3A_16 = arith.muli %arg1, %mul3A_15 : i32
    %add3A_17 = arith.constant 0 : i32
    %add3A_18 = arith.addi %mul3A_16, %add3A_17 : i32
    "tpu.region"() ({
      %run_scoped3A = tpu.sem_alloc : memref<!tpu.dma_semaphore, #tpu.memory_space<semaphore_mem>>
      %dma_start3A_101 = arith.constant 0 : i32
      %dma_start3A_102 = tpu.memref_slice %arg23[%add3A_18, %dma_start3A_101] : memref<10112x128xf32, #tpu.memory_space<vmem_shared>> -> memref<64x128xf32, #tpu.memory_space<vmem_shared>>
      %dma_start3A_103 = arith.constant 0 : i32
      %dma_start3A_104 = tpu.memref_slice %arg23[%add3A_18, %dma_start3A_103] : memref<10112x128xf32, #tpu.memory_space<vmem_shared>> -> memref<64x128xf32, #tpu.memory_space<vmem_shared>>
      tpu.enqueue_dma source(%arg12 : memref<64x128xf32, #tpu.memory_space<vmem>>) target(%dma_start3A_104 : memref<64x128xf32, #tpu.memory_space<vmem_shared>>) target_semaphore(%run_scoped3A : memref<!tpu.dma_semaphore, #tpu.memory_space<semaphore_mem>>)
      %dma_wait3A_105 = arith.constant 0 : i32
      %dma_wait3A_106 = tpu.memref_slice %arg23[%add3A_18, %dma_wait3A_105] : memref<10112x128xf32, #tpu.memory_space<vmem_shared>> -> memref<64x128xf32, #tpu.memory_space<vmem_shared>>
      %dma_wait3A_107 = arith.constant 0 : i32
      %dma_wait3A_108 = tpu.memref_slice %arg23[%add3A_18, %dma_wait3A_107] : memref<10112x128xf32, #tpu.memory_space<vmem_shared>> -> memref<64x128xf32, #tpu.memory_space<vmem_shared>>
      tpu.wait_dma2 semaphore(%run_scoped3A : memref<!tpu.dma_semaphore, #tpu.memory_space<semaphore_mem>>) src(%arg12 : memref<64x128xf32, #tpu.memory_space<vmem>>) dst(%dma_wait3A_108 : memref<64x128xf32, #tpu.memory_space<vmem_shared>>)
      tpu.yield
    }) : () -> ()
    %add3A_19 = arith.constant 0 : i32
    %add3A_20 = arith.addi %mul3A_16, %add3A_19 : i32
    "tpu.region"() ({
      %run_scoped3A = tpu.sem_alloc : memref<!tpu.dma_semaphore, #tpu.memory_space<semaphore_mem>>
      %dma_start3A_101 = arith.constant 0 : i32
      %dma_start3A_102 = tpu.memref_slice %arg24[%add3A_20, %dma_start3A_101] : memref<10112x16xf32, #tpu.memory_space<vmem_shared>> -> memref<64x16xf32, #tpu.memory_space<vmem_shared>>
      %dma_start3A_103 = arith.constant 0 : i32
      %dma_start3A_104 = tpu.memref_slice %arg24[%add3A_20, %dma_start3A_103] : memref<10112x16xf32, #tpu.memory_space<vmem_shared>> -> memref<64x16xf32, #tpu.memory_space<vmem_shared>>
      tpu.enqueue_dma source(%arg15 : memref<64x16xf32, #tpu.memory_space<vmem>>) target(%dma_start3A_104 : memref<64x16xf32, #tpu.memory_space<vmem_shared>>) target_semaphore(%run_scoped3A : memref<!tpu.dma_semaphore, #tpu.memory_space<semaphore_mem>>)
      %dma_wait3A_105 = arith.constant 0 : i32
      %dma_wait3A_106 = tpu.memref_slice %arg24[%add3A_20, %dma_wait3A_105] : memref<10112x16xf32, #tpu.memory_space<vmem_shared>> -> memref<64x16xf32, #tpu.memory_space<vmem_shared>>
      %dma_wait3A_107 = arith.constant 0 : i32
      %dma_wait3A_108 = tpu.memref_slice %arg24[%add3A_20, %dma_wait3A_107] : memref<10112x16xf32, #tpu.memory_space<vmem_shared>> -> memref<64x16xf32, #tpu.memory_space<vmem_shared>>
      tpu.wait_dma2 semaphore(%run_scoped3A : memref<!tpu.dma_semaphore, #tpu.memory_space<semaphore_mem>>) src(%arg15 : memref<64x16xf32, #tpu.memory_space<vmem>>) dst(%dma_wait3A_108 : memref<64x16xf32, #tpu.memory_space<vmem_shared>>)
      tpu.yield
    }) : () -> ()
    %add3A_21 = arith.constant 64 : i32
    %add3A_22 = arith.addi %mul3A_16, %add3A_21 : i32
    "tpu.region"() ({
      %run_scoped3A = tpu.sem_alloc : memref<!tpu.dma_semaphore, #tpu.memory_space<semaphore_mem>>
      %dma_start3A_101 = arith.constant 0 : i32
      %dma_start3A_102 = tpu.memref_slice %arg23[%add3A_22, %dma_start3A_101] : memref<10112x128xf32, #tpu.memory_space<vmem_shared>> -> memref<64x128xf32, #tpu.memory_space<vmem_shared>>
      %dma_start3A_103 = arith.constant 0 : i32
      %dma_start3A_104 = tpu.memref_slice %arg23[%add3A_22, %dma_start3A_103] : memref<10112x128xf32, #tpu.memory_space<vmem_shared>> -> memref<64x128xf32, #tpu.memory_space<vmem_shared>>
      tpu.enqueue_dma source(%arg12 : memref<64x128xf32, #tpu.memory_space<vmem>>) target(%dma_start3A_104 : memref<64x128xf32, #tpu.memory_space<vmem_shared>>) target_semaphore(%run_scoped3A : memref<!tpu.dma_semaphore, #tpu.memory_space<semaphore_mem>>)
      %dma_wait3A_105 = arith.constant 0 : i32
      %dma_wait3A_106 = tpu.memref_slice %arg23[%add3A_22, %dma_wait3A_105] : memref<10112x128xf32, #tpu.memory_space<vmem_shared>> -> memref<64x128xf32, #tpu.memory_space<vmem_shared>>
      %dma_wait3A_107 = arith.constant 0 : i32
      %dma_wait3A_108 = tpu.memref_slice %arg23[%add3A_22, %dma_wait3A_107] : memref<10112x128xf32, #tpu.memory_space<vmem_shared>> -> memref<64x128xf32, #tpu.memory_space<vmem_shared>>
      tpu.wait_dma2 semaphore(%run_scoped3A : memref<!tpu.dma_semaphore, #tpu.memory_space<semaphore_mem>>) src(%arg12 : memref<64x128xf32, #tpu.memory_space<vmem>>) dst(%dma_wait3A_108 : memref<64x128xf32, #tpu.memory_space<vmem_shared>>)
      tpu.yield
    }) : () -> ()
    %add3A_23 = arith.constant 64 : i32
    %add3A_24 = arith.addi %mul3A_16, %add3A_23 : i32
    "tpu.region"() ({
      %run_scoped3A = tpu.sem_alloc : memref<!tpu.dma_semaphore, #tpu.memory_space<semaphore_mem>>
      %dma_start3A_101 = arith.constant 0 : i32
      %dma_start3A_102 = tpu.memref_slice %arg24[%add3A_24, %dma_start3A_101] : memref<10112x16xf32, #tpu.memory_space<vmem_shared>> -> memref<64x16xf32, #tpu.memory_space<vmem_shared>>
      %dma_start3A_103 = arith.constant 0 : i32
      %dma_start3A_104 = tpu.memref_slice %arg24[%add3A_24, %dma_start3A_103] : memref<10112x16xf32, #tpu.memory_space<vmem_shared>> -> memref<64x16xf32, #tpu.memory_space<vmem_shared>>
      tpu.enqueue_dma source(%arg15 : memref<64x16xf32, #tpu.memory_space<vmem>>) target(%dma_start3A_104 : memref<64x16xf32, #tpu.memory_space<vmem_shared>>) target_semaphore(%run_scoped3A : memref<!tpu.dma_semaphore, #tpu.memory_space<semaphore_mem>>)
      %dma_wait3A_105 = arith.constant 0 : i32
      %dma_wait3A_106 = tpu.memref_slice %arg24[%add3A_24, %dma_wait3A_105] : memref<10112x16xf32, #tpu.memory_space<vmem_shared>> -> memref<64x16xf32, #tpu.memory_space<vmem_shared>>
      %dma_wait3A_107 = arith.constant 0 : i32
      %dma_wait3A_108 = tpu.memref_slice %arg24[%add3A_24, %dma_wait3A_107] : memref<10112x16xf32, #tpu.memory_space<vmem_shared>> -> memref<64x16xf32, #tpu.memory_space<vmem_shared>>
      tpu.wait_dma2 semaphore(%run_scoped3A : memref<!tpu.dma_semaphore, #tpu.memory_space<semaphore_mem>>) src(%arg15 : memref<64x16xf32, #tpu.memory_space<vmem>>) dst(%dma_wait3A_108 : memref<64x16xf32, #tpu.memory_space<vmem_shared>>)
      tpu.yield
    }) : () -> ()
    %add3A_25 = arith.constant 128 : i32
    %add3A_26 = arith.addi %mul3A_16, %add3A_25 : i32
    "tpu.region"() ({
      %run_scoped3A = tpu.sem_alloc : memref<!tpu.dma_semaphore, #tpu.memory_space<semaphore_mem>>
      %dma_start3A_101 = arith.constant 0 : i32
      %dma_start3A_102 = tpu.memref_slice %arg23[%add3A_26, %dma_start3A_101] : memref<10112x128xf32, #tpu.memory_space<vmem_shared>> -> memref<64x128xf32, #tpu.memory_space<vmem_shared>>
      %dma_start3A_103 = arith.constant 0 : i32
      %dma_start3A_104 = tpu.memref_slice %arg23[%add3A_26, %dma_start3A_103] : memref<10112x128xf32, #tpu.memory_space<vmem_shared>> -> memref<64x128xf32, #tpu.memory_space<vmem_shared>>
      tpu.enqueue_dma source(%arg12 : memref<64x128xf32, #tpu.memory_space<vmem>>) target(%dma_start3A_104 : memref<64x128xf32, #tpu.memory_space<vmem_shared>>) target_semaphore(%run_scoped3A : memref<!tpu.dma_semaphore, #tpu.memory_space<semaphore_mem>>)
      %dma_wait3A_105 = arith.constant 0 : i32
      %dma_wait3A_106 = tpu.memref_slice %arg23[%add3A_26, %dma_wait3A_105] : memref<10112x128xf32, #tpu.memory_space<vmem_shared>> -> memref<64x128xf32, #tpu.memory_space<vmem_shared>>
      %dma_wait3A_107 = arith.constant 0 : i32
      %dma_wait3A_108 = tpu.memref_slice %arg23[%add3A_26, %dma_wait3A_107] : memref<10112x128xf32, #tpu.memory_space<vmem_shared>> -> memref<64x128xf32, #tpu.memory_space<vmem_shared>>
      tpu.wait_dma2 semaphore(%run_scoped3A : memref<!tpu.dma_semaphore, #tpu.memory_space<semaphore_mem>>) src(%arg12 : memref<64x128xf32, #tpu.memory_space<vmem>>) dst(%dma_wait3A_108 : memref<64x128xf32, #tpu.memory_space<vmem_shared>>)
      tpu.yield
    }) : () -> ()
    %add3A_27 = arith.constant 128 : i32
    %add3A_28 = arith.addi %mul3A_16, %add3A_27 : i32
    "tpu.region"() ({
      %run_scoped3A = tpu.sem_alloc : memref<!tpu.dma_semaphore, #tpu.memory_space<semaphore_mem>>
      %dma_start3A_101 = arith.constant 0 : i32
      %dma_start3A_102 = tpu.memref_slice %arg24[%add3A_28, %dma_start3A_101] : memref<10112x16xf32, #tpu.memory_space<vmem_shared>> -> memref<64x16xf32, #tpu.memory_space<vmem_shared>>
      %dma_start3A_103 = arith.constant 0 : i32
      %dma_start3A_104 = tpu.memref_slice %arg24[%add3A_28, %dma_start3A_103] : memref<10112x16xf32, #tpu.memory_space<vmem_shared>> -> memref<64x16xf32, #tpu.memory_space<vmem_shared>>
      tpu.enqueue_dma source(%arg15 : memref<64x16xf32, #tpu.memory_space<vmem>>) target(%dma_start3A_104 : memref<64x16xf32, #tpu.memory_space<vmem_shared>>) target_semaphore(%run_scoped3A : memref<!tpu.dma_semaphore, #tpu.memory_space<semaphore_mem>>)
      %dma_wait3A_105 = arith.constant 0 : i32
      %dma_wait3A_106 = tpu.memref_slice %arg24[%add3A_28, %dma_wait3A_105] : memref<10112x16xf32, #tpu.memory_space<vmem_shared>> -> memref<64x16xf32, #tpu.memory_space<vmem_shared>>
      %dma_wait3A_107 = arith.constant 0 : i32
      %dma_wait3A_108 = tpu.memref_slice %arg24[%add3A_28, %dma_wait3A_107] : memref<10112x16xf32, #tpu.memory_space<vmem_shared>> -> memref<64x16xf32, #tpu.memory_space<vmem_shared>>
      tpu.wait_dma2 semaphore(%run_scoped3A : memref<!tpu.dma_semaphore, #tpu.memory_space<semaphore_mem>>) src(%arg15 : memref<64x16xf32, #tpu.memory_space<vmem>>) dst(%dma_wait3A_108 : memref<64x16xf32, #tpu.memory_space<vmem_shared>>)
      tpu.yield
    }) : () -> ()
    %add3A_29 = arith.constant 192 : i32
    %add3A_30 = arith.addi %mul3A_16, %add3A_29 : i32
    "tpu.region"() ({
      %run_scoped3A = tpu.sem_alloc : memref<!tpu.dma_semaphore, #tpu.memory_space<semaphore_mem>>
      %dma_start3A_101 = arith.constant 0 : i32
      %dma_start3A_102 = tpu.memref_slice %arg23[%add3A_30, %dma_start3A_101] : memref<10112x128xf32, #tpu.memory_space<vmem_shared>> -> memref<64x128xf32, #tpu.memory_space<vmem_shared>>
      %dma_start3A_103 = arith.constant 0 : i32
      %dma_start3A_104 = tpu.memref_slice %arg23[%add3A_30, %dma_start3A_103] : memref<10112x128xf32, #tpu.memory_space<vmem_shared>> -> memref<64x128xf32, #tpu.memory_space<vmem_shared>>
      tpu.enqueue_dma source(%arg12 : memref<64x128xf32, #tpu.memory_space<vmem>>) target(%dma_start3A_104 : memref<64x128xf32, #tpu.memory_space<vmem_shared>>) target_semaphore(%run_scoped3A : memref<!tpu.dma_semaphore, #tpu.memory_space<semaphore_mem>>)
      %dma_wait3A_105 = arith.constant 0 : i32
      %dma_wait3A_106 = tpu.memref_slice %arg23[%add3A_30, %dma_wait3A_105] : memref<10112x128xf32, #tpu.memory_space<vmem_shared>> -> memref<64x128xf32, #tpu.memory_space<vmem_shared>>
      %dma_wait3A_107 = arith.constant 0 : i32
      %dma_wait3A_108 = tpu.memref_slice %arg23[%add3A_30, %dma_wait3A_107] : memref<10112x128xf32, #tpu.memory_space<vmem_shared>> -> memref<64x128xf32, #tpu.memory_space<vmem_shared>>
      tpu.wait_dma2 semaphore(%run_scoped3A : memref<!tpu.dma_semaphore, #tpu.memory_space<semaphore_mem>>) src(%arg12 : memref<64x128xf32, #tpu.memory_space<vmem>>) dst(%dma_wait3A_108 : memref<64x128xf32, #tpu.memory_space<vmem_shared>>)
      tpu.yield
    }) : () -> ()
    %add3A_31 = arith.constant 192 : i32
    %add3A_32 = arith.addi %mul3A_16, %add3A_31 : i32
    "tpu.region"() ({
      %run_scoped3A = tpu.sem_alloc : memref<!tpu.dma_semaphore, #tpu.memory_space<semaphore_mem>>
      %dma_start3A_101 = arith.constant 0 : i32
      %dma_start3A_102 = tpu.memref_slice %arg24[%add3A_32, %dma_start3A_101] : memref<10112x16xf32, #tpu.memory_space<vmem_shared>> -> memref<64x16xf32, #tpu.memory_space<vmem_shared>>
      %dma_start3A_103 = arith.constant 0 : i32
      %dma_start3A_104 = tpu.memref_slice %arg24[%add3A_32, %dma_start3A_103] : memref<10112x16xf32, #tpu.memory_space<vmem_shared>> -> memref<64x16xf32, #tpu.memory_space<vmem_shared>>
      tpu.enqueue_dma source(%arg15 : memref<64x16xf32, #tpu.memory_space<vmem>>) target(%dma_start3A_104 : memref<64x16xf32, #tpu.memory_space<vmem_shared>>) target_semaphore(%run_scoped3A : memref<!tpu.dma_semaphore, #tpu.memory_space<semaphore_mem>>)
      %dma_wait3A_105 = arith.constant 0 : i32
      %dma_wait3A_106 = tpu.memref_slice %arg24[%add3A_32, %dma_wait3A_105] : memref<10112x16xf32, #tpu.memory_space<vmem_shared>> -> memref<64x16xf32, #tpu.memory_space<vmem_shared>>
      %dma_wait3A_107 = arith.constant 0 : i32
      %dma_wait3A_108 = tpu.memref_slice %arg24[%add3A_32, %dma_wait3A_107] : memref<10112x16xf32, #tpu.memory_space<vmem_shared>> -> memref<64x16xf32, #tpu.memory_space<vmem_shared>>
      tpu.wait_dma2 semaphore(%run_scoped3A : memref<!tpu.dma_semaphore, #tpu.memory_space<semaphore_mem>>) src(%arg15 : memref<64x16xf32, #tpu.memory_space<vmem>>) dst(%dma_wait3A_108 : memref<64x16xf32, #tpu.memory_space<vmem_shared>>)
      tpu.yield
    }) : () -> ()
    %add3A_33 = arith.constant 256 : i32
    %add3A_34 = arith.addi %mul3A_16, %add3A_33 : i32
    "tpu.region"() ({
      %run_scoped3A = tpu.sem_alloc : memref<!tpu.dma_semaphore, #tpu.memory_space<semaphore_mem>>
      %dma_start3A_101 = arith.constant 0 : i32
      %dma_start3A_102 = tpu.memref_slice %arg23[%add3A_34, %dma_start3A_101] : memref<10112x128xf32, #tpu.memory_space<vmem_shared>> -> memref<64x128xf32, #tpu.memory_space<vmem_shared>>
      %dma_start3A_103 = arith.constant 0 : i32
      %dma_start3A_104 = tpu.memref_slice %arg23[%add3A_34, %dma_start3A_103] : memref<10112x128xf32, #tpu.memory_space<vmem_shared>> -> memref<64x128xf32, #tpu.memory_space<vmem_shared>>
      tpu.enqueue_dma source(%arg12 : memref<64x128xf32, #tpu.memory_space<vmem>>) target(%dma_start3A_104 : memref<64x128xf32, #tpu.memory_space<vmem_shared>>) target_semaphore(%run_scoped3A : memref<!tpu.dma_semaphore, #tpu.memory_space<semaphore_mem>>)
      %dma_wait3A_105 = arith.constant 0 : i32
      %dma_wait3A_106 = tpu.memref_slice %arg23[%add3A_34, %dma_wait3A_105] : memref<10112x128xf32, #tpu.memory_space<vmem_shared>> -> memref<64x128xf32, #tpu.memory_space<vmem_shared>>
      %dma_wait3A_107 = arith.constant 0 : i32
      %dma_wait3A_108 = tpu.memref_slice %arg23[%add3A_34, %dma_wait3A_107] : memref<10112x128xf32, #tpu.memory_space<vmem_shared>> -> memref<64x128xf32, #tpu.memory_space<vmem_shared>>
      tpu.wait_dma2 semaphore(%run_scoped3A : memref<!tpu.dma_semaphore, #tpu.memory_space<semaphore_mem>>) src(%arg12 : memref<64x128xf32, #tpu.memory_space<vmem>>) dst(%dma_wait3A_108 : memref<64x128xf32, #tpu.memory_space<vmem_shared>>)
      tpu.yield
    }) : () -> ()
    %add3A_35 = arith.constant 256 : i32
    %add3A_36 = arith.addi %mul3A_16, %add3A_35 : i32
    "tpu.region"() ({
      %run_scoped3A = tpu.sem_alloc : memref<!tpu.dma_semaphore, #tpu.memory_space<semaphore_mem>>
      %dma_start3A_101 = arith.constant 0 : i32
      %dma_start3A_102 = tpu.memref_slice %arg24[%add3A_36, %dma_start3A_101] : memref<10112x16xf32, #tpu.memory_space<vmem_shared>> -> memref<64x16xf32, #tpu.memory_space<vmem_shared>>
      %dma_start3A_103 = arith.constant 0 : i32
      %dma_start3A_104 = tpu.memref_slice %arg24[%add3A_36, %dma_start3A_103] : memref<10112x16xf32, #tpu.memory_space<vmem_shared>> -> memref<64x16xf32, #tpu.memory_space<vmem_shared>>
      tpu.enqueue_dma source(%arg15 : memref<64x16xf32, #tpu.memory_space<vmem>>) target(%dma_start3A_104 : memref<64x16xf32, #tpu.memory_space<vmem_shared>>) target_semaphore(%run_scoped3A : memref<!tpu.dma_semaphore, #tpu.memory_space<semaphore_mem>>)
      %dma_wait3A_105 = arith.constant 0 : i32
      %dma_wait3A_106 = tpu.memref_slice %arg24[%add3A_36, %dma_wait3A_105] : memref<10112x16xf32, #tpu.memory_space<vmem_shared>> -> memref<64x16xf32, #tpu.memory_space<vmem_shared>>
      %dma_wait3A_107 = arith.constant 0 : i32
      %dma_wait3A_108 = tpu.memref_slice %arg24[%add3A_36, %dma_wait3A_107] : memref<10112x16xf32, #tpu.memory_space<vmem_shared>> -> memref<64x16xf32, #tpu.memory_space<vmem_shared>>
      tpu.wait_dma2 semaphore(%run_scoped3A : memref<!tpu.dma_semaphore, #tpu.memory_space<semaphore_mem>>) src(%arg15 : memref<64x16xf32, #tpu.memory_space<vmem>>) dst(%dma_wait3A_108 : memref<64x16xf32, #tpu.memory_space<vmem_shared>>)
      tpu.yield
    }) : () -> ()
    %add3A_37 = arith.constant 320 : i32
    %add3A_38 = arith.addi %mul3A_16, %add3A_37 : i32
    "tpu.region"() ({
      %run_scoped3A = tpu.sem_alloc : memref<!tpu.dma_semaphore, #tpu.memory_space<semaphore_mem>>
      %dma_start3A_101 = arith.constant 0 : i32
      %dma_start3A_102 = tpu.memref_slice %arg23[%add3A_38, %dma_start3A_101] : memref<10112x128xf32, #tpu.memory_space<vmem_shared>> -> memref<64x128xf32, #tpu.memory_space<vmem_shared>>
      %dma_start3A_103 = arith.constant 0 : i32
      %dma_start3A_104 = tpu.memref_slice %arg23[%add3A_38, %dma_start3A_103] : memref<10112x128xf32, #tpu.memory_space<vmem_shared>> -> memref<64x128xf32, #tpu.memory_space<vmem_shared>>
      tpu.enqueue_dma source(%arg12 : memref<64x128xf32, #tpu.memory_space<vmem>>) target(%dma_start3A_104 : memref<64x128xf32, #tpu.memory_space<vmem_shared>>) target_semaphore(%run_scoped3A : memref<!tpu.dma_semaphore, #tpu.memory_space<semaphore_mem>>)
      %dma_wait3A_105 = arith.constant 0 : i32
      %dma_wait3A_106 = tpu.memref_slice %arg23[%add3A_38, %dma_wait3A_105] : memref<10112x128xf32, #tpu.memory_space<vmem_shared>> -> memref<64x128xf32, #tpu.memory_space<vmem_shared>>
      %dma_wait3A_107 = arith.constant 0 : i32
      %dma_wait3A_108 = tpu.memref_slice %arg23[%add3A_38, %dma_wait3A_107] : memref<10112x128xf32, #tpu.memory_space<vmem_shared>> -> memref<64x128xf32, #tpu.memory_space<vmem_shared>>
      tpu.wait_dma2 semaphore(%run_scoped3A : memref<!tpu.dma_semaphore, #tpu.memory_space<semaphore_mem>>) src(%arg12 : memref<64x128xf32, #tpu.memory_space<vmem>>) dst(%dma_wait3A_108 : memref<64x128xf32, #tpu.memory_space<vmem_shared>>)
      tpu.yield
    }) : () -> ()
    %add3A_39 = arith.constant 320 : i32
    %add3A_40 = arith.addi %mul3A_16, %add3A_39 : i32
    "tpu.region"() ({
      %run_scoped3A = tpu.sem_alloc : memref<!tpu.dma_semaphore, #tpu.memory_space<semaphore_mem>>
      %dma_start3A_101 = arith.constant 0 : i32
      %dma_start3A_102 = tpu.memref_slice %arg24[%add3A_40, %dma_start3A_101] : memref<10112x16xf32, #tpu.memory_space<vmem_shared>> -> memref<64x16xf32, #tpu.memory_space<vmem_shared>>
      %dma_start3A_103 = arith.constant 0 : i32
      %dma_start3A_104 = tpu.memref_slice %arg24[%add3A_40, %dma_start3A_103] : memref<10112x16xf32, #tpu.memory_space<vmem_shared>> -> memref<64x16xf32, #tpu.memory_space<vmem_shared>>
      tpu.enqueue_dma source(%arg15 : memref<64x16xf32, #tpu.memory_space<vmem>>) target(%dma_start3A_104 : memref<64x16xf32, #tpu.memory_space<vmem_shared>>) target_semaphore(%run_scoped3A : memref<!tpu.dma_semaphore, #tpu.memory_space<semaphore_mem>>)
      %dma_wait3A_105 = arith.constant 0 : i32
      %dma_wait3A_106 = tpu.memref_slice %arg24[%add3A_40, %dma_wait3A_105] : memref<10112x16xf32, #tpu.memory_space<vmem_shared>> -> memref<64x16xf32, #tpu.memory_space<vmem_shared>>
      %dma_wait3A_107 = arith.constant 0 : i32
      %dma_wait3A_108 = tpu.memref_slice %arg24[%add3A_40, %dma_wait3A_107] : memref<10112x16xf32, #tpu.memory_space<vmem_shared>> -> memref<64x16xf32, #tpu.memory_space<vmem_shared>>
      tpu.wait_dma2 semaphore(%run_scoped3A : memref<!tpu.dma_semaphore, #tpu.memory_space<semaphore_mem>>) src(%arg15 : memref<64x16xf32, #tpu.memory_space<vmem>>) dst(%dma_wait3A_108 : memref<64x16xf32, #tpu.memory_space<vmem_shared>>)
      tpu.yield
    }) : () -> ()
    %add3A_41 = arith.constant 384 : i32
    %add3A_42 = arith.addi %mul3A_16, %add3A_41 : i32
    "tpu.region"() ({
      %run_scoped3A = tpu.sem_alloc : memref<!tpu.dma_semaphore, #tpu.memory_space<semaphore_mem>>
      %dma_start3A_101 = arith.constant 0 : i32
      %dma_start3A_102 = tpu.memref_slice %arg23[%add3A_42, %dma_start3A_101] : memref<10112x128xf32, #tpu.memory_space<vmem_shared>> -> memref<64x128xf32, #tpu.memory_space<vmem_shared>>
      %dma_start3A_103 = arith.constant 0 : i32
      %dma_start3A_104 = tpu.memref_slice %arg23[%add3A_42, %dma_start3A_103] : memref<10112x128xf32, #tpu.memory_space<vmem_shared>> -> memref<64x128xf32, #tpu.memory_space<vmem_shared>>
      tpu.enqueue_dma source(%arg12 : memref<64x128xf32, #tpu.memory_space<vmem>>) target(%dma_start3A_104 : memref<64x128xf32, #tpu.memory_space<vmem_shared>>) target_semaphore(%run_scoped3A : memref<!tpu.dma_semaphore, #tpu.memory_space<semaphore_mem>>)
      %dma_wait3A_105 = arith.constant 0 : i32
      %dma_wait3A_106 = tpu.memref_slice %arg23[%add3A_42, %dma_wait3A_105] : memref<10112x128xf32, #tpu.memory_space<vmem_shared>> -> memref<64x128xf32, #tpu.memory_space<vmem_shared>>
      %dma_wait3A_107 = arith.constant 0 : i32
      %dma_wait3A_108 = tpu.memref_slice %arg23[%add3A_42, %dma_wait3A_107] : memref<10112x128xf32, #tpu.memory_space<vmem_shared>> -> memref<64x128xf32, #tpu.memory_space<vmem_shared>>
      tpu.wait_dma2 semaphore(%run_scoped3A : memref<!tpu.dma_semaphore, #tpu.memory_space<semaphore_mem>>) src(%arg12 : memref<64x128xf32, #tpu.memory_space<vmem>>) dst(%dma_wait3A_108 : memref<64x128xf32, #tpu.memory_space<vmem_shared>>)
      tpu.yield
    }) : () -> ()
    %add3A_43 = arith.constant 384 : i32
    %add3A_44 = arith.addi %mul3A_16, %add3A_43 : i32
    "tpu.region"() ({
      %run_scoped3A = tpu.sem_alloc : memref<!tpu.dma_semaphore, #tpu.memory_space<semaphore_mem>>
      %dma_start3A_101 = arith.constant 0 : i32
      %dma_start3A_102 = tpu.memref_slice %arg24[%add3A_44, %dma_start3A_101] : memref<10112x16xf32, #tpu.memory_space<vmem_shared>> -> memref<64x16xf32, #tpu.memory_space<vmem_shared>>
      %dma_start3A_103 = arith.constant 0 : i32
      %dma_start3A_104 = tpu.memref_slice %arg24[%add3A_44, %dma_start3A_103] : memref<10112x16xf32, #tpu.memory_space<vmem_shared>> -> memref<64x16xf32, #tpu.memory_space<vmem_shared>>
      tpu.enqueue_dma source(%arg15 : memref<64x16xf32, #tpu.memory_space<vmem>>) target(%dma_start3A_104 : memref<64x16xf32, #tpu.memory_space<vmem_shared>>) target_semaphore(%run_scoped3A : memref<!tpu.dma_semaphore, #tpu.memory_space<semaphore_mem>>)
      %dma_wait3A_105 = arith.constant 0 : i32
      %dma_wait3A_106 = tpu.memref_slice %arg24[%add3A_44, %dma_wait3A_105] : memref<10112x16xf32, #tpu.memory_space<vmem_shared>> -> memref<64x16xf32, #tpu.memory_space<vmem_shared>>
      %dma_wait3A_107 = arith.constant 0 : i32
      %dma_wait3A_108 = tpu.memref_slice %arg24[%add3A_44, %dma_wait3A_107] : memref<10112x16xf32, #tpu.memory_space<vmem_shared>> -> memref<64x16xf32, #tpu.memory_space<vmem_shared>>
      tpu.wait_dma2 semaphore(%run_scoped3A : memref<!tpu.dma_semaphore, #tpu.memory_space<semaphore_mem>>) src(%arg15 : memref<64x16xf32, #tpu.memory_space<vmem>>) dst(%dma_wait3A_108 : memref<64x16xf32, #tpu.memory_space<vmem_shared>>)
      tpu.yield
    }) : () -> ()
    %add3A_45 = arith.constant 448 : i32
    %add3A_46 = arith.addi %mul3A_16, %add3A_45 : i32
    "tpu.region"() ({
      %run_scoped3A = tpu.sem_alloc : memref<!tpu.dma_semaphore, #tpu.memory_space<semaphore_mem>>
      %dma_start3A_101 = arith.constant 0 : i32
      %dma_start3A_102 = tpu.memref_slice %arg23[%add3A_46, %dma_start3A_101] : memref<10112x128xf32, #tpu.memory_space<vmem_shared>> -> memref<64x128xf32, #tpu.memory_space<vmem_shared>>
      %dma_start3A_103 = arith.constant 0 : i32
      %dma_start3A_104 = tpu.memref_slice %arg23[%add3A_46, %dma_start3A_103] : memref<10112x128xf32, #tpu.memory_space<vmem_shared>> -> memref<64x128xf32, #tpu.memory_space<vmem_shared>>
      tpu.enqueue_dma source(%arg12 : memref<64x128xf32, #tpu.memory_space<vmem>>) target(%dma_start3A_104 : memref<64x128xf32, #tpu.memory_space<vmem_shared>>) target_semaphore(%run_scoped3A : memref<!tpu.dma_semaphore, #tpu.memory_space<semaphore_mem>>)
      %dma_wait3A_105 = arith.constant 0 : i32
      %dma_wait3A_106 = tpu.memref_slice %arg23[%add3A_46, %dma_wait3A_105] : memref<10112x128xf32, #tpu.memory_space<vmem_shared>> -> memref<64x128xf32, #tpu.memory_space<vmem_shared>>
      %dma_wait3A_107 = arith.constant 0 : i32
      %dma_wait3A_108 = tpu.memref_slice %arg23[%add3A_46, %dma_wait3A_107] : memref<10112x128xf32, #tpu.memory_space<vmem_shared>> -> memref<64x128xf32, #tpu.memory_space<vmem_shared>>
      tpu.wait_dma2 semaphore(%run_scoped3A : memref<!tpu.dma_semaphore, #tpu.memory_space<semaphore_mem>>) src(%arg12 : memref<64x128xf32, #tpu.memory_space<vmem>>) dst(%dma_wait3A_108 : memref<64x128xf32, #tpu.memory_space<vmem_shared>>)
      tpu.yield
    }) : () -> ()
    %add3A_47 = arith.constant 448 : i32
    %add3A_48 = arith.addi %mul3A_16, %add3A_47 : i32
    "tpu.region"() ({
      %run_scoped3A = tpu.sem_alloc : memref<!tpu.dma_semaphore, #tpu.memory_space<semaphore_mem>>
      %dma_start3A_101 = arith.constant 0 : i32
      %dma_start3A_102 = tpu.memref_slice %arg24[%add3A_48, %dma_start3A_101] : memref<10112x16xf32, #tpu.memory_space<vmem_shared>> -> memref<64x16xf32, #tpu.memory_space<vmem_shared>>
      %dma_start3A_103 = arith.constant 0 : i32
      %dma_start3A_104 = tpu.memref_slice %arg24[%add3A_48, %dma_start3A_103] : memref<10112x16xf32, #tpu.memory_space<vmem_shared>> -> memref<64x16xf32, #tpu.memory_space<vmem_shared>>
      tpu.enqueue_dma source(%arg15 : memref<64x16xf32, #tpu.memory_space<vmem>>) target(%dma_start3A_104 : memref<64x16xf32, #tpu.memory_space<vmem_shared>>) target_semaphore(%run_scoped3A : memref<!tpu.dma_semaphore, #tpu.memory_space<semaphore_mem>>)
      %dma_wait3A_105 = arith.constant 0 : i32
      %dma_wait3A_106 = tpu.memref_slice %arg24[%add3A_48, %dma_wait3A_105] : memref<10112x16xf32, #tpu.memory_space<vmem_shared>> -> memref<64x16xf32, #tpu.memory_space<vmem_shared>>
      %dma_wait3A_107 = arith.constant 0 : i32
      %dma_wait3A_108 = tpu.memref_slice %arg24[%add3A_48, %dma_wait3A_107] : memref<10112x16xf32, #tpu.memory_space<vmem_shared>> -> memref<64x16xf32, #tpu.memory_space<vmem_shared>>
      tpu.wait_dma2 semaphore(%run_scoped3A : memref<!tpu.dma_semaphore, #tpu.memory_space<semaphore_mem>>) src(%arg15 : memref<64x16xf32, #tpu.memory_space<vmem>>) dst(%dma_wait3A_108 : memref<64x16xf32, #tpu.memory_space<vmem_shared>>)
      tpu.yield
    }) : () -> ()
    %add3A_49 = arith.constant 512 : i32
    %add3A_50 = arith.addi %mul3A_16, %add3A_49 : i32
    "tpu.region"() ({
      %run_scoped3A = tpu.sem_alloc : memref<!tpu.dma_semaphore, #tpu.memory_space<semaphore_mem>>
      %dma_start3A_101 = arith.constant 0 : i32
      %dma_start3A_102 = tpu.memref_slice %arg23[%add3A_50, %dma_start3A_101] : memref<10112x128xf32, #tpu.memory_space<vmem_shared>> -> memref<64x128xf32, #tpu.memory_space<vmem_shared>>
      %dma_start3A_103 = arith.constant 0 : i32
      %dma_start3A_104 = tpu.memref_slice %arg23[%add3A_50, %dma_start3A_103] : memref<10112x128xf32, #tpu.memory_space<vmem_shared>> -> memref<64x128xf32, #tpu.memory_space<vmem_shared>>
      tpu.enqueue_dma source(%arg12 : memref<64x128xf32, #tpu.memory_space<vmem>>) target(%dma_start3A_104 : memref<64x128xf32, #tpu.memory_space<vmem_shared>>) target_semaphore(%run_scoped3A : memref<!tpu.dma_semaphore, #tpu.memory_space<semaphore_mem>>)
      %dma_wait3A_105 = arith.constant 0 : i32
      %dma_wait3A_106 = tpu.memref_slice %arg23[%add3A_50, %dma_wait3A_105] : memref<10112x128xf32, #tpu.memory_space<vmem_shared>> -> memref<64x128xf32, #tpu.memory_space<vmem_shared>>
      %dma_wait3A_107 = arith.constant 0 : i32
      %dma_wait3A_108 = tpu.memref_slice %arg23[%add3A_50, %dma_wait3A_107] : memref<10112x128xf32, #tpu.memory_space<vmem_shared>> -> memref<64x128xf32, #tpu.memory_space<vmem_shared>>
      tpu.wait_dma2 semaphore(%run_scoped3A : memref<!tpu.dma_semaphore, #tpu.memory_space<semaphore_mem>>) src(%arg12 : memref<64x128xf32, #tpu.memory_space<vmem>>) dst(%dma_wait3A_108 : memref<64x128xf32, #tpu.memory_space<vmem_shared>>)
      tpu.yield
    }) : () -> ()
    %add3A_51 = arith.constant 512 : i32
    %add3A_52 = arith.addi %mul3A_16, %add3A_51 : i32
    "tpu.region"() ({
      %run_scoped3A = tpu.sem_alloc : memref<!tpu.dma_semaphore, #tpu.memory_space<semaphore_mem>>
      %dma_start3A_101 = arith.constant 0 : i32
      %dma_start3A_102 = tpu.memref_slice %arg24[%add3A_52, %dma_start3A_101] : memref<10112x16xf32, #tpu.memory_space<vmem_shared>> -> memref<64x16xf32, #tpu.memory_space<vmem_shared>>
      %dma_start3A_103 = arith.constant 0 : i32
      %dma_start3A_104 = tpu.memref_slice %arg24[%add3A_52, %dma_start3A_103] : memref<10112x16xf32, #tpu.memory_space<vmem_shared>> -> memref<64x16xf32, #tpu.memory_space<vmem_shared>>
      tpu.enqueue_dma source(%arg15 : memref<64x16xf32, #tpu.memory_space<vmem>>) target(%dma_start3A_104 : memref<64x16xf32, #tpu.memory_space<vmem_shared>>) target_semaphore(%run_scoped3A : memref<!tpu.dma_semaphore, #tpu.memory_space<semaphore_mem>>)
      %dma_wait3A_105 = arith.constant 0 : i32
      %dma_wait3A_106 = tpu.memref_slice %arg24[%add3A_52, %dma_wait3A_105] : memref<10112x16xf32, #tpu.memory_space<vmem_shared>> -> memref<64x16xf32, #tpu.memory_space<vmem_shared>>
      %dma_wait3A_107 = arith.constant 0 : i32
      %dma_wait3A_108 = tpu.memref_slice %arg24[%add3A_52, %dma_wait3A_107] : memref<10112x16xf32, #tpu.memory_space<vmem_shared>> -> memref<64x16xf32, #tpu.memory_space<vmem_shared>>
      tpu.wait_dma2 semaphore(%run_scoped3A : memref<!tpu.dma_semaphore, #tpu.memory_space<semaphore_mem>>) src(%arg15 : memref<64x16xf32, #tpu.memory_space<vmem>>) dst(%dma_wait3A_108 : memref<64x16xf32, #tpu.memory_space<vmem_shared>>)
      tpu.yield
    }) : () -> ()
    %add3A_53 = arith.constant 576 : i32
    %add3A_54 = arith.addi %mul3A_16, %add3A_53 : i32
    "tpu.region"() ({
      %run_scoped3A = tpu.sem_alloc : memref<!tpu.dma_semaphore, #tpu.memory_space<semaphore_mem>>
      %dma_start3A_101 = arith.constant 0 : i32
      %dma_start3A_102 = arith.constant 0 : i32
      %dma_start3A_103 = tpu.memref_slice %arg12[%dma_start3A_101, %dma_start3A_102] : memref<64x128xf32, #tpu.memory_space<vmem>> -> memref<56x128xf32, #tpu.memory_space<vmem>>
      %dma_start3A_104 = arith.constant 0 : i32
      %dma_start3A_105 = tpu.memref_slice %arg23[%add3A_54, %dma_start3A_104] : memref<10112x128xf32, #tpu.memory_space<vmem_shared>> -> memref<56x128xf32, #tpu.memory_space<vmem_shared>>
      %dma_start3A_106 = arith.constant 0 : i32
      %dma_start3A_107 = tpu.memref_slice %arg23[%add3A_54, %dma_start3A_106] : memref<10112x128xf32, #tpu.memory_space<vmem_shared>> -> memref<56x128xf32, #tpu.memory_space<vmem_shared>>
      %dma_start3A_108 = arith.constant 0 : i32
      %dma_start3A_109 = arith.constant 0 : i32
      %dma_start3A_110 = tpu.memref_slice %arg12[%dma_start3A_108, %dma_start3A_109] : memref<64x128xf32, #tpu.memory_space<vmem>> -> memref<56x128xf32, #tpu.memory_space<vmem>>
      tpu.enqueue_dma source(%dma_start3A_110 : memref<56x128xf32, #tpu.memory_space<vmem>>) target(%dma_start3A_107 : memref<56x128xf32, #tpu.memory_space<vmem_shared>>) target_semaphore(%run_scoped3A : memref<!tpu.dma_semaphore, #tpu.memory_space<semaphore_mem>>)
      %dma_wait3A_111 = arith.constant 0 : i32
      %dma_wait3A_112 = arith.constant 0 : i32
      %dma_wait3A_113 = tpu.memref_slice %arg12[%dma_wait3A_111, %dma_wait3A_112] : memref<64x128xf32, #tpu.memory_space<vmem>> -> memref<56x128xf32, #tpu.memory_space<vmem>>
      %dma_wait3A_114 = arith.constant 0 : i32
      %dma_wait3A_115 = tpu.memref_slice %arg23[%add3A_54, %dma_wait3A_114] : memref<10112x128xf32, #tpu.memory_space<vmem_shared>> -> memref<56x128xf32, #tpu.memory_space<vmem_shared>>
      %dma_wait3A_116 = arith.constant 0 : i32
      %dma_wait3A_117 = tpu.memref_slice %arg23[%add3A_54, %dma_wait3A_116] : memref<10112x128xf32, #tpu.memory_space<vmem_shared>> -> memref<56x128xf32, #tpu.memory_space<vmem_shared>>
      %dma_wait3A_118 = arith.constant 0 : i32
      %dma_wait3A_119 = arith.constant 0 : i32
      %dma_wait3A_120 = tpu.memref_slice %arg12[%dma_wait3A_118, %dma_wait3A_119] : memref<64x128xf32, #tpu.memory_space<vmem>> -> memref<56x128xf32, #tpu.memory_space<vmem>>
      tpu.wait_dma2 semaphore(%run_scoped3A : memref<!tpu.dma_semaphore, #tpu.memory_space<semaphore_mem>>) src(%dma_wait3A_120 : memref<56x128xf32, #tpu.memory_space<vmem>>) dst(%dma_wait3A_117 : memref<56x128xf32, #tpu.memory_space<vmem_shared>>)
      tpu.yield
    }) : () -> ()
    %add3A_55 = arith.constant 576 : i32
    %add3A_56 = arith.addi %mul3A_16, %add3A_55 : i32
    "tpu.region"() ({
      %run_scoped3A = tpu.sem_alloc : memref<!tpu.dma_semaphore, #tpu.memory_space<semaphore_mem>>
      %dma_start3A_101 = arith.constant 0 : i32
      %dma_start3A_102 = arith.constant 0 : i32
      %dma_start3A_103 = tpu.memref_slice %arg15[%dma_start3A_101, %dma_start3A_102] : memref<64x16xf32, #tpu.memory_space<vmem>> -> memref<56x16xf32, #tpu.memory_space<vmem>>
      %dma_start3A_104 = arith.constant 0 : i32
      %dma_start3A_105 = tpu.memref_slice %arg24[%add3A_56, %dma_start3A_104] : memref<10112x16xf32, #tpu.memory_space<vmem_shared>> -> memref<56x16xf32, #tpu.memory_space<vmem_shared>>
      %dma_start3A_106 = arith.constant 0 : i32
      %dma_start3A_107 = tpu.memref_slice %arg24[%add3A_56, %dma_start3A_106] : memref<10112x16xf32, #tpu.memory_space<vmem_shared>> -> memref<56x16xf32, #tpu.memory_space<vmem_shared>>
      %dma_start3A_108 = arith.constant 0 : i32
      %dma_start3A_109 = arith.constant 0 : i32
      %dma_start3A_110 = tpu.memref_slice %arg15[%dma_start3A_108, %dma_start3A_109] : memref<64x16xf32, #tpu.memory_space<vmem>> -> memref<56x16xf32, #tpu.memory_space<vmem>>
      tpu.enqueue_dma source(%dma_start3A_110 : memref<56x16xf32, #tpu.memory_space<vmem>>) target(%dma_start3A_107 : memref<56x16xf32, #tpu.memory_space<vmem_shared>>) target_semaphore(%run_scoped3A : memref<!tpu.dma_semaphore, #tpu.memory_space<semaphore_mem>>)
      %dma_wait3A_111 = arith.constant 0 : i32
      %dma_wait3A_112 = arith.constant 0 : i32
      %dma_wait3A_113 = tpu.memref_slice %arg15[%dma_wait3A_111, %dma_wait3A_112] : memref<64x16xf32, #tpu.memory_space<vmem>> -> memref<56x16xf32, #tpu.memory_space<vmem>>
      %dma_wait3A_114 = arith.constant 0 : i32
      %dma_wait3A_115 = tpu.memref_slice %arg24[%add3A_56, %dma_wait3A_114] : memref<10112x16xf32, #tpu.memory_space<vmem_shared>> -> memref<56x16xf32, #tpu.memory_space<vmem_shared>>
      %dma_wait3A_116 = arith.constant 0 : i32
      %dma_wait3A_117 = tpu.memref_slice %arg24[%add3A_56, %dma_wait3A_116] : memref<10112x16xf32, #tpu.memory_space<vmem_shared>> -> memref<56x16xf32, #tpu.memory_space<vmem_shared>>
      %dma_wait3A_118 = arith.constant 0 : i32
      %dma_wait3A_119 = arith.constant 0 : i32
      %dma_wait3A_120 = tpu.memref_slice %arg15[%dma_wait3A_118, %dma_wait3A_119] : memref<64x16xf32, #tpu.memory_space<vmem>> -> memref<56x16xf32, #tpu.memory_space<vmem>>
      tpu.wait_dma2 semaphore(%run_scoped3A : memref<!tpu.dma_semaphore, #tpu.memory_space<semaphore_mem>>) src(%dma_wait3A_120 : memref<56x16xf32, #tpu.memory_space<vmem>>) dst(%dma_wait3A_117 : memref<56x16xf32, #tpu.memory_space<vmem_shared>>)
      tpu.yield
    }) : () -> ()
    %add3A_57 = arith.constant 0 : i32
    %add3A_58 = arith.addi %select_n3A, %add3A_57 : i32
    "tpu.region"() ({
      %run_scoped3A = tpu.sem_alloc : memref<!tpu.dma_semaphore, #tpu.memory_space<semaphore_mem>>
      %dma_start3A_101 = tpu.memref_slice %arg2[%add3A_58] : memref<335872xi32, #tpu.memory_space<hbm>> -> memref<64xi32, #tpu.memory_space<hbm>>
      %dma_start3A_102 = tpu.memref_slice %arg2[%add3A_58] : memref<335872xi32, #tpu.memory_space<hbm>> -> memref<64xi32, #tpu.memory_space<hbm>>
      tpu.enqueue_dma source(%dma_start3A_102 : memref<64xi32, #tpu.memory_space<hbm>>) target(%arg9 : memref<64xi32, #tpu.memory_space<vmem>>) target_semaphore(%run_scoped3A : memref<!tpu.dma_semaphore, #tpu.memory_space<semaphore_mem>>)
      %dma_wait3A_103 = tpu.memref_slice %arg2[%add3A_58] : memref<335872xi32, #tpu.memory_space<hbm>> -> memref<64xi32, #tpu.memory_space<hbm>>
      %dma_wait3A_104 = tpu.memref_slice %arg2[%add3A_58] : memref<335872xi32, #tpu.memory_space<hbm>> -> memref<64xi32, #tpu.memory_space<hbm>>
      tpu.wait_dma2 semaphore(%run_scoped3A : memref<!tpu.dma_semaphore, #tpu.memory_space<semaphore_mem>>) src(%dma_wait3A_104 : memref<64xi32, #tpu.memory_space<hbm>>) dst(%arg9 : memref<64xi32, #tpu.memory_space<vmem>>)
      tpu.yield
    }) : () -> ()
    "tpu.region"() ({
      %run_scoped3A = tpu.sem_alloc : memref<!tpu.dma_semaphore, #tpu.memory_space<semaphore_mem>>
      %dma_start3A_101 = tpu.memref_slice %arg3[%add3A_58] : memref<335872xi32, #tpu.memory_space<hbm>> -> memref<64xi32, #tpu.memory_space<hbm>>
      %dma_start3A_102 = tpu.memref_slice %arg3[%add3A_58] : memref<335872xi32, #tpu.memory_space<hbm>> -> memref<64xi32, #tpu.memory_space<hbm>>
      tpu.enqueue_dma source(%dma_start3A_102 : memref<64xi32, #tpu.memory_space<hbm>>) target(%arg10 : memref<64xi32, #tpu.memory_space<vmem>>) target_semaphore(%run_scoped3A : memref<!tpu.dma_semaphore, #tpu.memory_space<semaphore_mem>>)
      %dma_wait3A_103 = tpu.memref_slice %arg3[%add3A_58] : memref<335872xi32, #tpu.memory_space<hbm>> -> memref<64xi32, #tpu.memory_space<hbm>>
      %dma_wait3A_104 = tpu.memref_slice %arg3[%add3A_58] : memref<335872xi32, #tpu.memory_space<hbm>> -> memref<64xi32, #tpu.memory_space<hbm>>
      tpu.wait_dma2 semaphore(%run_scoped3A : memref<!tpu.dma_semaphore, #tpu.memory_space<semaphore_mem>>) src(%dma_wait3A_104 : memref<64xi32, #tpu.memory_space<hbm>>) dst(%arg10 : memref<64xi32, #tpu.memory_space<vmem>>)
      tpu.yield
    }) : () -> ()
    %dma_start3A = arith.constant 0 : i32
    %dma_start3A_59 = arith.constant 0 : i32
    %dma_start3A_60 = tpu.memref_slice %arg4[%dma_start3A, %dma_start3A_59] : memref<10112x64xi32, #tpu.memory_space<hbm>> -> memref<10112x64xi32, #tpu.memory_space<hbm>>
    tpu.enqueue_indirect_dma source(%dma_start3A_60 : memref<10112x64xi32, #tpu.memory_space<hbm>>) target(%arg11 : memref<64x64xi32, #tpu.memory_space<vmem>>) offsets(%arg9 : memref<64xi32, #tpu.memory_space<vmem>>) semaphore(%arg25 : memref<!tpu.dma_semaphore, #tpu.memory_space<semaphore_mem>>)
    %dma_start3A_61 = arith.constant 0 : i32
    %dma_start3A_62 = arith.constant 0 : i32
    %dma_start3A_63 = tpu.memref_slice %arg5[%dma_start3A_61, %dma_start3A_62] : memref<10112x16xf32, #tpu.memory_space<hbm>> -> memref<10112x16xf32, #tpu.memory_space<hbm>>
    tpu.enqueue_indirect_dma source(%dma_start3A_63 : memref<10112x16xf32, #tpu.memory_space<hbm>>) target(%arg13 : memref<64x16xf32, #tpu.memory_space<vmem>>) offsets(%arg9 : memref<64xi32, #tpu.memory_space<vmem>>) semaphore(%arg25 : memref<!tpu.dma_semaphore, #tpu.memory_space<semaphore_mem>>)
    %dma_start3A_64 = arith.constant 0 : i32
    %dma_start3A_65 = arith.constant 0 : i32
    %dma_start3A_66 = tpu.memref_slice %arg6[%dma_start3A_64, %dma_start3A_65] : memref<10112x16xf32, #tpu.memory_space<hbm>> -> memref<10112x16xf32, #tpu.memory_space<hbm>>
    tpu.enqueue_indirect_dma source(%dma_start3A_66 : memref<10112x16xf32, #tpu.memory_space<hbm>>) target(%arg14 : memref<64x16xf32, #tpu.memory_space<vmem>>) offsets(%arg10 : memref<64xi32, #tpu.memory_space<vmem>>) semaphore(%arg25 : memref<!tpu.dma_semaphore, #tpu.memory_space<semaphore_mem>>)
    %add3A_67 = arith.constant 64 : i32
    %add3A_68 = arith.addi %select_n3A, %add3A_67 : i32
    "tpu.region"() ({
      %run_scoped3A = tpu.sem_alloc : memref<!tpu.dma_semaphore, #tpu.memory_space<semaphore_mem>>
      %dma_start3A_101 = tpu.memref_slice %arg2[%add3A_68] : memref<335872xi32, #tpu.memory_space<hbm>> -> memref<64xi32, #tpu.memory_space<hbm>>
      %dma_start3A_102 = tpu.memref_slice %arg2[%add3A_68] : memref<335872xi32, #tpu.memory_space<hbm>> -> memref<64xi32, #tpu.memory_space<hbm>>
      tpu.enqueue_dma source(%dma_start3A_102 : memref<64xi32, #tpu.memory_space<hbm>>) target(%arg16 : memref<64xi32, #tpu.memory_space<vmem>>) target_semaphore(%run_scoped3A : memref<!tpu.dma_semaphore, #tpu.memory_space<semaphore_mem>>)
      %dma_wait3A_103 = tpu.memref_slice %arg2[%add3A_68] : memref<335872xi32, #tpu.memory_space<hbm>> -> memref<64xi32, #tpu.memory_space<hbm>>
      %dma_wait3A_104 = tpu.memref_slice %arg2[%add3A_68] : memref<335872xi32, #tpu.memory_space<hbm>> -> memref<64xi32, #tpu.memory_space<hbm>>
      tpu.wait_dma2 semaphore(%run_scoped3A : memref<!tpu.dma_semaphore, #tpu.memory_space<semaphore_mem>>) src(%dma_wait3A_104 : memref<64xi32, #tpu.memory_space<hbm>>) dst(%arg16 : memref<64xi32, #tpu.memory_space<vmem>>)
      tpu.yield
    }) : () -> ()
    "tpu.region"() ({
      %run_scoped3A = tpu.sem_alloc : memref<!tpu.dma_semaphore, #tpu.memory_space<semaphore_mem>>
      %dma_start3A_101 = tpu.memref_slice %arg3[%add3A_68] : memref<335872xi32, #tpu.memory_space<hbm>> -> memref<64xi32, #tpu.memory_space<hbm>>
      %dma_start3A_102 = tpu.memref_slice %arg3[%add3A_68] : memref<335872xi32, #tpu.memory_space<hbm>> -> memref<64xi32, #tpu.memory_space<hbm>>
      tpu.enqueue_dma source(%dma_start3A_102 : memref<64xi32, #tpu.memory_space<hbm>>) target(%arg17 : memref<64xi32, #tpu.memory_space<vmem>>) target_semaphore(%run_scoped3A : memref<!tpu.dma_semaphore, #tpu.memory_space<semaphore_mem>>)
      %dma_wait3A_103 = tpu.memref_slice %arg3[%add3A_68] : memref<335872xi32, #tpu.memory_space<hbm>> -> memref<64xi32, #tpu.memory_space<hbm>>
      %dma_wait3A_104 = tpu.memref_slice %arg3[%add3A_68] : memref<335872xi32, #tpu.memory_space<hbm>> -> memref<64xi32, #tpu.memory_space<hbm>>
      tpu.wait_dma2 semaphore(%run_scoped3A : memref<!tpu.dma_semaphore, #tpu.memory_space<semaphore_mem>>) src(%dma_wait3A_104 : memref<64xi32, #tpu.memory_space<hbm>>) dst(%arg17 : memref<64xi32, #tpu.memory_space<vmem>>)
      tpu.yield
    }) : () -> ()
    %dma_start3A_69 = arith.constant 0 : i32
    %dma_start3A_70 = arith.constant 0 : i32
    %dma_start3A_71 = tpu.memref_slice %arg4[%dma_start3A_69, %dma_start3A_70] : memref<10112x64xi32, #tpu.memory_space<hbm>> -> memref<10112x64xi32, #tpu.memory_space<hbm>>
    tpu.enqueue_indirect_dma source(%dma_start3A_71 : memref<10112x64xi32, #tpu.memory_space<hbm>>) target(%arg18 : memref<64x64xi32, #tpu.memory_space<vmem>>) offsets(%arg16 : memref<64xi32, #tpu.memory_space<vmem>>) semaphore(%arg26 : memref<!tpu.dma_semaphore, #tpu.memory_space<semaphore_mem>>)
    %dma_start3A_72 = arith.constant 0 : i32
    %dma_start3A_73 = arith.constant 0 : i32
    %dma_start3A_74 = tpu.memref_slice %arg5[%dma_start3A_72, %dma_start3A_73] : memref<10112x16xf32, #tpu.memory_space<hbm>> -> memref<10112x16xf32, #tpu.memory_space<hbm>>
    tpu.enqueue_indirect_dma source(%dma_start3A_74 : memref<10112x16xf32, #tpu.memory_space<hbm>>) target(%arg20 : memref<64x16xf32, #tpu.memory_space<vmem>>) offsets(%arg16 : memref<64xi32, #tpu.memory_space<vmem>>) semaphore(%arg26 : memref<!tpu.dma_semaphore, #tpu.memory_space<semaphore_mem>>)
    %dma_start3A_75 = arith.constant 0 : i32
    %dma_start3A_76 = arith.constant 0 : i32
    %dma_start3A_77 = tpu.memref_slice %arg6[%dma_start3A_75, %dma_start3A_76] : memref<10112x16xf32, #tpu.memory_space<hbm>> -> memref<10112x16xf32, #tpu.memory_space<hbm>>
    tpu.enqueue_indirect_dma source(%dma_start3A_77 : memref<10112x16xf32, #tpu.memory_space<hbm>>) target(%arg21 : memref<64x16xf32, #tpu.memory_space<vmem>>) offsets(%arg17 : memref<64xi32, #tpu.memory_space<vmem>>) semaphore(%arg26 : memref<!tpu.dma_semaphore, #tpu.memory_space<semaphore_mem>>)
    %barrier3A = arith.constant 0 : index
    tpu.barrier barrier_id(%barrier3A)
    %while3A = arith.constant 0 : i32
    %while3A_78 = arith.constant 0 : i32
    %while3A_79 = arith.subi %select_n3A_8, %while3A : i32
    %while3A_80 = arith.addi %while3A, %while3A_79 : i32
    %while3A_81 = arith.constant 1 : i32
    %while3A_82 = arith.divsi %while3A_79, %while3A_81 : i32
    %while3A_83 = arith.muli %while3A_82, %while3A_81 : i32
    %while3A_84 = arith.addi %while3A, %while3A_83 : i32
    %while3A_85 = arith.constant 1 : i32
    %while3A_86 = scf.for %while3A_101 = %while3A to %while3A_84 step %while3A_85 iter_args(%while3A_102 = %while3A_78) -> (i32)  : i32 {
      %mul3A_103 = arith.constant 2 : i32
      %mul3A_104 = arith.muli %mul3A_103, %while3A_101 : i32
      %dma_wait3A_105 = arith.constant 0 : i32
      %dma_wait3A_106 = arith.constant 0 : i32
      %dma_wait3A_107 = tpu.memref_slice %arg4[%dma_wait3A_105, %dma_wait3A_106] : memref<10112x64xi32, #tpu.memory_space<hbm>> -> memref<10112x64xi32, #tpu.memory_space<hbm>>
      tpu.wait_indirect_dma semaphore(%arg25 : memref<!tpu.dma_semaphore, #tpu.memory_space<semaphore_mem>>) src(%dma_wait3A_107 : memref<10112x64xi32, #tpu.memory_space<hbm>>) dst(%arg11 : memref<64x64xi32, #tpu.memory_space<vmem>>)
      %dma_wait3A_108 = arith.constant 0 : i32
      %dma_wait3A_109 = arith.constant 0 : i32
      %dma_wait3A_110 = tpu.memref_slice %arg5[%dma_wait3A_108, %dma_wait3A_109] : memref<10112x16xf32, #tpu.memory_space<hbm>> -> memref<10112x16xf32, #tpu.memory_space<hbm>>
      tpu.wait_indirect_dma semaphore(%arg25 : memref<!tpu.dma_semaphore, #tpu.memory_space<semaphore_mem>>) src(%dma_wait3A_110 : memref<10112x16xf32, #tpu.memory_space<hbm>>) dst(%arg13 : memref<64x16xf32, #tpu.memory_space<vmem>>)
      %dma_wait3A_111 = arith.constant 0 : i32
      %dma_wait3A_112 = arith.constant 0 : i32
      %dma_wait3A_113 = tpu.memref_slice %arg6[%dma_wait3A_111, %dma_wait3A_112] : memref<10112x16xf32, #tpu.memory_space<hbm>> -> memref<10112x16xf32, #tpu.memory_space<hbm>>
      tpu.wait_indirect_dma semaphore(%arg25 : memref<!tpu.dma_semaphore, #tpu.memory_space<semaphore_mem>>) src(%dma_wait3A_113 : memref<10112x16xf32, #tpu.memory_space<hbm>>) dst(%arg14 : memref<64x16xf32, #tpu.memory_space<vmem>>)
      %parallel_loop3A = arith.constant 0 : i32
      %parallel_loop3A_114 = arith.constant 64 : i32
      %parallel_loop3A_115 = arith.constant 1 : i32
      scf.for %parallel_loop3A_143 = %parallel_loop3A to %parallel_loop3A_114 step %parallel_loop3A_115  : i32 {
        %parallel_loop3A_144 = arith.index_cast %parallel_loop3A_143 : i32 to index
        %parallel_loop3A_145 = arith.constant 0 : index
        %parallel_loop3A_146 = tpu.vector_load %arg13[%parallel_loop3A_144, %parallel_loop3A_145] {strides = array<i32>} : memref<64x16xf32, #tpu.memory_space<vmem>>, vector<16xf32>,
        %parallel_loop3A_147 = arith.index_cast %parallel_loop3A_143 : i32 to index
        %parallel_loop3A_148 = arith.constant 0 : index
        %parallel_loop3A_149 = tpu.vector_load %arg14[%parallel_loop3A_147, %parallel_loop3A_148] {strides = array<i32>} : memref<64x16xf32, #tpu.memory_space<vmem>>, vector<16xf32>,
        %parallel_loop3A_150 = arith.addf %parallel_loop3A_146, %parallel_loop3A_149 : vector<16xf32>
        %parallel_loop3A_151 = arith.constant 2.000000e-01 : f32
        %parallel_loop3A_152 = vector.broadcast %parallel_loop3A_151 : f32 to vector<16xf32>
        %parallel_loop3A_153 = arith.mulf %parallel_loop3A_152, %parallel_loop3A_150 : vector<16xf32>
        %parallel_loop3A_154 = arith.maximumf %parallel_loop3A_150, %parallel_loop3A_153 : vector<16xf32>
        %parallel_loop3A_155 = math.exp %parallel_loop3A_154 : vector<16xf32>
        %parallel_loop3A_156 = arith.index_cast %parallel_loop3A_143 : i32 to index
        %parallel_loop3A_157 = arith.constant 0 : index
        %parallel_loop3A_158 = tpu.vector_load %arg15[%parallel_loop3A_156, %parallel_loop3A_157] {strides = array<i32>} : memref<64x16xf32, #tpu.memory_space<vmem>>, vector<16xf32>,
        tpu.vector_store %arg15[%parallel_loop3A_156, %parallel_loop3A_157], %parallel_loop3A_155 {strides = array<i32>} : memref<64x16xf32, #tpu.memory_space<vmem>>, vector<16xf32>,
        %parallel_loop3A_159 = arith.index_cast %parallel_loop3A_143 : i32 to index
        %parallel_loop3A_160 = arith.constant 0 : index
        %parallel_loop3A_161 = tpu.vector_load %arg11[%parallel_loop3A_159, %parallel_loop3A_160] {strides = array<i32>} : memref<64x64xi32, #tpu.memory_space<vmem>>, vector<16xi32>,
        %parallel_loop3A_162 = arith.constant 16 : i32
        %parallel_loop3A_163 = vector.broadcast %parallel_loop3A_162 : i32 to vector<16xi32>
        %parallel_loop3A_164 = arith.shli %parallel_loop3A_161, %parallel_loop3A_163 : vector<16xi32>
        %parallel_loop3A_165 = vector.bitcast %parallel_loop3A_164 : vector<16xi32> to vector<16xf32>
        %parallel_loop3A_166 = arith.constant -65536 : i32
        %parallel_loop3A_167 = vector.broadcast %parallel_loop3A_166 : i32 to vector<16xi32>
        %parallel_loop3A_168 = arith.andi %parallel_loop3A_161, %parallel_loop3A_167 : vector<16xi32>
        %parallel_loop3A_169 = vector.bitcast %parallel_loop3A_168 : vector<16xi32> to vector<16xf32>
        %parallel_loop3A_170 = arith.constant 0 : i32
        %parallel_loop3A_171 = vector.broadcast %parallel_loop3A_170 : i32 to vector<16x1xi32>
        %parallel_loop3A_172 = vector.shape_cast %parallel_loop3A_171 : vector<16x1xi32> to vector<16xi32>
        %parallel_loop3A_173 = tpu.dynamic_gather %parallel_loop3A_155[%parallel_loop3A_172] in [0] : vector<16xf32>, vector<16xi32> -> vector<16xf32>
        %parallel_loop3A_174 = arith.mulf %parallel_loop3A_165, %parallel_loop3A_173 : vector<16xf32>
        %parallel_loop3A_175 = arith.index_cast %parallel_loop3A_143 : i32 to index
        %parallel_loop3A_176 = arith.constant 0 : index
        %parallel_loop3A_177 = tpu.vector_load %arg12[%parallel_loop3A_175, %parallel_loop3A_176] {strides = array<i32>} : memref<64x128xf32, #tpu.memory_space<vmem>>, vector<16xf32>,
        tpu.vector_store %arg12[%parallel_loop3A_175, %parallel_loop3A_176], %parallel_loop3A_174 {strides = array<i32>} : memref<64x128xf32, #tpu.memory_space<vmem>>, vector<16xf32>,
        %parallel_loop3A_178 = arith.constant 1 : i32
        %parallel_loop3A_179 = vector.broadcast %parallel_loop3A_178 : i32 to vector<16x1xi32>
        %parallel_loop3A_180 = vector.shape_cast %parallel_loop3A_179 : vector<16x1xi32> to vector<16xi32>
        %parallel_loop3A_181 = tpu.dynamic_gather %parallel_loop3A_155[%parallel_loop3A_180] in [0] : vector<16xf32>, vector<16xi32> -> vector<16xf32>
        %parallel_loop3A_182 = arith.mulf %parallel_loop3A_169, %parallel_loop3A_181 : vector<16xf32>
        %parallel_loop3A_183 = arith.index_cast %parallel_loop3A_143 : i32 to index
        %parallel_loop3A_184 = arith.constant 16 : index
        %parallel_loop3A_185 = tpu.vector_load %arg12[%parallel_loop3A_183, %parallel_loop3A_184] {strides = array<i32>} : memref<64x128xf32, #tpu.memory_space<vmem>>, vector<16xf32>,
        tpu.vector_store %arg12[%parallel_loop3A_183, %parallel_loop3A_184], %parallel_loop3A_182 {strides = array<i32>} : memref<64x128xf32, #tpu.memory_space<vmem>>, vector<16xf32>,
        %parallel_loop3A_186 = arith.index_cast %parallel_loop3A_143 : i32 to index
        %parallel_loop3A_187 = arith.constant 16 : index
        %parallel_loop3A_188 = tpu.vector_load %arg11[%parallel_loop3A_186, %parallel_loop3A_187] {strides = array<i32>} : memref<64x64xi32, #tpu.memory_space<vmem>>, vector<16xi32>,
        %parallel_loop3A_189 = arith.constant 16 : i32
        %parallel_loop3A_190 = vector.broadcast %parallel_loop3A_189 : i32 to vector<16xi32>
        %parallel_loop3A_191 = arith.shli %parallel_loop3A_188, %parallel_loop3A_190 : vector<16xi32>
        %parallel_loop3A_192 = vector.bitcast %parallel_loop3A_191 : vector<16xi32> to vector<16xf32>
        %parallel_loop3A_193 = arith.constant -65536 : i32
        %parallel_loop3A_194 = vector.broadcast %parallel_loop3A_193 : i32 to vector<16xi32>
        %parallel_loop3A_195 = arith.andi %parallel_loop3A_188, %parallel_loop3A_194 : vector<16xi32>
        %parallel_loop3A_196 = vector.bitcast %parallel_loop3A_195 : vector<16xi32> to vector<16xf32>
        %parallel_loop3A_197 = arith.constant 2 : i32
        %parallel_loop3A_198 = vector.broadcast %parallel_loop3A_197 : i32 to vector<16x1xi32>
        %parallel_loop3A_199 = vector.shape_cast %parallel_loop3A_198 : vector<16x1xi32> to vector<16xi32>
        %parallel_loop3A_200 = tpu.dynamic_gather %parallel_loop3A_155[%parallel_loop3A_199] in [0] : vector<16xf32>, vector<16xi32> -> vector<16xf32>
        %parallel_loop3A_201 = arith.mulf %parallel_loop3A_192, %parallel_loop3A_200 : vector<16xf32>
        %parallel_loop3A_202 = arith.index_cast %parallel_loop3A_143 : i32 to index
        %parallel_loop3A_203 = arith.constant 32 : index
        %parallel_loop3A_204 = tpu.vector_load %arg12[%parallel_loop3A_202, %parallel_loop3A_203] {strides = array<i32>} : memref<64x128xf32, #tpu.memory_space<vmem>>, vector<16xf32>,
        tpu.vector_store %arg12[%parallel_loop3A_202, %parallel_loop3A_203], %parallel_loop3A_201 {strides = array<i32>} : memref<64x128xf32, #tpu.memory_space<vmem>>, vector<16xf32>,
        %parallel_loop3A_205 = arith.constant 3 : i32
        %parallel_loop3A_206 = vector.broadcast %parallel_loop3A_205 : i32 to vector<16x1xi32>
        %parallel_loop3A_207 = vector.shape_cast %parallel_loop3A_206 : vector<16x1xi32> to vector<16xi32>
        %parallel_loop3A_208 = tpu.dynamic_gather %parallel_loop3A_155[%parallel_loop3A_207] in [0] : vector<16xf32>, vector<16xi32> -> vector<16xf32>
        %parallel_loop3A_209 = arith.mulf %parallel_loop3A_196, %parallel_loop3A_208 : vector<16xf32>
        %parallel_loop3A_210 = arith.index_cast %parallel_loop3A_143 : i32 to index
        %parallel_loop3A_211 = arith.constant 48 : index
        %parallel_loop3A_212 = tpu.vector_load %arg12[%parallel_loop3A_210, %parallel_loop3A_211] {strides = array<i32>} : memref<64x128xf32, #tpu.memory_space<vmem>>, vector<16xf32>,
        tpu.vector_store %arg12[%parallel_loop3A_210, %parallel_loop3A_211], %parallel_loop3A_209 {strides = array<i32>} : memref<64x128xf32, #tpu.memory_space<vmem>>, vector<16xf32>,
        %parallel_loop3A_213 = arith.index_cast %parallel_loop3A_143 : i32 to index
        %parallel_loop3A_214 = arith.constant 32 : index
        %parallel_loop3A_215 = tpu.vector_load %arg11[%parallel_loop3A_213, %parallel_loop3A_214] {strides = array<i32>} : memref<64x64xi32, #tpu.memory_space<vmem>>, vector<16xi32>,
        %parallel_loop3A_216 = arith.constant 16 : i32
        %parallel_loop3A_217 = vector.broadcast %parallel_loop3A_216 : i32 to vector<16xi32>
        %parallel_loop3A_218 = arith.shli %parallel_loop3A_215, %parallel_loop3A_217 : vector<16xi32>
        %parallel_loop3A_219 = vector.bitcast %parallel_loop3A_218 : vector<16xi32> to vector<16xf32>
        %parallel_loop3A_220 = arith.constant -65536 : i32
        %parallel_loop3A_221 = vector.broadcast %parallel_loop3A_220 : i32 to vector<16xi32>
        %parallel_loop3A_222 = arith.andi %parallel_loop3A_215, %parallel_loop3A_221 : vector<16xi32>
        %parallel_loop3A_223 = vector.bitcast %parallel_loop3A_222 : vector<16xi32> to vector<16xf32>
        %parallel_loop3A_224 = arith.constant 4 : i32
        %parallel_loop3A_225 = vector.broadcast %parallel_loop3A_224 : i32 to vector<16x1xi32>
        %parallel_loop3A_226 = vector.shape_cast %parallel_loop3A_225 : vector<16x1xi32> to vector<16xi32>
        %parallel_loop3A_227 = tpu.dynamic_gather %parallel_loop3A_155[%parallel_loop3A_226] in [0] : vector<16xf32>, vector<16xi32> -> vector<16xf32>
        %parallel_loop3A_228 = arith.mulf %parallel_loop3A_219, %parallel_loop3A_227 : vector<16xf32>
        %parallel_loop3A_229 = arith.index_cast %parallel_loop3A_143 : i32 to index
        %parallel_loop3A_230 = arith.constant 64 : index
        %parallel_loop3A_231 = tpu.vector_load %arg12[%parallel_loop3A_229, %parallel_loop3A_230] {strides = array<i32>} : memref<64x128xf32, #tpu.memory_space<vmem>>, vector<16xf32>,
        tpu.vector_store %arg12[%parallel_loop3A_229, %parallel_loop3A_230], %parallel_loop3A_228 {strides = array<i32>} : memref<64x128xf32, #tpu.memory_space<vmem>>, vector<16xf32>,
        %parallel_loop3A_232 = arith.constant 5 : i32
        %parallel_loop3A_233 = vector.broadcast %parallel_loop3A_232 : i32 to vector<16x1xi32>
        %parallel_loop3A_234 = vector.shape_cast %parallel_loop3A_233 : vector<16x1xi32> to vector<16xi32>
        %parallel_loop3A_235 = tpu.dynamic_gather %parallel_loop3A_155[%parallel_loop3A_234] in [0] : vector<16xf32>, vector<16xi32> -> vector<16xf32>
        %parallel_loop3A_236 = arith.mulf %parallel_loop3A_223, %parallel_loop3A_235 : vector<16xf32>
        %parallel_loop3A_237 = arith.index_cast %parallel_loop3A_143 : i32 to index
        %parallel_loop3A_238 = arith.constant 80 : index
        %parallel_loop3A_239 = tpu.vector_load %arg12[%parallel_loop3A_237, %parallel_loop3A_238] {strides = array<i32>} : memref<64x128xf32, #tpu.memory_space<vmem>>, vector<16xf32>,
        tpu.vector_store %arg12[%parallel_loop3A_237, %parallel_loop3A_238], %parallel_loop3A_236 {strides = array<i32>} : memref<64x128xf32, #tpu.memory_space<vmem>>, vector<16xf32>,
        %parallel_loop3A_240 = arith.index_cast %parallel_loop3A_143 : i32 to index
        %parallel_loop3A_241 = arith.constant 48 : index
        %parallel_loop3A_242 = tpu.vector_load %arg11[%parallel_loop3A_240, %parallel_loop3A_241] {strides = array<i32>} : memref<64x64xi32, #tpu.memory_space<vmem>>, vector<16xi32>,
        %parallel_loop3A_243 = arith.constant 16 : i32
        %parallel_loop3A_244 = vector.broadcast %parallel_loop3A_243 : i32 to vector<16xi32>
        %parallel_loop3A_245 = arith.shli %parallel_loop3A_242, %parallel_loop3A_244 : vector<16xi32>
        %parallel_loop3A_246 = vector.bitcast %parallel_loop3A_245 : vector<16xi32> to vector<16xf32>
        %parallel_loop3A_247 = arith.constant -65536 : i32
        %parallel_loop3A_248 = vector.broadcast %parallel_loop3A_247 : i32 to vector<16xi32>
        %parallel_loop3A_249 = arith.andi %parallel_loop3A_242, %parallel_loop3A_248 : vector<16xi32>
        %parallel_loop3A_250 = vector.bitcast %parallel_loop3A_249 : vector<16xi32> to vector<16xf32>
        %parallel_loop3A_251 = arith.constant 6 : i32
        %parallel_loop3A_252 = vector.broadcast %parallel_loop3A_251 : i32 to vector<16x1xi32>
        %parallel_loop3A_253 = vector.shape_cast %parallel_loop3A_252 : vector<16x1xi32> to vector<16xi32>
        %parallel_loop3A_254 = tpu.dynamic_gather %parallel_loop3A_155[%parallel_loop3A_253] in [0] : vector<16xf32>, vector<16xi32> -> vector<16xf32>
        %parallel_loop3A_255 = arith.mulf %parallel_loop3A_246, %parallel_loop3A_254 : vector<16xf32>
        %parallel_loop3A_256 = arith.index_cast %parallel_loop3A_143 : i32 to index
        %parallel_loop3A_257 = arith.constant 96 : index
        %parallel_loop3A_258 = tpu.vector_load %arg12[%parallel_loop3A_256, %parallel_loop3A_257] {strides = array<i32>} : memref<64x128xf32, #tpu.memory_space<vmem>>, vector<16xf32>,
        tpu.vector_store %arg12[%parallel_loop3A_256, %parallel_loop3A_257], %parallel_loop3A_255 {strides = array<i32>} : memref<64x128xf32, #tpu.memory_space<vmem>>, vector<16xf32>,
        %parallel_loop3A_259 = arith.constant 7 : i32
        %parallel_loop3A_260 = vector.broadcast %parallel_loop3A_259 : i32 to vector<16x1xi32>
        %parallel_loop3A_261 = vector.shape_cast %parallel_loop3A_260 : vector<16x1xi32> to vector<16xi32>
        %parallel_loop3A_262 = tpu.dynamic_gather %parallel_loop3A_155[%parallel_loop3A_261] in [0] : vector<16xf32>, vector<16xi32> -> vector<16xf32>
        %parallel_loop3A_263 = arith.mulf %parallel_loop3A_250, %parallel_loop3A_262 : vector<16xf32>
        %parallel_loop3A_264 = arith.index_cast %parallel_loop3A_143 : i32 to index
        %parallel_loop3A_265 = arith.constant 112 : index
        %parallel_loop3A_266 = tpu.vector_load %arg12[%parallel_loop3A_264, %parallel_loop3A_265] {strides = array<i32>} : memref<64x128xf32, #tpu.memory_space<vmem>>, vector<16xf32>,
        tpu.vector_store %arg12[%parallel_loop3A_264, %parallel_loop3A_265], %parallel_loop3A_263 {strides = array<i32>} : memref<64x128xf32, #tpu.memory_space<vmem>>, vector<16xf32>,
      } {sc.loop_unroll_factor = 8 : i64, sc.parallel_access}
      %dma_start3A_116 = arith.constant 0 : i32
      %dma_start3A_117 = arith.constant 0 : i32
      %dma_start3A_118 = tpu.memref_slice %arg23[%dma_start3A_116, %dma_start3A_117] : memref<10112x128xf32, #tpu.memory_space<vmem_shared>> -> memref<10112x128xf32, #tpu.memory_space<vmem_shared>>
      tpu.enqueue_indirect_dma source(%arg12 : memref<64x128xf32, #tpu.memory_space<vmem>>) target(%dma_start3A_118 : memref<10112x128xf32, #tpu.memory_space<vmem_shared>>) offsets(%arg10 : memref<64xi32, #tpu.memory_space<vmem>>) semaphore(%arg27 : memref<!tpu.dma_semaphore, #tpu.memory_space<semaphore_mem>>) {add = true}
      %dma_start3A_119 = arith.constant 0 : i32
      %dma_start3A_120 = arith.constant 0 : i32
      %dma_start3A_121 = tpu.memref_slice %arg24[%dma_start3A_119, %dma_start3A_120] : memref<10112x16xf32, #tpu.memory_space<vmem_shared>> -> memref<10112x16xf32, #tpu.memory_space<vmem_shared>>
      tpu.enqueue_indirect_dma source(%arg15 : memref<64x16xf32, #tpu.memory_space<vmem>>) target(%dma_start3A_121 : memref<10112x16xf32, #tpu.memory_space<vmem_shared>>) offsets(%arg10 : memref<64xi32, #tpu.memory_space<vmem>>) semaphore(%arg27 : memref<!tpu.dma_semaphore, #tpu.memory_space<semaphore_mem>>) {add = true}
      %dma_wait3A_122 = arith.constant 0 : i32
      %dma_wait3A_123 = arith.constant 0 : i32
      %dma_wait3A_124 = tpu.memref_slice %arg4[%dma_wait3A_122, %dma_wait3A_123] : memref<10112x64xi32, #tpu.memory_space<hbm>> -> memref<10112x64xi32, #tpu.memory_space<hbm>>
      tpu.wait_indirect_dma semaphore(%arg26 : memref<!tpu.dma_semaphore, #tpu.memory_space<semaphore_mem>>) src(%dma_wait3A_124 : memref<10112x64xi32, #tpu.memory_space<hbm>>) dst(%arg18 : memref<64x64xi32, #tpu.memory_space<vmem>>)
      %dma_wait3A_125 = arith.constant 0 : i32
      %dma_wait3A_126 = arith.constant 0 : i32
      %dma_wait3A_127 = tpu.memref_slice %arg5[%dma_wait3A_125, %dma_wait3A_126] : memref<10112x16xf32, #tpu.memory_space<hbm>> -> memref<10112x16xf32, #tpu.memory_space<hbm>>
      tpu.wait_indirect_dma semaphore(%arg26 : memref<!tpu.dma_semaphore, #tpu.memory_space<semaphore_mem>>) src(%dma_wait3A_127 : memref<10112x16xf32, #tpu.memory_space<hbm>>) dst(%arg20 : memref<64x16xf32, #tpu.memory_space<vmem>>)
      %dma_wait3A_128 = arith.constant 0 : i32
      %dma_wait3A_129 = arith.constant 0 : i32
      %dma_wait3A_130 = tpu.memref_slice %arg6[%dma_wait3A_128, %dma_wait3A_129] : memref<10112x16xf32, #tpu.memory_space<hbm>> -> memref<10112x16xf32, #tpu.memory_space<hbm>>
      tpu.wait_indirect_dma semaphore(%arg26 : memref<!tpu.dma_semaphore, #tpu.memory_space<semaphore_mem>>) src(%dma_wait3A_130 : memref<10112x16xf32, #tpu.memory_space<hbm>>) dst(%arg21 : memref<64x16xf32, #tpu.memory_space<vmem>>)
      %parallel_loop3A_131 = arith.constant 0 : i32
      %parallel_loop3A_132 = arith.constant 64 : i32
      %parallel_loop3A_133 = arith.constant 1 : i32
      scf.for %parallel_loop3A_143 = %parallel_loop3A_131 to %parallel_loop3A_132 step %parallel_loop3A_133  : i32 {
        %parallel_loop3A_144 = arith.index_cast %parallel_loop3A_143 : i32 to index
        %parallel_loop3A_145 = arith.constant 0 : index
        %parallel_loop3A_146 = tpu.vector_load %arg20[%parallel_loop3A_144, %parallel_loop3A_145] {strides = array<i32>} : memref<64x16xf32, #tpu.memory_space<vmem>>, vector<16xf32>,
        %parallel_loop3A_147 = arith.index_cast %parallel_loop3A_143 : i32 to index
        %parallel_loop3A_148 = arith.constant 0 : index
        %parallel_loop3A_149 = tpu.vector_load %arg21[%parallel_loop3A_147, %parallel_loop3A_148] {strides = array<i32>} : memref<64x16xf32, #tpu.memory_space<vmem>>, vector<16xf32>,
        %parallel_loop3A_150 = arith.addf %parallel_loop3A_146, %parallel_loop3A_149 : vector<16xf32>
        %parallel_loop3A_151 = arith.constant 2.000000e-01 : f32
        %parallel_loop3A_152 = vector.broadcast %parallel_loop3A_151 : f32 to vector<16xf32>
        %parallel_loop3A_153 = arith.mulf %parallel_loop3A_152, %parallel_loop3A_150 : vector<16xf32>
        %parallel_loop3A_154 = arith.maximumf %parallel_loop3A_150, %parallel_loop3A_153 : vector<16xf32>
        %parallel_loop3A_155 = math.exp %parallel_loop3A_154 : vector<16xf32>
        %parallel_loop3A_156 = arith.index_cast %parallel_loop3A_143 : i32 to index
        %parallel_loop3A_157 = arith.constant 0 : index
        %parallel_loop3A_158 = tpu.vector_load %arg22[%parallel_loop3A_156, %parallel_loop3A_157] {strides = array<i32>} : memref<64x16xf32, #tpu.memory_space<vmem>>, vector<16xf32>,
        tpu.vector_store %arg22[%parallel_loop3A_156, %parallel_loop3A_157], %parallel_loop3A_155 {strides = array<i32>} : memref<64x16xf32, #tpu.memory_space<vmem>>, vector<16xf32>,
        %parallel_loop3A_159 = arith.index_cast %parallel_loop3A_143 : i32 to index
        %parallel_loop3A_160 = arith.constant 0 : index
        %parallel_loop3A_161 = tpu.vector_load %arg18[%parallel_loop3A_159, %parallel_loop3A_160] {strides = array<i32>} : memref<64x64xi32, #tpu.memory_space<vmem>>, vector<16xi32>,
        %parallel_loop3A_162 = arith.constant 16 : i32
        %parallel_loop3A_163 = vector.broadcast %parallel_loop3A_162 : i32 to vector<16xi32>
        %parallel_loop3A_164 = arith.shli %parallel_loop3A_161, %parallel_loop3A_163 : vector<16xi32>
        %parallel_loop3A_165 = vector.bitcast %parallel_loop3A_164 : vector<16xi32> to vector<16xf32>
        %parallel_loop3A_166 = arith.constant -65536 : i32
        %parallel_loop3A_167 = vector.broadcast %parallel_loop3A_166 : i32 to vector<16xi32>
        %parallel_loop3A_168 = arith.andi %parallel_loop3A_161, %parallel_loop3A_167 : vector<16xi32>
        %parallel_loop3A_169 = vector.bitcast %parallel_loop3A_168 : vector<16xi32> to vector<16xf32>
        %parallel_loop3A_170 = arith.constant 0 : i32
        %parallel_loop3A_171 = vector.broadcast %parallel_loop3A_170 : i32 to vector<16x1xi32>
        %parallel_loop3A_172 = vector.shape_cast %parallel_loop3A_171 : vector<16x1xi32> to vector<16xi32>
        %parallel_loop3A_173 = tpu.dynamic_gather %parallel_loop3A_155[%parallel_loop3A_172] in [0] : vector<16xf32>, vector<16xi32> -> vector<16xf32>
        %parallel_loop3A_174 = arith.mulf %parallel_loop3A_165, %parallel_loop3A_173 : vector<16xf32>
        %parallel_loop3A_175 = arith.index_cast %parallel_loop3A_143 : i32 to index
        %parallel_loop3A_176 = arith.constant 0 : index
        %parallel_loop3A_177 = tpu.vector_load %arg19[%parallel_loop3A_175, %parallel_loop3A_176] {strides = array<i32>} : memref<64x128xf32, #tpu.memory_space<vmem>>, vector<16xf32>,
        tpu.vector_store %arg19[%parallel_loop3A_175, %parallel_loop3A_176], %parallel_loop3A_174 {strides = array<i32>} : memref<64x128xf32, #tpu.memory_space<vmem>>, vector<16xf32>,
        %parallel_loop3A_178 = arith.constant 1 : i32
        %parallel_loop3A_179 = vector.broadcast %parallel_loop3A_178 : i32 to vector<16x1xi32>
        %parallel_loop3A_180 = vector.shape_cast %parallel_loop3A_179 : vector<16x1xi32> to vector<16xi32>
        %parallel_loop3A_181 = tpu.dynamic_gather %parallel_loop3A_155[%parallel_loop3A_180] in [0] : vector<16xf32>, vector<16xi32> -> vector<16xf32>
        %parallel_loop3A_182 = arith.mulf %parallel_loop3A_169, %parallel_loop3A_181 : vector<16xf32>
        %parallel_loop3A_183 = arith.index_cast %parallel_loop3A_143 : i32 to index
        %parallel_loop3A_184 = arith.constant 16 : index
        %parallel_loop3A_185 = tpu.vector_load %arg19[%parallel_loop3A_183, %parallel_loop3A_184] {strides = array<i32>} : memref<64x128xf32, #tpu.memory_space<vmem>>, vector<16xf32>,
        tpu.vector_store %arg19[%parallel_loop3A_183, %parallel_loop3A_184], %parallel_loop3A_182 {strides = array<i32>} : memref<64x128xf32, #tpu.memory_space<vmem>>, vector<16xf32>,
        %parallel_loop3A_186 = arith.index_cast %parallel_loop3A_143 : i32 to index
        %parallel_loop3A_187 = arith.constant 16 : index
        %parallel_loop3A_188 = tpu.vector_load %arg18[%parallel_loop3A_186, %parallel_loop3A_187] {strides = array<i32>} : memref<64x64xi32, #tpu.memory_space<vmem>>, vector<16xi32>,
        %parallel_loop3A_189 = arith.constant 16 : i32
        %parallel_loop3A_190 = vector.broadcast %parallel_loop3A_189 : i32 to vector<16xi32>
        %parallel_loop3A_191 = arith.shli %parallel_loop3A_188, %parallel_loop3A_190 : vector<16xi32>
        %parallel_loop3A_192 = vector.bitcast %parallel_loop3A_191 : vector<16xi32> to vector<16xf32>
        %parallel_loop3A_193 = arith.constant -65536 : i32
        %parallel_loop3A_194 = vector.broadcast %parallel_loop3A_193 : i32 to vector<16xi32>
        %parallel_loop3A_195 = arith.andi %parallel_loop3A_188, %parallel_loop3A_194 : vector<16xi32>
        %parallel_loop3A_196 = vector.bitcast %parallel_loop3A_195 : vector<16xi32> to vector<16xf32>
        %parallel_loop3A_197 = arith.constant 2 : i32
        %parallel_loop3A_198 = vector.broadcast %parallel_loop3A_197 : i32 to vector<16x1xi32>
        %parallel_loop3A_199 = vector.shape_cast %parallel_loop3A_198 : vector<16x1xi32> to vector<16xi32>
        %parallel_loop3A_200 = tpu.dynamic_gather %parallel_loop3A_155[%parallel_loop3A_199] in [0] : vector<16xf32>, vector<16xi32> -> vector<16xf32>
        %parallel_loop3A_201 = arith.mulf %parallel_loop3A_192, %parallel_loop3A_200 : vector<16xf32>
        %parallel_loop3A_202 = arith.index_cast %parallel_loop3A_143 : i32 to index
        %parallel_loop3A_203 = arith.constant 32 : index
        %parallel_loop3A_204 = tpu.vector_load %arg19[%parallel_loop3A_202, %parallel_loop3A_203] {strides = array<i32>} : memref<64x128xf32, #tpu.memory_space<vmem>>, vector<16xf32>,
        tpu.vector_store %arg19[%parallel_loop3A_202, %parallel_loop3A_203], %parallel_loop3A_201 {strides = array<i32>} : memref<64x128xf32, #tpu.memory_space<vmem>>, vector<16xf32>,
        %parallel_loop3A_205 = arith.constant 3 : i32
        %parallel_loop3A_206 = vector.broadcast %parallel_loop3A_205 : i32 to vector<16x1xi32>
        %parallel_loop3A_207 = vector.shape_cast %parallel_loop3A_206 : vector<16x1xi32> to vector<16xi32>
        %parallel_loop3A_208 = tpu.dynamic_gather %parallel_loop3A_155[%parallel_loop3A_207] in [0] : vector<16xf32>, vector<16xi32> -> vector<16xf32>
        %parallel_loop3A_209 = arith.mulf %parallel_loop3A_196, %parallel_loop3A_208 : vector<16xf32>
        %parallel_loop3A_210 = arith.index_cast %parallel_loop3A_143 : i32 to index
        %parallel_loop3A_211 = arith.constant 48 : index
        %parallel_loop3A_212 = tpu.vector_load %arg19[%parallel_loop3A_210, %parallel_loop3A_211] {strides = array<i32>} : memref<64x128xf32, #tpu.memory_space<vmem>>, vector<16xf32>,
        tpu.vector_store %arg19[%parallel_loop3A_210, %parallel_loop3A_211], %parallel_loop3A_209 {strides = array<i32>} : memref<64x128xf32, #tpu.memory_space<vmem>>, vector<16xf32>,
        %parallel_loop3A_213 = arith.index_cast %parallel_loop3A_143 : i32 to index
        %parallel_loop3A_214 = arith.constant 32 : index
        %parallel_loop3A_215 = tpu.vector_load %arg18[%parallel_loop3A_213, %parallel_loop3A_214] {strides = array<i32>} : memref<64x64xi32, #tpu.memory_space<vmem>>, vector<16xi32>,
        %parallel_loop3A_216 = arith.constant 16 : i32
        %parallel_loop3A_217 = vector.broadcast %parallel_loop3A_216 : i32 to vector<16xi32>
        %parallel_loop3A_218 = arith.shli %parallel_loop3A_215, %parallel_loop3A_217 : vector<16xi32>
        %parallel_loop3A_219 = vector.bitcast %parallel_loop3A_218 : vector<16xi32> to vector<16xf32>
        %parallel_loop3A_220 = arith.constant -65536 : i32
        %parallel_loop3A_221 = vector.broadcast %parallel_loop3A_220 : i32 to vector<16xi32>
        %parallel_loop3A_222 = arith.andi %parallel_loop3A_215, %parallel_loop3A_221 : vector<16xi32>
        %parallel_loop3A_223 = vector.bitcast %parallel_loop3A_222 : vector<16xi32> to vector<16xf32>
        %parallel_loop3A_224 = arith.constant 4 : i32
        %parallel_loop3A_225 = vector.broadcast %parallel_loop3A_224 : i32 to vector<16x1xi32>
        %parallel_loop3A_226 = vector.shape_cast %parallel_loop3A_225 : vector<16x1xi32> to vector<16xi32>
        %parallel_loop3A_227 = tpu.dynamic_gather %parallel_loop3A_155[%parallel_loop3A_226] in [0] : vector<16xf32>, vector<16xi32> -> vector<16xf32>
        %parallel_loop3A_228 = arith.mulf %parallel_loop3A_219, %parallel_loop3A_227 : vector<16xf32>
        %parallel_loop3A_229 = arith.index_cast %parallel_loop3A_143 : i32 to index
        %parallel_loop3A_230 = arith.constant 64 : index
        %parallel_loop3A_231 = tpu.vector_load %arg19[%parallel_loop3A_229, %parallel_loop3A_230] {strides = array<i32>} : memref<64x128xf32, #tpu.memory_space<vmem>>, vector<16xf32>,
        tpu.vector_store %arg19[%parallel_loop3A_229, %parallel_loop3A_230], %parallel_loop3A_228 {strides = array<i32>} : memref<64x128xf32, #tpu.memory_space<vmem>>, vector<16xf32>,
        %parallel_loop3A_232 = arith.constant 5 : i32
        %parallel_loop3A_233 = vector.broadcast %parallel_loop3A_232 : i32 to vector<16x1xi32>
        %parallel_loop3A_234 = vector.shape_cast %parallel_loop3A_233 : vector<16x1xi32> to vector<16xi32>
        %parallel_loop3A_235 = tpu.dynamic_gather %parallel_loop3A_155[%parallel_loop3A_234] in [0] : vector<16xf32>, vector<16xi32> -> vector<16xf32>
        %parallel_loop3A_236 = arith.mulf %parallel_loop3A_223, %parallel_loop3A_235 : vector<16xf32>
        %parallel_loop3A_237 = arith.index_cast %parallel_loop3A_143 : i32 to index
        %parallel_loop3A_238 = arith.constant 80 : index
        %parallel_loop3A_239 = tpu.vector_load %arg19[%parallel_loop3A_237, %parallel_loop3A_238] {strides = array<i32>} : memref<64x128xf32, #tpu.memory_space<vmem>>, vector<16xf32>,
        tpu.vector_store %arg19[%parallel_loop3A_237, %parallel_loop3A_238], %parallel_loop3A_236 {strides = array<i32>} : memref<64x128xf32, #tpu.memory_space<vmem>>, vector<16xf32>,
        %parallel_loop3A_240 = arith.index_cast %parallel_loop3A_143 : i32 to index
        %parallel_loop3A_241 = arith.constant 48 : index
        %parallel_loop3A_242 = tpu.vector_load %arg18[%parallel_loop3A_240, %parallel_loop3A_241] {strides = array<i32>} : memref<64x64xi32, #tpu.memory_space<vmem>>, vector<16xi32>,
        %parallel_loop3A_243 = arith.constant 16 : i32
        %parallel_loop3A_244 = vector.broadcast %parallel_loop3A_243 : i32 to vector<16xi32>
        %parallel_loop3A_245 = arith.shli %parallel_loop3A_242, %parallel_loop3A_244 : vector<16xi32>
        %parallel_loop3A_246 = vector.bitcast %parallel_loop3A_245 : vector<16xi32> to vector<16xf32>
        %parallel_loop3A_247 = arith.constant -65536 : i32
        %parallel_loop3A_248 = vector.broadcast %parallel_loop3A_247 : i32 to vector<16xi32>
        %parallel_loop3A_249 = arith.andi %parallel_loop3A_242, %parallel_loop3A_248 : vector<16xi32>
        %parallel_loop3A_250 = vector.bitcast %parallel_loop3A_249 : vector<16xi32> to vector<16xf32>
        %parallel_loop3A_251 = arith.constant 6 : i32
        %parallel_loop3A_252 = vector.broadcast %parallel_loop3A_251 : i32 to vector<16x1xi32>
        %parallel_loop3A_253 = vector.shape_cast %parallel_loop3A_252 : vector<16x1xi32> to vector<16xi32>
        %parallel_loop3A_254 = tpu.dynamic_gather %parallel_loop3A_155[%parallel_loop3A_253] in [0] : vector<16xf32>, vector<16xi32> -> vector<16xf32>
        %parallel_loop3A_255 = arith.mulf %parallel_loop3A_246, %parallel_loop3A_254 : vector<16xf32>
        %parallel_loop3A_256 = arith.index_cast %parallel_loop3A_143 : i32 to index
        %parallel_loop3A_257 = arith.constant 96 : index
        %parallel_loop3A_258 = tpu.vector_load %arg19[%parallel_loop3A_256, %parallel_loop3A_257] {strides = array<i32>} : memref<64x128xf32, #tpu.memory_space<vmem>>, vector<16xf32>,
        tpu.vector_store %arg19[%parallel_loop3A_256, %parallel_loop3A_257], %parallel_loop3A_255 {strides = array<i32>} : memref<64x128xf32, #tpu.memory_space<vmem>>, vector<16xf32>,
        %parallel_loop3A_259 = arith.constant 7 : i32
        %parallel_loop3A_260 = vector.broadcast %parallel_loop3A_259 : i32 to vector<16x1xi32>
        %parallel_loop3A_261 = vector.shape_cast %parallel_loop3A_260 : vector<16x1xi32> to vector<16xi32>
        %parallel_loop3A_262 = tpu.dynamic_gather %parallel_loop3A_155[%parallel_loop3A_261] in [0] : vector<16xf32>, vector<16xi32> -> vector<16xf32>
        %parallel_loop3A_263 = arith.mulf %parallel_loop3A_250, %parallel_loop3A_262 : vector<16xf32>
        %parallel_loop3A_264 = arith.index_cast %parallel_loop3A_143 : i32 to index
        %parallel_loop3A_265 = arith.constant 112 : index
        %parallel_loop3A_266 = tpu.vector_load %arg19[%parallel_loop3A_264, %parallel_loop3A_265] {strides = array<i32>} : memref<64x128xf32, #tpu.memory_space<vmem>>, vector<16xf32>,
        tpu.vector_store %arg19[%parallel_loop3A_264, %parallel_loop3A_265], %parallel_loop3A_263 {strides = array<i32>} : memref<64x128xf32, #tpu.memory_space<vmem>>, vector<16xf32>,
      } {sc.loop_unroll_factor = 8 : i64, sc.parallel_access}
      %dma_start3A_134 = arith.constant 0 : i32
      %dma_start3A_135 = arith.constant 0 : i32
      %dma_start3A_136 = tpu.memref_slice %arg23[%dma_start3A_134, %dma_start3A_135] : memref<10112x128xf32, #tpu.memory_space<vmem_shared>> -> memref<10112x128xf32, #tpu.memory_space<vmem_shared>>
      tpu.enqueue_indirect_dma source(%arg19 : memref<64x128xf32, #tpu.memory_space<vmem>>) target(%dma_start3A_136 : memref<10112x128xf32, #tpu.memory_space<vmem_shared>>) offsets(%arg17 : memref<64xi32, #tpu.memory_space<vmem>>) semaphore(%arg28 : memref<!tpu.dma_semaphore, #tpu.memory_space<semaphore_mem>>) {add = true}
      %dma_start3A_137 = arith.constant 0 : i32
      %dma_start3A_138 = arith.constant 0 : i32
      %dma_start3A_139 = tpu.memref_slice %arg24[%dma_start3A_137, %dma_start3A_138] : memref<10112x16xf32, #tpu.memory_space<vmem_shared>> -> memref<10112x16xf32, #tpu.memory_space<vmem_shared>>
      tpu.enqueue_indirect_dma source(%arg22 : memref<64x16xf32, #tpu.memory_space<vmem>>) target(%dma_start3A_139 : memref<10112x16xf32, #tpu.memory_space<vmem_shared>>) offsets(%arg17 : memref<64xi32, #tpu.memory_space<vmem>>) semaphore(%arg28 : memref<!tpu.dma_semaphore, #tpu.memory_space<semaphore_mem>>) {add = true}
      %sub3A = arith.constant 1 : i32
      %sub3A_140 = arith.subi %select_n3A_8, %sub3A : i32
      %lt3A = arith.cmpi slt, %while3A_101, %sub3A_140 : i32
      %convert_element_type3A = arith.extui %lt3A : i1 to i32
      %cond3A = arith.constant 0 : i32
      %cond3A_141 = arith.cmpi ne, %convert_element_type3A, %cond3A : i32
      scf.if %cond3A_141 {
        %dma_wait3A_143 = arith.constant 0 : i32
        %dma_wait3A_144 = arith.constant 0 : i32
        %dma_wait3A_145 = tpu.memref_slice %arg23[%dma_wait3A_143, %dma_wait3A_144] : memref<10112x128xf32, #tpu.memory_space<vmem_shared>> -> memref<10112x128xf32, #tpu.memory_space<vmem_shared>>
        tpu.wait_indirect_dma semaphore(%arg27 : memref<!tpu.dma_semaphore, #tpu.memory_space<semaphore_mem>>) src(%arg12 : memref<64x128xf32, #tpu.memory_space<vmem>>) dst(%dma_wait3A_145 : memref<10112x128xf32, #tpu.memory_space<vmem_shared>>)
        %dma_wait3A_146 = arith.constant 0 : i32
        %dma_wait3A_147 = arith.constant 0 : i32
        %dma_wait3A_148 = tpu.memref_slice %arg24[%dma_wait3A_146, %dma_wait3A_147] : memref<10112x16xf32, #tpu.memory_space<vmem_shared>> -> memref<10112x16xf32, #tpu.memory_space<vmem_shared>>
        tpu.wait_indirect_dma semaphore(%arg27 : memref<!tpu.dma_semaphore, #tpu.memory_space<semaphore_mem>>) src(%arg15 : memref<64x16xf32, #tpu.memory_space<vmem>>) dst(%dma_wait3A_148 : memref<10112x16xf32, #tpu.memory_space<vmem_shared>>)
        %add3A_149 = arith.constant 2 : i32
        %add3A_150 = arith.addi %mul3A_104, %add3A_149 : i32
        %mul3A_151 = arith.constant 64 : i32
        %mul3A_152 = arith.muli %add3A_150, %mul3A_151 : i32
        %add3A_153 = arith.addi %select_n3A, %mul3A_152 : i32
        "tpu.region"() ({
          %run_scoped3A = tpu.sem_alloc : memref<!tpu.dma_semaphore, #tpu.memory_space<semaphore_mem>>
          %dma_start3A_183 = tpu.memref_slice %arg2[%add3A_153] : memref<335872xi32, #tpu.memory_space<hbm>> -> memref<64xi32, #tpu.memory_space<hbm>>
          %dma_start3A_184 = tpu.memref_slice %arg2[%add3A_153] : memref<335872xi32, #tpu.memory_space<hbm>> -> memref<64xi32, #tpu.memory_space<hbm>>
          tpu.enqueue_dma source(%dma_start3A_184 : memref<64xi32, #tpu.memory_space<hbm>>) target(%arg9 : memref<64xi32, #tpu.memory_space<vmem>>) target_semaphore(%run_scoped3A : memref<!tpu.dma_semaphore, #tpu.memory_space<semaphore_mem>>)
          %dma_wait3A_185 = tpu.memref_slice %arg2[%add3A_153] : memref<335872xi32, #tpu.memory_space<hbm>> -> memref<64xi32, #tpu.memory_space<hbm>>
          %dma_wait3A_186 = tpu.memref_slice %arg2[%add3A_153] : memref<335872xi32, #tpu.memory_space<hbm>> -> memref<64xi32, #tpu.memory_space<hbm>>
          tpu.wait_dma2 semaphore(%run_scoped3A : memref<!tpu.dma_semaphore, #tpu.memory_space<semaphore_mem>>) src(%dma_wait3A_186 : memref<64xi32, #tpu.memory_space<hbm>>) dst(%arg9 : memref<64xi32, #tpu.memory_space<vmem>>)
          tpu.yield
        }) : () -> ()
        "tpu.region"() ({
          %run_scoped3A = tpu.sem_alloc : memref<!tpu.dma_semaphore, #tpu.memory_space<semaphore_mem>>
          %dma_start3A_183 = tpu.memref_slice %arg3[%add3A_153] : memref<335872xi32, #tpu.memory_space<hbm>> -> memref<64xi32, #tpu.memory_space<hbm>>
          %dma_start3A_184 = tpu.memref_slice %arg3[%add3A_153] : memref<335872xi32, #tpu.memory_space<hbm>> -> memref<64xi32, #tpu.memory_space<hbm>>
          tpu.enqueue_dma source(%dma_start3A_184 : memref<64xi32, #tpu.memory_space<hbm>>) target(%arg10 : memref<64xi32, #tpu.memory_space<vmem>>) target_semaphore(%run_scoped3A : memref<!tpu.dma_semaphore, #tpu.memory_space<semaphore_mem>>)
          %dma_wait3A_185 = tpu.memref_slice %arg3[%add3A_153] : memref<335872xi32, #tpu.memory_space<hbm>> -> memref<64xi32, #tpu.memory_space<hbm>>
          %dma_wait3A_186 = tpu.memref_slice %arg3[%add3A_153] : memref<335872xi32, #tpu.memory_space<hbm>> -> memref<64xi32, #tpu.memory_space<hbm>>
          tpu.wait_dma2 semaphore(%run_scoped3A : memref<!tpu.dma_semaphore, #tpu.memory_space<semaphore_mem>>) src(%dma_wait3A_186 : memref<64xi32, #tpu.memory_space<hbm>>) dst(%arg10 : memref<64xi32, #tpu.memory_space<vmem>>)
          tpu.yield
        }) : () -> ()
        %dma_start3A_154 = arith.constant 0 : i32
        %dma_start3A_155 = arith.constant 0 : i32
        %dma_start3A_156 = tpu.memref_slice %arg4[%dma_start3A_154, %dma_start3A_155] : memref<10112x64xi32, #tpu.memory_space<hbm>> -> memref<10112x64xi32, #tpu.memory_space<hbm>>
        tpu.enqueue_indirect_dma source(%dma_start3A_156 : memref<10112x64xi32, #tpu.memory_space<hbm>>) target(%arg11 : memref<64x64xi32, #tpu.memory_space<vmem>>) offsets(%arg9 : memref<64xi32, #tpu.memory_space<vmem>>) semaphore(%arg25 : memref<!tpu.dma_semaphore, #tpu.memory_space<semaphore_mem>>)
        %dma_start3A_157 = arith.constant 0 : i32
        %dma_start3A_158 = arith.constant 0 : i32
        %dma_start3A_159 = tpu.memref_slice %arg5[%dma_start3A_157, %dma_start3A_158] : memref<10112x16xf32, #tpu.memory_space<hbm>> -> memref<10112x16xf32, #tpu.memory_space<hbm>>
        tpu.enqueue_indirect_dma source(%dma_start3A_159 : memref<10112x16xf32, #tpu.memory_space<hbm>>) target(%arg13 : memref<64x16xf32, #tpu.memory_space<vmem>>) offsets(%arg9 : memref<64xi32, #tpu.memory_space<vmem>>) semaphore(%arg25 : memref<!tpu.dma_semaphore, #tpu.memory_space<semaphore_mem>>)
        %dma_start3A_160 = arith.constant 0 : i32
        %dma_start3A_161 = arith.constant 0 : i32
        %dma_start3A_162 = tpu.memref_slice %arg6[%dma_start3A_160, %dma_start3A_161] : memref<10112x16xf32, #tpu.memory_space<hbm>> -> memref<10112x16xf32, #tpu.memory_space<hbm>>
        tpu.enqueue_indirect_dma source(%dma_start3A_162 : memref<10112x16xf32, #tpu.memory_space<hbm>>) target(%arg14 : memref<64x16xf32, #tpu.memory_space<vmem>>) offsets(%arg10 : memref<64xi32, #tpu.memory_space<vmem>>) semaphore(%arg25 : memref<!tpu.dma_semaphore, #tpu.memory_space<semaphore_mem>>)
        %dma_wait3A_163 = arith.constant 0 : i32
        %dma_wait3A_164 = arith.constant 0 : i32
        %dma_wait3A_165 = tpu.memref_slice %arg23[%dma_wait3A_163, %dma_wait3A_164] : memref<10112x128xf32, #tpu.memory_space<vmem_shared>> -> memref<10112x128xf32, #tpu.memory_space<vmem_shared>>
        tpu.wait_indirect_dma semaphore(%arg28 : memref<!tpu.dma_semaphore, #tpu.memory_space<semaphore_mem>>) src(%arg19 : memref<64x128xf32, #tpu.memory_space<vmem>>) dst(%dma_wait3A_165 : memref<10112x128xf32, #tpu.memory_space<vmem_shared>>)
        %dma_wait3A_166 = arith.constant 0 : i32
        %dma_wait3A_167 = arith.constant 0 : i32
        %dma_wait3A_168 = tpu.memref_slice %arg24[%dma_wait3A_166, %dma_wait3A_167] : memref<10112x16xf32, #tpu.memory_space<vmem_shared>> -> memref<10112x16xf32, #tpu.memory_space<vmem_shared>>
        tpu.wait_indirect_dma semaphore(%arg28 : memref<!tpu.dma_semaphore, #tpu.memory_space<semaphore_mem>>) src(%arg22 : memref<64x16xf32, #tpu.memory_space<vmem>>) dst(%dma_wait3A_168 : memref<10112x16xf32, #tpu.memory_space<vmem_shared>>)
        %add3A_169 = arith.constant 3 : i32
        %add3A_170 = arith.addi %mul3A_104, %add3A_169 : i32
        %mul3A_171 = arith.constant 64 : i32
        %mul3A_172 = arith.muli %add3A_170, %mul3A_171 : i32
        %add3A_173 = arith.addi %select_n3A, %mul3A_172 : i32
        "tpu.region"() ({
          %run_scoped3A = tpu.sem_alloc : memref<!tpu.dma_semaphore, #tpu.memory_space<semaphore_mem>>
          %dma_start3A_183 = tpu.memref_slice %arg2[%add3A_173] : memref<335872xi32, #tpu.memory_space<hbm>> -> memref<64xi32, #tpu.memory_space<hbm>>
          %dma_start3A_184 = tpu.memref_slice %arg2[%add3A_173] : memref<335872xi32, #tpu.memory_space<hbm>> -> memref<64xi32, #tpu.memory_space<hbm>>
          tpu.enqueue_dma source(%dma_start3A_184 : memref<64xi32, #tpu.memory_space<hbm>>) target(%arg16 : memref<64xi32, #tpu.memory_space<vmem>>) target_semaphore(%run_scoped3A : memref<!tpu.dma_semaphore, #tpu.memory_space<semaphore_mem>>)
          %dma_wait3A_185 = tpu.memref_slice %arg2[%add3A_173] : memref<335872xi32, #tpu.memory_space<hbm>> -> memref<64xi32, #tpu.memory_space<hbm>>
          %dma_wait3A_186 = tpu.memref_slice %arg2[%add3A_173] : memref<335872xi32, #tpu.memory_space<hbm>> -> memref<64xi32, #tpu.memory_space<hbm>>
          tpu.wait_dma2 semaphore(%run_scoped3A : memref<!tpu.dma_semaphore, #tpu.memory_space<semaphore_mem>>) src(%dma_wait3A_186 : memref<64xi32, #tpu.memory_space<hbm>>) dst(%arg16 : memref<64xi32, #tpu.memory_space<vmem>>)
          tpu.yield
        }) : () -> ()
        "tpu.region"() ({
          %run_scoped3A = tpu.sem_alloc : memref<!tpu.dma_semaphore, #tpu.memory_space<semaphore_mem>>
          %dma_start3A_183 = tpu.memref_slice %arg3[%add3A_173] : memref<335872xi32, #tpu.memory_space<hbm>> -> memref<64xi32, #tpu.memory_space<hbm>>
          %dma_start3A_184 = tpu.memref_slice %arg3[%add3A_173] : memref<335872xi32, #tpu.memory_space<hbm>> -> memref<64xi32, #tpu.memory_space<hbm>>
          tpu.enqueue_dma source(%dma_start3A_184 : memref<64xi32, #tpu.memory_space<hbm>>) target(%arg17 : memref<64xi32, #tpu.memory_space<vmem>>) target_semaphore(%run_scoped3A : memref<!tpu.dma_semaphore, #tpu.memory_space<semaphore_mem>>)
          %dma_wait3A_185 = tpu.memref_slice %arg3[%add3A_173] : memref<335872xi32, #tpu.memory_space<hbm>> -> memref<64xi32, #tpu.memory_space<hbm>>
          %dma_wait3A_186 = tpu.memref_slice %arg3[%add3A_173] : memref<335872xi32, #tpu.memory_space<hbm>> -> memref<64xi32, #tpu.memory_space<hbm>>
          tpu.wait_dma2 semaphore(%run_scoped3A : memref<!tpu.dma_semaphore, #tpu.memory_space<semaphore_mem>>) src(%dma_wait3A_186 : memref<64xi32, #tpu.memory_space<hbm>>) dst(%arg17 : memref<64xi32, #tpu.memory_space<vmem>>)
          tpu.yield
        }) : () -> ()
        %dma_start3A_174 = arith.constant 0 : i32
        %dma_start3A_175 = arith.constant 0 : i32
        %dma_start3A_176 = tpu.memref_slice %arg4[%dma_start3A_174, %dma_start3A_175] : memref<10112x64xi32, #tpu.memory_space<hbm>> -> memref<10112x64xi32, #tpu.memory_space<hbm>>
        tpu.enqueue_indirect_dma source(%dma_start3A_176 : memref<10112x64xi32, #tpu.memory_space<hbm>>) target(%arg18 : memref<64x64xi32, #tpu.memory_space<vmem>>) offsets(%arg16 : memref<64xi32, #tpu.memory_space<vmem>>) semaphore(%arg26 : memref<!tpu.dma_semaphore, #tpu.memory_space<semaphore_mem>>)
        %dma_start3A_177 = arith.constant 0 : i32
        %dma_start3A_178 = arith.constant 0 : i32
        %dma_start3A_179 = tpu.memref_slice %arg5[%dma_start3A_177, %dma_start3A_178] : memref<10112x16xf32, #tpu.memory_space<hbm>> -> memref<10112x16xf32, #tpu.memory_space<hbm>>
        tpu.enqueue_indirect_dma source(%dma_start3A_179 : memref<10112x16xf32, #tpu.memory_space<hbm>>) target(%arg20 : memref<64x16xf32, #tpu.memory_space<vmem>>) offsets(%arg16 : memref<64xi32, #tpu.memory_space<vmem>>) semaphore(%arg26 : memref<!tpu.dma_semaphore, #tpu.memory_space<semaphore_mem>>)
        %dma_start3A_180 = arith.constant 0 : i32
        %dma_start3A_181 = arith.constant 0 : i32
        %dma_start3A_182 = tpu.memref_slice %arg6[%dma_start3A_180, %dma_start3A_181] : memref<10112x16xf32, #tpu.memory_space<hbm>> -> memref<10112x16xf32, #tpu.memory_space<hbm>>
        tpu.enqueue_indirect_dma source(%dma_start3A_182 : memref<10112x16xf32, #tpu.memory_space<hbm>>) target(%arg21 : memref<64x16xf32, #tpu.memory_space<vmem>>) offsets(%arg17 : memref<64xi32, #tpu.memory_space<vmem>>) semaphore(%arg26 : memref<!tpu.dma_semaphore, #tpu.memory_space<semaphore_mem>>)
      } else {
      }
      %while3A_142 = arith.constant 0 : i32
      scf.yield %while3A_142 : i32
    }
    %while3A_87 = arith.constant 1 : i32
    %while3A_88 = scf.for %while3A_101 = %while3A_84 to %while3A_80 step %while3A_87 iter_args(%while3A_102 = %while3A_86) -> (i32)  : i32 {
      %mul3A_103 = arith.constant 2 : i32
      %mul3A_104 = arith.muli %mul3A_103, %while3A_101 : i32
      %dma_wait3A_105 = arith.constant 0 : i32
      %dma_wait3A_106 = arith.constant 0 : i32
      %dma_wait3A_107 = tpu.memref_slice %arg4[%dma_wait3A_105, %dma_wait3A_106] : memref<10112x64xi32, #tpu.memory_space<hbm>> -> memref<10112x64xi32, #tpu.memory_space<hbm>>
      tpu.wait_indirect_dma semaphore(%arg25 : memref<!tpu.dma_semaphore, #tpu.memory_space<semaphore_mem>>) src(%dma_wait3A_107 : memref<10112x64xi32, #tpu.memory_space<hbm>>) dst(%arg11 : memref<64x64xi32, #tpu.memory_space<vmem>>)
      %dma_wait3A_108 = arith.constant 0 : i32
      %dma_wait3A_109 = arith.constant 0 : i32
      %dma_wait3A_110 = tpu.memref_slice %arg5[%dma_wait3A_108, %dma_wait3A_109] : memref<10112x16xf32, #tpu.memory_space<hbm>> -> memref<10112x16xf32, #tpu.memory_space<hbm>>
      tpu.wait_indirect_dma semaphore(%arg25 : memref<!tpu.dma_semaphore, #tpu.memory_space<semaphore_mem>>) src(%dma_wait3A_110 : memref<10112x16xf32, #tpu.memory_space<hbm>>) dst(%arg13 : memref<64x16xf32, #tpu.memory_space<vmem>>)
      %dma_wait3A_111 = arith.constant 0 : i32
      %dma_wait3A_112 = arith.constant 0 : i32
      %dma_wait3A_113 = tpu.memref_slice %arg6[%dma_wait3A_111, %dma_wait3A_112] : memref<10112x16xf32, #tpu.memory_space<hbm>> -> memref<10112x16xf32, #tpu.memory_space<hbm>>
      tpu.wait_indirect_dma semaphore(%arg25 : memref<!tpu.dma_semaphore, #tpu.memory_space<semaphore_mem>>) src(%dma_wait3A_113 : memref<10112x16xf32, #tpu.memory_space<hbm>>) dst(%arg14 : memref<64x16xf32, #tpu.memory_space<vmem>>)
      %parallel_loop3A = arith.constant 0 : i32
      %parallel_loop3A_114 = arith.constant 64 : i32
      %parallel_loop3A_115 = arith.constant 1 : i32
      scf.for %parallel_loop3A_143 = %parallel_loop3A to %parallel_loop3A_114 step %parallel_loop3A_115  : i32 {
        %parallel_loop3A_144 = arith.index_cast %parallel_loop3A_143 : i32 to index
        %parallel_loop3A_145 = arith.constant 0 : index
        %parallel_loop3A_146 = tpu.vector_load %arg13[%parallel_loop3A_144, %parallel_loop3A_145] {strides = array<i32>} : memref<64x16xf32, #tpu.memory_space<vmem>>, vector<16xf32>,
        %parallel_loop3A_147 = arith.index_cast %parallel_loop3A_143 : i32 to index
        %parallel_loop3A_148 = arith.constant 0 : index
        %parallel_loop3A_149 = tpu.vector_load %arg14[%parallel_loop3A_147, %parallel_loop3A_148] {strides = array<i32>} : memref<64x16xf32, #tpu.memory_space<vmem>>, vector<16xf32>,
        %parallel_loop3A_150 = arith.addf %parallel_loop3A_146, %parallel_loop3A_149 : vector<16xf32>
        %parallel_loop3A_151 = arith.constant 2.000000e-01 : f32
        %parallel_loop3A_152 = vector.broadcast %parallel_loop3A_151 : f32 to vector<16xf32>
        %parallel_loop3A_153 = arith.mulf %parallel_loop3A_152, %parallel_loop3A_150 : vector<16xf32>
        %parallel_loop3A_154 = arith.maximumf %parallel_loop3A_150, %parallel_loop3A_153 : vector<16xf32>
        %parallel_loop3A_155 = math.exp %parallel_loop3A_154 : vector<16xf32>
        %parallel_loop3A_156 = arith.index_cast %parallel_loop3A_143 : i32 to index
        %parallel_loop3A_157 = arith.constant 0 : index
        %parallel_loop3A_158 = tpu.vector_load %arg15[%parallel_loop3A_156, %parallel_loop3A_157] {strides = array<i32>} : memref<64x16xf32, #tpu.memory_space<vmem>>, vector<16xf32>,
        tpu.vector_store %arg15[%parallel_loop3A_156, %parallel_loop3A_157], %parallel_loop3A_155 {strides = array<i32>} : memref<64x16xf32, #tpu.memory_space<vmem>>, vector<16xf32>,
        %parallel_loop3A_159 = arith.index_cast %parallel_loop3A_143 : i32 to index
        %parallel_loop3A_160 = arith.constant 0 : index
        %parallel_loop3A_161 = tpu.vector_load %arg11[%parallel_loop3A_159, %parallel_loop3A_160] {strides = array<i32>} : memref<64x64xi32, #tpu.memory_space<vmem>>, vector<16xi32>,
        %parallel_loop3A_162 = arith.constant 16 : i32
        %parallel_loop3A_163 = vector.broadcast %parallel_loop3A_162 : i32 to vector<16xi32>
        %parallel_loop3A_164 = arith.shli %parallel_loop3A_161, %parallel_loop3A_163 : vector<16xi32>
        %parallel_loop3A_165 = vector.bitcast %parallel_loop3A_164 : vector<16xi32> to vector<16xf32>
        %parallel_loop3A_166 = arith.constant -65536 : i32
        %parallel_loop3A_167 = vector.broadcast %parallel_loop3A_166 : i32 to vector<16xi32>
        %parallel_loop3A_168 = arith.andi %parallel_loop3A_161, %parallel_loop3A_167 : vector<16xi32>
        %parallel_loop3A_169 = vector.bitcast %parallel_loop3A_168 : vector<16xi32> to vector<16xf32>
        %parallel_loop3A_170 = arith.constant 0 : i32
        %parallel_loop3A_171 = vector.broadcast %parallel_loop3A_170 : i32 to vector<16x1xi32>
        %parallel_loop3A_172 = vector.shape_cast %parallel_loop3A_171 : vector<16x1xi32> to vector<16xi32>
        %parallel_loop3A_173 = tpu.dynamic_gather %parallel_loop3A_155[%parallel_loop3A_172] in [0] : vector<16xf32>, vector<16xi32> -> vector<16xf32>
        %parallel_loop3A_174 = arith.mulf %parallel_loop3A_165, %parallel_loop3A_173 : vector<16xf32>
        %parallel_loop3A_175 = arith.index_cast %parallel_loop3A_143 : i32 to index
        %parallel_loop3A_176 = arith.constant 0 : index
        %parallel_loop3A_177 = tpu.vector_load %arg12[%parallel_loop3A_175, %parallel_loop3A_176] {strides = array<i32>} : memref<64x128xf32, #tpu.memory_space<vmem>>, vector<16xf32>,
        tpu.vector_store %arg12[%parallel_loop3A_175, %parallel_loop3A_176], %parallel_loop3A_174 {strides = array<i32>} : memref<64x128xf32, #tpu.memory_space<vmem>>, vector<16xf32>,
        %parallel_loop3A_178 = arith.constant 1 : i32
        %parallel_loop3A_179 = vector.broadcast %parallel_loop3A_178 : i32 to vector<16x1xi32>
        %parallel_loop3A_180 = vector.shape_cast %parallel_loop3A_179 : vector<16x1xi32> to vector<16xi32>
        %parallel_loop3A_181 = tpu.dynamic_gather %parallel_loop3A_155[%parallel_loop3A_180] in [0] : vector<16xf32>, vector<16xi32> -> vector<16xf32>
        %parallel_loop3A_182 = arith.mulf %parallel_loop3A_169, %parallel_loop3A_181 : vector<16xf32>
        %parallel_loop3A_183 = arith.index_cast %parallel_loop3A_143 : i32 to index
        %parallel_loop3A_184 = arith.constant 16 : index
        %parallel_loop3A_185 = tpu.vector_load %arg12[%parallel_loop3A_183, %parallel_loop3A_184] {strides = array<i32>} : memref<64x128xf32, #tpu.memory_space<vmem>>, vector<16xf32>,
        tpu.vector_store %arg12[%parallel_loop3A_183, %parallel_loop3A_184], %parallel_loop3A_182 {strides = array<i32>} : memref<64x128xf32, #tpu.memory_space<vmem>>, vector<16xf32>,
        %parallel_loop3A_186 = arith.index_cast %parallel_loop3A_143 : i32 to index
        %parallel_loop3A_187 = arith.constant 16 : index
        %parallel_loop3A_188 = tpu.vector_load %arg11[%parallel_loop3A_186, %parallel_loop3A_187] {strides = array<i32>} : memref<64x64xi32, #tpu.memory_space<vmem>>, vector<16xi32>,
        %parallel_loop3A_189 = arith.constant 16 : i32
        %parallel_loop3A_190 = vector.broadcast %parallel_loop3A_189 : i32 to vector<16xi32>
        %parallel_loop3A_191 = arith.shli %parallel_loop3A_188, %parallel_loop3A_190 : vector<16xi32>
        %parallel_loop3A_192 = vector.bitcast %parallel_loop3A_191 : vector<16xi32> to vector<16xf32>
        %parallel_loop3A_193 = arith.constant -65536 : i32
        %parallel_loop3A_194 = vector.broadcast %parallel_loop3A_193 : i32 to vector<16xi32>
        %parallel_loop3A_195 = arith.andi %parallel_loop3A_188, %parallel_loop3A_194 : vector<16xi32>
        %parallel_loop3A_196 = vector.bitcast %parallel_loop3A_195 : vector<16xi32> to vector<16xf32>
        %parallel_loop3A_197 = arith.constant 2 : i32
        %parallel_loop3A_198 = vector.broadcast %parallel_loop3A_197 : i32 to vector<16x1xi32>
        %parallel_loop3A_199 = vector.shape_cast %parallel_loop3A_198 : vector<16x1xi32> to vector<16xi32>
        %parallel_loop3A_200 = tpu.dynamic_gather %parallel_loop3A_155[%parallel_loop3A_199] in [0] : vector<16xf32>, vector<16xi32> -> vector<16xf32>
        %parallel_loop3A_201 = arith.mulf %parallel_loop3A_192, %parallel_loop3A_200 : vector<16xf32>
        %parallel_loop3A_202 = arith.index_cast %parallel_loop3A_143 : i32 to index
        %parallel_loop3A_203 = arith.constant 32 : index
        %parallel_loop3A_204 = tpu.vector_load %arg12[%parallel_loop3A_202, %parallel_loop3A_203] {strides = array<i32>} : memref<64x128xf32, #tpu.memory_space<vmem>>, vector<16xf32>,
        tpu.vector_store %arg12[%parallel_loop3A_202, %parallel_loop3A_203], %parallel_loop3A_201 {strides = array<i32>} : memref<64x128xf32, #tpu.memory_space<vmem>>, vector<16xf32>,
        %parallel_loop3A_205 = arith.constant 3 : i32
        %parallel_loop3A_206 = vector.broadcast %parallel_loop3A_205 : i32 to vector<16x1xi32>
        %parallel_loop3A_207 = vector.shape_cast %parallel_loop3A_206 : vector<16x1xi32> to vector<16xi32>
        %parallel_loop3A_208 = tpu.dynamic_gather %parallel_loop3A_155[%parallel_loop3A_207] in [0] : vector<16xf32>, vector<16xi32> -> vector<16xf32>
        %parallel_loop3A_209 = arith.mulf %parallel_loop3A_196, %parallel_loop3A_208 : vector<16xf32>
        %parallel_loop3A_210 = arith.index_cast %parallel_loop3A_143 : i32 to index
        %parallel_loop3A_211 = arith.constant 48 : index
        %parallel_loop3A_212 = tpu.vector_load %arg12[%parallel_loop3A_210, %parallel_loop3A_211] {strides = array<i32>} : memref<64x128xf32, #tpu.memory_space<vmem>>, vector<16xf32>,
        tpu.vector_store %arg12[%parallel_loop3A_210, %parallel_loop3A_211], %parallel_loop3A_209 {strides = array<i32>} : memref<64x128xf32, #tpu.memory_space<vmem>>, vector<16xf32>,
        %parallel_loop3A_213 = arith.index_cast %parallel_loop3A_143 : i32 to index
        %parallel_loop3A_214 = arith.constant 32 : index
        %parallel_loop3A_215 = tpu.vector_load %arg11[%parallel_loop3A_213, %parallel_loop3A_214] {strides = array<i32>} : memref<64x64xi32, #tpu.memory_space<vmem>>, vector<16xi32>,
        %parallel_loop3A_216 = arith.constant 16 : i32
        %parallel_loop3A_217 = vector.broadcast %parallel_loop3A_216 : i32 to vector<16xi32>
        %parallel_loop3A_218 = arith.shli %parallel_loop3A_215, %parallel_loop3A_217 : vector<16xi32>
        %parallel_loop3A_219 = vector.bitcast %parallel_loop3A_218 : vector<16xi32> to vector<16xf32>
        %parallel_loop3A_220 = arith.constant -65536 : i32
        %parallel_loop3A_221 = vector.broadcast %parallel_loop3A_220 : i32 to vector<16xi32>
        %parallel_loop3A_222 = arith.andi %parallel_loop3A_215, %parallel_loop3A_221 : vector<16xi32>
        %parallel_loop3A_223 = vector.bitcast %parallel_loop3A_222 : vector<16xi32> to vector<16xf32>
        %parallel_loop3A_224 = arith.constant 4 : i32
        %parallel_loop3A_225 = vector.broadcast %parallel_loop3A_224 : i32 to vector<16x1xi32>
        %parallel_loop3A_226 = vector.shape_cast %parallel_loop3A_225 : vector<16x1xi32> to vector<16xi32>
        %parallel_loop3A_227 = tpu.dynamic_gather %parallel_loop3A_155[%parallel_loop3A_226] in [0] : vector<16xf32>, vector<16xi32> -> vector<16xf32>
        %parallel_loop3A_228 = arith.mulf %parallel_loop3A_219, %parallel_loop3A_227 : vector<16xf32>
        %parallel_loop3A_229 = arith.index_cast %parallel_loop3A_143 : i32 to index
        %parallel_loop3A_230 = arith.constant 64 : index
        %parallel_loop3A_231 = tpu.vector_load %arg12[%parallel_loop3A_229, %parallel_loop3A_230] {strides = array<i32>} : memref<64x128xf32, #tpu.memory_space<vmem>>, vector<16xf32>,
        tpu.vector_store %arg12[%parallel_loop3A_229, %parallel_loop3A_230], %parallel_loop3A_228 {strides = array<i32>} : memref<64x128xf32, #tpu.memory_space<vmem>>, vector<16xf32>,
        %parallel_loop3A_232 = arith.constant 5 : i32
        %parallel_loop3A_233 = vector.broadcast %parallel_loop3A_232 : i32 to vector<16x1xi32>
        %parallel_loop3A_234 = vector.shape_cast %parallel_loop3A_233 : vector<16x1xi32> to vector<16xi32>
        %parallel_loop3A_235 = tpu.dynamic_gather %parallel_loop3A_155[%parallel_loop3A_234] in [0] : vector<16xf32>, vector<16xi32> -> vector<16xf32>
        %parallel_loop3A_236 = arith.mulf %parallel_loop3A_223, %parallel_loop3A_235 : vector<16xf32>
        %parallel_loop3A_237 = arith.index_cast %parallel_loop3A_143 : i32 to index
        %parallel_loop3A_238 = arith.constant 80 : index
        %parallel_loop3A_239 = tpu.vector_load %arg12[%parallel_loop3A_237, %parallel_loop3A_238] {strides = array<i32>} : memref<64x128xf32, #tpu.memory_space<vmem>>, vector<16xf32>,
        tpu.vector_store %arg12[%parallel_loop3A_237, %parallel_loop3A_238], %parallel_loop3A_236 {strides = array<i32>} : memref<64x128xf32, #tpu.memory_space<vmem>>, vector<16xf32>,
        %parallel_loop3A_240 = arith.index_cast %parallel_loop3A_143 : i32 to index
        %parallel_loop3A_241 = arith.constant 48 : index
        %parallel_loop3A_242 = tpu.vector_load %arg11[%parallel_loop3A_240, %parallel_loop3A_241] {strides = array<i32>} : memref<64x64xi32, #tpu.memory_space<vmem>>, vector<16xi32>,
        %parallel_loop3A_243 = arith.constant 16 : i32
        %parallel_loop3A_244 = vector.broadcast %parallel_loop3A_243 : i32 to vector<16xi32>
        %parallel_loop3A_245 = arith.shli %parallel_loop3A_242, %parallel_loop3A_244 : vector<16xi32>
        %parallel_loop3A_246 = vector.bitcast %parallel_loop3A_245 : vector<16xi32> to vector<16xf32>
        %parallel_loop3A_247 = arith.constant -65536 : i32
        %parallel_loop3A_248 = vector.broadcast %parallel_loop3A_247 : i32 to vector<16xi32>
        %parallel_loop3A_249 = arith.andi %parallel_loop3A_242, %parallel_loop3A_248 : vector<16xi32>
        %parallel_loop3A_250 = vector.bitcast %parallel_loop3A_249 : vector<16xi32> to vector<16xf32>
        %parallel_loop3A_251 = arith.constant 6 : i32
        %parallel_loop3A_252 = vector.broadcast %parallel_loop3A_251 : i32 to vector<16x1xi32>
        %parallel_loop3A_253 = vector.shape_cast %parallel_loop3A_252 : vector<16x1xi32> to vector<16xi32>
        %parallel_loop3A_254 = tpu.dynamic_gather %parallel_loop3A_155[%parallel_loop3A_253] in [0] : vector<16xf32>, vector<16xi32> -> vector<16xf32>
        %parallel_loop3A_255 = arith.mulf %parallel_loop3A_246, %parallel_loop3A_254 : vector<16xf32>
        %parallel_loop3A_256 = arith.index_cast %parallel_loop3A_143 : i32 to index
        %parallel_loop3A_257 = arith.constant 96 : index
        %parallel_loop3A_258 = tpu.vector_load %arg12[%parallel_loop3A_256, %parallel_loop3A_257] {strides = array<i32>} : memref<64x128xf32, #tpu.memory_space<vmem>>, vector<16xf32>,
        tpu.vector_store %arg12[%parallel_loop3A_256, %parallel_loop3A_257], %parallel_loop3A_255 {strides = array<i32>} : memref<64x128xf32, #tpu.memory_space<vmem>>, vector<16xf32>,
        %parallel_loop3A_259 = arith.constant 7 : i32
        %parallel_loop3A_260 = vector.broadcast %parallel_loop3A_259 : i32 to vector<16x1xi32>
        %parallel_loop3A_261 = vector.shape_cast %parallel_loop3A_260 : vector<16x1xi32> to vector<16xi32>
        %parallel_loop3A_262 = tpu.dynamic_gather %parallel_loop3A_155[%parallel_loop3A_261] in [0] : vector<16xf32>, vector<16xi32> -> vector<16xf32>
        %parallel_loop3A_263 = arith.mulf %parallel_loop3A_250, %parallel_loop3A_262 : vector<16xf32>
        %parallel_loop3A_264 = arith.index_cast %parallel_loop3A_143 : i32 to index
        %parallel_loop3A_265 = arith.constant 112 : index
        %parallel_loop3A_266 = tpu.vector_load %arg12[%parallel_loop3A_264, %parallel_loop3A_265] {strides = array<i32>} : memref<64x128xf32, #tpu.memory_space<vmem>>, vector<16xf32>,
        tpu.vector_store %arg12[%parallel_loop3A_264, %parallel_loop3A_265], %parallel_loop3A_263 {strides = array<i32>} : memref<64x128xf32, #tpu.memory_space<vmem>>, vector<16xf32>,
      } {sc.loop_unroll_factor = 8 : i64, sc.parallel_access}
      %dma_start3A_116 = arith.constant 0 : i32
      %dma_start3A_117 = arith.constant 0 : i32
      %dma_start3A_118 = tpu.memref_slice %arg23[%dma_start3A_116, %dma_start3A_117] : memref<10112x128xf32, #tpu.memory_space<vmem_shared>> -> memref<10112x128xf32, #tpu.memory_space<vmem_shared>>
      tpu.enqueue_indirect_dma source(%arg12 : memref<64x128xf32, #tpu.memory_space<vmem>>) target(%dma_start3A_118 : memref<10112x128xf32, #tpu.memory_space<vmem_shared>>) offsets(%arg10 : memref<64xi32, #tpu.memory_space<vmem>>) semaphore(%arg27 : memref<!tpu.dma_semaphore, #tpu.memory_space<semaphore_mem>>) {add = true}
      %dma_start3A_119 = arith.constant 0 : i32
      %dma_start3A_120 = arith.constant 0 : i32
      %dma_start3A_121 = tpu.memref_slice %arg24[%dma_start3A_119, %dma_start3A_120] : memref<10112x16xf32, #tpu.memory_space<vmem_shared>> -> memref<10112x16xf32, #tpu.memory_space<vmem_shared>>
      tpu.enqueue_indirect_dma source(%arg15 : memref<64x16xf32, #tpu.memory_space<vmem>>) target(%dma_start3A_121 : memref<10112x16xf32, #tpu.memory_space<vmem_shared>>) offsets(%arg10 : memref<64xi32, #tpu.memory_space<vmem>>) semaphore(%arg27 : memref<!tpu.dma_semaphore, #tpu.memory_space<semaphore_mem>>) {add = true}
      %dma_wait3A_122 = arith.constant 0 : i32
      %dma_wait3A_123 = arith.constant 0 : i32
      %dma_wait3A_124 = tpu.memref_slice %arg4[%dma_wait3A_122, %dma_wait3A_123] : memref<10112x64xi32, #tpu.memory_space<hbm>> -> memref<10112x64xi32, #tpu.memory_space<hbm>>
      tpu.wait_indirect_dma semaphore(%arg26 : memref<!tpu.dma_semaphore, #tpu.memory_space<semaphore_mem>>) src(%dma_wait3A_124 : memref<10112x64xi32, #tpu.memory_space<hbm>>) dst(%arg18 : memref<64x64xi32, #tpu.memory_space<vmem>>)
      %dma_wait3A_125 = arith.constant 0 : i32
      %dma_wait3A_126 = arith.constant 0 : i32
      %dma_wait3A_127 = tpu.memref_slice %arg5[%dma_wait3A_125, %dma_wait3A_126] : memref<10112x16xf32, #tpu.memory_space<hbm>> -> memref<10112x16xf32, #tpu.memory_space<hbm>>
      tpu.wait_indirect_dma semaphore(%arg26 : memref<!tpu.dma_semaphore, #tpu.memory_space<semaphore_mem>>) src(%dma_wait3A_127 : memref<10112x16xf32, #tpu.memory_space<hbm>>) dst(%arg20 : memref<64x16xf32, #tpu.memory_space<vmem>>)
      %dma_wait3A_128 = arith.constant 0 : i32
      %dma_wait3A_129 = arith.constant 0 : i32
      %dma_wait3A_130 = tpu.memref_slice %arg6[%dma_wait3A_128, %dma_wait3A_129] : memref<10112x16xf32, #tpu.memory_space<hbm>> -> memref<10112x16xf32, #tpu.memory_space<hbm>>
      tpu.wait_indirect_dma semaphore(%arg26 : memref<!tpu.dma_semaphore, #tpu.memory_space<semaphore_mem>>) src(%dma_wait3A_130 : memref<10112x16xf32, #tpu.memory_space<hbm>>) dst(%arg21 : memref<64x16xf32, #tpu.memory_space<vmem>>)
      %parallel_loop3A_131 = arith.constant 0 : i32
      %parallel_loop3A_132 = arith.constant 64 : i32
      %parallel_loop3A_133 = arith.constant 1 : i32
      scf.for %parallel_loop3A_143 = %parallel_loop3A_131 to %parallel_loop3A_132 step %parallel_loop3A_133  : i32 {
        %parallel_loop3A_144 = arith.index_cast %parallel_loop3A_143 : i32 to index
        %parallel_loop3A_145 = arith.constant 0 : index
        %parallel_loop3A_146 = tpu.vector_load %arg20[%parallel_loop3A_144, %parallel_loop3A_145] {strides = array<i32>} : memref<64x16xf32, #tpu.memory_space<vmem>>, vector<16xf32>,
        %parallel_loop3A_147 = arith.index_cast %parallel_loop3A_143 : i32 to index
        %parallel_loop3A_148 = arith.constant 0 : index
        %parallel_loop3A_149 = tpu.vector_load %arg21[%parallel_loop3A_147, %parallel_loop3A_148] {strides = array<i32>} : memref<64x16xf32, #tpu.memory_space<vmem>>, vector<16xf32>,
        %parallel_loop3A_150 = arith.addf %parallel_loop3A_146, %parallel_loop3A_149 : vector<16xf32>
        %parallel_loop3A_151 = arith.constant 2.000000e-01 : f32
        %parallel_loop3A_152 = vector.broadcast %parallel_loop3A_151 : f32 to vector<16xf32>
        %parallel_loop3A_153 = arith.mulf %parallel_loop3A_152, %parallel_loop3A_150 : vector<16xf32>
        %parallel_loop3A_154 = arith.maximumf %parallel_loop3A_150, %parallel_loop3A_153 : vector<16xf32>
        %parallel_loop3A_155 = math.exp %parallel_loop3A_154 : vector<16xf32>
        %parallel_loop3A_156 = arith.index_cast %parallel_loop3A_143 : i32 to index
        %parallel_loop3A_157 = arith.constant 0 : index
        %parallel_loop3A_158 = tpu.vector_load %arg22[%parallel_loop3A_156, %parallel_loop3A_157] {strides = array<i32>} : memref<64x16xf32, #tpu.memory_space<vmem>>, vector<16xf32>,
        tpu.vector_store %arg22[%parallel_loop3A_156, %parallel_loop3A_157], %parallel_loop3A_155 {strides = array<i32>} : memref<64x16xf32, #tpu.memory_space<vmem>>, vector<16xf32>,
        %parallel_loop3A_159 = arith.index_cast %parallel_loop3A_143 : i32 to index
        %parallel_loop3A_160 = arith.constant 0 : index
        %parallel_loop3A_161 = tpu.vector_load %arg18[%parallel_loop3A_159, %parallel_loop3A_160] {strides = array<i32>} : memref<64x64xi32, #tpu.memory_space<vmem>>, vector<16xi32>,
        %parallel_loop3A_162 = arith.constant 16 : i32
        %parallel_loop3A_163 = vector.broadcast %parallel_loop3A_162 : i32 to vector<16xi32>
        %parallel_loop3A_164 = arith.shli %parallel_loop3A_161, %parallel_loop3A_163 : vector<16xi32>
        %parallel_loop3A_165 = vector.bitcast %parallel_loop3A_164 : vector<16xi32> to vector<16xf32>
        %parallel_loop3A_166 = arith.constant -65536 : i32
        %parallel_loop3A_167 = vector.broadcast %parallel_loop3A_166 : i32 to vector<16xi32>
        %parallel_loop3A_168 = arith.andi %parallel_loop3A_161, %parallel_loop3A_167 : vector<16xi32>
        %parallel_loop3A_169 = vector.bitcast %parallel_loop3A_168 : vector<16xi32> to vector<16xf32>
        %parallel_loop3A_170 = arith.constant 0 : i32
        %parallel_loop3A_171 = vector.broadcast %parallel_loop3A_170 : i32 to vector<16x1xi32>
        %parallel_loop3A_172 = vector.shape_cast %parallel_loop3A_171 : vector<16x1xi32> to vector<16xi32>
        %parallel_loop3A_173 = tpu.dynamic_gather %parallel_loop3A_155[%parallel_loop3A_172] in [0] : vector<16xf32>, vector<16xi32> -> vector<16xf32>
        %parallel_loop3A_174 = arith.mulf %parallel_loop3A_165, %parallel_loop3A_173 : vector<16xf32>
        %parallel_loop3A_175 = arith.index_cast %parallel_loop3A_143 : i32 to index
        %parallel_loop3A_176 = arith.constant 0 : index
        %parallel_loop3A_177 = tpu.vector_load %arg19[%parallel_loop3A_175, %parallel_loop3A_176] {strides = array<i32>} : memref<64x128xf32, #tpu.memory_space<vmem>>, vector<16xf32>,
        tpu.vector_store %arg19[%parallel_loop3A_175, %parallel_loop3A_176], %parallel_loop3A_174 {strides = array<i32>} : memref<64x128xf32, #tpu.memory_space<vmem>>, vector<16xf32>,
        %parallel_loop3A_178 = arith.constant 1 : i32
        %parallel_loop3A_179 = vector.broadcast %parallel_loop3A_178 : i32 to vector<16x1xi32>
        %parallel_loop3A_180 = vector.shape_cast %parallel_loop3A_179 : vector<16x1xi32> to vector<16xi32>
        %parallel_loop3A_181 = tpu.dynamic_gather %parallel_loop3A_155[%parallel_loop3A_180] in [0] : vector<16xf32>, vector<16xi32> -> vector<16xf32>
        %parallel_loop3A_182 = arith.mulf %parallel_loop3A_169, %parallel_loop3A_181 : vector<16xf32>
        %parallel_loop3A_183 = arith.index_cast %parallel_loop3A_143 : i32 to index
        %parallel_loop3A_184 = arith.constant 16 : index
        %parallel_loop3A_185 = tpu.vector_load %arg19[%parallel_loop3A_183, %parallel_loop3A_184] {strides = array<i32>} : memref<64x128xf32, #tpu.memory_space<vmem>>, vector<16xf32>,
        tpu.vector_store %arg19[%parallel_loop3A_183, %parallel_loop3A_184], %parallel_loop3A_182 {strides = array<i32>} : memref<64x128xf32, #tpu.memory_space<vmem>>, vector<16xf32>,
        %parallel_loop3A_186 = arith.index_cast %parallel_loop3A_143 : i32 to index
        %parallel_loop3A_187 = arith.constant 16 : index
        %parallel_loop3A_188 = tpu.vector_load %arg18[%parallel_loop3A_186, %parallel_loop3A_187] {strides = array<i32>} : memref<64x64xi32, #tpu.memory_space<vmem>>, vector<16xi32>,
        %parallel_loop3A_189 = arith.constant 16 : i32
        %parallel_loop3A_190 = vector.broadcast %parallel_loop3A_189 : i32 to vector<16xi32>
        %parallel_loop3A_191 = arith.shli %parallel_loop3A_188, %parallel_loop3A_190 : vector<16xi32>
        %parallel_loop3A_192 = vector.bitcast %parallel_loop3A_191 : vector<16xi32> to vector<16xf32>
        %parallel_loop3A_193 = arith.constant -65536 : i32
        %parallel_loop3A_194 = vector.broadcast %parallel_loop3A_193 : i32 to vector<16xi32>
        %parallel_loop3A_195 = arith.andi %parallel_loop3A_188, %parallel_loop3A_194 : vector<16xi32>
        %parallel_loop3A_196 = vector.bitcast %parallel_loop3A_195 : vector<16xi32> to vector<16xf32>
        %parallel_loop3A_197 = arith.constant 2 : i32
        %parallel_loop3A_198 = vector.broadcast %parallel_loop3A_197 : i32 to vector<16x1xi32>
        %parallel_loop3A_199 = vector.shape_cast %parallel_loop3A_198 : vector<16x1xi32> to vector<16xi32>
        %parallel_loop3A_200 = tpu.dynamic_gather %parallel_loop3A_155[%parallel_loop3A_199] in [0] : vector<16xf32>, vector<16xi32> -> vector<16xf32>
        %parallel_loop3A_201 = arith.mulf %parallel_loop3A_192, %parallel_loop3A_200 : vector<16xf32>
        %parallel_loop3A_202 = arith.index_cast %parallel_loop3A_143 : i32 to index
        %parallel_loop3A_203 = arith.constant 32 : index
        %parallel_loop3A_204 = tpu.vector_load %arg19[%parallel_loop3A_202, %parallel_loop3A_203] {strides = array<i32>} : memref<64x128xf32, #tpu.memory_space<vmem>>, vector<16xf32>,
        tpu.vector_store %arg19[%parallel_loop3A_202, %parallel_loop3A_203], %parallel_loop3A_201 {strides = array<i32>} : memref<64x128xf32, #tpu.memory_space<vmem>>, vector<16xf32>,
        %parallel_loop3A_205 = arith.constant 3 : i32
        %parallel_loop3A_206 = vector.broadcast %parallel_loop3A_205 : i32 to vector<16x1xi32>
        %parallel_loop3A_207 = vector.shape_cast %parallel_loop3A_206 : vector<16x1xi32> to vector<16xi32>
        %parallel_loop3A_208 = tpu.dynamic_gather %parallel_loop3A_155[%parallel_loop3A_207] in [0] : vector<16xf32>, vector<16xi32> -> vector<16xf32>
        %parallel_loop3A_209 = arith.mulf %parallel_loop3A_196, %parallel_loop3A_208 : vector<16xf32>
        %parallel_loop3A_210 = arith.index_cast %parallel_loop3A_143 : i32 to index
        %parallel_loop3A_211 = arith.constant 48 : index
        %parallel_loop3A_212 = tpu.vector_load %arg19[%parallel_loop3A_210, %parallel_loop3A_211] {strides = array<i32>} : memref<64x128xf32, #tpu.memory_space<vmem>>, vector<16xf32>,
        tpu.vector_store %arg19[%parallel_loop3A_210, %parallel_loop3A_211], %parallel_loop3A_209 {strides = array<i32>} : memref<64x128xf32, #tpu.memory_space<vmem>>, vector<16xf32>,
        %parallel_loop3A_213 = arith.index_cast %parallel_loop3A_143 : i32 to index
        %parallel_loop3A_214 = arith.constant 32 : index
        %parallel_loop3A_215 = tpu.vector_load %arg18[%parallel_loop3A_213, %parallel_loop3A_214] {strides = array<i32>} : memref<64x64xi32, #tpu.memory_space<vmem>>, vector<16xi32>,
        %parallel_loop3A_216 = arith.constant 16 : i32
        %parallel_loop3A_217 = vector.broadcast %parallel_loop3A_216 : i32 to vector<16xi32>
        %parallel_loop3A_218 = arith.shli %parallel_loop3A_215, %parallel_loop3A_217 : vector<16xi32>
        %parallel_loop3A_219 = vector.bitcast %parallel_loop3A_218 : vector<16xi32> to vector<16xf32>
        %parallel_loop3A_220 = arith.constant -65536 : i32
        %parallel_loop3A_221 = vector.broadcast %parallel_loop3A_220 : i32 to vector<16xi32>
        %parallel_loop3A_222 = arith.andi %parallel_loop3A_215, %parallel_loop3A_221 : vector<16xi32>
        %parallel_loop3A_223 = vector.bitcast %parallel_loop3A_222 : vector<16xi32> to vector<16xf32>
        %parallel_loop3A_224 = arith.constant 4 : i32
        %parallel_loop3A_225 = vector.broadcast %parallel_loop3A_224 : i32 to vector<16x1xi32>
        %parallel_loop3A_226 = vector.shape_cast %parallel_loop3A_225 : vector<16x1xi32> to vector<16xi32>
        %parallel_loop3A_227 = tpu.dynamic_gather %parallel_loop3A_155[%parallel_loop3A_226] in [0] : vector<16xf32>, vector<16xi32> -> vector<16xf32>
        %parallel_loop3A_228 = arith.mulf %parallel_loop3A_219, %parallel_loop3A_227 : vector<16xf32>
        %parallel_loop3A_229 = arith.index_cast %parallel_loop3A_143 : i32 to index
        %parallel_loop3A_230 = arith.constant 64 : index
        %parallel_loop3A_231 = tpu.vector_load %arg19[%parallel_loop3A_229, %parallel_loop3A_230] {strides = array<i32>} : memref<64x128xf32, #tpu.memory_space<vmem>>, vector<16xf32>,
        tpu.vector_store %arg19[%parallel_loop3A_229, %parallel_loop3A_230], %parallel_loop3A_228 {strides = array<i32>} : memref<64x128xf32, #tpu.memory_space<vmem>>, vector<16xf32>,
        %parallel_loop3A_232 = arith.constant 5 : i32
        %parallel_loop3A_233 = vector.broadcast %parallel_loop3A_232 : i32 to vector<16x1xi32>
        %parallel_loop3A_234 = vector.shape_cast %parallel_loop3A_233 : vector<16x1xi32> to vector<16xi32>
        %parallel_loop3A_235 = tpu.dynamic_gather %parallel_loop3A_155[%parallel_loop3A_234] in [0] : vector<16xf32>, vector<16xi32> -> vector<16xf32>
        %parallel_loop3A_236 = arith.mulf %parallel_loop3A_223, %parallel_loop3A_235 : vector<16xf32>
        %parallel_loop3A_237 = arith.index_cast %parallel_loop3A_143 : i32 to index
        %parallel_loop3A_238 = arith.constant 80 : index
        %parallel_loop3A_239 = tpu.vector_load %arg19[%parallel_loop3A_237, %parallel_loop3A_238] {strides = array<i32>} : memref<64x128xf32, #tpu.memory_space<vmem>>, vector<16xf32>,
        tpu.vector_store %arg19[%parallel_loop3A_237, %parallel_loop3A_238], %parallel_loop3A_236 {strides = array<i32>} : memref<64x128xf32, #tpu.memory_space<vmem>>, vector<16xf32>,
        %parallel_loop3A_240 = arith.index_cast %parallel_loop3A_143 : i32 to index
        %parallel_loop3A_241 = arith.constant 48 : index
        %parallel_loop3A_242 = tpu.vector_load %arg18[%parallel_loop3A_240, %parallel_loop3A_241] {strides = array<i32>} : memref<64x64xi32, #tpu.memory_space<vmem>>, vector<16xi32>,
        %parallel_loop3A_243 = arith.constant 16 : i32
        %parallel_loop3A_244 = vector.broadcast %parallel_loop3A_243 : i32 to vector<16xi32>
        %parallel_loop3A_245 = arith.shli %parallel_loop3A_242, %parallel_loop3A_244 : vector<16xi32>
        %parallel_loop3A_246 = vector.bitcast %parallel_loop3A_245 : vector<16xi32> to vector<16xf32>
        %parallel_loop3A_247 = arith.constant -65536 : i32
        %parallel_loop3A_248 = vector.broadcast %parallel_loop3A_247 : i32 to vector<16xi32>
        %parallel_loop3A_249 = arith.andi %parallel_loop3A_242, %parallel_loop3A_248 : vector<16xi32>
        %parallel_loop3A_250 = vector.bitcast %parallel_loop3A_249 : vector<16xi32> to vector<16xf32>
        %parallel_loop3A_251 = arith.constant 6 : i32
        %parallel_loop3A_252 = vector.broadcast %parallel_loop3A_251 : i32 to vector<16x1xi32>
        %parallel_loop3A_253 = vector.shape_cast %parallel_loop3A_252 : vector<16x1xi32> to vector<16xi32>
        %parallel_loop3A_254 = tpu.dynamic_gather %parallel_loop3A_155[%parallel_loop3A_253] in [0] : vector<16xf32>, vector<16xi32> -> vector<16xf32>
        %parallel_loop3A_255 = arith.mulf %parallel_loop3A_246, %parallel_loop3A_254 : vector<16xf32>
        %parallel_loop3A_256 = arith.index_cast %parallel_loop3A_143 : i32 to index
        %parallel_loop3A_257 = arith.constant 96 : index
        %parallel_loop3A_258 = tpu.vector_load %arg19[%parallel_loop3A_256, %parallel_loop3A_257] {strides = array<i32>} : memref<64x128xf32, #tpu.memory_space<vmem>>, vector<16xf32>,
        tpu.vector_store %arg19[%parallel_loop3A_256, %parallel_loop3A_257], %parallel_loop3A_255 {strides = array<i32>} : memref<64x128xf32, #tpu.memory_space<vmem>>, vector<16xf32>,
        %parallel_loop3A_259 = arith.constant 7 : i32
        %parallel_loop3A_260 = vector.broadcast %parallel_loop3A_259 : i32 to vector<16x1xi32>
        %parallel_loop3A_261 = vector.shape_cast %parallel_loop3A_260 : vector<16x1xi32> to vector<16xi32>
        %parallel_loop3A_262 = tpu.dynamic_gather %parallel_loop3A_155[%parallel_loop3A_261] in [0] : vector<16xf32>, vector<16xi32> -> vector<16xf32>
        %parallel_loop3A_263 = arith.mulf %parallel_loop3A_250, %parallel_loop3A_262 : vector<16xf32>
        %parallel_loop3A_264 = arith.index_cast %parallel_loop3A_143 : i32 to index
        %parallel_loop3A_265 = arith.constant 112 : index
        %parallel_loop3A_266 = tpu.vector_load %arg19[%parallel_loop3A_264, %parallel_loop3A_265] {strides = array<i32>} : memref<64x128xf32, #tpu.memory_space<vmem>>, vector<16xf32>,
        tpu.vector_store %arg19[%parallel_loop3A_264, %parallel_loop3A_265], %parallel_loop3A_263 {strides = array<i32>} : memref<64x128xf32, #tpu.memory_space<vmem>>, vector<16xf32>,
      } {sc.loop_unroll_factor = 8 : i64, sc.parallel_access}
      %dma_start3A_134 = arith.constant 0 : i32
      %dma_start3A_135 = arith.constant 0 : i32
      %dma_start3A_136 = tpu.memref_slice %arg23[%dma_start3A_134, %dma_start3A_135] : memref<10112x128xf32, #tpu.memory_space<vmem_shared>> -> memref<10112x128xf32, #tpu.memory_space<vmem_shared>>
      tpu.enqueue_indirect_dma source(%arg19 : memref<64x128xf32, #tpu.memory_space<vmem>>) target(%dma_start3A_136 : memref<10112x128xf32, #tpu.memory_space<vmem_shared>>) offsets(%arg17 : memref<64xi32, #tpu.memory_space<vmem>>) semaphore(%arg28 : memref<!tpu.dma_semaphore, #tpu.memory_space<semaphore_mem>>) {add = true}
      %dma_start3A_137 = arith.constant 0 : i32
      %dma_start3A_138 = arith.constant 0 : i32
      %dma_start3A_139 = tpu.memref_slice %arg24[%dma_start3A_137, %dma_start3A_138] : memref<10112x16xf32, #tpu.memory_space<vmem_shared>> -> memref<10112x16xf32, #tpu.memory_space<vmem_shared>>
      tpu.enqueue_indirect_dma source(%arg22 : memref<64x16xf32, #tpu.memory_space<vmem>>) target(%dma_start3A_139 : memref<10112x16xf32, #tpu.memory_space<vmem_shared>>) offsets(%arg17 : memref<64xi32, #tpu.memory_space<vmem>>) semaphore(%arg28 : memref<!tpu.dma_semaphore, #tpu.memory_space<semaphore_mem>>) {add = true}
      %sub3A = arith.constant 1 : i32
      %sub3A_140 = arith.subi %select_n3A_8, %sub3A : i32
      %lt3A = arith.cmpi slt, %while3A_101, %sub3A_140 : i32
      %convert_element_type3A = arith.extui %lt3A : i1 to i32
      %cond3A = arith.constant 0 : i32
      %cond3A_141 = arith.cmpi ne, %convert_element_type3A, %cond3A : i32
      scf.if %cond3A_141 {
        %dma_wait3A_143 = arith.constant 0 : i32
        %dma_wait3A_144 = arith.constant 0 : i32
        %dma_wait3A_145 = tpu.memref_slice %arg23[%dma_wait3A_143, %dma_wait3A_144] : memref<10112x128xf32, #tpu.memory_space<vmem_shared>> -> memref<10112x128xf32, #tpu.memory_space<vmem_shared>>
        tpu.wait_indirect_dma semaphore(%arg27 : memref<!tpu.dma_semaphore, #tpu.memory_space<semaphore_mem>>) src(%arg12 : memref<64x128xf32, #tpu.memory_space<vmem>>) dst(%dma_wait3A_145 : memref<10112x128xf32, #tpu.memory_space<vmem_shared>>)
        %dma_wait3A_146 = arith.constant 0 : i32
        %dma_wait3A_147 = arith.constant 0 : i32
        %dma_wait3A_148 = tpu.memref_slice %arg24[%dma_wait3A_146, %dma_wait3A_147] : memref<10112x16xf32, #tpu.memory_space<vmem_shared>> -> memref<10112x16xf32, #tpu.memory_space<vmem_shared>>
        tpu.wait_indirect_dma semaphore(%arg27 : memref<!tpu.dma_semaphore, #tpu.memory_space<semaphore_mem>>) src(%arg15 : memref<64x16xf32, #tpu.memory_space<vmem>>) dst(%dma_wait3A_148 : memref<10112x16xf32, #tpu.memory_space<vmem_shared>>)
        %add3A_149 = arith.constant 2 : i32
        %add3A_150 = arith.addi %mul3A_104, %add3A_149 : i32
        %mul3A_151 = arith.constant 64 : i32
        %mul3A_152 = arith.muli %add3A_150, %mul3A_151 : i32
        %add3A_153 = arith.addi %select_n3A, %mul3A_152 : i32
        "tpu.region"() ({
          %run_scoped3A = tpu.sem_alloc : memref<!tpu.dma_semaphore, #tpu.memory_space<semaphore_mem>>
          %dma_start3A_183 = tpu.memref_slice %arg2[%add3A_153] : memref<335872xi32, #tpu.memory_space<hbm>> -> memref<64xi32, #tpu.memory_space<hbm>>
          %dma_start3A_184 = tpu.memref_slice %arg2[%add3A_153] : memref<335872xi32, #tpu.memory_space<hbm>> -> memref<64xi32, #tpu.memory_space<hbm>>
          tpu.enqueue_dma source(%dma_start3A_184 : memref<64xi32, #tpu.memory_space<hbm>>) target(%arg9 : memref<64xi32, #tpu.memory_space<vmem>>) target_semaphore(%run_scoped3A : memref<!tpu.dma_semaphore, #tpu.memory_space<semaphore_mem>>)
          %dma_wait3A_185 = tpu.memref_slice %arg2[%add3A_153] : memref<335872xi32, #tpu.memory_space<hbm>> -> memref<64xi32, #tpu.memory_space<hbm>>
          %dma_wait3A_186 = tpu.memref_slice %arg2[%add3A_153] : memref<335872xi32, #tpu.memory_space<hbm>> -> memref<64xi32, #tpu.memory_space<hbm>>
          tpu.wait_dma2 semaphore(%run_scoped3A : memref<!tpu.dma_semaphore, #tpu.memory_space<semaphore_mem>>) src(%dma_wait3A_186 : memref<64xi32, #tpu.memory_space<hbm>>) dst(%arg9 : memref<64xi32, #tpu.memory_space<vmem>>)
          tpu.yield
        }) : () -> ()
        "tpu.region"() ({
          %run_scoped3A = tpu.sem_alloc : memref<!tpu.dma_semaphore, #tpu.memory_space<semaphore_mem>>
          %dma_start3A_183 = tpu.memref_slice %arg3[%add3A_153] : memref<335872xi32, #tpu.memory_space<hbm>> -> memref<64xi32, #tpu.memory_space<hbm>>
          %dma_start3A_184 = tpu.memref_slice %arg3[%add3A_153] : memref<335872xi32, #tpu.memory_space<hbm>> -> memref<64xi32, #tpu.memory_space<hbm>>
          tpu.enqueue_dma source(%dma_start3A_184 : memref<64xi32, #tpu.memory_space<hbm>>) target(%arg10 : memref<64xi32, #tpu.memory_space<vmem>>) target_semaphore(%run_scoped3A : memref<!tpu.dma_semaphore, #tpu.memory_space<semaphore_mem>>)
          %dma_wait3A_185 = tpu.memref_slice %arg3[%add3A_153] : memref<335872xi32, #tpu.memory_space<hbm>> -> memref<64xi32, #tpu.memory_space<hbm>>
          %dma_wait3A_186 = tpu.memref_slice %arg3[%add3A_153] : memref<335872xi32, #tpu.memory_space<hbm>> -> memref<64xi32, #tpu.memory_space<hbm>>
          tpu.wait_dma2 semaphore(%run_scoped3A : memref<!tpu.dma_semaphore, #tpu.memory_space<semaphore_mem>>) src(%dma_wait3A_186 : memref<64xi32, #tpu.memory_space<hbm>>) dst(%arg10 : memref<64xi32, #tpu.memory_space<vmem>>)
          tpu.yield
        }) : () -> ()
        %dma_start3A_154 = arith.constant 0 : i32
        %dma_start3A_155 = arith.constant 0 : i32
        %dma_start3A_156 = tpu.memref_slice %arg4[%dma_start3A_154, %dma_start3A_155] : memref<10112x64xi32, #tpu.memory_space<hbm>> -> memref<10112x64xi32, #tpu.memory_space<hbm>>
        tpu.enqueue_indirect_dma source(%dma_start3A_156 : memref<10112x64xi32, #tpu.memory_space<hbm>>) target(%arg11 : memref<64x64xi32, #tpu.memory_space<vmem>>) offsets(%arg9 : memref<64xi32, #tpu.memory_space<vmem>>) semaphore(%arg25 : memref<!tpu.dma_semaphore, #tpu.memory_space<semaphore_mem>>)
        %dma_start3A_157 = arith.constant 0 : i32
        %dma_start3A_158 = arith.constant 0 : i32
        %dma_start3A_159 = tpu.memref_slice %arg5[%dma_start3A_157, %dma_start3A_158] : memref<10112x16xf32, #tpu.memory_space<hbm>> -> memref<10112x16xf32, #tpu.memory_space<hbm>>
        tpu.enqueue_indirect_dma source(%dma_start3A_159 : memref<10112x16xf32, #tpu.memory_space<hbm>>) target(%arg13 : memref<64x16xf32, #tpu.memory_space<vmem>>) offsets(%arg9 : memref<64xi32, #tpu.memory_space<vmem>>) semaphore(%arg25 : memref<!tpu.dma_semaphore, #tpu.memory_space<semaphore_mem>>)
        %dma_start3A_160 = arith.constant 0 : i32
        %dma_start3A_161 = arith.constant 0 : i32
        %dma_start3A_162 = tpu.memref_slice %arg6[%dma_start3A_160, %dma_start3A_161] : memref<10112x16xf32, #tpu.memory_space<hbm>> -> memref<10112x16xf32, #tpu.memory_space<hbm>>
        tpu.enqueue_indirect_dma source(%dma_start3A_162 : memref<10112x16xf32, #tpu.memory_space<hbm>>) target(%arg14 : memref<64x16xf32, #tpu.memory_space<vmem>>) offsets(%arg10 : memref<64xi32, #tpu.memory_space<vmem>>) semaphore(%arg25 : memref<!tpu.dma_semaphore, #tpu.memory_space<semaphore_mem>>)
        %dma_wait3A_163 = arith.constant 0 : i32
        %dma_wait3A_164 = arith.constant 0 : i32
        %dma_wait3A_165 = tpu.memref_slice %arg23[%dma_wait3A_163, %dma_wait3A_164] : memref<10112x128xf32, #tpu.memory_space<vmem_shared>> -> memref<10112x128xf32, #tpu.memory_space<vmem_shared>>
        tpu.wait_indirect_dma semaphore(%arg28 : memref<!tpu.dma_semaphore, #tpu.memory_space<semaphore_mem>>) src(%arg19 : memref<64x128xf32, #tpu.memory_space<vmem>>) dst(%dma_wait3A_165 : memref<10112x128xf32, #tpu.memory_space<vmem_shared>>)
        %dma_wait3A_166 = arith.constant 0 : i32
        %dma_wait3A_167 = arith.constant 0 : i32
        %dma_wait3A_168 = tpu.memref_slice %arg24[%dma_wait3A_166, %dma_wait3A_167] : memref<10112x16xf32, #tpu.memory_space<vmem_shared>> -> memref<10112x16xf32, #tpu.memory_space<vmem_shared>>
        tpu.wait_indirect_dma semaphore(%arg28 : memref<!tpu.dma_semaphore, #tpu.memory_space<semaphore_mem>>) src(%arg22 : memref<64x16xf32, #tpu.memory_space<vmem>>) dst(%dma_wait3A_168 : memref<10112x16xf32, #tpu.memory_space<vmem_shared>>)
        %add3A_169 = arith.constant 3 : i32
        %add3A_170 = arith.addi %mul3A_104, %add3A_169 : i32
        %mul3A_171 = arith.constant 64 : i32
        %mul3A_172 = arith.muli %add3A_170, %mul3A_171 : i32
        %add3A_173 = arith.addi %select_n3A, %mul3A_172 : i32
        "tpu.region"() ({
          %run_scoped3A = tpu.sem_alloc : memref<!tpu.dma_semaphore, #tpu.memory_space<semaphore_mem>>
          %dma_start3A_183 = tpu.memref_slice %arg2[%add3A_173] : memref<335872xi32, #tpu.memory_space<hbm>> -> memref<64xi32, #tpu.memory_space<hbm>>
          %dma_start3A_184 = tpu.memref_slice %arg2[%add3A_173] : memref<335872xi32, #tpu.memory_space<hbm>> -> memref<64xi32, #tpu.memory_space<hbm>>
          tpu.enqueue_dma source(%dma_start3A_184 : memref<64xi32, #tpu.memory_space<hbm>>) target(%arg16 : memref<64xi32, #tpu.memory_space<vmem>>) target_semaphore(%run_scoped3A : memref<!tpu.dma_semaphore, #tpu.memory_space<semaphore_mem>>)
          %dma_wait3A_185 = tpu.memref_slice %arg2[%add3A_173] : memref<335872xi32, #tpu.memory_space<hbm>> -> memref<64xi32, #tpu.memory_space<hbm>>
          %dma_wait3A_186 = tpu.memref_slice %arg2[%add3A_173] : memref<335872xi32, #tpu.memory_space<hbm>> -> memref<64xi32, #tpu.memory_space<hbm>>
          tpu.wait_dma2 semaphore(%run_scoped3A : memref<!tpu.dma_semaphore, #tpu.memory_space<semaphore_mem>>) src(%dma_wait3A_186 : memref<64xi32, #tpu.memory_space<hbm>>) dst(%arg16 : memref<64xi32, #tpu.memory_space<vmem>>)
          tpu.yield
        }) : () -> ()
        "tpu.region"() ({
          %run_scoped3A = tpu.sem_alloc : memref<!tpu.dma_semaphore, #tpu.memory_space<semaphore_mem>>
          %dma_start3A_183 = tpu.memref_slice %arg3[%add3A_173] : memref<335872xi32, #tpu.memory_space<hbm>> -> memref<64xi32, #tpu.memory_space<hbm>>
          %dma_start3A_184 = tpu.memref_slice %arg3[%add3A_173] : memref<335872xi32, #tpu.memory_space<hbm>> -> memref<64xi32, #tpu.memory_space<hbm>>
          tpu.enqueue_dma source(%dma_start3A_184 : memref<64xi32, #tpu.memory_space<hbm>>) target(%arg17 : memref<64xi32, #tpu.memory_space<vmem>>) target_semaphore(%run_scoped3A : memref<!tpu.dma_semaphore, #tpu.memory_space<semaphore_mem>>)
          %dma_wait3A_185 = tpu.memref_slice %arg3[%add3A_173] : memref<335872xi32, #tpu.memory_space<hbm>> -> memref<64xi32, #tpu.memory_space<hbm>>
          %dma_wait3A_186 = tpu.memref_slice %arg3[%add3A_173] : memref<335872xi32, #tpu.memory_space<hbm>> -> memref<64xi32, #tpu.memory_space<hbm>>
          tpu.wait_dma2 semaphore(%run_scoped3A : memref<!tpu.dma_semaphore, #tpu.memory_space<semaphore_mem>>) src(%dma_wait3A_186 : memref<64xi32, #tpu.memory_space<hbm>>) dst(%arg17 : memref<64xi32, #tpu.memory_space<vmem>>)
          tpu.yield
        }) : () -> ()
        %dma_start3A_174 = arith.constant 0 : i32
        %dma_start3A_175 = arith.constant 0 : i32
        %dma_start3A_176 = tpu.memref_slice %arg4[%dma_start3A_174, %dma_start3A_175] : memref<10112x64xi32, #tpu.memory_space<hbm>> -> memref<10112x64xi32, #tpu.memory_space<hbm>>
        tpu.enqueue_indirect_dma source(%dma_start3A_176 : memref<10112x64xi32, #tpu.memory_space<hbm>>) target(%arg18 : memref<64x64xi32, #tpu.memory_space<vmem>>) offsets(%arg16 : memref<64xi32, #tpu.memory_space<vmem>>) semaphore(%arg26 : memref<!tpu.dma_semaphore, #tpu.memory_space<semaphore_mem>>)
        %dma_start3A_177 = arith.constant 0 : i32
        %dma_start3A_178 = arith.constant 0 : i32
        %dma_start3A_179 = tpu.memref_slice %arg5[%dma_start3A_177, %dma_start3A_178] : memref<10112x16xf32, #tpu.memory_space<hbm>> -> memref<10112x16xf32, #tpu.memory_space<hbm>>
        tpu.enqueue_indirect_dma source(%dma_start3A_179 : memref<10112x16xf32, #tpu.memory_space<hbm>>) target(%arg20 : memref<64x16xf32, #tpu.memory_space<vmem>>) offsets(%arg16 : memref<64xi32, #tpu.memory_space<vmem>>) semaphore(%arg26 : memref<!tpu.dma_semaphore, #tpu.memory_space<semaphore_mem>>)
        %dma_start3A_180 = arith.constant 0 : i32
        %dma_start3A_181 = arith.constant 0 : i32
        %dma_start3A_182 = tpu.memref_slice %arg6[%dma_start3A_180, %dma_start3A_181] : memref<10112x16xf32, #tpu.memory_space<hbm>> -> memref<10112x16xf32, #tpu.memory_space<hbm>>
        tpu.enqueue_indirect_dma source(%dma_start3A_182 : memref<10112x16xf32, #tpu.memory_space<hbm>>) target(%arg21 : memref<64x16xf32, #tpu.memory_space<vmem>>) offsets(%arg17 : memref<64xi32, #tpu.memory_space<vmem>>) semaphore(%arg26 : memref<!tpu.dma_semaphore, #tpu.memory_space<semaphore_mem>>)
      } else {
      }
      %while3A_142 = arith.constant 0 : i32
      scf.yield %while3A_142 : i32
    }
    %dma_wait3A = arith.constant 0 : i32
    %dma_wait3A_89 = arith.constant 0 : i32
    %dma_wait3A_90 = tpu.memref_slice %arg23[%dma_wait3A, %dma_wait3A_89] : memref<10112x128xf32, #tpu.memory_space<vmem_shared>> -> memref<10112x128xf32, #tpu.memory_space<vmem_shared>>
    tpu.wait_indirect_dma semaphore(%arg27 : memref<!tpu.dma_semaphore, #tpu.memory_space<semaphore_mem>>) src(%arg12 : memref<64x128xf32, #tpu.memory_space<vmem>>) dst(%dma_wait3A_90 : memref<10112x128xf32, #tpu.memory_space<vmem_shared>>)
    %dma_wait3A_91 = arith.constant 0 : i32
    %dma_wait3A_92 = arith.constant 0 : i32
    %dma_wait3A_93 = tpu.memref_slice %arg24[%dma_wait3A_91, %dma_wait3A_92] : memref<10112x16xf32, #tpu.memory_space<vmem_shared>> -> memref<10112x16xf32, #tpu.memory_space<vmem_shared>>
    tpu.wait_indirect_dma semaphore(%arg27 : memref<!tpu.dma_semaphore, #tpu.memory_space<semaphore_mem>>) src(%arg15 : memref<64x16xf32, #tpu.memory_space<vmem>>) dst(%dma_wait3A_93 : memref<10112x16xf32, #tpu.memory_space<vmem_shared>>)
    %dma_wait3A_94 = arith.constant 0 : i32
    %dma_wait3A_95 = arith.constant 0 : i32
    %dma_wait3A_96 = tpu.memref_slice %arg23[%dma_wait3A_94, %dma_wait3A_95] : memref<10112x128xf32, #tpu.memory_space<vmem_shared>> -> memref<10112x128xf32, #tpu.memory_space<vmem_shared>>
    tpu.wait_indirect_dma semaphore(%arg28 : memref<!tpu.dma_semaphore, #tpu.memory_space<semaphore_mem>>) src(%arg19 : memref<64x128xf32, #tpu.memory_space<vmem>>) dst(%dma_wait3A_96 : memref<10112x128xf32, #tpu.memory_space<vmem_shared>>)
    %dma_wait3A_97 = arith.constant 0 : i32
    %dma_wait3A_98 = arith.constant 0 : i32
    %dma_wait3A_99 = tpu.memref_slice %arg24[%dma_wait3A_97, %dma_wait3A_98] : memref<10112x16xf32, #tpu.memory_space<vmem_shared>> -> memref<10112x16xf32, #tpu.memory_space<vmem_shared>>
    tpu.wait_indirect_dma semaphore(%arg28 : memref<!tpu.dma_semaphore, #tpu.memory_space<semaphore_mem>>) src(%arg22 : memref<64x16xf32, #tpu.memory_space<vmem>>) dst(%dma_wait3A_99 : memref<10112x16xf32, #tpu.memory_space<vmem_shared>>)
    %barrier3A_100 = arith.constant 0 : index
    tpu.barrier barrier_id(%barrier3A_100)
    "tpu.region"() ({
      %run_scoped3A = tpu.sem_alloc : memref<!tpu.dma_semaphore, #tpu.memory_space<semaphore_mem>>
      %dma_start3A_101 = arith.constant 0 : i32
      %dma_start3A_102 = tpu.memref_slice %arg7[%arg0, %mul3A_16, %dma_start3A_101] : memref<2x10112x128xf32, #tpu.memory_space<hbm>> -> memref<1x632x128xf32, #tpu.memory_space<hbm>>
      %dma_start3A_103 = tpu.memref_squeeze %dma_start3A_102 : memref<1x632x128xf32, #tpu.memory_space<hbm>> -> memref<632x128xf32, #tpu.memory_space<hbm>>
      %dma_start3A_104 = arith.constant 0 : i32
      %dma_start3A_105 = tpu.memref_slice %arg23[%mul3A_16, %dma_start3A_104] : memref<10112x128xf32, #tpu.memory_space<vmem_shared>> -> memref<632x128xf32, #tpu.memory_space<vmem_shared>>
      tpu.enqueue_dma source(%dma_start3A_105 : memref<632x128xf32, #tpu.memory_space<vmem_shared>>) target(%dma_start3A_103 : memref<632x128xf32, #tpu.memory_space<hbm>>) target_semaphore(%run_scoped3A : memref<!tpu.dma_semaphore, #tpu.memory_space<semaphore_mem>>)
      %dma_wait3A_106 = arith.constant 0 : i32
      %dma_wait3A_107 = tpu.memref_slice %arg7[%arg0, %mul3A_16, %dma_wait3A_106] : memref<2x10112x128xf32, #tpu.memory_space<hbm>> -> memref<1x632x128xf32, #tpu.memory_space<hbm>>
      %dma_wait3A_108 = tpu.memref_squeeze %dma_wait3A_107 : memref<1x632x128xf32, #tpu.memory_space<hbm>> -> memref<632x128xf32, #tpu.memory_space<hbm>>
      %dma_wait3A_109 = arith.constant 0 : i32
      %dma_wait3A_110 = tpu.memref_slice %arg23[%mul3A_16, %dma_wait3A_109] : memref<10112x128xf32, #tpu.memory_space<vmem_shared>> -> memref<632x128xf32, #tpu.memory_space<vmem_shared>>
      tpu.wait_dma2 semaphore(%run_scoped3A : memref<!tpu.dma_semaphore, #tpu.memory_space<semaphore_mem>>) src(%dma_wait3A_110 : memref<632x128xf32, #tpu.memory_space<vmem_shared>>) dst(%dma_wait3A_108 : memref<632x128xf32, #tpu.memory_space<hbm>>)
      tpu.yield
    }) : () -> ()
    "tpu.region"() ({
      %run_scoped3A = tpu.sem_alloc : memref<!tpu.dma_semaphore, #tpu.memory_space<semaphore_mem>>
      %dma_start3A_101 = arith.constant 0 : i32
      %dma_start3A_102 = tpu.memref_slice %arg8[%arg0, %mul3A_16, %dma_start3A_101] : memref<2x10112x16xf32, #tpu.memory_space<hbm>> -> memref<1x632x16xf32, #tpu.memory_space<hbm>>
      %dma_start3A_103 = tpu.memref_squeeze %dma_start3A_102 : memref<1x632x16xf32, #tpu.memory_space<hbm>> -> memref<632x16xf32, #tpu.memory_space<hbm>>
      %dma_start3A_104 = arith.constant 0 : i32
      %dma_start3A_105 = tpu.memref_slice %arg24[%mul3A_16, %dma_start3A_104] : memref<10112x16xf32, #tpu.memory_space<vmem_shared>> -> memref<632x16xf32, #tpu.memory_space<vmem_shared>>
      tpu.enqueue_dma source(%dma_start3A_105 : memref<632x16xf32, #tpu.memory_space<vmem_shared>>) target(%dma_start3A_103 : memref<632x16xf32, #tpu.memory_space<hbm>>) target_semaphore(%run_scoped3A : memref<!tpu.dma_semaphore, #tpu.memory_space<semaphore_mem>>)
      %dma_wait3A_106 = arith.constant 0 : i32
      %dma_wait3A_107 = tpu.memref_slice %arg8[%arg0, %mul3A_16, %dma_wait3A_106] : memref<2x10112x16xf32, #tpu.memory_space<hbm>> -> memref<1x632x16xf32, #tpu.memory_space<hbm>>
      %dma_wait3A_108 = tpu.memref_squeeze %dma_wait3A_107 : memref<1x632x16xf32, #tpu.memory_space<hbm>> -> memref<632x16xf32, #tpu.memory_space<hbm>>
      %dma_wait3A_109 = arith.constant 0 : i32
      %dma_wait3A_110 = tpu.memref_slice %arg24[%mul3A_16, %dma_wait3A_109] : memref<10112x16xf32, #tpu.memory_space<vmem_shared>> -> memref<632x16xf32, #tpu.memory_space<vmem_shared>>
      tpu.wait_dma2 semaphore(%run_scoped3A : memref<!tpu.dma_semaphore, #tpu.memory_space<semaphore_mem>>) src(%dma_wait3A_110 : memref<632x16xf32, #tpu.memory_space<vmem_shared>>) dst(%dma_wait3A_108 : memref<632x16xf32, #tpu.memory_space<hbm>>)
      tpu.yield
    }) : () -> ()
    return
  }
}

module attributes {stable_mosaic.version = 14 : i64} {
  func.func @_tc1_body(%arg0: memref<10000x128xf32, #tpu.memory_space<vmem>>, %arg1: memref<128x128xf32, #tpu.memory_space<vmem>>, %arg2: memref<128x16xf32, #tpu.memory_space<vmem>>, %arg3: memref<128x16xf32, #tpu.memory_space<vmem>>, %arg4: memref<10112x128xf32, #tpu.memory_space<vmem>>, %arg5: memref<10112x16xf32, #tpu.memory_space<vmem>>, %arg6: memref<10112x16xf32, #tpu.memory_space<vmem>>) attributes {dimension_semantics = [], scalar_prefetch = 0 : i64, scratch_operands = 0 : i64, tpu.core_type = #tpu.core_type<tc>} {
    %get3A = arith.constant 0 : index
    %get3A_0 = arith.constant 0 : index
    %get3A_1 = vector.load %arg0[%get3A, %get3A_0] : memref<10000x128xf32, #tpu.memory_space<vmem>>, vector<10000x128xf32>
    %get3A_2 = arith.constant 0 : index
    %get3A_3 = arith.constant 0 : index
    %get3A_4 = vector.load %arg1[%get3A_2, %get3A_3] : memref<128x128xf32, #tpu.memory_space<vmem>>, vector<128x128xf32>
    %dot_general3A = arith.constant dense<0.000000e+00> : vector<10000x128xf32>
    %dot_general3A_5 = tpu.matmul %get3A_1, %get3A_4, %dot_general3A {dimension_numbers = #tpu.dot_dimension_numbers<[1], [0], [0], [1], [0, 0, 1, 1], [], []>, transpose_lhs_hint = false} : vector<10000x128xf32>, vector<128x128xf32>, vector<10000x128xf32> -> vector<10000x128xf32>
    %jit3A = arith.constant 0.000000e+00 : f32
    %pad3A = vector.broadcast %jit3A : f32 to vector<112x128xf32>
    %pad3A_6 = tpu.concatenate %dot_general3A_5, %pad3A in 0 : vector<10000x128xf32>, vector<112x128xf32> -> vector<10112x128xf32>
    %swap3A = arith.constant 0 : index
    %swap3A_7 = arith.constant 0 : index
    %swap3A_8 = vector.load %arg4[%swap3A, %swap3A_7] : memref<10112x128xf32, #tpu.memory_space<vmem>>, vector<10112x128xf32>
    tpu.vector_store %arg4[%swap3A, %swap3A_7], %pad3A_6 {strides = array<i32>} : memref<10112x128xf32, #tpu.memory_space<vmem>>, vector<10112x128xf32>,
    %get3A_9 = arith.constant 0 : index
    %get3A_10 = arith.constant 0 : index
    %get3A_11 = vector.load %arg2[%get3A_9, %get3A_10] : memref<128x16xf32, #tpu.memory_space<vmem>>, vector<128x16xf32>
    %dot_general3A_12 = arith.constant dense<0.000000e+00> : vector<10000x16xf32>
    %dot_general3A_13 = tpu.matmul %dot_general3A_5, %get3A_11, %dot_general3A_12 {dimension_numbers = #tpu.dot_dimension_numbers<[1], [0], [0], [1], [0, 0, 1, 1], [], []>, transpose_lhs_hint = false} : vector<10000x128xf32>, vector<128x16xf32>, vector<10000x16xf32> -> vector<10000x16xf32>
    %jit3A_14 = arith.constant -1.000000e+30 : f32
    %pad3A_15 = vector.broadcast %jit3A_14 : f32 to vector<112x16xf32>
    %pad3A_16 = tpu.concatenate %dot_general3A_13, %pad3A_15 in 0 : vector<10000x16xf32>, vector<112x16xf32> -> vector<10112x16xf32>
    %swap3A_17 = arith.constant 0 : index
    %swap3A_18 = arith.constant 0 : index
    %swap3A_19 = vector.load %arg5[%swap3A_17, %swap3A_18] : memref<10112x16xf32, #tpu.memory_space<vmem>>, vector<10112x16xf32>
    tpu.vector_store %arg5[%swap3A_17, %swap3A_18], %pad3A_16 {strides = array<i32>} : memref<10112x16xf32, #tpu.memory_space<vmem>>, vector<10112x16xf32>,
    %get3A_20 = arith.constant 0 : index
    %get3A_21 = arith.constant 0 : index
    %get3A_22 = vector.load %arg3[%get3A_20, %get3A_21] : memref<128x16xf32, #tpu.memory_space<vmem>>, vector<128x16xf32>
    %dot_general3A_23 = arith.constant dense<0.000000e+00> : vector<10000x16xf32>
    %dot_general3A_24 = tpu.matmul %dot_general3A_5, %get3A_22, %dot_general3A_23 {dimension_numbers = #tpu.dot_dimension_numbers<[1], [0], [0], [1], [0, 0, 1, 1], [], []>, transpose_lhs_hint = false} : vector<10000x128xf32>, vector<128x16xf32>, vector<10000x16xf32> -> vector<10000x16xf32>
    %jit3A_25 = arith.constant -1.000000e+30 : f32
    %pad3A_26 = vector.broadcast %jit3A_25 : f32 to vector<112x16xf32>
    %pad3A_27 = tpu.concatenate %dot_general3A_24, %pad3A_26 in 0 : vector<10000x16xf32>, vector<112x16xf32> -> vector<10112x16xf32>
    %swap3A_28 = arith.constant 0 : index
    %swap3A_29 = arith.constant 0 : index
    %swap3A_30 = vector.load %arg6[%swap3A_28, %swap3A_29] : memref<10112x16xf32, #tpu.memory_space<vmem>>, vector<10112x16xf32>
    tpu.vector_store %arg6[%swap3A_28, %swap3A_29], %pad3A_27 {strides = array<i32>} : memref<10112x16xf32, #tpu.memory_space<vmem>>, vector<10112x16xf32>,
    return
  }
}

module attributes {stable_mosaic.version = 14 : i64} {
  func.func @_tc2_body(%arg0: memref<2x10112x128xf32, #tpu.memory_space<vmem>>, %arg1: memref<2x10112x16xf32, #tpu.memory_space<vmem>>, %arg2: memref<16x128xf32, #tpu.memory_space<vmem>>, %arg3: memref<1x128xf32, #tpu.memory_space<vmem>>, %arg4: memref<128x16xf32, #tpu.memory_space<vmem>>, %arg5: memref<16x16xf32, #tpu.memory_space<vmem>>, %arg6: memref<16x16xf32, #tpu.memory_space<vmem>>, %arg7: memref<10112x16xf32, #tpu.memory_space<vmem>>, %arg8: memref<10112x16xf32, #tpu.memory_space<vmem>>, %arg9: memref<10112x16xf32, #tpu.memory_space<vmem>>) attributes {dimension_semantics = [], scalar_prefetch = 0 : i64, scratch_operands = 0 : i64, tpu.core_type = #tpu.core_type<tc>} {
    %get3A = arith.constant 0 : index
    %get3A_0 = arith.constant 0 : index
    %get3A_1 = arith.constant 0 : index
    %get3A_2 = vector.load %arg1[%get3A, %get3A_0, %get3A_1] : memref<2x10112x16xf32, #tpu.memory_space<vmem>>, vector<1x10000x16xf32>
    %get3A_3 = vector.shape_cast %get3A_2 : vector<1x10000x16xf32> to vector<10000x16xf32>
    %get3A_4 = arith.constant 1 : index
    %get3A_5 = arith.constant 0 : index
    %get3A_6 = arith.constant 0 : index
    %get3A_7 = vector.load %arg1[%get3A_4, %get3A_5, %get3A_6] : memref<2x10112x16xf32, #tpu.memory_space<vmem>>, vector<1x10000x16xf32>
    %get3A_8 = vector.shape_cast %get3A_7 : vector<1x10000x16xf32> to vector<10000x16xf32>
    %add3A = arith.addf %get3A_3, %get3A_8 : vector<10000x16xf32>
    %get3A_9 = arith.constant 0 : index
    %get3A_10 = arith.constant 0 : index
    %get3A_11 = vector.load %arg2[%get3A_9, %get3A_10] : memref<16x128xf32, #tpu.memory_space<vmem>>, vector<16x128xf32>
    %dot_general3A = arith.constant dense<0.000000e+00> : vector<10000x128xf32>
    %dot_general3A_12 = tpu.matmul %add3A, %get3A_11, %dot_general3A {dimension_numbers = #tpu.dot_dimension_numbers<[1], [0], [0], [1], [0, 0, 1, 1], [], []>, transpose_lhs_hint = false} : vector<10000x16xf32>, vector<16x128xf32>, vector<10000x128xf32> -> vector<10000x128xf32>
    %get3A_13 = arith.constant 0 : index
    %get3A_14 = arith.constant 0 : index
    %get3A_15 = arith.constant 0 : index
    %get3A_16 = vector.load %arg0[%get3A_13, %get3A_14, %get3A_15] : memref<2x10112x128xf32, #tpu.memory_space<vmem>>, vector<1x10000x128xf32>
    %get3A_17 = vector.shape_cast %get3A_16 : vector<1x10000x128xf32> to vector<10000x128xf32>
    %get3A_18 = arith.constant 1 : index
    %get3A_19 = arith.constant 0 : index
    %get3A_20 = arith.constant 0 : index
    %get3A_21 = vector.load %arg0[%get3A_18, %get3A_19, %get3A_20] : memref<2x10112x128xf32, #tpu.memory_space<vmem>>, vector<1x10000x128xf32>
    %get3A_22 = vector.shape_cast %get3A_21 : vector<1x10000x128xf32> to vector<10000x128xf32>
    %add3A_23 = arith.addf %get3A_17, %get3A_22 : vector<10000x128xf32>
    %div3A = arith.divf %add3A_23, %dot_general3A_12 : vector<10000x128xf32>
    %get3A_24 = arith.constant 0 : index
    %get3A_25 = arith.constant 0 : index
    %get3A_26 = vector.load %arg3[%get3A_24, %get3A_25] : memref<1x128xf32, #tpu.memory_space<vmem>>, vector<1x128xf32>
    %add3A_27 = vector.broadcast %get3A_26 : vector<1x128xf32> to vector<10000x128xf32>
    %add3A_28 = arith.addf %div3A, %add3A_27 : vector<10000x128xf32>
    %gt3A = arith.constant 0.000000e+00 : f32
    %gt3A_29 = vector.broadcast %gt3A : f32 to vector<10000x128xf32>
    %gt3A_30 = arith.cmpf ogt, %add3A_28, %gt3A_29 : vector<10000x128xf32>
    %exp3A = math.exp %add3A_28 : vector<10000x128xf32>
    %sub3A = arith.constant 1.000000e+00 : f32
    %sub3A_31 = vector.broadcast %sub3A : f32 to vector<10000x128xf32>
    %sub3A_32 = arith.subf %exp3A, %sub3A_31 : vector<10000x128xf32>
    %select_n3A = arith.select %gt3A_30, %add3A_28, %sub3A_32 : vector<10000x128xi1>, vector<10000x128xf32>
    %get3A_33 = arith.constant 0 : index
    %get3A_34 = arith.constant 0 : index
    %get3A_35 = vector.load %arg4[%get3A_33, %get3A_34] : memref<128x16xf32, #tpu.memory_space<vmem>>, vector<128x16xf32>
    %dot_general3A_36 = arith.constant dense<0.000000e+00> : vector<10000x16xf32>
    %dot_general3A_37 = tpu.matmul %select_n3A, %get3A_35, %dot_general3A_36 {dimension_numbers = #tpu.dot_dimension_numbers<[1], [0], [0], [1], [0, 0, 1, 1], [], []>, transpose_lhs_hint = false} : vector<10000x128xf32>, vector<128x16xf32>, vector<10000x16xf32> -> vector<10000x16xf32>
    %jit3A = arith.constant 0.000000e+00 : f32
    %pad3A = vector.broadcast %jit3A : f32 to vector<112x16xf32>
    %pad3A_38 = tpu.concatenate %dot_general3A_37, %pad3A in 0 : vector<10000x16xf32>, vector<112x16xf32> -> vector<10112x16xf32>
    %swap3A = arith.constant 0 : index
    %swap3A_39 = arith.constant 0 : index
    %swap3A_40 = vector.load %arg7[%swap3A, %swap3A_39] : memref<10112x16xf32, #tpu.memory_space<vmem>>, vector<10112x16xf32>
    tpu.vector_store %arg7[%swap3A, %swap3A_39], %pad3A_38 {strides = array<i32>} : memref<10112x16xf32, #tpu.memory_space<vmem>>, vector<10112x16xf32>,
    %get3A_41 = arith.constant 0 : index
    %get3A_42 = arith.constant 0 : index
    %get3A_43 = vector.load %arg5[%get3A_41, %get3A_42] : memref<16x16xf32, #tpu.memory_space<vmem>>, vector<16x16xf32>
    %dot_general3A_44 = arith.constant dense<0.000000e+00> : vector<10000x16xf32>
    %dot_general3A_45 = tpu.matmul %dot_general3A_37, %get3A_43, %dot_general3A_44 {dimension_numbers = #tpu.dot_dimension_numbers<[1], [0], [0], [1], [0, 0, 1, 1], [], []>, transpose_lhs_hint = false} : vector<10000x16xf32>, vector<16x16xf32>, vector<10000x16xf32> -> vector<10000x16xf32>
    %jit3A_46 = arith.constant -1.000000e+30 : f32
    %pad3A_47 = vector.broadcast %jit3A_46 : f32 to vector<112x16xf32>
    %pad3A_48 = tpu.concatenate %dot_general3A_45, %pad3A_47 in 0 : vector<10000x16xf32>, vector<112x16xf32> -> vector<10112x16xf32>
    %swap3A_49 = arith.constant 0 : index
    %swap3A_50 = arith.constant 0 : index
    %swap3A_51 = vector.load %arg8[%swap3A_49, %swap3A_50] : memref<10112x16xf32, #tpu.memory_space<vmem>>, vector<10112x16xf32>
    tpu.vector_store %arg8[%swap3A_49, %swap3A_50], %pad3A_48 {strides = array<i32>} : memref<10112x16xf32, #tpu.memory_space<vmem>>, vector<10112x16xf32>,
    %get3A_52 = arith.constant 0 : index
    %get3A_53 = arith.constant 0 : index
    %get3A_54 = vector.load %arg6[%get3A_52, %get3A_53] : memref<16x16xf32, #tpu.memory_space<vmem>>, vector<16x16xf32>
    %dot_general3A_55 = arith.constant dense<0.000000e+00> : vector<10000x16xf32>
    %dot_general3A_56 = tpu.matmul %dot_general3A_37, %get3A_54, %dot_general3A_55 {dimension_numbers = #tpu.dot_dimension_numbers<[1], [0], [0], [1], [0, 0, 1, 1], [], []>, transpose_lhs_hint = false} : vector<10000x16xf32>, vector<16x16xf32>, vector<10000x16xf32> -> vector<10000x16xf32>
    %jit3A_57 = arith.constant -1.000000e+30 : f32
    %pad3A_58 = vector.broadcast %jit3A_57 : f32 to vector<112x16xf32>
    %pad3A_59 = tpu.concatenate %dot_general3A_56, %pad3A_58 in 0 : vector<10000x16xf32>, vector<112x16xf32> -> vector<10112x16xf32>
    %swap3A_60 = arith.constant 0 : index
    %swap3A_61 = arith.constant 0 : index
    %swap3A_62 = vector.load %arg9[%swap3A_60, %swap3A_61] : memref<10112x16xf32, #tpu.memory_space<vmem>>, vector<10112x16xf32>
    tpu.vector_store %arg9[%swap3A_60, %swap3A_61], %pad3A_59 {strides = array<i32>} : memref<10112x16xf32, #tpu.memory_space<vmem>>, vector<10112x16xf32>,
    return
  }
}

module attributes {stable_mosaic.version = 14 : i64} {
  func.func @_tc3_body(%arg0: memref<2x10112x16xf32, #tpu.memory_space<vmem>>, %arg1: memref<2x10112x16xf32, #tpu.memory_space<vmem>>, %arg2: memref<1x16xf32, #tpu.memory_space<vmem>>, %arg3: memref<10000x16xf32, #tpu.memory_space<vmem>>, %arg4: memref<10000x16xf32, #tpu.memory_space<vmem>>) attributes {dimension_semantics = [], scalar_prefetch = 0 : i64, scratch_operands = 0 : i64, tpu.core_type = #tpu.core_type<tc>} {
    %get3A = arith.constant 0 : index
    %get3A_0 = arith.constant 0 : index
    %get3A_1 = arith.constant 0 : index
    %get3A_2 = vector.load %arg0[%get3A, %get3A_0, %get3A_1] : memref<2x10112x16xf32, #tpu.memory_space<vmem>>, vector<1x10000x16xf32>
    %get3A_3 = vector.shape_cast %get3A_2 : vector<1x10000x16xf32> to vector<10000x16xf32>
    %get3A_4 = arith.constant 1 : index
    %get3A_5 = arith.constant 0 : index
    %get3A_6 = arith.constant 0 : index
    %get3A_7 = vector.load %arg0[%get3A_4, %get3A_5, %get3A_6] : memref<2x10112x16xf32, #tpu.memory_space<vmem>>, vector<1x10000x16xf32>
    %get3A_8 = vector.shape_cast %get3A_7 : vector<1x10000x16xf32> to vector<10000x16xf32>
    %add3A = arith.addf %get3A_3, %get3A_8 : vector<10000x16xf32>
    %get3A_9 = arith.constant 0 : index
    %get3A_10 = arith.constant 0 : index
    %get3A_11 = arith.constant 0 : index
    %get3A_12 = vector.load %arg1[%get3A_9, %get3A_10, %get3A_11] : memref<2x10112x16xf32, #tpu.memory_space<vmem>>, vector<1x10000x16xf32>
    %get3A_13 = vector.shape_cast %get3A_12 : vector<1x10000x16xf32> to vector<10000x16xf32>
    %get3A_14 = arith.constant 1 : index
    %get3A_15 = arith.constant 0 : index
    %get3A_16 = arith.constant 0 : index
    %get3A_17 = vector.load %arg1[%get3A_14, %get3A_15, %get3A_16] : memref<2x10112x16xf32, #tpu.memory_space<vmem>>, vector<1x10000x16xf32>
    %get3A_18 = vector.shape_cast %get3A_17 : vector<1x10000x16xf32> to vector<10000x16xf32>
    %add3A_19 = arith.addf %get3A_13, %get3A_18 : vector<10000x16xf32>
    %div3A = arith.divf %add3A, %add3A_19 : vector<10000x16xf32>
    %get3A_20 = arith.constant 0 : index
    %get3A_21 = arith.constant 0 : index
    %get3A_22 = vector.load %arg2[%get3A_20, %get3A_21] : memref<1x16xf32, #tpu.memory_space<vmem>>, vector<1x16xf32>
    %add3A_23 = vector.broadcast %get3A_22 : vector<1x16xf32> to vector<10000x16xf32>
    %add3A_24 = arith.addf %div3A, %add3A_23 : vector<10000x16xf32>
    %swap3A = arith.constant 0 : index
    %swap3A_25 = arith.constant 0 : index
    %swap3A_26 = vector.load %arg3[%swap3A, %swap3A_25] : memref<10000x16xf32, #tpu.memory_space<vmem>>, vector<10000x16xf32>
    tpu.vector_store %arg3[%swap3A, %swap3A_25], %add3A_24 {strides = array<i32>} : memref<10000x16xf32, #tpu.memory_space<vmem>>, vector<10000x16xf32>,
    %reduce_max3A = arith.constant dense<0xFF800000> : vector<10000xf32>
    %reduce_max3A_27 = vector.multi_reduction <maximumf>, %add3A_24, %reduce_max3A [1] : vector<10000x16xf32> to vector<10000xf32>
    %broadcast_in_dim3A = vector.shape_cast %reduce_max3A_27 : vector<10000xf32> to vector<10000x1xf32>
    %sub3A = vector.broadcast %broadcast_in_dim3A : vector<10000x1xf32> to vector<10000x16xf32>
    %sub3A_28 = arith.subf %add3A_24, %sub3A : vector<10000x16xf32>
    %exp3A = math.exp %sub3A_28 : vector<10000x16xf32>
    %reduce_sum3A = arith.constant dense<0.000000e+00> : vector<10000xf32>
    %reduce_sum3A_29 = vector.multi_reduction <add>, %exp3A, %reduce_sum3A [1] : vector<10000x16xf32> to vector<10000xf32>
    %broadcast_in_dim3A_30 = vector.shape_cast %reduce_sum3A_29 : vector<10000xf32> to vector<10000x1xf32>
    %log3A = math.log %broadcast_in_dim3A_30 : vector<10000x1xf32>
    %add3A_31 = arith.addf %log3A, %broadcast_in_dim3A : vector<10000x1xf32>
    %sub3A_32 = vector.broadcast %add3A_31 : vector<10000x1xf32> to vector<10000x16xf32>
    %sub3A_33 = arith.subf %add3A_24, %sub3A_32 : vector<10000x16xf32>
    %swap3A_34 = arith.constant 0 : index
    %swap3A_35 = arith.constant 0 : index
    %swap3A_36 = vector.load %arg4[%swap3A_34, %swap3A_35] : memref<10000x16xf32, #tpu.memory_space<vmem>>, vector<10000x16xf32>
    tpu.vector_store %arg4[%swap3A_34, %swap3A_35], %sub3A_33 {strides = array<i32>} : memref<10000x16xf32, #tpu.memory_space<vmem>>, vector<10000x16xf32>,
    return
  }
}

</mosaic_0001>

<sc_bundles>
// kernel: kernel.10.cloned.1.call-start
scs
__scs_entry_jumppad:
0x0: {  	(pc) =	sbr.rel $0x88, $3  }
0x1: {  	(tag) =	ssettag $0x0;
	lr =	simm.s32 $0x1  }
0x2: {  	[smem:$0x3F97] =	sst lr;
	_ =	strace $0xD0000000  }
0x3: {  	_ = 	snop  }
0x4: {  	_ = 	snop  }
0x5: {  	_ = 	snop  }
0x6: {  	_ = 	snop  }
0x7: {  	_ = 	snop  }
__scs_overlays_trampoline_lowered:
0x8: {  	[smem:$0x3FA6] =	sst s0  }
0x9: {  	[smem:$0x3FA7] =	sst s1  }
0xa: {  	[smem:$0x3FA8] =	sst s2  }
0xb: {  	[smem:$0x3FA9] =	sst s3  }
0xc: {  	[smem:$0x3FAA] =	sst s4  }
0xd: {  	[smem:$0x3FAB] =	sst s5  }
0xe: {  	[smem:$0x3FAC] =	sst s6  }
0xf: {  	[smem:$0x3FAD] =	sst s7  }
0x10: {  	[smem:$0x3FAE] =	sst s8  }
0x11: {  	[smem:$0x3FAF] =	sst s9;
	s0 =	simm.s32 @!p0 $0x0  }
0x12: {  	s1 =	sld [smem:$0x3F95];
	s0 =	simm.s32 @p0 $0x1  }
0x13: {  	[smem:$0x3FB0] =	sst s0;
	s0 =	simm.s32 @!p1 $0x0  }
0x14: {  	s2 =	sld [smem:$0x3F94];
	s0 =	simm.s32 @p1 $0x1  }
0x15: {  	[smem:$0x3FB1] =	sst s0;
	s0 =	simm.s32 @!p2 $0x0  }
0x16: {  	s3 =	sld [smem:$0x3FDB];
	s0 =	simm.s32 @p2 $0x1  }
0x17: {  	s4 =	simm.s32 $0x1BF5;
	[smem:$0x3FB3] =	sst s0  }
0x18: {  	s0 =	sld [smem:$0x3F96];
	_ =	swait.ge [sflag:s4], $0x0  }
0x19: {  	s7 =	sld [smem:$0x3F97]  }
0x1a: {  	s8 =	sadd.s32 $0xFFFFE003, lr  }
0x1b: {  	s9 =	sadd.s32 $0xFFFFFEF7, lr;
	s5 =	simm.s32 $0xFFFFFFFF;
	p2 =	slt.u32 s8, $0xFFFFF086  }
0x1c: {  	p1 =	slt.u32 s9, $0xF7A;
	s5 =	simm.s32 @!p2 $0x0  }
0x1d: {  	s5 =	simm.s32 @p1 $0x1;
	p0 =	seq.s32 s7, s2  }
0x1e: {  	s7 =	smul.u32 @!p0 $0xF7A, s2;
	p2 =	seq.s32 @!p0 s5, $0x0  }
0x1f: {  	s9 =	smul.u32 $0xF7A, s1;
	s8 =	simm.s32 @!p0 $0x1BF5;
	p2 =	por !p2, p0  }
0x20: {  	[sflag:s8] =	ssyncset.s32 @!p0 $0xFFFFF086;
	s6 =	sadd.s32 @!p0 s3, s7;
	s7 =	simm.s32 @!p0 $0x108  }
0x21: {  	s3 =	sadd.s32 s3, s9;
	s6 =	sadd.s32 @!p0 $0x88, s6;
	s7 =	simm.s32 @p2 $0x1082  }
0x22: {  	[simem:s7], [sflag:s8] =	dma.local @!p0 [hbm:s6], $0xF7A  }
0x23: {  	s9 =	sor.u32 $0xD0000000, s2;
	s6 =	simm.s32 $0x108;
	_ =	swait.ge @!p0 [sflag:s8], $0x0  }
0x24: {  	s3 =	sadd.s32 $0x88, s3;
	s6 =	simm.s32 @!p1 $0x1082;
	[sflag:s4] =	ssyncset.s32 $0xFFFFF086  }
0x25: {  	[simem:s6], [sflag:s4] =	dma.local [hbm:s3], $0xF7A  }
0x26: {  	[smem:$0x3F97] =	sst s1;
	(tag) =	ssettag s2;
	_ =	strace s9  }
0x27: {  	s1 =	sld [smem:$0x3FA7]  }
0x28: {  	s2 =	sld [smem:$0x3FA8]  }
0x29: {  	s4 =	sld [smem:$0x3FAA]  }
0x2a: {  	p0 =	seq.s32 s5, $0x0;
	s5 =	sld [smem:$0x3FAB]  }
0x2b: {  	s6 =	sld [smem:$0x3FAC]  }
0x2c: {  	s7 =	sld [smem:$0x3FAD]  }
0x2d: {  	s3 =	simm.s32 $0x108;
	s8 =	sld [smem:$0x3FAE]  }
0x2e: {  	s3 =	simm.s32 @!p0 $0x1082;
	s9 =	sld [smem:$0x3FAF]  }
0x2f: {  	lr =	sadd.s32 s0, s3;
	s0 =	sld [smem:$0x3FA6]  }
0x30: {  	s3 =	sld [smem:$0x3FA9]  }
0x31: {  	[smem:$0x3FB2] =	sst s10  }
0x32: {  	s10 =	sld [smem:$0x3FB0];
	_ =	sdelay $0x3  }
0x33: {  	p0 =	seq.s32 s10, $0x1;
	s10 =	sld [smem:$0x3FB2];
	_ =	sdelay $0x3  }
0x34: {  	[smem:$0x3FB2] =	sst s10  }
0x35: {  	s10 =	sld [smem:$0x3FB1];
	_ =	sdelay $0x3  }
0x36: {  	p1 =	seq.s32 s10, $0x1;
	s10 =	sld [smem:$0x3FB2];
	_ =	sdelay $0x3  }
0x37: {  	[smem:$0x3FB2] =	sst s10  }
0x38: {  	s10 =	sld [smem:$0x3FB3]  }
0x39: {  	_ = 	snop;
	(pc) =	sbr.ind lr, $3  }
0x3a: {  	_ = 	snop  }
0x3b: {  	_ = 	snop  }
0x3c: {  	p2 =	seq.s32 s10, $0x1;
	s10 =	sld [smem:$0x3FB2]  }
0x3d: {  	_ =	shalt  }
0x3e: {  	_ =	shalt  }
0x3f: {  	_ =	shalt  }
0x40: {  	_ =	shalt  }
0x41: {  	_ =	shalt  }
0x42: {  	_ =	shalt  }
0x43: {  	_ =	shalt  }
0x44: {  	_ =	shalt  }
0x45: {  	_ =	shalt  }
0x46: {  	_ =	shalt  }
0x47: {  	_ =	shalt  }
0x48: {  	_ =	shalt  }
0x49: {  	_ =	shalt  }
0x4a: {  	_ =	shalt  }
0x4b: {  	_ =	shalt  }
0x4c: {  	_ =	shalt  }
0x4d: {  	_ =	shalt  }
0x4e: {  	_ =	shalt  }
0x4f: {  	_ =	shalt  }
0x50: {  	_ =	shalt  }
0x51: {  	_ =	shalt  }
0x52: {  	_ =	shalt  }
0x53: {  	_ =	shalt  }
0x54: {  	_ =	shalt  }
0x55: {  	_ =	shalt  }
0x56: {  	_ =	shalt  }
0x57: {  	_ =	shalt  }
0x58: {  	_ =	shalt  }
0x59: {  	_ =	shalt  }
0x5a: {  	_ =	shalt  }
0x5b: {  	_ =	shalt  }
0x5c: {  	_ =	shalt  }
0x5d: {  	_ =	shalt  }
0x5e: {  	_ =	shalt  }
0x5f: {  	_ =	shalt  }
0x60: {  	_ =	shalt  }
0x61: {  	_ =	shalt  }
0x62: {  	_ =	shalt  }
0x63: {  	_ =	shalt  }
0x64: {  	_ =	shalt  }
0x65: {  	_ =	shalt  }
0x66: {  	_ =	shalt  }
0x67: {  	_ =	shalt  }
0x68: {  	_ =	shalt  }
0x69: {  	_ =	shalt  }
0x6a: {  	_ =	shalt  }
0x6b: {  	_ =	shalt  }
0x6c: {  	_ =	shalt  }
0x6d: {  	_ =	shalt  }
0x6e: {  	_ =	shalt  }
0x6f: {  	_ =	shalt  }
0x70: {  	_ =	shalt  }
0x71: {  	_ =	shalt  }
0x72: {  	_ =	shalt  }
0x73: {  	_ =	shalt  }
0x74: {  	_ =	shalt  }
0x75: {  	_ =	shalt  }
0x76: {  	_ =	shalt  }
0x77: {  	_ =	shalt  }
0x78: {  	_ =	shalt  }
0x79: {  	_ =	shalt  }
0x7a: {  	_ =	shalt  }
0x7b: {  	_ =	shalt  }
0x7c: {  	_ =	shalt  }
0x7d: {  	_ =	shalt  }
0x7e: {  	_ =	shalt  }
0x7f: {  	_ =	shalt  }
0x80: {  	_ =	shalt  }
0x81: {  	_ =	shalt  }
0x82: {  	_ =	shalt  }
0x83: {  	_ =	shalt  }
0x84: {  	_ =	shalt  }
0x85: {  	_ =	shalt  }
0x86: {  	_ =	shalt  }
0x87: {  	_ =	shalt  }
.Lfunc_end0:
.L_simem_size_0:
called_computation.1_lowered:
.L_overlay_start_0:
0x88: {  	s2 =	sld [smem:$0x3FD9]  }
0x89: {  	s3 =	sld [smem:$0x3FFE];
	_ =	sdelay $0x1  }
0x8a: {  	s1 =	srdreg.scid  }
0x8b: {  	s0 =	sand.u32 $0x1, s1  }
0x8c: {  	s14 =	sshll.u32 s0, $0xA;
	s2 =	sadd.s32 s3, s2  }
0x8d: {  	s2 =	sadd.s32 s2, s14  }
0x8e: {  	[smem:$0x3FBE] =	sst s2  }
0x8f: {  	_ = 	snop  }
0x90: {  	s2 =	sld [smem:$0x3FD0];
	_ =	sdelay $0x2  }
0x91: {  	s15 =	simm.s32 $0xA;
	s4 =	simm.s32 $0x10  }
0x92: {  	[smem:s4], [sflag:s15] =	dma.local [hbm:s2], $0x1  }
0x93: {  	_ =	swait.eq [sflag:s15], $0x1  }
0x94: {  	[sflag:s15] =	ssyncset.done $0x0  }
0x95: {  	s16 =	sld [smem:$0x10];
	[sflag:s15] =	ssyncadd.s32 $0xFFFFFFFF  }
0x96: {  	s17 =	sld [smem:$0x11];
	(tm) =	ssettm $0x1  }
0x97: {  	s18 =	sld [smem:$0x3FFB];
	_ =	sdelay $0x3  }
0x98: {  	_ =	strace s18  }
0x99: {  	s4 =	sld [smem:$0x3FFC];
	_ =	sdelay $0x3  }
0x9a: {  	_ =	strace s4  }
0x9b: {  	s4 =	sld [smem:$0x3FFD];
	_ =	sdelay $0x3  }
0x9c: {  	_ =	strace s4  }
0x9d: {  	_ =	strace $0x8FFFFFFF  }
0x9e: {  	s19 =	sld [smem:$0x3FDB];
	_ =	sdelay $0x1  }
0x9f: {  	s5 =	simm.s32 $_scs_section_size  }
0xa0: {  	s6 =	simm.s32 $_size__tile_overlayer_lowered;
	s7 =	simm.s32 $_tile_overlayer_lowered  }
0xa1: {  	s22 =	simm.s32 $0x1BFF;
	s21 =	sshll.u32 s7, $0x1;
	s4 =	sadd.s32 s5, s19  }
0xa2: {  	s8 =	simm.s32 $0x0;
	s20 =	sshll.u32 s6, $0x1;
	s6 =	sadd.s32 s21, s4  }
0xa3: {  	[timem:s8], [sflag:s22] =	dma.local [hbm:s6], s20  }
0xa4: {  	_ =	swait.ge [sflag:s22], s20  }
0xa5: {  	s5 =	ssub.s32 $0x0, s20;
	[sflag:s22] =	ssyncset.done $0x0  }
0xa6: {  	[sflag:s22] =	ssyncadd.s32 s5;
	_ =	sdelay $0x1  }
0xa7: {  	s23 =	simm.s32 $0x1B8B  }
0xa8: {  	_ =	swait.ge [sflag:s23], $0x1  }
0xa9: {  	[sflag:s23] =	ssyncset.done $0x0  }
0xaa: {  	s25 =	simm.s32 $0x1B8E;
	s24 =	sld [smem:$0x3FFE];
	[sflag:s23] =	ssyncadd.s32 $0xFFFFFFFF  }
0xab: {  	s26 =	simm.s32 $execute0_lowered;
	[smem:$0x3FD2] =	sst s25  }
0xac: {  	s6 =	sshll.u32 s26, $0x1;
	_ =	strace $0x80000049;
	[dreg:$0x1] =	wrdreg $0xFFFFFFFF  }
0xad: {  	s28 =	simm.s32 $_size_execute0_lowered;
	s4 =	sadd.s32 s4, s6;
	[dreg:$0x0] =	wrdreg $0x0  }
0xae: {  	s6 =	sshll.u32 s28, $0x1;
	[dreg:$0x2] =	wrdreg s4  }
0xaf: {  	[dreg:$0x3] =	wrdreg s6  }
0xb0: {  	[dreg:$0x4] =	wrdreg $0xC0  }
0xb1: {  	_ =	task [dreg:s8], $0x5FFFF  }
0xb2: {  	[dreg:$0x1] =	wrdreg $0xFFFFFFFF  }
0xb3: {  	[dreg:$0x0] =	wrdreg $0x60  }
0xb4: {  	[dreg:$0x2] =	wrdreg s24  }
0xb5: {  	[dreg:$0x3] =	wrdreg s17  }
0xb6: {  	[dreg:$0x4] =	wrdreg s16  }
0xb7: {  	[dreg:$0x5] =	wrdreg $0x52000  }
0xb8: {  	[dreg:$0x6] =	wrdreg $0x79800  }
0xb9: {  	[dreg:$0x7] =	wrdreg $0x9  }
0xba: {  	_ =	task.clear_ibuf [dreg:s8], $0x8FFFF;
	_ =	strace $0x90000049  }
0xbb: {  	s29 =	simm.s32 $0x9;
	_ =	strace $0x8000004B  }
0xbc: {  	_ =	swait.ge [sflag:s29], $0x1  }
0xbd: {  	[sflag:s29] =	ssyncadd.s32 $0xFFFFFFFF  }
0xbe: {  	_ =	strace $0x9000004B  }
0xbf: {  	_ =	sfence  }
0xc0: {  	s30 =	sld [smem:$0x0];
	_ =	sdelay $0x2  }
0xc1: {  	s31 =	sshll.u32 s1, $0xD;
	s1 =	sshrl.u32 s1, $0x2  }
0xc2: {  	s3 =	sand.u32 $0x4000, s31;
	s1 =	sadd.s32 s1, s30  }
0xc3: {  	s0 =	sor.u32 s3, s0;
	s1 =	sshll.u32 s1, $0x11  }
0xc4: {  	s0 =	sor.u32 s1, s0  }
0xc5: {  	s0 =	sadd.s32 $0x8F2B, s0  }
0xc6: {  	[sflag:s0] =	ssyncadd.remote.s32 $0x1  }
0xc7: {  	_ =	sfence.sel $0xFFFF  }
0xc8: {  	[dreg:$0x0] =	wrdreg $0xFFFFFFFF;
	(pc) =	sbr.abs _section_cstart, $3  }
0xc9: {  	[dreg:$0x1] =	wrdreg $0xFFFFFFFF  }
0xca: {  	_ =	task.clear_ibuf [dreg:s8], $0x2FFFF;
	_ =	strace $0x9FFFFFFF  }
0xcb: {  	(tm) =	ssettm $0x7FFFFFFF  }
tec
execute0_lowered:
.L_overlay_start_1:
0x0: {  	(tag) =	ssettag $0x1  }
0x1: {  	s0 =	rddreg [dreg:$0x0]  }
0x2: {  	s1 =	rddreg [dreg:$0x1]  }
0x3: {  	s2 =	rddreg [dreg:$0x2]  }
0x4: {  	s4 =	rddreg [dreg:$0x3]  }
0x5: {  	s5 =	rddreg [dreg:$0x4];
	s13 =	stileid.u32  }
0x6: {  	s3 =	srdreg.scid;
	s11 =	smul.u32 $0x2780, s13  }
0x7: {  	s6 =	simm.s32 $0x0;
	s3 =	sand.u32 $0x1, s3;
	s12 =	smul.u32 $0x2800, s13  }
0x8: {  	[smem:$0x7FF] =	sst s6;
	s7 =	sadd.s32 $0xC000, s0;
	s13 =	smul.u32 $0x2A00, s13  }
0x9: {  	s8 =	sadd.s32 $0x1C00, s0;
	s9 =	smul.u32 $0x27800, s3;
	s29 =	ssub.s32 $0x2, s3  }
0xa: {  	_ =	strace $0x8000004A;
	p0 =	seq.s32 s3, $0x0;
	s14 =	sshrl.u32 s29, $0x1  }
0xb: {  	s3 =	sadd.s32 $0x2A000, s12;
	s23 =	sadd.s32 s11, s4;
	s15 =	sadd.s32 $0x800, s11  }
0xc: {  	s24 =	sadd.s32 s11, s5;
	s17 =	sadd.s32 $0x1000, s11;
	s19 =	sadd.s32 $0x1800, s11  }
0xd: {  	s10 =	sadd.s32 s11, s9;
	s9 =	sadd.s32 $0x16400, s0;
	[dreg:$0x6] =	wrdreg s23  }
0xe: {  	s30 =	ssub.s32 s29, s14;
	s16 =	sadd.s32 s15, s4;
	[dreg:$0x7] =	wrdreg s24  }
0xf: {  	s3 =	smov.u32 @p0 s13;
	s13 =	sadd.s32 s15, s5;
	[dreg:$0x8] =	wrdreg s16  }
0x10: {  	s18 =	sadd.s32 s17, s4;
	s14 =	sadd.s32 s17, s5;
	[dreg:$0x9] =	wrdreg s13  }
0x11: {  	s20 =	sadd.s32 s19, s4;
	s11 =	sadd.s32 $0x2000, s11;
	[dreg:$0xa] =	wrdreg s18  }
0x12: {  	s17 =	simm.s32 $0x1;
	s10 =	sshrl.u32 s10, $0x3;
	[dreg:$0xb] =	wrdreg s14  }
0x13: {  	[dreg:$0xc] =	wrdreg s20;
	s13 =	sadd.s32 s19, s5;
	s21 =	sadd.s32 s11, s4  }
0x14: {  	s22 =	sshrl.u32 s3, $0x3;
	s11 =	sadd.s32 s11, s5;
	s30 =	smax.u32 s30, $0x1  }
0x15: {  	s14 =	simm.s32 $0x80;
	s16 =	simm.s32 $0x2980;
	s18 =	simm.s32 $0x2  }
0x16: {  	s19 =	simm.s32 $0x3200;
	s20 =	simm.s32 $0x4A00;
	[dreg:$0xd] =	wrdreg s13  }
0x17: {  	s0 =	sadd.s32 s10, s0;
	s10 =	simm.s32 $0x2A;
	[dreg:$0xe] =	wrdreg s21  }
0x18: {  	[dreg:$0xf] =	wrdreg s11;
	s25 =	sadd.s32 s7, s22;
	s26 =	sor.u32 $0x10, s22  }
0x19: {  	s13 =	sadd.s32 s8, s22;
	[dreg:$0x16] =	wrdreg s30;
	s21 =	simm.s32 $0x3  }
0x1a: {  	s22 =	simm.s32 $0x4;
	s10 =	simm.s32 @!p0 $0x28;
	[dreg:$0x10] =	wrdreg s25  }
0x1b: {  	[dreg:$0x11] =	wrdreg s13;
	s28 =	sadd.s32 s7, s26;
	s11 =	sadd.s32 s8, s26  }
0x1c: {  	s25 =	sor.u32 $0x100, s3;
	s26 =	sor.u32 $0x180, s3;
	[dreg:$0x12] =	wrdreg s28  }
0x1d: {  	s29 =	sadd.s32 $0x25200, s0;
	s0 =	sadd.s32 $0x1B400, s0;
	[dreg:$0x13] =	wrdreg s11  }
0x1e: {  	s3 =	simm.s32 $0x5;
	s13 =	simm.s32 $0x2100;
	[dreg:$0x14] =	wrdreg s29  }
0x1f: {  	v0 =	vimm.f32 $0.0e+00;
	[dreg:$0x15] =	wrdreg s0;
	s31 =	sadd.s32 $0xFFFFFFFF, s10;
	s0 =	simm.s32 $0x900  }
.LBB2_1:
0x20: {  	s11 =	simm.s32 $0x40;
	s12 =	simm.s32 $0x0  }
.LBB2_2:
0x21: {  	p0 =	sne.s32 s11, $0x1FC0;
	[tilespmem:s12+$0x900] =	vst v0;
	s15 =	smov.u32 s11;
	s11 =	sadd.s32 $0x40, s11  }
.Ltmp0:
0x22: {  	[tilespmem:s12+$0x2100] =	vst v0;
	(pc) =	sbr.rel @p0 .LBB2_2-.Ltmp0, $2  }
0x23: {  	_ =	sdelay $0x2  }
0x24: {  	s12 =	sshra.s32 s15, $0x2  }
0x25: {  	[tilespmem:s12+$0x900] =	vst v0  }
0x26: {  	[tilespmem:s12+$0x2100] =	vst v0  }
0x27: {  	[spmem:s23] =	stream.linear.scatter [tilespmem:s0], [sflag:$0x5], $0x800, $0x38;
	[tilespmem:$0xA100] =	vst v63  }
0x28: {  	_ =	swait.ge [sflag:s3], $0x800  }
0x29: {  	[sflag:s3] =	ssyncset.done $0x0  }
0x2a: {  	[sflag:s3] =	ssyncadd.s32 $0xFFFFF800  }
0x2b: {  	[spmem:s24] =	stream.linear.scatter [tilespmem:s13], [sflag:$0x5], $0x800, $0x38;
	[tilespmem:$0xA100] =	vst v63  }
0x2c: {  	_ =	swait.ge [sflag:s3], $0x800  }
0x2d: {  	[sflag:s3] =	ssyncset.done $0x0  }
0x2e: {  	s11 =	rddreg [dreg:$0x8];
	[sflag:s3] =	ssyncadd.s32 $0xFFFFF800  }
0x2f: {  	[spmem:s11] =	stream.linear.scatter [tilespmem:s0], [sflag:$0x5], $0x800, $0x38;
	[tilespmem:$0xA100] =	vst v63  }
0x30: {  	_ =	swait.ge [sflag:s3], $0x800  }
0x31: {  	[sflag:s3] =	ssyncset.done $0x0  }
0x32: {  	s15 =	rddreg [dreg:$0x9];
	[sflag:s3] =	ssyncadd.s32 $0xFFFFF800  }
0x33: {  	[spmem:s15] =	stream.linear.scatter [tilespmem:s13], [sflag:$0x5], $0x800, $0x38;
	[tilespmem:$0xA100] =	vst v63  }
0x34: {  	_ =	swait.ge [sflag:s3], $0x800  }
0x35: {  	[sflag:s3] =	ssyncset.done $0x0  }
0x36: {  	s23 =	rddreg [dreg:$0xa];
	[sflag:s3] =	ssyncadd.s32 $0xFFFFF800  }
0x37: {  	[spmem:s23] =	stream.linear.scatter [tilespmem:s0], [sflag:$0x5], $0x800, $0x38;
	[tilespmem:$0xA100] =	vst v63  }
0x38: {  	_ =	swait.ge [sflag:s3], $0x800  }
0x39: {  	[sflag:s3] =	ssyncset.done $0x0  }
0x3a: {  	s24 =	rddreg [dreg:$0xb];
	[sflag:s3] =	ssyncadd.s32 $0xFFFFF800  }
0x3b: {  	[spmem:s24] =	stream.linear.scatter [tilespmem:s13], [sflag:$0x5], $0x800, $0x38;
	[tilespmem:$0xA100] =	vst v63  }
0x3c: {  	_ =	swait.ge [sflag:s3], $0x800  }
0x3d: {  	[sflag:s3] =	ssyncset.done $0x0  }
0x3e: {  	s28 =	rddreg [dreg:$0xc];
	[sflag:s3] =	ssyncadd.s32 $0xFFFFF800  }
0x3f: {  	[spmem:s28] =	stream.linear.scatter [tilespmem:s0], [sflag:$0x5], $0x800, $0x38;
	[tilespmem:$0xA100] =	vst v63  }
0x40: {  	_ =	swait.ge [sflag:s3], $0x800  }
0x41: {  	[sflag:s3] =	ssyncset.done $0x0  }
0x42: {  	s29 =	rddreg [dreg:$0xd];
	[sflag:s3] =	ssyncadd.s32 $0xFFFFF800  }
0x43: {  	[spmem:s29] =	stream.linear.scatter [tilespmem:s13], [sflag:$0x5], $0x800, $0x38;
	[tilespmem:$0xA100] =	vst v63  }
0x44: {  	_ =	swait.ge [sflag:s3], $0x800  }
0x45: {  	[sflag:s3] =	ssyncset.done $0x0  }
0x46: {  	s30 =	rddreg [dreg:$0xe];
	[sflag:s3] =	ssyncadd.s32 $0xFFFFF800  }
0x47: {  	[spmem:s30] =	stream.linear.scatter [tilespmem:s0], [sflag:$0x5], $0x780, $0x38;
	[tilespmem:$0xA100] =	vst v63  }
0x48: {  	_ =	swait.ge [sflag:s3], $0x780  }
0x49: {  	[sflag:s3] =	ssyncset.done $0x0  }
0x4a: {  	s12 =	rddreg [dreg:$0xf];
	[sflag:s3] =	ssyncadd.s32 $0xFFFFF880  }
0x4b: {  	[spmem:s12] =	stream.linear.scatter [tilespmem:s13], [sflag:$0x5], $0x780, $0x38;
	[tilespmem:$0xA100] =	vst v63  }
0x4c: {  	_ =	swait.ge [sflag:s3], $0x780  }
0x4d: {  	[sflag:s3] =	ssyncset.done $0x0  }
0x4e: {  	s23 =	simm.s32 $0x0;
	s15 =	rddreg [dreg:$0x10];
	[sflag:s3] =	ssyncadd.s32 $0xFFFFF880  }
0x4f: {  	[tilespmem:s23], [sflag:$0x5] =	stream.linear.gather [hbm4b:s15+s23], $0x80, $0x38;
	[tilespmem:$0xA100] =	vst v63  }
0x50: {  	_ =	swait.ge [sflag:s3], $0x80  }
0x51: {  	[sflag:s3] =	ssyncset.done $0x0  }
0x52: {  	s24 =	rddreg [dreg:$0x11];
	[sflag:s3] =	ssyncadd.s32 $0xFFFFFF80  }
0x53: {  	[tilespmem:s14], [sflag:$0x5] =	stream.linear.gather [hbm4b:s24+s23], $0x80, $0x38;
	[tilespmem:$0xA100] =	vst v63  }
0x54: {  	_ =	swait.ge [sflag:s3], $0x80  }
0x55: {  	[sflag:s3] =	ssyncset.done $0x0  }
0x56: {  	s28 =	simm.s32 $0x100;
	[sflag:s3] =	ssyncadd.s32 $0xFFFFFF80  }
0x57: {  	[tilespmem:s28], [sflag:$0x1] =	stream.indirect.gather [hbm4b:s1+s14], $0x10, s23, s14, $0xb8;
	[tilespmem:$0xA100] =	vst v63  }
0x58: {  	s29 =	simm.s32 $0x1100  }
0x59: {  	[tilespmem:s29], [sflag:$0x1] =	stream.indirect.gather [hbm4b:s2+s14], $0x10, s23, s14, $0xb8;
	[tilespmem:$0xA100] =	vst v63  }
0x5a: {  	s30 =	simm.s32 $0x1900  }
0x5b: {  	[tilespmem:s30], [sflag:$0x1] =	stream.indirect.gather [hbm4b:s9+s14], $0x10, s14, s14, $0xb8;
	[tilespmem:$0xA100] =	vst v63  }
0x5c: {  	s15 =	simm.s32 $0x2900;
	s12 =	rddreg [dreg:$0x12]  }
0x5d: {  	[tilespmem:s15], [sflag:$0x5] =	stream.linear.gather [hbm4b:s12+s23], $0x80, $0x38;
	[tilespmem:$0xA100] =	vst v63  }
0x5e: {  	_ =	swait.ge [sflag:s3], $0x80  }
0x5f: {  	[sflag:s3] =	ssyncset.done $0x0  }
0x60: {  	s24 =	rddreg [dreg:$0x13];
	[sflag:s3] =	ssyncadd.s32 $0xFFFFFF80  }
0x61: {  	[tilespmem:s16], [sflag:$0x5] =	stream.linear.gather [hbm4b:s24+s23], $0x80, $0x38;
	[tilespmem:$0xA100] =	vst v63  }
0x62: {  	_ =	swait.ge [sflag:s3], $0x80  }
0x63: {  	[sflag:s3] =	ssyncset.done $0x0  }
0x64: {  	s28 =	simm.s32 $0x2A00;
	[sflag:s3] =	ssyncadd.s32 $0xFFFFFF80  }
0x65: {  	[tilespmem:s28], [sflag:$0x2] =	stream.indirect.gather [hbm4b:s1+s14], $0x10, s15, s14, $0xb8;
	[tilespmem:$0xA100] =	vst v63  }
0x66: {  	s29 =	simm.s32 $0x3A00  }
0x67: {  	[tilespmem:s29], [sflag:$0x2] =	stream.indirect.gather [hbm4b:s2+s14], $0x10, s15, s14, $0xb8;
	[tilespmem:$0xA100] =	vst v63  }
0x68: {  	s30 =	simm.s32 $0x4200  }
0x69: {  	[tilespmem:s30], [sflag:$0x2] =	stream.indirect.gather [hbm4b:s9+s14], $0x10, s16, s14, $0xb8;
	[tilespmem:$0xA100] =	vst v63  }
0x6a: {  	[bflag:$0x0] =	sbarrier.arrive $0xFFFF  }
.LBB2_4:
0x6b: {  	_ =	swait.ge [sflag:s17], $0x800  }
0x6c: {  	[sflag:s17] =	ssyncset.done $0x0  }
0x6d: {  	[sflag:s17] =	ssyncadd.s32 $0xFFFFF800  }
0x6e: {  	_ =	swait.ge [sflag:s17], $0x800  }
0x6f: {  	[sflag:s17] =	ssyncset.done $0x0  }
0x70: {  	[sflag:s17] =	ssyncadd.s32 $0xFFFFF800  }
0x71: {  	_ =	swait.ge [sflag:s17], $0x800  }
0x72: {  	[sflag:s17] =	ssyncset.done $0x0  }
0x73: {  	s11 =	simm.s32 $0x1140;
	[sflag:s17] =	ssyncadd.s32 $0xFFFFF800  }
0x74: {  	s12 =	simm.s32 $0x1940;
	v1 =	vld [tilespmem:s11+$0x30]  }
0x75: {  	v2 =	vld [tilespmem:s12+$0x30];
	_ =	sdelay $0x2  }
0x76: {  	v3 =	vld [tilespmem:s12+$0xFFFFFFC0]  }
0x77: {  	v4 =	vld [tilespmem:s11+$0xFFFFFFD0]  }
0x78: {  	v5 =	vld [tilespmem:s11+$0xFFFFFFE0];
	v1 =	vadd.f32 v2, v1  }
0x79: {  	v7 =	vld [tilespmem:s12+$0xFFFFFFE0]  }
0x7a: {  	v2 =	vld [tilespmem:s12+$0xFFFFFFD0];
	v6 =	vmul.f32 $2.000000030e-01, v1  }
0x7b: {  	v8 =	vld [tilespmem:s11+$0xFFFFFFF0]  }
0x7c: {  	v1 =	vmax.f32 v1, v6;
	v6 =	vld [tilespmem:s12+$0xFFFFFFF0]  }
0x7d: {  	v9 =	vld [tilespmem:s11+$0x0]  }
0x7e: {  	v10 =	vld [tilespmem:s12+$0x0];
	v1 =	vmul.f32 $1.442695020e+00, v1  }
0x7f: {  	v2 =	vadd.f32 v2, v4;
	v4 =	vld [tilespmem:s12+$0x10]  }
0x80: {  	(erf) = vpow2.f32 v1;
	v1 =	vld [tilespmem:s11+$0x10]  }
0x81: {  	v5 =	vadd.f32 v7, v5;
	v7 =	vld [tilespmem:s11+$0x20];
	v6 =	vadd.f32 v6, v8  }
0x82: {  	v11 =	vmul.f32 $2.000000030e-01, v2;
	v8 =	vld [tilespmem:s12+$0x20]  }
0x83: {  	v13 =	vld [tilespmem:s11+$0xFFFFFFC0];
	v9 =	vadd.f32 v10, v9;
	v10 =	vmul.f32 $2.000000030e-01, v6  }
0x84: {  	v12 =	vmul.f32 $2.000000030e-01, v5;
	v2 =	vmax.f32 v2, v11  }
0x85: {  	s15 =	simm.s32 $0x11C0;
	v11 =	vmul.f32 $2.000000030e-01, v9;
	v1 =	vadd.f32 v4, v1;
	v6 =	vmax.f32 v6, v10  }
0x86: {  	s28 =	simm.s32 $0x19C0;
	v15 =	vld [tilespmem:s15+$0x0];
	v5 =	vmax.f32 v5, v12;
	v2 =	vmul.f32 $1.442695020e+00, v2;
	v4 =	vmul.f32 $1.442695020e+00, v6  }
0x87: {  	v16 =	vld [tilespmem:s28+$0x0];
	v6 =	vmax.f32 v9, v11;
	v7 =	vadd.f32 v8, v7;
	v9 =	vmul.f32 $2.000000030e-01, v1  }
0x88: {  	v3 =	vadd.f32 v3, v13;
	v5 =	vmul.f32 $1.442695020e+00, v5;
	v10 =	vld [tilespmem:s15+$0x30];
	v6 =	vmul.f32 $1.442695020e+00, v6  }
0x89: {  	v8 =	vpop (erf);
	(erf) = vpow2.f32 v2;
	v2 =	vmul.f32 $2.000000030e-01, v7;
	v1 =	vmax.f32 v1, v9;
	v9 =	vld [tilespmem:s28+$0x30]  }
0x8a: {  	v12 =	vld [tilespmem:s28+$0xFFFFFFE0];
	(erf) = vpow2.f32 v5;
	v5 =	vmul.f32 $2.000000030e-01, v3  }
0x8b: {  	v1 =	vmul.f32 $1.442695020e+00, v1;
	(erf) = vpow2.f32 v4;
	v2 =	vmax.f32 v7, v2;
	v4 =	vld [tilespmem:s15+$0xFFFFFFD0]  }
0x8c: {  	v7 =	vld [tilespmem:s15+$0xFFFFFFE0];
	(erf) = vpow2.f32 v6;
	v3 =	vmax.f32 v3, v5;
	v2 =	vmul.f32 $1.442695020e+00, v2  }
0x8d: {  	v6 =	vld [tilespmem:s28+$0xFFFFFFD0];
	(erf) = vpow2.f32 v1;
	v1 =	vmul.f32 $1.442695020e+00, v3  }
0x8e: {  	(erf) = vpow2.f32 v2;
	v2 =	vadd.f32 v9, v10;
	v9 =	vld [tilespmem:s15+$0xFFFFFFF0]  }
0x8f: {  	v10 =	vld [tilespmem:s28+$0xFFFFFFF0];
	(erf) = vpow2.f32 v1  }
0x90: {  	v18 =	vld [tilespmem:s15+$0x10];
	s12 =	simm.s32 $0x2140;
	v14 =	vmul.f32 $2.000000030e-01, v2  }
0x91: {  	s24 =	simm.s32 $0x140;
	v19 =	vld [tilespmem:s28+$0x10];
	[tilespmem:s12+$0x30] =	vst v8  }
0x92: {  	v11 =	vld [tilespmem:s24+$0x30];
	v12 =	vadd.f32 v12, v7;
	v17 =	vadd.f32 v6, v4;
	v3 =	vpop (erf);
	v4 =	vmax.f32 v2, v14  }
0x93: {  	v5 =	vpop (erf);
	v7 =	vmul.f32 $1.442695020e+00, v4  }
0x94: {  	v21 =	vld [tilespmem:s28+$0x20];
	v20 =	vmul.f32 $2.000000030e-01, v12;
	v9 =	vadd.f32 v10, v9;
	v1 =	vpop (erf)  }
0x95: {  	v22 =	vld [tilespmem:s15+$0xFFFFFFC0];
	v14 =	vmul.f32 $2.000000030e-01, v17;
	v2 =	vpop (erf);
	(erf) = vpow2.f32 v7  }
0x96: {  	v15 =	vadd.f32 v16, v15;
	v19 =	vadd.f32 v19, v18;
	v10 =	vld [tilespmem:s15+$0x20];
	v16 =	vmul.f32 $2.000000030e-01, v9;
	v4 =	vpop (erf)  }
0x97: {  	v13 =	vld [tilespmem:s28+$0xFFFFFFC0];
	v23 =	vmul.f32 v8, v11;
	[tilespmem:s12+$0xFFFFFFD0] =	vst v3;
	v8 =	vmax.f32 v12, v20;
	v14 =	vmax.f32 v17, v14;
	v6 =	vpop (erf)  }
0x98: {  	[tilespmem:s12+$0xFFFFFFE0] =	vst v5;
	v12 =	vld [tilespmem:s24+$0xFFFFFFD0];
	v20 =	vmul.f32 $1.442695020e+00, v14;
	v9 =	vmax.f32 v9, v16;
	v16 =	vmul.f32 $2.000000030e-01, v15;
	v7 =	vpop (erf)  }
0x99: {  	v24 =	vmul.f32 $1.442695020e+00, v8;
	v11 =	vld [tilespmem:s24+$0xFFFFFFE0];
	v25 =	vmul.f32 $1.442695020e+00, v9;
	[tilespmem:s12+$0xFFFFFFC0] =	vst v7  }
0x9a: {  	[tilespmem:s12+$0xFFFFFFF0] =	vst v1;
	(erf) = vpow2.f32 v20;
	v9 =	vmax.f32 v15, v16;
	v15 =	vmul.f32 $2.000000030e-01, v19;
	v14 =	vld [tilespmem:s24+$0xFFFFFFC0]  }
0x9b: {  	v8 =	vld [tilespmem:s24+$0xFFFFFFF0];
	[tilespmem:s12+$0x10] =	vst v4;
	v17 =	vadd.f32 v21, v10  }
0x9c: {  	s30 =	simm.s32 $0x21C0;
	[tilespmem:s12+$0x0] =	vst v2;
	v10 =	vld [tilespmem:s24+$0x10];
	v16 =	vadd.f32 v13, v22;
	(erf) = vpow2.f32 v24;
	v18 =	vmul.f32 $1.442695020e+00, v9  }
0x9d: {  	s29 =	simm.s32 $0x940;
	s15 =	simm.s32 $0x940;
	[tilespmem:s12+$0x20] =	vst v6;
	s12 =	simm.s32 $0x1240;
	v9 =	vld [tilespmem:s24+$0x0];
	v20 =	vmul.f32 $2.000000030e-01, v17;
	(erf) = vpow2.f32 v25;
	v13 =	vmax.f32 v19, v15  }
0x9e: {  	s11 =	simm.s32 $0x8;
	[tilespmem:s15+$0x30] =	vst v23;
	v21 =	vmul.f32 $2.000000030e-01, v16;
	v19 =	vmul.f32 $1.442695020e+00, v13;
	v13 =	vld [tilespmem:s24+$0x20];
	v15 =	vpop (erf)  }
.LBB2_5:
0x9f: {  	v22 =	vld [tilespmem:s12+$0x30];
	v17 =	vmax.f32 v17, v20;
	[tilespmem:s30+$0x30] =	vst v15;
	(erf) = vpow2.f32 v18;
	v7 =	vmul.f32 v7, v14;
	s24 =	sadd.s32 $0x80, s24  }
0xa0: {  	s28 =	sadd.s32 $0x80, s28;
	v14 =	vmax.f32 v16, v21;
	v16 =	vmul.f32 $1.442695020e+00, v17;
	v17 =	vld [tilespmem:s24+$0x30];
	(erf) = vpow2.f32 v19  }
0xa1: {  	s11 =	sadd.s32 $0x8, s11;
	v18 =	vld [tilespmem:s28+$0x30];
	v14 =	vmul.f32 $1.442695020e+00, v14;
	[tilespmem:s15+$0xFFFFFFC0] =	vst v7;
	v7 =	vmul.f32 v3, v12  }
0xa2: {  	v11 =	vmul.f32 v5, v11;
	p0 =	slt.u32 s11, $0x78;
	v19 =	vld [tilespmem:s28+$0xFFFFFFC0];
	(erf) = vpow2.f32 v16  }
0xa3: {  	v12 =	vld [tilespmem:s12+$0xFFFFFFD0];
	(erf) = vpow2.f32 v14;
	v3 =	vpop (erf);
	[tilespmem:s15+$0xFFFFFFD0] =	vst v7;
	v7 =	vmul.f32 v1, v8  }
0xa4: {  	v9 =	vmul.f32 v2, v9;
	v10 =	vmul.f32 v4, v10;
	v8 =	vld [tilespmem:s28+$0xFFFFFFD0];
	[tilespmem:s30+$0xFFFFFFD0] =	vst v3  }
0xa5: {  	v14 =	vld [tilespmem:s12+$0xFFFFFFE0];
	v4 =	vmul.f32 v15, v17;
	v5 =	vpop (erf);
	[tilespmem:s15+$0xFFFFFFE0] =	vst v11;
	v11 =	vmul.f32 v6, v13  }
0xa6: {  	s15 =	sadd.s32 $0x80, s15;
	v6 =	vld [tilespmem:s28+$0xFFFFFFE0];
	v13 =	vadd.f32 v18, v22;
	[tilespmem:s30+$0xFFFFFFE0] =	vst v5;
	v1 =	vpop (erf)  }
0xa7: {  	v15 =	vld [tilespmem:s12+$0xFFFFFFF0];
	[tilespmem:s15+$0x30] =	vst v4  }
0xa8: {  	v16 =	vld [tilespmem:s28+$0xFFFFFFF0];
	v17 =	vmul.f32 $2.000000030e-01, v13;
	[tilespmem:s30+$0xFFFFFFF0] =	vst v1;
	v2 =	vpop (erf)  }
0xa9: {  	v8 =	vadd.f32 v8, v12;
	v12 =	vld [tilespmem:s12+$0x0];
	[tilespmem:s30+$0x0] =	vst v2;
	v4 =	vpop (erf)  }
0xaa: {  	v18 =	vld [tilespmem:s28+$0x0];
	v13 =	vmax.f32 v13, v17;
	[tilespmem:s30+$0x10] =	vst v4  }
0xab: {  	v17 =	vmul.f32 $2.000000030e-01, v8;
	v14 =	vadd.f32 v6, v14;
	v20 =	vld [tilespmem:s12+$0x10];
	v13 =	vmul.f32 $1.442695020e+00, v13;
	v6 =	vpop (erf);
	[tilespmem:s29+$0xFFFFFFF0] =	vst v7  }
0xac: {  	v21 =	vld [tilespmem:s28+$0x10];
	[tilespmem:s30+$0x20] =	vst v6;
	v7 =	vpop (erf)  }
0xad: {  	v22 =	vmul.f32 $2.000000030e-01, v14;
	v15 =	vadd.f32 v16, v15;
	v16 =	vld [tilespmem:s12+$0x20];
	(erf) = vpow2.f32 v13;
	[tilespmem:s30+$0xFFFFFFC0] =	vst v7  }
0xae: {  	v8 =	vmax.f32 v8, v17;
	v13 =	vld [tilespmem:s28+$0x20];
	[tilespmem:s29+$0x0] =	vst v9  }
0xaf: {  	v9 =	vld [tilespmem:s12+$0xFFFFFFC0];
	v14 =	vmax.f32 v14, v22;
	v17 =	vmul.f32 $2.000000030e-01, v15;
	v18 =	vadd.f32 v18, v12;
	[tilespmem:s29+$0x10] =	vst v10  }
0xb0: {  	v8 =	vmul.f32 $1.442695020e+00, v8;
	v10 =	vmul.f32 $1.442695020e+00, v14;
	v14 =	vld [tilespmem:s24+$0xFFFFFFC0];
	[tilespmem:s29+$0x20] =	vst v11;
	s29 =	smov.u32 s15  }
0xb1: {  	v11 =	vmax.f32 v15, v17;
	v15 =	vmul.f32 $2.000000030e-01, v18;
	v20 =	vadd.f32 v21, v20;
	v12 =	vld [tilespmem:s24+$0xFFFFFFD0]  }
.Ltmp1:
0xb2: {  	v21 =	vmul.f32 $1.442695020e+00, v11;
	(erf) = vpow2.f32 v8;
	v11 =	vld [tilespmem:s24+$0xFFFFFFE0];
	(pc) =	sbr.rel @p0 .LBB2_5-.Ltmp1, $4  }
0xb3: {  	v15 =	vmax.f32 v18, v15;
	v22 =	vmul.f32 $2.000000030e-01, v20;
	v17 =	vadd.f32 v13, v16;
	v8 =	vld [tilespmem:s24+$0xFFFFFFF0]  }
0xb4: {  	v16 =	vadd.f32 v19, v9;
	v18 =	vmul.f32 $1.442695020e+00, v15;
	(erf) = vpow2.f32 v10;
	v9 =	vld [tilespmem:s24+$0x0]  }
0xb5: {  	v13 =	vmax.f32 v20, v22;
	v20 =	vmul.f32 $2.000000030e-01, v17;
	(erf) = vpow2.f32 v21;
	v10 =	vld [tilespmem:s24+$0x10]  }
0xb6: {  	s30 =	sadd.s32 $0x80, s30;
	s12 =	sadd.s32 $0x80, s12;
	v21 =	vmul.f32 $2.000000030e-01, v16;
	v19 =	vmul.f32 $1.442695020e+00, v13;
	v15 =	vpop (erf);
	v13 =	vld [tilespmem:s24+$0x20]  }
0xb7: {  	v7 =	vmul.f32 v7, v14  }
0xb8: {  	v17 =	vmax.f32 v17, v20;
	(erf) = vpow2.f32 v18;
	[tilespmem:s30+$0x30] =	vst v15;
	v3 =	vmul.f32 v3, v12  }
0xb9: {  	v5 =	vmul.f32 v5, v11;
	v17 =	vmul.f32 $1.442695020e+00, v17;
	[tilespmem:s15+$0xFFFFFFC0] =	vst v7  }
0xba: {  	s11 =	sadd.s32 $0x80, s24;
	v16 =	vmax.f32 v16, v21;
	(erf) = vpow2.f32 v19;
	v1 =	vmul.f32 v1, v8;
	[tilespmem:s15+$0xFFFFFFD0] =	vst v3  }
0xbb: {  	v14 =	vld [tilespmem:s11+$0x30];
	v16 =	vmul.f32 $1.442695020e+00, v16;
	[tilespmem:s15+$0xFFFFFFE0] =	vst v5;
	v2 =	vmul.f32 v2, v9  }
0xbc: {  	(erf) = vpow2.f32 v17;
	[tilespmem:s29+$0xFFFFFFF0] =	vst v1  }
0xbd: {  	v4 =	vmul.f32 v4, v10;
	(erf) = vpow2.f32 v16;
	v7 =	vpop (erf);
	[tilespmem:s29+$0x0] =	vst v2  }
0xbe: {  	v6 =	vmul.f32 v6, v13;
	[tilespmem:s30+$0xFFFFFFD0] =	vst v7  }
0xbf: {  	[tilespmem:s29+$0x10] =	vst v4  }
0xc0: {  	v3 =	vpop (erf);
	v12 =	vmul.f32 v15, v14;
	[tilespmem:s29+$0x20] =	vst v6  }
0xc1: {  	s12 =	sadd.s32 $0x80, s15;
	[tilespmem:s30+$0xFFFFFFE0] =	vst v3  }
0xc2: {  	v16 =	vld [tilespmem:s11+$0xFFFFFFD0];
	v11 =	vpop (erf);
	[tilespmem:s12+$0x30] =	vst v12  }
0xc3: {  	[tilespmem:s30+$0xFFFFFFF0] =	vst v11;
	v1 =	vld [tilespmem:s11+$0xFFFFFFE0];
	v5 =	vpop (erf)  }
0xc4: {  	v9 =	vld [tilespmem:s11+$0xFFFFFFF0];
	v14 =	vpop (erf);
	[tilespmem:s30+$0x0] =	vst v5  }
0xc5: {  	[tilespmem:s30+$0x10] =	vst v14;
	v2 =	vld [tilespmem:s11+$0x0];
	v12 =	vpop (erf)  }
0xc6: {  	v4 =	vld [tilespmem:s11+$0x10];
	v15 =	vpop (erf);
	[tilespmem:s30+$0x20] =	vst v12  }
0xc7: {  	v7 =	vmul.f32 v7, v16;
	[tilespmem:s30+$0xFFFFFFC0] =	vst v15;
	v6 =	vld [tilespmem:s11+$0x20]  }
0xc8: {  	v1 =	vmul.f32 v3, v1;
	v8 =	vld [tilespmem:s11+$0xFFFFFFC0]  }
0xc9: {  	[tilespmem:s12+$0xFFFFFFD0] =	vst v7;
	v3 =	vmul.f32 v11, v9  }
0xca: {  	[tilespmem:s12+$0xFFFFFFE0] =	vst v1;
	v2 =	vmul.f32 v5, v2  }
0xcb: {  	[tilespmem:s12+$0xFFFFFFF0] =	vst v3;
	v1 =	vmul.f32 v14, v4  }
0xcc: {  	[tilespmem:s12+$0x0] =	vst v2;
	v3 =	vmul.f32 v12, v6  }
0xcd: {  	[tilespmem:s12+$0x10] =	vst v1;
	v8 =	vmul.f32 v15, v8  }
0xce: {  	[tilespmem:s12+$0x20] =	vst v3  }
0xcf: {  	[tilespmem:s12+$0xFFFFFFC0] =	vst v8  }
0xd0: {  	[spmem:s4] =	stream.indirect.scatter.add.f32 [tilespmem:s0], [sflag:$0x3], $0x10, s14, s14, $0xb8;
	[tilespmem:$0xA100] =	vst v63  }
0xd1: {  	_ = 	snop  }
0xd2: {  	[spmem:s5] =	stream.indirect.scatter.add.f32 [tilespmem:s13], [sflag:$0x3], $0x10, s14, s14, $0xb8;
	[tilespmem:$0xA100] =	vst v63  }
0xd3: {  	_ =	swait.ge [sflag:s18], $0x800  }
0xd4: {  	[sflag:s18] =	ssyncset.done $0x0  }
0xd5: {  	[sflag:s18] =	ssyncadd.s32 $0xFFFFF800  }
0xd6: {  	_ =	swait.ge [sflag:s18], $0x800  }
0xd7: {  	[sflag:s18] =	ssyncset.done $0x0  }
0xd8: {  	[sflag:s18] =	ssyncadd.s32 $0xFFFFF800  }
0xd9: {  	_ =	swait.ge [sflag:s18], $0x800  }
0xda: {  	[sflag:s18] =	ssyncset.done $0x0  }
0xdb: {  	s15 =	simm.s32 $0x3A40;
	[sflag:s18] =	ssyncadd.s32 $0xFFFFF800  }
0xdc: {  	s24 =	simm.s32 $0x4240;
	v1 =	vld [tilespmem:s15+$0x30]  }
0xdd: {  	v2 =	vld [tilespmem:s24+$0x30];
	_ =	sdelay $0x2  }
0xde: {  	v3 =	vld [tilespmem:s24+$0xFFFFFFC0]  }
0xdf: {  	v4 =	vld [tilespmem:s15+$0xFFFFFFD0]  }
0xe0: {  	v5 =	vld [tilespmem:s15+$0xFFFFFFE0];
	v1 =	vadd.f32 v2, v1  }
0xe1: {  	v7 =	vld [tilespmem:s24+$0xFFFFFFE0]  }
0xe2: {  	v2 =	vld [tilespmem:s24+$0xFFFFFFD0];
	v6 =	vmul.f32 $2.000000030e-01, v1  }
0xe3: {  	v8 =	vld [tilespmem:s15+$0xFFFFFFF0]  }
0xe4: {  	v1 =	vmax.f32 v1, v6;
	v6 =	vld [tilespmem:s24+$0xFFFFFFF0]  }
0xe5: {  	v9 =	vld [tilespmem:s15+$0x0]  }
0xe6: {  	v10 =	vld [tilespmem:s24+$0x0];
	v1 =	vmul.f32 $1.442695020e+00, v1  }
0xe7: {  	v5 =	vadd.f32 v7, v5;
	v2 =	vadd.f32 v2, v4;
	v4 =	vld [tilespmem:s24+$0x10]  }
0xe8: {  	(erf) = vpow2.f32 v1;
	v1 =	vld [tilespmem:s15+$0x10]  }
0xe9: {  	v7 =	vld [tilespmem:s15+$0x20];
	v12 =	vmul.f32 $2.000000030e-01, v5;
	v6 =	vadd.f32 v6, v8  }
0xea: {  	v11 =	vmul.f32 $2.000000030e-01, v2;
	v8 =	vld [tilespmem:s24+$0x20]  }
0xeb: {  	v13 =	vld [tilespmem:s15+$0xFFFFFFC0];
	v9 =	vadd.f32 v10, v9;
	v5 =	vmax.f32 v5, v12;
	v10 =	vmul.f32 $2.000000030e-01, v6  }
0xec: {  	v5 =	vmul.f32 $1.442695020e+00, v5;
	v2 =	vmax.f32 v2, v11  }
0xed: {  	v11 =	vmul.f32 $2.000000030e-01, v9;
	v1 =	vadd.f32 v4, v1;
	v6 =	vmax.f32 v6, v10  }
0xee: {  	s28 =	simm.s32 $0x42C0;
	v2 =	vmul.f32 $1.442695020e+00, v2;
	v4 =	vmul.f32 $1.442695020e+00, v6  }
0xef: {  	v16 =	vld [tilespmem:s28+$0x0];
	s15 =	simm.s32 $0x3AC0;
	v6 =	vmax.f32 v9, v11;
	v7 =	vadd.f32 v8, v7;
	v9 =	vmul.f32 $2.000000030e-01, v1  }
0xf0: {  	v3 =	vadd.f32 v3, v13;
	(erf) = vpow2.f32 v2;
	v10 =	vld [tilespmem:s15+$0x30]  }
0xf1: {  	(erf) = vpow2.f32 v5;
	v2 =	vmul.f32 $2.000000030e-01, v7;
	v1 =	vmax.f32 v1, v9;
	v9 =	vld [tilespmem:s28+$0x30]  }
0xf2: {  	v12 =	vld [tilespmem:s28+$0xFFFFFFE0];
	v5 =	vmul.f32 $2.000000030e-01, v3;
	v6 =	vmul.f32 $1.442695020e+00, v6  }
0xf3: {  	(erf) = vpow2.f32 v4;
	v4 =	vld [tilespmem:s15+$0xFFFFFFD0];
	v1 =	vmul.f32 $1.442695020e+00, v1;
	v2 =	vmax.f32 v7, v2  }
0xf4: {  	v3 =	vmax.f32 v3, v5;
	(erf) = vpow2.f32 v6;
	v6 =	vld [tilespmem:s28+$0xFFFFFFD0];
	v2 =	vmul.f32 $1.442695020e+00, v2  }
0xf5: {  	v7 =	vld [tilespmem:s15+$0xFFFFFFE0];
	(erf) = vpow2.f32 v1;
	v1 =	vmul.f32 $1.442695020e+00, v3  }
0xf6: {  	(erf) = vpow2.f32 v2;
	v2 =	vadd.f32 v9, v10;
	v9 =	vld [tilespmem:s15+$0xFFFFFFF0]  }
0xf7: {  	v8 =	vpop (erf);
	v10 =	vld [tilespmem:s28+$0xFFFFFFF0];
	(erf) = vpow2.f32 v1  }
0xf8: {  	s12 =	simm.s32 $0x4A40;
	v19 =	vld [tilespmem:s28+$0x10];
	v14 =	vmul.f32 $2.000000030e-01, v2  }
0xf9: {  	v15 =	vld [tilespmem:s15+$0x0];
	s24 =	simm.s32 $0x2A40;
	[tilespmem:s12+$0x30] =	vst v8  }
0xfa: {  	v11 =	vld [tilespmem:s24+$0x30];
	v3 =	vpop (erf);
	v17 =	vadd.f32 v6, v4;
	v4 =	vmax.f32 v2, v14  }
0xfb: {  	v18 =	vld [tilespmem:s15+$0x10];
	v5 =	vpop (erf);
	v12 =	vadd.f32 v12, v7;
	v7 =	vmul.f32 $1.442695020e+00, v4  }
0xfc: {  	v21 =	vld [tilespmem:s28+$0x20];
	v1 =	vpop (erf);
	v14 =	vmul.f32 $2.000000030e-01, v17;
	v9 =	vadd.f32 v10, v9  }
0xfd: {  	v13 =	vld [tilespmem:s28+$0xFFFFFFC0];
	v20 =	vmul.f32 $2.000000030e-01, v12;
	v2 =	vpop (erf);
	(erf) = vpow2.f32 v7  }
0xfe: {  	v15 =	vadd.f32 v16, v15;
	v10 =	vld [tilespmem:s15+$0x20];
	v14 =	vmax.f32 v17, v14;
	v4 =	vpop (erf);
	v16 =	vmul.f32 $2.000000030e-01, v9  }
0xff: {  	v22 =	vld [tilespmem:s15+$0xFFFFFFC0];
	v23 =	vmul.f32 v8, v11;
	[tilespmem:s12+$0xFFFFFFE0] =	vst v5;
	v8 =	vmax.f32 v12, v20;
	v20 =	vmul.f32 $1.442695020e+00, v14;
	v6 =	vpop (erf)  }
0x100: {  	v19 =	vadd.f32 v19, v18;
	[tilespmem:s12+$0xFFFFFFD0] =	vst v3;
	v11 =	vld [tilespmem:s24+$0xFFFFFFE0];
	v9 =	vmax.f32 v9, v16;
	v16 =	vmul.f32 $2.000000030e-01, v15;
	v7 =	vpop (erf)  }
0x101: {  	v12 =	vld [tilespmem:s24+$0xFFFFFFD0];
	v24 =	vmul.f32 $1.442695020e+00, v8;
	(erf) = vpow2.f32 v20;
	[tilespmem:s12+$0xFFFFFFC0] =	vst v7  }
0x102: {  	[tilespmem:s12+$0xFFFFFFF0] =	vst v1;
	v25 =	vmul.f32 $1.442695020e+00, v9;
	v9 =	vmax.f32 v15, v16;
	v15 =	vmul.f32 $2.000000030e-01, v19;
	v14 =	vld [tilespmem:s24+$0xFFFFFFC0]  }
0x103: {  	v8 =	vld [tilespmem:s24+$0xFFFFFFF0];
	[tilespmem:s12+$0x10] =	vst v4;
	v17 =	vadd.f32 v21, v10  }
0x104: {  	s29 =	simm.s32 $0x3240;
	[tilespmem:s12+$0x0] =	vst v2;
	(erf) = vpow2.f32 v24;
	v10 =	vld [tilespmem:s24+$0x10];
	v16 =	vadd.f32 v13, v22;
	v18 =	vmul.f32 $1.442695020e+00, v9  }
0x105: {  	s30 =	simm.s32 $0x3240;
	s15 =	simm.s32 $0x4AC0;
	[tilespmem:s12+$0x20] =	vst v6;
	s12 =	simm.s32 $0x3B40;
	v9 =	vld [tilespmem:s24+$0x0];
	v20 =	vmul.f32 $2.000000030e-01, v17;
	(erf) = vpow2.f32 v25;
	v13 =	vmax.f32 v19, v15  }
0x106: {  	s11 =	simm.s32 $0x8;
	[tilespmem:s30+$0x30] =	vst v23;
	v21 =	vmul.f32 $2.000000030e-01, v16;
	v19 =	vmul.f32 $1.442695020e+00, v13;
	v13 =	vld [tilespmem:s24+$0x20];
	v15 =	vpop (erf)  }
.LBB2_7:
0x107: {  	v22 =	vld [tilespmem:s12+$0x30];
	v17 =	vmax.f32 v17, v20;
	[tilespmem:s15+$0x30] =	vst v15;
	(erf) = vpow2.f32 v18;
	v7 =	vmul.f32 v7, v14;
	s24 =	sadd.s32 $0x80, s24  }
0x108: {  	s28 =	sadd.s32 $0x80, s28;
	v14 =	vmax.f32 v16, v21;
	v16 =	vmul.f32 $1.442695020e+00, v17;
	v17 =	vld [tilespmem:s24+$0x30];
	(erf) = vpow2.f32 v19  }
0x109: {  	s11 =	sadd.s32 $0x8, s11;
	v18 =	vld [tilespmem:s28+$0x30];
	v14 =	vmul.f32 $1.442695020e+00, v14;
	[tilespmem:s30+$0xFFFFFFC0] =	vst v7;
	v7 =	vmul.f32 v3, v12  }
0x10a: {  	v11 =	vmul.f32 v5, v11;
	p0 =	slt.u32 s11, $0x78;
	v19 =	vld [tilespmem:s28+$0xFFFFFFC0];
	(erf) = vpow2.f32 v16  }
0x10b: {  	v12 =	vld [tilespmem:s12+$0xFFFFFFD0];
	(erf) = vpow2.f32 v14;
	v3 =	vpop (erf);
	[tilespmem:s30+$0xFFFFFFD0] =	vst v7;
	v7 =	vmul.f32 v1, v8  }
0x10c: {  	v9 =	vmul.f32 v2, v9;
	v10 =	vmul.f32 v4, v10;
	v8 =	vld [tilespmem:s28+$0xFFFFFFD0];
	[tilespmem:s15+$0xFFFFFFD0] =	vst v3  }
0x10d: {  	v14 =	vld [tilespmem:s12+$0xFFFFFFE0];
	v4 =	vmul.f32 v15, v17;
	v5 =	vpop (erf);
	[tilespmem:s30+$0xFFFFFFE0] =	vst v11;
	v11 =	vmul.f32 v6, v13  }
0x10e: {  	s30 =	sadd.s32 $0x80, s30;
	v6 =	vld [tilespmem:s28+$0xFFFFFFE0];
	v13 =	vadd.f32 v18, v22;
	[tilespmem:s15+$0xFFFFFFE0] =	vst v5;
	v1 =	vpop (erf)  }
0x10f: {  	v15 =	vld [tilespmem:s12+$0xFFFFFFF0];
	[tilespmem:s30+$0x30] =	vst v4  }
0x110: {  	v16 =	vld [tilespmem:s28+$0xFFFFFFF0];
	v17 =	vmul.f32 $2.000000030e-01, v13;
	[tilespmem:s15+$0xFFFFFFF0] =	vst v1;
	v2 =	vpop (erf)  }
0x111: {  	v8 =	vadd.f32 v8, v12;
	v12 =	vld [tilespmem:s12+$0x0];
	[tilespmem:s15+$0x0] =	vst v2;
	v4 =	vpop (erf)  }
0x112: {  	v18 =	vld [tilespmem:s28+$0x0];
	v13 =	vmax.f32 v13, v17;
	[tilespmem:s15+$0x10] =	vst v4  }
0x113: {  	v17 =	vmul.f32 $2.000000030e-01, v8;
	v14 =	vadd.f32 v6, v14;
	v20 =	vld [tilespmem:s12+$0x10];
	v13 =	vmul.f32 $1.442695020e+00, v13;
	v6 =	vpop (erf);
	[tilespmem:s29+$0xFFFFFFF0] =	vst v7  }
0x114: {  	v21 =	vld [tilespmem:s28+$0x10];
	[tilespmem:s15+$0x20] =	vst v6;
	v7 =	vpop (erf)  }
0x115: {  	v22 =	vmul.f32 $2.000000030e-01, v14;
	v15 =	vadd.f32 v16, v15;
	v16 =	vld [tilespmem:s12+$0x20];
	(erf) = vpow2.f32 v13;
	[tilespmem:s15+$0xFFFFFFC0] =	vst v7  }
0x116: {  	v8 =	vmax.f32 v8, v17;
	v13 =	vld [tilespmem:s28+$0x20];
	[tilespmem:s29+$0x0] =	vst v9  }
0x117: {  	v9 =	vld [tilespmem:s12+$0xFFFFFFC0];
	v14 =	vmax.f32 v14, v22;
	v17 =	vmul.f32 $2.000000030e-01, v15;
	v18 =	vadd.f32 v18, v12;
	[tilespmem:s29+$0x10] =	vst v10  }
0x118: {  	v8 =	vmul.f32 $1.442695020e+00, v8;
	v10 =	vmul.f32 $1.442695020e+00, v14;
	v14 =	vld [tilespmem:s24+$0xFFFFFFC0];
	[tilespmem:s29+$0x20] =	vst v11;
	s29 =	smov.u32 s30  }
0x119: {  	v11 =	vmax.f32 v15, v17;
	v15 =	vmul.f32 $2.000000030e-01, v18;
	v20 =	vadd.f32 v21, v20;
	v12 =	vld [tilespmem:s24+$0xFFFFFFD0]  }
.Ltmp2:
0x11a: {  	v21 =	vmul.f32 $1.442695020e+00, v11;
	(erf) = vpow2.f32 v8;
	v11 =	vld [tilespmem:s24+$0xFFFFFFE0];
	(pc) =	sbr.rel @p0 .LBB2_7-.Ltmp2, $4  }
0x11b: {  	v15 =	vmax.f32 v18, v15;
	v22 =	vmul.f32 $2.000000030e-01, v20;
	v17 =	vadd.f32 v13, v16;
	v8 =	vld [tilespmem:s24+$0xFFFFFFF0]  }
0x11c: {  	v16 =	vadd.f32 v19, v9;
	v18 =	vmul.f32 $1.442695020e+00, v15;
	(erf) = vpow2.f32 v10;
	v9 =	vld [tilespmem:s24+$0x0]  }
0x11d: {  	v13 =	vmax.f32 v20, v22;
	v20 =	vmul.f32 $2.000000030e-01, v17;
	(erf) = vpow2.f32 v21;
	v10 =	vld [tilespmem:s24+$0x10]  }
0x11e: {  	s15 =	sadd.s32 $0x80, s15;
	s12 =	sadd.s32 $0x80, s12;
	v21 =	vmul.f32 $2.000000030e-01, v16;
	v19 =	vmul.f32 $1.442695020e+00, v13;
	v15 =	vpop (erf);
	v13 =	vld [tilespmem:s24+$0x20]  }
0x11f: {  	(erf) = vpow2.f32 v18;
	v7 =	vmul.f32 v7, v14  }
0x120: {  	v17 =	vmax.f32 v17, v20;
	[tilespmem:s15+$0x30] =	vst v15;
	v3 =	vmul.f32 v3, v12;
	v5 =	vmul.f32 v5, v11  }
0x121: {  	v16 =	vmax.f32 v16, v21;
	v17 =	vmul.f32 $1.442695020e+00, v17;
	(erf) = vpow2.f32 v19;
	[tilespmem:s30+$0xFFFFFFC0] =	vst v7  }
0x122: {  	v1 =	vmul.f32 v1, v8;
	v16 =	vmul.f32 $1.442695020e+00, v16;
	[tilespmem:s30+$0xFFFFFFD0] =	vst v3  }
0x123: {  	[tilespmem:s30+$0xFFFFFFE0] =	vst v5;
	v2 =	vmul.f32 v2, v9;
	(erf) = vpow2.f32 v17  }
0x124: {  	[tilespmem:s29+$0xFFFFFFF0] =	vst v1;
	(erf) = vpow2.f32 v16  }
0x125: {  	v4 =	vmul.f32 v4, v10;
	v52 =	vpop (erf);
	[tilespmem:s29+$0x0] =	vst v2  }
0x126: {  	v6 =	vmul.f32 v6, v13;
	[tilespmem:s15+$0xFFFFFFD0] =	vst v52  }
0x127: {  	s11 =	sadd.s32 $0x80, s24;
	[tilespmem:s29+$0x10] =	vst v4  }
0x128: {  	v51 =	vld [tilespmem:s11+$0x30];
	v3 =	vpop (erf);
	[tilespmem:s29+$0x20] =	vst v6  }
0x129: {  	v60 =	vld [tilespmem:s11+$0xFFFFFFD0];
	v53 =	vpop (erf);
	[tilespmem:s15+$0xFFFFFFE0] =	vst v3  }
0x12a: {  	[tilespmem:s15+$0xFFFFFFF0] =	vst v53;
	v1 =	vld [tilespmem:s11+$0xFFFFFFE0];
	v55 =	vpop (erf)  }
0x12b: {  	v61 =	vld [tilespmem:s11+$0xFFFFFFF0];
	v56 =	vpop (erf);
	[tilespmem:s15+$0x0] =	vst v55  }
0x12c: {  	[tilespmem:s15+$0x10] =	vst v56;
	v2 =	vld [tilespmem:s11+$0x0];
	v57 =	vpop (erf)  }
0x12d: {  	v54 =	vmul.f32 v15, v51;
	v62 =	vld [tilespmem:s11+$0x10];
	v58 =	vpop (erf);
	[tilespmem:s15+$0x20] =	vst v57  }
0x12e: {  	s12 =	sadd.s32 $0x80, s30;
	v7 =	vmul.f32 v52, v60;
	[tilespmem:s15+$0xFFFFFFC0] =	vst v58;
	v63 =	vld [tilespmem:s11+$0x20]  }
0x12f: {  	[tilespmem:s12+$0x30] =	vst v54;
	v1 =	vmul.f32 v3, v1;
	v59 =	vld [tilespmem:s11+$0xFFFFFFC0]  }
0x130: {  	[tilespmem:s12+$0xFFFFFFD0] =	vst v7;
	v3 =	vmul.f32 v53, v61  }
0x131: {  	[tilespmem:s12+$0xFFFFFFE0] =	vst v1;
	v2 =	vmul.f32 v55, v2  }
0x132: {  	[tilespmem:s12+$0xFFFFFFF0] =	vst v3;
	v1 =	vmul.f32 v56, v62  }
0x133: {  	[tilespmem:s12+$0x0] =	vst v2;
	v3 =	vmul.f32 v57, v63  }
0x134: {  	[tilespmem:s12+$0x10] =	vst v1;
	v8 =	vmul.f32 v58, v59  }
0x135: {  	[tilespmem:s12+$0x20] =	vst v3  }
0x136: {  	p0 =	sge.u32 s23, s31;
	[tilespmem:s12+$0xFFFFFFC0] =	vst v8  }
0x137: {  	[spmem:s4] =	stream.indirect.scatter.add.f32 [tilespmem:s19], [sflag:$0x4], $0x10, s16, s14, $0xb8;
	[tilespmem:$0xA100] =	vst v63  }
0x138: {  	s11 =	simm.s32 @!p0 $0x3  }
0x139: {  	[spmem:s5] =	stream.indirect.scatter.add.f32 [tilespmem:s20], [sflag:$0x4], $0x10, s16, s14, $0xb8;
	[tilespmem:$0xA100] =	vst v63  }
0x13a: {  	_ =	swait.ge @!p0 [sflag:s11], $0x800  }
0x13b: {  	[sflag:s11] =	ssyncset.done @!p0 $0x0  }
0x13c: {  	s12 =	sshll.u32 @!p0 s23, $0x8;
	[sflag:s11] =	ssyncadd.s32 @!p0 $0xFFFFF800  }
0x13d: {  	s15 =	sadd.s32 @!p0 s12, s25;
	_ =	swait.ge @!p0 [sflag:s11], $0x800  }
0x13e: {  	s15 =	sshrl.u32 @!p0 s15, $0x3;
	[sflag:s11] =	ssyncset.done @!p0 $0x0  }
0x13f: {  	s24 =	simm.s32 @!p0 $0x0;
	[sflag:s11] =	ssyncadd.s32 @!p0 $0xFFFFF800;
	s11 =	sadd.s32 @!p0 s7, s15  }
0x140: {  	[tilespmem:s24], [sflag:$0x5] =	stream.linear.gather @!p0 [hbm4b:s11+s24], $0x80, $0x38;
	[tilespmem:$0xA100] =	vst v63  }
0x141: {  	s11 =	simm.s32 @!p0 $0x5  }
0x142: {  	_ =	swait.ge @!p0 [sflag:s11], $0x80  }
0x143: {  	[sflag:s11] =	ssyncset.done @!p0 $0x0  }
0x144: {  	s28 =	simm.s32 @!p0 $0x80;
	s15 =	sadd.s32 @!p0 s8, s15;
	[sflag:s11] =	ssyncadd.s32 @!p0 $0xFFFFFF80  }
0x145: {  	[tilespmem:s28], [sflag:$0x5] =	stream.linear.gather @!p0 [hbm4b:s15+s24], $0x80, $0x38;
	[tilespmem:$0xA100] =	vst v63  }
0x146: {  	_ =	swait.ge @!p0 [sflag:s11], $0x80  }
0x147: {  	[sflag:s11] =	ssyncset.done @!p0 $0x0  }
0x148: {  	s15 =	simm.s32 @!p0 $0x100;
	[sflag:s11] =	ssyncadd.s32 @!p0 $0xFFFFFF80  }
0x149: {  	[tilespmem:s15], [sflag:$0x1] =	stream.indirect.gather @!p0 [hbm4b:s1+s28], $0x10, s24, s28, $0xb8;
	[tilespmem:$0xA100] =	vst v63  }
0x14a: {  	s15 =	simm.s32 @!p0 $0x1100  }
0x14b: {  	[tilespmem:s15], [sflag:$0x1] =	stream.indirect.gather @!p0 [hbm4b:s2+s28], $0x10, s24, s28, $0xb8;
	[tilespmem:$0xA100] =	vst v63  }
0x14c: {  	s15 =	simm.s32 @!p0 $0x1900  }
0x14d: {  	[tilespmem:s15], [sflag:$0x1] =	stream.indirect.gather @!p0 [hbm4b:s9+s28], $0x10, s28, s28, $0xb8;
	[tilespmem:$0xA100] =	vst v63  }
0x14e: {  	s15 =	simm.s32 @!p0 $0x4  }
0x14f: {  	_ =	swait.ge @!p0 [sflag:s15], $0x800  }
0x150: {  	[sflag:s15] =	ssyncset.done @!p0 $0x0  }
0x151: {  	[sflag:s15] =	ssyncadd.s32 @!p0 $0xFFFFF800  }
0x152: {  	s12 =	sadd.s32 @!p0 s12, s26;
	_ =	swait.ge @!p0 [sflag:s15], $0x800  }
0x153: {  	s12 =	sshrl.u32 @!p0 s12, $0x3;
	[sflag:s15] =	ssyncset.done @!p0 $0x0  }
0x154: {  	s29 =	simm.s32 @!p0 $0x2900;
	[sflag:s15] =	ssyncadd.s32 @!p0 $0xFFFFF800;
	s15 =	sadd.s32 @!p0 s7, s12  }
0x155: {  	[tilespmem:s29], [sflag:$0x5] =	stream.linear.gather @!p0 [hbm4b:s15+s24], $0x80, $0x38;
	[tilespmem:$0xA100] =	vst v63  }
0x156: {  	_ =	swait.ge @!p0 [sflag:s11], $0x80  }
0x157: {  	[sflag:s11] =	ssyncset.done @!p0 $0x0  }
0x158: {  	s12 =	sadd.s32 @!p0 s8, s12;
	s15 =	simm.s32 @!p0 $0x2980;
	[sflag:s11] =	ssyncadd.s32 @!p0 $0xFFFFFF80  }
0x159: {  	[tilespmem:s15], [sflag:$0x5] =	stream.linear.gather @!p0 [hbm4b:s12+s24], $0x80, $0x38;
	[tilespmem:$0xA100] =	vst v63  }
0x15a: {  	_ =	swait.ge @!p0 [sflag:s11], $0x80  }
0x15b: {  	[sflag:s11] =	ssyncset.done @!p0 $0x0  }
0x15c: {  	[sflag:s11] =	ssyncadd.s32 @!p0 $0xFFFFFF80;
	s11 =	simm.s32 @!p0 $0x2A00  }
0x15d: {  	[tilespmem:s11], [sflag:$0x2] =	stream.indirect.gather @!p0 [hbm4b:s1+s28], $0x10, s29, s28, $0xb8;
	[tilespmem:$0xA100] =	vst v63  }
0x15e: {  	s11 =	simm.s32 @!p0 $0x3A00  }
0x15f: {  	[tilespmem:s11], [sflag:$0x2] =	stream.indirect.gather @!p0 [hbm4b:s2+s28], $0x10, s29, s28, $0xb8;
	[tilespmem:$0xA100] =	vst v63  }
0x160: {  	s23 =	sadd.s32 $0x1, s23;
	s11 =	simm.s32 @!p0 $0x4200  }
0x161: {  	[tilespmem:s11], [sflag:$0x2] =	stream.indirect.gather @!p0 [hbm4b:s9+s28], $0x10, s15, s28, $0xb8;
	[tilespmem:$0xA100] =	vst v63  }
0x162: {  	p0 =	sne.s32 s23, s10  }
.Ltmp3:
0x163: {  	_ = 	snop;
	(pc) =	sbr.rel @p0 .LBB2_4-.Ltmp3, $1  }
0x164: {  	_ =	sdelay $0x3  }
0x165: {  	_ =	swait.ge [sflag:s21], $0x800  }
0x166: {  	[sflag:s21] =	ssyncset.done $0x0  }
0x167: {  	[sflag:s21] =	ssyncadd.s32 $0xFFFFF800  }
0x168: {  	_ =	swait.ge [sflag:s21], $0x800  }
0x169: {  	[sflag:s21] =	ssyncset.done $0x0  }
0x16a: {  	[sflag:s21] =	ssyncadd.s32 $0xFFFFF800  }
0x16b: {  	_ =	swait.ge [sflag:s22], $0x800  }
0x16c: {  	[sflag:s22] =	ssyncset.done $0x0  }
0x16d: {  	[sflag:s22] =	ssyncadd.s32 $0xFFFFF800  }
0x16e: {  	_ =	swait.ge [sflag:s22], $0x800  }
0x16f: {  	[sflag:s22] =	ssyncset.done $0x0  }
0x170: {  	[sflag:s22] =	ssyncadd.s32 $0xFFFFF800  }
0x171: {  	s11 =	stileid.u32;
	[bflag:$0x0] =	sbarrier.arrive $0xFFFF  }
0x172: {  	s11 =	sshll.u32 s11, $0x6;
	s23 =	rddreg [dreg:$0x6]  }
0x173: {  	s11 =	sor.u32 $0x1C05, s11;
	s15 =	rddreg [dreg:$0x14];
	s12 =	sshrl.u32 s23, $0x3  }
0x174: {  	[hbm:s15], [sflag:s11] =	dma.local [spmem:s12], $0x4F0  }
0x175: {  	_ =	swait.ge [sflag:s3], $0x4F0  }
0x176: {  	[sflag:s3] =	ssyncset.done $0x0;
	s24 =	rddreg [dreg:$0x7]  }
0x177: {  	s29 =	rddreg [dreg:$0x15];
	[sflag:s3] =	ssyncadd.s32 $0xFFFFFB10;
	s28 =	sshrl.u32 s24, $0x3  }
0x178: {  	[hbm:s29], [sflag:s11] =	dma.local [spmem:s28], $0x4F0  }
0x179: {  	_ =	swait.ge [sflag:s3], $0x4F0  }
0x17a: {  	s6 =	sadd.s32 $0x1, s6;
	s30 =	rddreg [dreg:$0x16]  }
0x17b: {  	p0 =	sne.s32 s6, s30  }
.Ltmp4:
0x17c: {  	_ = 	snop;
	(pc) =	sbr.rel @p0 .LBB2_1-.Ltmp4, $3  }
0x17d: {  	_ =	sdelay $0x1  }
0x17e: {  	[sflag:s3] =	ssyncset.done $0x0  }
0x17f: {  	[sflag:s3] =	ssyncadd.s32 $0xFFFFFB10  }
0x180: {  	_ =	sfence.sel $0x180000  }
0x181: {  	[bflag:$0x0] =	sbarrier.arrive $0xFFFF  }
0x182: {  	_ =	strace $0x9000004A  }
0x183: {  	s0 =	stileid.u32;
	[bflag:$0x2] =	sbarrier.arrive $0xFFFF  }
0x184: {  	p0 =	sne.s32 s0, $0x0;
	s0 =	rddreg [dreg:$0x5]  }
0x185: {  	s0 =	sadd.s32 @!p0 $0x100000, s0  }
0x186: {  	[sflag:s0] =	ssyncadd.tile.s32 @!p0 $0x1;
	_ =	shalt  }
.Lfunc_end2:
_tile_overlayer_lowered:
.L_overlay_start_2:
0x187: {  	(tag) =	ssettag $0x2  }
0x188: {  	s0 =	rddreg [dreg:$0x0];
	s2 =	stileid.u32  }
0x189: {  	s1 =	rddreg [dreg:$0x1];
	p0 =	sne.s32 s2, $0x0  }
0x18a: {  	s3 =	rddreg [dreg:$0x2];
	[bflag:$0x3] =	sbarrier.arrive $0xFFFF;
	s2 =	simm.s32 @!p0 $0x1C05  }
0x18b: {  	[timem:s3], [sflag:s2] =	dma.local @!p0 [hbm:s0], s1  }
0x18c: {  	s0 =	simm.s32 @!p0 $0x5  }
0x18d: {  	_ =	swait.ge @!p0 [sflag:s0], s1  }
0x18e: {  	s1 =	ssub.s32 @!p0 $0x0, s1;
	[sflag:s0] =	ssyncset.done @!p0 $0x0  }
0x18f: {  	[sflag:s0] =	ssyncadd.s32 @!p0 s1  }
0x190: {  	[bflag:$0x3] =	sbarrier.arrive $0xFFFF  }
0x191: {  	_ =	shalt  }

// kernel: kernel.7.cloned.1.call-start
scs
__scs_entry_jumppad:
0x0: {  	(pc) =	sbr.rel $0x88, $3  }
0x1: {  	(tag) =	ssettag $0x0;
	lr =	simm.s32 $0x1  }
0x2: {  	[smem:$0x3F97] =	sst lr;
	_ =	strace $0xD0000000  }
0x3: {  	_ = 	snop  }
0x4: {  	_ = 	snop  }
0x5: {  	_ = 	snop  }
0x6: {  	_ = 	snop  }
0x7: {  	_ = 	snop  }
__scs_overlays_trampoline_lowered:
0x8: {  	[smem:$0x3FA6] =	sst s0  }
0x9: {  	[smem:$0x3FA7] =	sst s1  }
0xa: {  	[smem:$0x3FA8] =	sst s2  }
0xb: {  	[smem:$0x3FA9] =	sst s3  }
0xc: {  	[smem:$0x3FAA] =	sst s4  }
0xd: {  	[smem:$0x3FAB] =	sst s5  }
0xe: {  	[smem:$0x3FAC] =	sst s6  }
0xf: {  	[smem:$0x3FAD] =	sst s7  }
0x10: {  	[smem:$0x3FAE] =	sst s8  }
0x11: {  	[smem:$0x3FAF] =	sst s9;
	s0 =	simm.s32 @!p0 $0x0  }
0x12: {  	s1 =	sld [smem:$0x3F95];
	s0 =	simm.s32 @p0 $0x1  }
0x13: {  	[smem:$0x3FB0] =	sst s0;
	s0 =	simm.s32 @!p1 $0x0  }
0x14: {  	s2 =	sld [smem:$0x3F94];
	s0 =	simm.s32 @p1 $0x1  }
0x15: {  	[smem:$0x3FB1] =	sst s0;
	s0 =	simm.s32 @!p2 $0x0  }
0x16: {  	s3 =	sld [smem:$0x3FDB];
	s0 =	simm.s32 @p2 $0x1  }
0x17: {  	s4 =	simm.s32 $0x1BF5;
	[smem:$0x3FB3] =	sst s0  }
0x18: {  	s0 =	sld [smem:$0x3F96];
	_ =	swait.ge [sflag:s4], $0x0  }
0x19: {  	s7 =	sld [smem:$0x3F97]  }
0x1a: {  	s8 =	sadd.s32 $0xFFFFE003, lr  }
0x1b: {  	s9 =	sadd.s32 $0xFFFFFEF7, lr;
	s5 =	simm.s32 $0xFFFFFFFF;
	p2 =	slt.u32 s8, $0xFFFFF086  }
0x1c: {  	p1 =	slt.u32 s9, $0xF7A;
	s5 =	simm.s32 @!p2 $0x0  }
0x1d: {  	s5 =	simm.s32 @p1 $0x1;
	p0 =	seq.s32 s7, s2  }
0x1e: {  	s7 =	smul.u32 @!p0 $0xF7A, s2;
	p2 =	seq.s32 @!p0 s5, $0x0  }
0x1f: {  	s9 =	smul.u32 $0xF7A, s1;
	s8 =	simm.s32 @!p0 $0x1BF5;
	p2 =	por !p2, p0  }
0x20: {  	[sflag:s8] =	ssyncset.s32 @!p0 $0xFFFFF086;
	s6 =	sadd.s32 @!p0 s3, s7;
	s7 =	simm.s32 @!p0 $0x108  }
0x21: {  	s3 =	sadd.s32 s3, s9;
	s6 =	sadd.s32 @!p0 $0x88, s6;
	s7 =	simm.s32 @p2 $0x1082  }
0x22: {  	[simem:s7], [sflag:s8] =	dma.local @!p0 [hbm:s6], $0xF7A  }
0x23: {  	s9 =	sor.u32 $0xD0000000, s2;
	s6 =	simm.s32 $0x108;
	_ =	swait.ge @!p0 [sflag:s8], $0x0  }
0x24: {  	s3 =	sadd.s32 $0x88, s3;
	s6 =	simm.s32 @!p1 $0x1082;
	[sflag:s4] =	ssyncset.s32 $0xFFFFF086  }
0x25: {  	[simem:s6], [sflag:s4] =	dma.local [hbm:s3], $0xF7A  }
0x26: {  	[smem:$0x3F97] =	sst s1;
	(tag) =	ssettag s2;
	_ =	strace s9  }
0x27: {  	s1 =	sld [smem:$0x3FA7]  }
0x28: {  	s2 =	sld [smem:$0x3FA8]  }
0x29: {  	s4 =	sld [smem:$0x3FAA]  }
0x2a: {  	p0 =	seq.s32 s5, $0x0;
	s5 =	sld [smem:$0x3FAB]  }
0x2b: {  	s6 =	sld [smem:$0x3FAC]  }
0x2c: {  	s7 =	sld [smem:$0x3FAD]  }
0x2d: {  	s3 =	simm.s32 $0x108;
	s8 =	sld [smem:$0x3FAE]  }
0x2e: {  	s3 =	simm.s32 @!p0 $0x1082;
	s9 =	sld [smem:$0x3FAF]  }
0x2f: {  	lr =	sadd.s32 s0, s3;
	s0 =	sld [smem:$0x3FA6]  }
0x30: {  	s3 =	sld [smem:$0x3FA9]  }
0x31: {  	[smem:$0x3FB2] =	sst s10  }
0x32: {  	s10 =	sld [smem:$0x3FB0];
	_ =	sdelay $0x3  }
0x33: {  	p0 =	seq.s32 s10, $0x1;
	s10 =	sld [smem:$0x3FB2];
	_ =	sdelay $0x3  }
0x34: {  	[smem:$0x3FB2] =	sst s10  }
0x35: {  	s10 =	sld [smem:$0x3FB1];
	_ =	sdelay $0x3  }
0x36: {  	p1 =	seq.s32 s10, $0x1;
	s10 =	sld [smem:$0x3FB2];
	_ =	sdelay $0x3  }
0x37: {  	[smem:$0x3FB2] =	sst s10  }
0x38: {  	s10 =	sld [smem:$0x3FB3]  }
0x39: {  	_ = 	snop;
	(pc) =	sbr.ind lr, $3  }
0x3a: {  	_ = 	snop  }
0x3b: {  	_ = 	snop  }
0x3c: {  	p2 =	seq.s32 s10, $0x1;
	s10 =	sld [smem:$0x3FB2]  }
0x3d: {  	_ =	shalt  }
0x3e: {  	_ =	shalt  }
0x3f: {  	_ =	shalt  }
0x40: {  	_ =	shalt  }
0x41: {  	_ =	shalt  }
0x42: {  	_ =	shalt  }
0x43: {  	_ =	shalt  }
0x44: {  	_ =	shalt  }
0x45: {  	_ =	shalt  }
0x46: {  	_ =	shalt  }
0x47: {  	_ =	shalt  }
0x48: {  	_ =	shalt  }
0x49: {  	_ =	shalt  }
0x4a: {  	_ =	shalt  }
0x4b: {  	_ =	shalt  }
0x4c: {  	_ =	shalt  }
0x4d: {  	_ =	shalt  }
0x4e: {  	_ =	shalt  }
0x4f: {  	_ =	shalt  }
0x50: {  	_ =	shalt  }
0x51: {  	_ =	shalt  }
0x52: {  	_ =	shalt  }
0x53: {  	_ =	shalt  }
0x54: {  	_ =	shalt  }
0x55: {  	_ =	shalt  }
0x56: {  	_ =	shalt  }
0x57: {  	_ =	shalt  }
0x58: {  	_ =	shalt  }
0x59: {  	_ =	shalt  }
0x5a: {  	_ =	shalt  }
0x5b: {  	_ =	shalt  }
0x5c: {  	_ =	shalt  }
0x5d: {  	_ =	shalt  }
0x5e: {  	_ =	shalt  }
0x5f: {  	_ =	shalt  }
0x60: {  	_ =	shalt  }
0x61: {  	_ =	shalt  }
0x62: {  	_ =	shalt  }
0x63: {  	_ =	shalt  }
0x64: {  	_ =	shalt  }
0x65: {  	_ =	shalt  }
0x66: {  	_ =	shalt  }
0x67: {  	_ =	shalt  }
0x68: {  	_ =	shalt  }
0x69: {  	_ =	shalt  }
0x6a: {  	_ =	shalt  }
0x6b: {  	_ =	shalt  }
0x6c: {  	_ =	shalt  }
0x6d: {  	_ =	shalt  }
0x6e: {  	_ =	shalt  }
0x6f: {  	_ =	shalt  }
0x70: {  	_ =	shalt  }
0x71: {  	_ =	shalt  }
0x72: {  	_ =	shalt  }
0x73: {  	_ =	shalt  }
0x74: {  	_ =	shalt  }
0x75: {  	_ =	shalt  }
0x76: {  	_ =	shalt  }
0x77: {  	_ =	shalt  }
0x78: {  	_ =	shalt  }
0x79: {  	_ =	shalt  }
0x7a: {  	_ =	shalt  }
0x7b: {  	_ =	shalt  }
0x7c: {  	_ =	shalt  }
0x7d: {  	_ =	shalt  }
0x7e: {  	_ =	shalt  }
0x7f: {  	_ =	shalt  }
0x80: {  	_ =	shalt  }
0x81: {  	_ =	shalt  }
0x82: {  	_ =	shalt  }
0x83: {  	_ =	shalt  }
0x84: {  	_ =	shalt  }
0x85: {  	_ =	shalt  }
0x86: {  	_ =	shalt  }
0x87: {  	_ =	shalt  }
.Lfunc_end0:
.L_simem_size_0:
called_computation_lowered:
.L_overlay_start_0:
0x88: {  	s2 =	sld [smem:$0x3FD9]  }
0x89: {  	s3 =	sld [smem:$0x3FFE];
	_ =	sdelay $0x1  }
0x8a: {  	s1 =	srdreg.scid  }
0x8b: {  	s0 =	sand.u32 $0x1, s1  }
0x8c: {  	s14 =	sshll.u32 s0, $0xA;
	s2 =	sadd.s32 s3, s2  }
0x8d: {  	s2 =	sadd.s32 s2, s14  }
0x8e: {  	[smem:$0x3FBE] =	sst s2  }
0x8f: {  	_ = 	snop  }
0x90: {  	s2 =	sld [smem:$0x3FD0];
	_ =	sdelay $0x2  }
0x91: {  	s15 =	simm.s32 $0xA;
	s4 =	simm.s32 $0x10  }
0x92: {  	[smem:s4], [sflag:s15] =	dma.local [hbm:s2], $0x1  }
0x93: {  	_ =	swait.eq [sflag:s15], $0x1  }
0x94: {  	[sflag:s15] =	ssyncset.done $0x0  }
0x95: {  	s16 =	sld [smem:$0x10];
	[sflag:s15] =	ssyncadd.s32 $0xFFFFFFFF  }
0x96: {  	s17 =	sld [smem:$0x11];
	(tm) =	ssettm $0x1  }
0x97: {  	s18 =	sld [smem:$0x3FFB];
	_ =	sdelay $0x3  }
0x98: {  	_ =	strace s18  }
0x99: {  	s4 =	sld [smem:$0x3FFC];
	_ =	sdelay $0x3  }
0x9a: {  	_ =	strace s4  }
0x9b: {  	s4 =	sld [smem:$0x3FFD];
	_ =	sdelay $0x3  }
0x9c: {  	_ =	strace s4  }
0x9d: {  	_ =	strace $0x8FFFFFFF  }
0x9e: {  	s19 =	sld [smem:$0x3FDB];
	_ =	sdelay $0x1  }
0x9f: {  	s5 =	simm.s32 $_scs_section_size  }
0xa0: {  	s6 =	simm.s32 $_size__tile_overlayer_lowered;
	s7 =	simm.s32 $_tile_overlayer_lowered  }
0xa1: {  	s22 =	simm.s32 $0x1BFF;
	s21 =	sshll.u32 s7, $0x1;
	s4 =	sadd.s32 s5, s19  }
0xa2: {  	s8 =	simm.s32 $0x0;
	s20 =	sshll.u32 s6, $0x1;
	s6 =	sadd.s32 s21, s4  }
0xa3: {  	[timem:s8], [sflag:s22] =	dma.local [hbm:s6], s20  }
0xa4: {  	_ =	swait.ge [sflag:s22], s20  }
0xa5: {  	s5 =	ssub.s32 $0x0, s20;
	[sflag:s22] =	ssyncset.done $0x0  }
0xa6: {  	[sflag:s22] =	ssyncadd.s32 s5;
	_ =	sdelay $0x1  }
0xa7: {  	s23 =	simm.s32 $0x1B8B  }
0xa8: {  	_ =	swait.ge [sflag:s23], $0x1  }
0xa9: {  	[sflag:s23] =	ssyncset.done $0x0  }
0xaa: {  	s25 =	simm.s32 $0x1B8E;
	s24 =	sld [smem:$0x3FFE];
	[sflag:s23] =	ssyncadd.s32 $0xFFFFFFFF  }
0xab: {  	s26 =	simm.s32 $execute0_lowered;
	[smem:$0x3FD2] =	sst s25  }
0xac: {  	s6 =	sshll.u32 s26, $0x1;
	_ =	strace $0x80000046;
	[dreg:$0x1] =	wrdreg $0xFFFFFFFF  }
0xad: {  	s28 =	simm.s32 $_size_execute0_lowered;
	s4 =	sadd.s32 s4, s6;
	[dreg:$0x0] =	wrdreg $0x0  }
0xae: {  	s6 =	sshll.u32 s28, $0x1;
	[dreg:$0x2] =	wrdreg s4  }
0xaf: {  	[dreg:$0x3] =	wrdreg s6  }
0xb0: {  	[dreg:$0x4] =	wrdreg $0xC0  }
0xb1: {  	_ =	task [dreg:s8], $0x5FFFF  }
0xb2: {  	[dreg:$0x1] =	wrdreg $0xFFFFFFFF  }
0xb3: {  	[dreg:$0x0] =	wrdreg $0x60  }
0xb4: {  	[dreg:$0x2] =	wrdreg s24  }
0xb5: {  	[dreg:$0x3] =	wrdreg s17  }
0xb6: {  	[dreg:$0x4] =	wrdreg s16  }
0xb7: {  	[dreg:$0x5] =	wrdreg $0x79000  }
0xb8: {  	[dreg:$0x6] =	wrdreg $0x1B5000  }
0xb9: {  	[dreg:$0x7] =	wrdreg $0x9  }
0xba: {  	_ =	task.clear_ibuf [dreg:s8], $0x8FFFF;
	_ =	strace $0x90000046  }
0xbb: {  	s29 =	simm.s32 $0x9;
	_ =	strace $0x80000048  }
0xbc: {  	_ =	swait.ge [sflag:s29], $0x1  }
0xbd: {  	[sflag:s29] =	ssyncadd.s32 $0xFFFFFFFF  }
0xbe: {  	_ =	strace $0x90000048  }
0xbf: {  	_ =	sfence  }
0xc0: {  	s30 =	sld [smem:$0x0];
	_ =	sdelay $0x2  }
0xc1: {  	s31 =	sshll.u32 s1, $0xD;
	s1 =	sshrl.u32 s1, $0x2  }
0xc2: {  	s3 =	sand.u32 $0x4000, s31;
	s1 =	sadd.s32 s1, s30  }
0xc3: {  	s0 =	sor.u32 s3, s0;
	s1 =	sshll.u32 s1, $0x11  }
0xc4: {  	s0 =	sor.u32 s1, s0  }
0xc5: {  	s0 =	sadd.s32 $0x8F2B, s0  }
0xc6: {  	[sflag:s0] =	ssyncadd.remote.s32 $0x1  }
0xc7: {  	_ =	sfence.sel $0xFFFF  }
0xc8: {  	[dreg:$0x0] =	wrdreg $0xFFFFFFFF;
	(pc) =	sbr.abs _section_cstart, $3  }
0xc9: {  	[dreg:$0x1] =	wrdreg $0xFFFFFFFF  }
0xca: {  	_ =	task.clear_ibuf [dreg:s8], $0x2FFFF;
	_ =	strace $0x9FFFFFFF  }
0xcb: {  	(tm) =	ssettm $0x7FFFFFFF  }
tec
execute0_lowered:
.L_overlay_start_1:
0x0: {  	(tag) =	ssettag $0x1  }
0x1: {  	s3 =	rddreg [dreg:$0x0]  }
0x2: {  	s1 =	rddreg [dreg:$0x1]  }
0x3: {  	s2 =	rddreg [dreg:$0x2]  }
0x4: {  	s4 =	rddreg [dreg:$0x3]  }
0x5: {  	s0 =	srdreg.scid;
	s18 =	stileid.u32  }
0x6: {  	s5 =	rddreg [dreg:$0x4];
	s6 =	simm.s32 $0x0;
	s11 =	smul.u32 $0x13C00, s18  }
0x7: {  	s28 =	simm.s32 $0x1;
	s29 =	simm.s32 $0x2;
	s12 =	smul.u32 $0x2780, s18  }
0x8: {  	s30 =	simm.s32 $0x4D00;
	s31 =	simm.s32 $0x7500;
	s15 =	smul.u32 $0x2080, s18  }
0x9: {  	s10 =	sand.u32 $0x1, s0;
	[smem:$0x7FF] =	sst s6;
	s16 =	smul.u32 $0x3180, s18  }
0xa: {  	s7 =	sadd.s32 $0xC000, s3;
	s8 =	sadd.s32 $0x1C00, s3;
	s0 =	smul.u32 $0x13C000, s10  }
0xb: {  	s9 =	sadd.s32 $0x16400, s3;
	_ =	strace $0x80000047;
	s13 =	smul.u32 $0x27800, s10  }
0xc: {  	s14 =	ssub.s32 $0x2, s10;
	p0 =	seq.s32 s10, $0x0;
	s10 =	simm.s32 $0x63  }
0xd: {  	s26 =	sshrl.u32 s14, $0x1;
	s17 =	sadd.s32 $0x31800, s15;
	s15 =	smul.u32 $0x278, s18  }
0xe: {  	s10 =	simm.s32 @!p0 $0x41;
	s18 =	sadd.s32 s11, s4;
	s19 =	sadd.s32 s12, s5  }
0xf: {  	s0 =	sadd.s32 s11, s0;
	s13 =	sadd.s32 s12, s13;
	[dreg:$0x6] =	wrdreg s18  }
0x10: {  	s17 =	smov.u32 @p0 s16;
	[dreg:$0x7] =	wrdreg s19;
	s0 =	sshrl.u32 s0, $0x3  }
0x11: {  	s13 =	sshrl.u32 s13, $0x3;
	s20 =	sadd.s32 $0x80, s15;
	s22 =	sadd.s32 $0xC0, s15  }
0x12: {  	s25 =	sadd.s32 $0x100, s15;
	s0 =	sadd.s32 s0, s3;
	s3 =	sadd.s32 s13, s3  }
0x13: {  	s13 =	ssub.s32 s14, s26;
	s14 =	sadd.s32 $0x40, s15;
	s21 =	sshll.u32 s20, $0x7  }
0x14: {  	s23 =	sshll.u32 s22, $0x7;
	s24 =	sshll.u32 s22, $0x4;
	s26 =	sshll.u32 s25, $0x7  }
0x15: {  	s16 =	sshll.u32 s14, $0x7;
	s11 =	sshll.u32 s14, $0x4;
	s0 =	sadd.s32 $0x33E00, s0  }
0x16: {  	s12 =	sadd.s32 s16, s4;
	s11 =	sadd.s32 s11, s5;
	[dreg:$0x1e] =	wrdreg s0  }
0x17: {  	s16 =	sadd.s32 $0x140, s15;
	s0 =	simm.s32 $0x4;
	[dreg:$0x8] =	wrdreg s12  }
0x18: {  	[dreg:$0x9] =	wrdreg s11;
	s11 =	sshll.u32 s20, $0x4;
	s12 =	sadd.s32 s21, s4  }
0x19: {  	s20 =	sshll.u32 s16, $0x7;
	[dreg:$0xa] =	wrdreg s12;
	s11 =	sadd.s32 s11, s5  }
0x1a: {  	s12 =	sshll.u32 s25, $0x4;
	[dreg:$0xb] =	wrdreg s11;
	s11 =	sadd.s32 s23, s4  }
0x1b: {  	s21 =	sadd.s32 $0x180, s15;
	s14 =	sadd.s32 s12, s5;
	[dreg:$0xc] =	wrdreg s11  }
0x1c: {  	s22 =	sshll.u32 s21, $0x7;
	s12 =	sadd.s32 s20, s4;
	[dreg:$0xf] =	wrdreg s14  }
0x1d: {  	s23 =	sshll.u32 s21, $0x4;
	s11 =	sadd.s32 s24, s5;
	[dreg:$0x10] =	wrdreg s12  }
0x1e: {  	s21 =	sshrl.u32 s17, $0x3;
	s24 =	sadd.s32 $0x1C0, s15;
	[dreg:$0xd] =	wrdreg s11  }
0x1f: {  	s11 =	sadd.s32 s26, s4;
	s25 =	sshll.u32 s24, $0x7;
	s12 =	sshll.u32 s24, $0x4  }
0x20: {  	[dreg:$0xe] =	wrdreg s11;
	s11 =	sshll.u32 s16, $0x4;
	s26 =	sadd.s32 s12, s5  }
0x21: {  	s12 =	sadd.s32 $0x200, s15;
	s11 =	sadd.s32 s11, s5;
	[dreg:$0x15] =	wrdreg s26  }
0x22: {  	s15 =	sadd.s32 $0x240, s15;
	s26 =	smax.u32 s13, $0x1;
	[dreg:$0x11] =	wrdreg s11  }
0x23: {  	s14 =	sshll.u32 s12, $0x7;
	s11 =	sadd.s32 s22, s4;
	[smem:$0x7FD] =	sst s26  }
0x24: {  	s16 =	sshll.u32 s15, $0x7;
	s22 =	sadd.s32 s7, s21;
	[dreg:$0x12] =	wrdreg s11  }
0x25: {  	s20 =	sshll.u32 s15, $0x4;
	s11 =	sadd.s32 s23, s5;
	[dreg:$0x1a] =	wrdreg s22  }
0x26: {  	s23 =	sor.u32 $0x8, s21;
	[dreg:$0x13] =	wrdreg s11;
	s11 =	sadd.s32 s25, s4  }
0x27: {  	s15 =	sadd.s32 $0x80, s17;
	s24 =	sadd.s32 s7, s23;
	[dreg:$0x14] =	wrdreg s11  }
0x28: {  	s26 =	simm.s32 $0x3CC0;
	s25 =	sadd.s32 $0x2A000, s3;
	[dreg:$0x1c] =	wrdreg s24  }
0x29: {  	s11 =	sshll.u32 s12, $0x4;
	s12 =	sadd.s32 s14, s4;
	[dreg:$0x1f] =	wrdreg s25  }
0x2a: {  	s22 =	simm.s32 $0x5;
	[dreg:$0x16] =	wrdreg s12;
	s11 =	sadd.s32 s11, s5  }
0x2b: {  	s3 =	simm.s32 $0x3;
	s12 =	sadd.s32 s8, s21;
	[dreg:$0x17] =	wrdreg s11  }
0x2c: {  	s24 =	simm.s32 $0x40;
	s11 =	sadd.s32 s16, s4;
	[dreg:$0x1b] =	wrdreg s12  }
0x2d: {  	v0 =	vimm.f32 $0.0e+00;
	v1 =	vimm.s32 $0x0;
	v2 =	vimm.s32 $0x1;
	s21 =	simm.s32 $0x1080;
	[dreg:$0x18] =	wrdreg s11;
	s11 =	sadd.s32 s20, s5  }
0x2e: {  	v3 =	vimm.s32 $0x2;
	v4 =	vimm.s32 $0x3;
	v5 =	vimm.s32 $0x4;
	s16 =	sadd.s32 $0xC0, s17;
	[dreg:$0x19] =	wrdreg s11;
	s11 =	sadd.s32 s8, s23  }
0x2f: {  	v6 =	vimm.s32 $0x5;
	v7 =	vimm.s32 $0x6;
	v8 =	vimm.s32 $0x7;
	s20 =	sadd.s32 $0xFFFFFFFF, s10;
	s23 =	simm.s32 $0x3880;
	[dreg:$0x1d] =	wrdreg s11  }
.LBB2_1:
0x30: {  	s11 =	simm.s32 $0x10C0  }
0x31: {  	[tilespmem:s11+$0xFFFFFFD0] =	vst v0  }
0x32: {  	[tilespmem:s11+$0xFFFFFFE0] =	vst v0  }
0x33: {  	[tilespmem:s11+$0xFFFFFFF0] =	vst v0  }
0x34: {  	[tilespmem:s11+$0x0] =	vst v0  }
0x35: {  	[tilespmem:s11+$0x10] =	vst v0  }
0x36: {  	[tilespmem:s11+$0x20] =	vst v0  }
0x37: {  	[tilespmem:s11+$0x30] =	vst v0  }
0x38: {  	s13 =	simm.s32 $0x0;
	s12 =	simm.s32 $0x40;
	[tilespmem:s11+$0xFFFFFFC0] =	vst v0  }
.LBB2_2:
0x39: {  	p0 =	sne.s32 s12, $0xFC0;
	[tilespmem:s13+$0x3880] =	vst v0;
	s11 =	sadd.s32 $0x80, s11  }
0x3a: {  	[tilespmem:s11+$0xFFFFFFD0] =	vst v0  }
0x3b: {  	[tilespmem:s11+$0xFFFFFFE0] =	vst v0  }
0x3c: {  	[tilespmem:s11+$0xFFFFFFF0] =	vst v0  }
.Ltmp0:
0x3d: {  	[tilespmem:s11+$0x0] =	vst v0;
	(pc) =	sbr.rel @p0 .LBB2_2-.Ltmp0, $4  }
0x3e: {  	[tilespmem:s11+$0x10] =	vst v0  }
0x3f: {  	[tilespmem:s11+$0x20] =	vst v0  }
0x40: {  	[tilespmem:s11+$0x30] =	vst v0  }
0x41: {  	s13 =	sshra.s32 s12, $0x2;
	s12 =	sadd.s32 $0x40, s12;
	[tilespmem:s11+$0xFFFFFFC0] =	vst v0  }
0x42: {  	[tilespmem:s13+$0x3880] =	vst v0  }
0x43: {  	[spmem:s18] =	stream.linear.scatter [tilespmem:s21], [sflag:$0x5], $0x2000, $0x38;
	[tilespmem:$0x1DC80] =	vst v63  }
0x44: {  	_ =	swait.ge [sflag:s22], $0x2000  }
0x45: {  	[sflag:s22] =	ssyncset.done $0x0  }
0x46: {  	[sflag:s22] =	ssyncadd.s32 $0xFFFFE000  }
0x47: {  	[spmem:s19] =	stream.linear.scatter [tilespmem:s23], [sflag:$0x5], $0x400, $0x38;
	[tilespmem:$0x1DC80] =	vst v63  }
0x48: {  	_ =	swait.ge [sflag:s22], $0x400  }
0x49: {  	[sflag:s22] =	ssyncset.done $0x0  }
0x4a: {  	s11 =	rddreg [dreg:$0x8];
	[sflag:s22] =	ssyncadd.s32 $0xFFFFFC00  }
0x4b: {  	[spmem:s11] =	stream.linear.scatter [tilespmem:s21], [sflag:$0x5], $0x2000, $0x38;
	[tilespmem:$0x1DC80] =	vst v63  }
0x4c: {  	_ =	swait.ge [sflag:s22], $0x2000  }
0x4d: {  	[sflag:s22] =	ssyncset.done $0x0  }
0x4e: {  	s12 =	rddreg [dreg:$0x9];
	[sflag:s22] =	ssyncadd.s32 $0xFFFFE000  }
0x4f: {  	[spmem:s12] =	stream.linear.scatter [tilespmem:s23], [sflag:$0x5], $0x400, $0x38;
	[tilespmem:$0x1DC80] =	vst v63  }
0x50: {  	_ =	swait.ge [sflag:s22], $0x400  }
0x51: {  	[sflag:s22] =	ssyncset.done $0x0  }
0x52: {  	s13 =	rddreg [dreg:$0xa];
	[sflag:s22] =	ssyncadd.s32 $0xFFFFFC00  }
0x53: {  	[spmem:s13] =	stream.linear.scatter [tilespmem:s21], [sflag:$0x5], $0x2000, $0x38;
	[tilespmem:$0x1DC80] =	vst v63  }
0x54: {  	_ =	swait.ge [sflag:s22], $0x2000  }
0x55: {  	[sflag:s22] =	ssyncset.done $0x0  }
0x56: {  	s14 =	rddreg [dreg:$0xb];
	[sflag:s22] =	ssyncadd.s32 $0xFFFFE000  }
0x57: {  	[spmem:s14] =	stream.linear.scatter [tilespmem:s23], [sflag:$0x5], $0x400, $0x38;
	[tilespmem:$0x1DC80] =	vst v63  }
0x58: {  	_ =	swait.ge [sflag:s22], $0x400  }
0x59: {  	[sflag:s22] =	ssyncset.done $0x0  }
0x5a: {  	s17 =	rddreg [dreg:$0xc];
	[sflag:s22] =	ssyncadd.s32 $0xFFFFFC00  }
0x5b: {  	[spmem:s17] =	stream.linear.scatter [tilespmem:s21], [sflag:$0x5], $0x2000, $0x38;
	[tilespmem:$0x1DC80] =	vst v63  }
0x5c: {  	_ =	swait.ge [sflag:s22], $0x2000  }
0x5d: {  	[sflag:s22] =	ssyncset.done $0x0  }
0x5e: {  	s18 =	rddreg [dreg:$0xd];
	[sflag:s22] =	ssyncadd.s32 $0xFFFFE000  }
0x5f: {  	[spmem:s18] =	stream.linear.scatter [tilespmem:s23], [sflag:$0x5], $0x400, $0x38;
	[tilespmem:$0x1DC80] =	vst v63  }
0x60: {  	_ =	swait.ge [sflag:s22], $0x400  }
0x61: {  	[sflag:s22] =	ssyncset.done $0x0  }
0x62: {  	s19 =	rddreg [dreg:$0xe];
	[sflag:s22] =	ssyncadd.s32 $0xFFFFFC00  }
0x63: {  	[spmem:s19] =	stream.linear.scatter [tilespmem:s21], [sflag:$0x5], $0x2000, $0x38;
	[tilespmem:$0x1DC80] =	vst v63  }
0x64: {  	_ =	swait.ge [sflag:s22], $0x2000  }
0x65: {  	[sflag:s22] =	ssyncset.done $0x0  }
0x66: {  	s25 =	rddreg [dreg:$0xf];
	[sflag:s22] =	ssyncadd.s32 $0xFFFFE000  }
0x67: {  	[spmem:s25] =	stream.linear.scatter [tilespmem:s23], [sflag:$0x5], $0x400, $0x38;
	[tilespmem:$0x1DC80] =	vst v63  }
0x68: {  	_ =	swait.ge [sflag:s22], $0x400  }
0x69: {  	[sflag:s22] =	ssyncset.done $0x0  }
0x6a: {  	s12 =	rddreg [dreg:$0x10];
	[sflag:s22] =	ssyncadd.s32 $0xFFFFFC00  }
0x6b: {  	[spmem:s12] =	stream.linear.scatter [tilespmem:s21], [sflag:$0x5], $0x2000, $0x38;
	[tilespmem:$0x1DC80] =	vst v63  }
0x6c: {  	_ =	swait.ge [sflag:s22], $0x2000  }
0x6d: {  	[sflag:s22] =	ssyncset.done $0x0  }
0x6e: {  	s13 =	rddreg [dreg:$0x11];
	[sflag:s22] =	ssyncadd.s32 $0xFFFFE000  }
0x6f: {  	[spmem:s13] =	stream.linear.scatter [tilespmem:s23], [sflag:$0x5], $0x400, $0x38;
	[tilespmem:$0x1DC80] =	vst v63  }
0x70: {  	_ =	swait.ge [sflag:s22], $0x400  }
0x71: {  	[sflag:s22] =	ssyncset.done $0x0  }
0x72: {  	s14 =	rddreg [dreg:$0x12];
	[sflag:s22] =	ssyncadd.s32 $0xFFFFFC00  }
0x73: {  	[spmem:s14] =	stream.linear.scatter [tilespmem:s21], [sflag:$0x5], $0x2000, $0x38;
	[tilespmem:$0x1DC80] =	vst v63  }
0x74: {  	_ =	swait.ge [sflag:s22], $0x2000  }
0x75: {  	[sflag:s22] =	ssyncset.done $0x0  }
0x76: {  	s17 =	rddreg [dreg:$0x13];
	[sflag:s22] =	ssyncadd.s32 $0xFFFFE000  }
0x77: {  	[spmem:s17] =	stream.linear.scatter [tilespmem:s23], [sflag:$0x5], $0x400, $0x38;
	[tilespmem:$0x1DC80] =	vst v63  }
0x78: {  	_ =	swait.ge [sflag:s22], $0x400  }
0x79: {  	[sflag:s22] =	ssyncset.done $0x0  }
0x7a: {  	s18 =	rddreg [dreg:$0x14];
	[sflag:s22] =	ssyncadd.s32 $0xFFFFFC00  }
0x7b: {  	[spmem:s18] =	stream.linear.scatter [tilespmem:s21], [sflag:$0x5], $0x2000, $0x38;
	[tilespmem:$0x1DC80] =	vst v63  }
0x7c: {  	_ =	swait.ge [sflag:s22], $0x2000  }
0x7d: {  	[sflag:s22] =	ssyncset.done $0x0  }
0x7e: {  	s19 =	rddreg [dreg:$0x15];
	[sflag:s22] =	ssyncadd.s32 $0xFFFFE000  }
0x7f: {  	[spmem:s19] =	stream.linear.scatter [tilespmem:s23], [sflag:$0x5], $0x400, $0x38;
	[tilespmem:$0x1DC80] =	vst v63  }
0x80: {  	_ =	swait.ge [sflag:s22], $0x400  }
0x81: {  	[sflag:s22] =	ssyncset.done $0x0  }
0x82: {  	s25 =	rddreg [dreg:$0x16];
	[sflag:s22] =	ssyncadd.s32 $0xFFFFFC00  }
0x83: {  	[spmem:s25] =	stream.linear.scatter [tilespmem:s21], [sflag:$0x5], $0x2000, $0x38;
	[tilespmem:$0x1DC80] =	vst v63  }
0x84: {  	_ =	swait.ge [sflag:s22], $0x2000  }
0x85: {  	[sflag:s22] =	ssyncset.done $0x0  }
0x86: {  	s12 =	rddreg [dreg:$0x17];
	[sflag:s22] =	ssyncadd.s32 $0xFFFFE000  }
0x87: {  	[spmem:s12] =	stream.linear.scatter [tilespmem:s23], [sflag:$0x5], $0x400, $0x38;
	[tilespmem:$0x1DC80] =	vst v63  }
0x88: {  	_ =	swait.ge [sflag:s22], $0x400  }
0x89: {  	[sflag:s22] =	ssyncset.done $0x0  }
0x8a: {  	s13 =	rddreg [dreg:$0x18];
	[sflag:s22] =	ssyncadd.s32 $0xFFFFFC00  }
0x8b: {  	[spmem:s13] =	stream.linear.scatter [tilespmem:s21], [sflag:$0x5], $0x1C00, $0x38;
	[tilespmem:$0x1DC80] =	vst v63  }
0x8c: {  	_ =	swait.ge [sflag:s22], $0x1C00  }
0x8d: {  	[sflag:s22] =	ssyncset.done $0x0  }
0x8e: {  	s14 =	rddreg [dreg:$0x19];
	[sflag:s22] =	ssyncadd.s32 $0xFFFFE400  }
0x8f: {  	[spmem:s14] =	stream.linear.scatter [tilespmem:s23], [sflag:$0x5], $0x380, $0x38;
	[tilespmem:$0x1DC80] =	vst v63  }
0x90: {  	_ =	swait.ge [sflag:s22], $0x380  }
0x91: {  	[sflag:s22] =	ssyncset.done $0x0  }
0x92: {  	s13 =	simm.s32 $0x0;
	s17 =	rddreg [dreg:$0x1a];
	[sflag:s22] =	ssyncadd.s32 $0xFFFFFC80  }
0x93: {  	[tilespmem:s13], [sflag:$0x5] =	stream.linear.gather [hbm4b:s17+s13], $0x40, $0x38;
	[tilespmem:$0x1DC80] =	vst v63  }
0x94: {  	_ =	swait.ge [sflag:s22], $0x40  }
0x95: {  	[sflag:s22] =	ssyncset.done $0x0  }
0x96: {  	s18 =	rddreg [dreg:$0x1b];
	[sflag:s22] =	ssyncadd.s32 $0xFFFFFFC0  }
0x97: {  	[tilespmem:s24], [sflag:$0x5] =	stream.linear.gather [hbm4b:s18+s13], $0x40, $0x38;
	[tilespmem:$0x1DC80] =	vst v63  }
0x98: {  	_ =	swait.ge [sflag:s22], $0x40  }
0x99: {  	[sflag:s22] =	ssyncset.done $0x0  }
0x9a: {  	s19 =	simm.s32 $0x80;
	[sflag:s22] =	ssyncadd.s32 $0xFFFFFFC0  }
0x9b: {  	[tilespmem:s19], [sflag:$0x1] =	stream.indirect.gather [hbm4b:s9+s24], $0x40, s13, s24, $0xb8;
	[tilespmem:$0x1DC80] =	vst v63  }
0x9c: {  	s25 =	simm.s32 $0x3080  }
0x9d: {  	[tilespmem:s25], [sflag:$0x1] =	stream.indirect.gather [hbm4b:s1+s24], $0x10, s13, s24, $0xb8;
	[tilespmem:$0x1DC80] =	vst v63  }
0x9e: {  	s12 =	simm.s32 $0x3480  }
0x9f: {  	[tilespmem:s12], [sflag:$0x1] =	stream.indirect.gather [hbm4b:s2+s24], $0x10, s24, s24, $0xb8;
	[tilespmem:$0x1DC80] =	vst v63  }
0xa0: {  	s14 =	rddreg [dreg:$0x1c];
	s12 =	simm.s32 $0x3C80  }
0xa1: {  	[tilespmem:s12], [sflag:$0x5] =	stream.linear.gather [hbm4b:s14+s13], $0x40, $0x38;
	[tilespmem:$0x1DC80] =	vst v63  }
0xa2: {  	_ =	swait.ge [sflag:s22], $0x40  }
0xa3: {  	[sflag:s22] =	ssyncset.done $0x0  }
0xa4: {  	s17 =	rddreg [dreg:$0x1d];
	[sflag:s22] =	ssyncadd.s32 $0xFFFFFFC0  }
0xa5: {  	[tilespmem:s26], [sflag:$0x5] =	stream.linear.gather [hbm4b:s17+s13], $0x40, $0x38;
	[tilespmem:$0x1DC80] =	vst v63  }
0xa6: {  	_ =	swait.ge [sflag:s22], $0x40  }
0xa7: {  	[sflag:s22] =	ssyncset.done $0x0  }
0xa8: {  	s18 =	simm.s32 $0x3D00;
	[sflag:s22] =	ssyncadd.s32 $0xFFFFFFC0  }
0xa9: {  	[tilespmem:s18], [sflag:$0x2] =	stream.indirect.gather [hbm4b:s9+s24], $0x40, s12, s24, $0xb8;
	[tilespmem:$0x1DC80] =	vst v63  }
0xaa: {  	s19 =	simm.s32 $0x6D00  }
0xab: {  	[tilespmem:s19], [sflag:$0x2] =	stream.indirect.gather [hbm4b:s1+s24], $0x10, s12, s24, $0xb8;
	[tilespmem:$0x1DC80] =	vst v63  }
0xac: {  	s25 =	simm.s32 $0x7100  }
0xad: {  	[tilespmem:s25], [sflag:$0x2] =	stream.indirect.gather [hbm4b:s2+s24], $0x10, s26, s24, $0xb8;
	[tilespmem:$0x1DC80] =	vst v63  }
0xae: {  	[bflag:$0x0] =	sbarrier.arrive $0xFFFF  }
.LBB2_4:
0xaf: {  	_ =	swait.ge [sflag:s28], $0x1000  }
0xb0: {  	[sflag:s28] =	ssyncset.done $0x0  }
0xb1: {  	[sflag:s28] =	ssyncadd.s32 $0xFFFFF000  }
0xb2: {  	_ =	swait.ge [sflag:s28], $0x400  }
0xb3: {  	[sflag:s28] =	ssyncset.done $0x0  }
0xb4: {  	[sflag:s28] =	ssyncadd.s32 $0xFFFFFC00  }
0xb5: {  	_ =	swait.ge [sflag:s28], $0x400  }
0xb6: {  	[sflag:s28] =	ssyncset.done $0x0  }
0xb7: {  	s11 =	simm.s32 $0x30C0;
	[sflag:s28] =	ssyncadd.s32 $0xFFFFFC00  }
0xb8: {  	s12 =	simm.s32 $0x34C0;
	v9 =	vld [tilespmem:s11+$0x30]  }
0xb9: {  	v10 =	vld [tilespmem:s12+$0x30]  }
0xba: {  	v11 =	vld [tilespmem:s12+$0xFFFFFFC0]  }
0xbb: {  	v12 =	vld [tilespmem:s11+$0xFFFFFFD0]  }
0xbc: {  	v13 =	vld [tilespmem:s12+$0xFFFFFFD0]  }
0xbd: {  	v14 =	vld [tilespmem:s11+$0xFFFFFFE0]  }
0xbe: {  	v15 =	vld [tilespmem:s12+$0xFFFFFFE0];
	v9 =	vadd.f32 v10, v9  }
0xbf: {  	v16 =	vld [tilespmem:s12+$0xFFFFFFF0]  }
0xc0: {  	v18 =	vld [tilespmem:s11+$0x0];
	v17 =	vmul.f32 $2.000000030e-01, v9  }
0xc1: {  	v10 =	vld [tilespmem:s11+$0xFFFFFFF0]  }
0xc2: {  	v19 =	vld [tilespmem:s12+$0x0];
	v9 =	vmax.f32 v9, v17  }
0xc3: {  	v20 =	vld [tilespmem:s11+$0x20];
	v12 =	vadd.f32 v13, v12;
	v9 =	vmul.f32 $1.442695020e+00, v9  }
0xc4: {  	v13 =	vld [tilespmem:s11+$0x10]  }
0xc5: {  	v14 =	vadd.f32 v15, v14;
	v15 =	vld [tilespmem:s12+$0x10];
	v17 =	vmul.f32 $2.000000030e-01, v12;
	(erf) = vpow2.f32 v9  }
0xc6: {  	v10 =	vadd.f32 v16, v10;
	v16 =	vld [tilespmem:s12+$0x20]  }
0xc7: {  	v12 =	vmax.f32 v12, v17;
	v17 =	vld [tilespmem:s11+$0xFFFFFFC0];
	v9 =	vmul.f32 $2.000000030e-01, v14  }
0xc8: {  	v12 =	vmul.f32 $1.442695020e+00, v12  }
0xc9: {  	v18 =	vadd.f32 v19, v18;
	v9 =	vmax.f32 v14, v9;
	v14 =	vmul.f32 $2.000000030e-01, v10  }
0xca: {  	v13 =	vadd.f32 v15, v13;
	(erf) = vpow2.f32 v12;
	v9 =	vmul.f32 $1.442695020e+00, v9  }
0xcb: {  	v12 =	vadd.f32 v16, v20;
	v10 =	vmax.f32 v10, v14;
	v14 =	vmul.f32 $2.000000030e-01, v18  }
0xcc: {  	v15 =	vmul.f32 $2.000000030e-01, v13;
	v11 =	vadd.f32 v11, v17;
	v10 =	vmul.f32 $1.442695020e+00, v10  }
0xcd: {  	v16 =	vmul.f32 $2.000000030e-01, v12;
	(erf) = vpow2.f32 v9;
	v14 =	vmax.f32 v18, v14  }
0xce: {  	s19 =	simm.s32 $0x38C0;
	v9 =	vmax.f32 v13, v15;
	v13 =	vmul.f32 $2.000000030e-01, v11;
	v14 =	vmul.f32 $1.442695020e+00, v14;
	v18 =	vpop (erf)  }
0xcf: {  	s11 =	simm.s32 $0x180;
	v9 =	vmul.f32 $1.442695020e+00, v9;
	(erf) = vpow2.f32 v10;
	v10 =	vmax.f32 v12, v16;
	[tilespmem:s19+$0x30] =	vst v18  }
0xd0: {  	v11 =	vmax.f32 v11, v13;
	(erf) = vpow2.f32 v14;
	v10 =	vmul.f32 $1.442695020e+00, v10;
	v12 =	vld [tilespmem:s11+$0xC0]  }
0xd1: {  	(erf) = vpow2.f32 v9;
	v9 =	vmul.f32 $1.442695020e+00, v11  }
0xd2: {  	v13 =	vperm.xlane v18, v2  }
0xd3: {  	(erf) = vpow2.f32 v10;
	v10 =	vperm.xlane v18, v1  }
0xd4: {  	v14 =	vperm.xlane v18, v7;
	v33 =	vperm.xlane v18, v3  }
0xd5: {  	v37 =	vperm.xlane v18, v4;
	(erf) = vpow2.f32 v9;
	v9 =	vpop (erf);
	v11 =	vshll.u32 v12, $0x10  }
0xd6: {  	v12 =	vand.u32 $0xFFFF0000, v12;
	v19 =	vperm.xlane v9, v1;
	v20 =	vperm.xlane v9, v2  }
0xd7: {  	v11 =	vmul.f32 v11, v10;
	v10 =	vpop (erf);
	v13 =	vmul.f32 v12, v13  }
0xd8: {  	[tilespmem:s19+$0xFFFFFFD0] =	vst v9;
	v21 =	vperm.xlane v10, v1;
	v22 =	vperm.xlane v10, v2  }
0xd9: {  	v17 =	vld [tilespmem:s11+$0xFFFFFF40];
	v50 =	vperm.xlane v10, v4;
	v41 =	vperm.xlane v10, v8;
	v12 =	vpop (erf)  }
0xda: {  	s14 =	simm.s32 $0x1280;
	[tilespmem:s19+$0xFFFFFFE0] =	vst v10;
	v23 =	vperm.xlane v12, v1;
	v25 =	vperm.xlane v12, v2  }
0xdb: {  	[tilespmem:s14+$0x180] =	vst v11;
	v51 =	vperm.xlane v12, v3;
	v53 =	vperm.xlane v12, v4;
	v11 =	vpop (erf)  }
0xdc: {  	[tilespmem:s14+$0x190] =	vst v13;
	v30 =	vld [tilespmem:s11+$0xFFFFFF80];
	v42 =	vperm.xlane v12, v7;
	v26 =	vperm.xlane v11, v1  }
0xdd: {  	v24 =	vld [tilespmem:s11+$0xD0];
	v13 =	vpop (erf);
	v27 =	vperm.xlane v11, v2;
	v54 =	vperm.xlane v11, v3  }
0xde: {  	[tilespmem:s19+$0xFFFFFFF0] =	vst v12;
	v28 =	vshll.u32 v17, $0x10;
	v29 =	vperm.xlane v13, v1;
	v31 =	vperm.xlane v13, v2  }
0xdf: {  	[tilespmem:s19+$0x0] =	vst v11;
	v17 =	vand.u32 $0xFFFF0000, v17;
	v19 =	vmul.f32 v28, v19;
	v28 =	vperm.xlane v9, v3  }
0xe0: {  	v34 =	vld [tilespmem:s11+$0xFFFFFFC0];
	v15 =	vpop (erf);
	[tilespmem:s19+$0x10] =	vst v13;
	v17 =	vmul.f32 v17, v20;
	v55 =	vperm.xlane v13, v3  }
0xe1: {  	v38 =	vld [tilespmem:s11+$0x0];
	v16 =	vpop (erf);
	v35 =	vperm.xlane v15, v1;
	[tilespmem:s19+$0x20] =	vst v15;
	v39 =	vperm.xlane v15, v2  }
0xe2: {  	v63 =	vld [tilespmem:s11+$0x40];
	v20 =	vand.u32 $0xFFFF0000, v30;
	[tilespmem:s19+$0xFFFFFFC0] =	vst v16;
	v36 =	vshll.u32 v24, $0x10;
	v40 =	vperm.xlane v16, v1  }
0xe3: {  	v24 =	vand.u32 $0xFFFF0000, v24;
	[tilespmem:s14+$0xFFFFFE80] =	vst v19;
	v44 =	vperm.xlane v16, v2;
	v20 =	vmul.f32 v20, v22;
	v32 =	vld [tilespmem:s11+$0xFFFFFF00]  }
0xe4: {  	[tilespmem:s14+$0xFFFFFE90] =	vst v17;
	v62 =	vperm.xlane v16, v7;
	v19 =	vmul.f32 v24, v37;
	v24 =	vshll.u32 v30, $0x10  }
0xe5: {  	v33 =	vmul.f32 v36, v33;
	v21 =	vmul.f32 v24, v21;
	[tilespmem:s14+$0xFFFFFF10] =	vst v20  }
0xe6: {  	v47 =	vand.u32 $0xFFFF0000, v34;
	v20 =	vperm.xlane v18, v5;
	[tilespmem:s14+$0x1B0] =	vst v19;
	v19 =	vshll.u32 v34, $0x10  }
0xe7: {  	[tilespmem:s14+$0xFFFFFF00] =	vst v21;
	v21 =	vand.u32 $0xFFFF0000, v38;
	v49 =	vshll.u32 v63, $0x10;
	v19 =	vmul.f32 v19, v23  }
0xe8: {  	[tilespmem:s14+$0x1A0] =	vst v33;
	v23 =	vmul.f32 v47, v25;
	v25 =	vperm.xlane v18, v6;
	v45 =	vshll.u32 v32, $0x10  }
0xe9: {  	v46 =	vld [tilespmem:s11+$0xE0];
	v18 =	vperm.xlane v18, v8;
	v17 =	vand.u32 $0xFFFF0000, v32;
	[tilespmem:s14+$0xFFFFFF80] =	vst v19;
	v24 =	vmul.f32 v45, v40  }
0xea: {  	v30 =	vld [tilespmem:s11+$0x80];
	v22 =	vand.u32 $0xFFFF0000, v63;
	v63 =	vperm.xlane v9, v7;
	[tilespmem:s14+$0xFFFFFF90] =	vst v23;
	v17 =	vmul.f32 v17, v44  }
0xeb: {  	v48 =	vshll.u32 v38, $0x10;
	v21 =	vmul.f32 v21, v27;
	v27 =	vmul.f32 v49, v29;
	[tilespmem:s14+$0xFFFFFE00] =	vst v24  }
0xec: {  	v22 =	vmul.f32 v22, v31;
	[tilespmem:s14+$0xFFFFFE10] =	vst v17;
	v24 =	vmul.f32 v48, v26;
	v26 =	vld [tilespmem:s11+$0xFFFFFF50]  }
0xed: {  	v31 =	vperm.xlane v10, v3;
	[tilespmem:s14+$0x10] =	vst v21;
	v44 =	vperm.xlane v12, v8;
	v29 =	vld [tilespmem:s11+$0xFFFFFF10]  }
0xee: {  	[tilespmem:s14+$0x80] =	vst v27;
	v45 =	vperm.xlane v11, v7;
	v19 =	vshll.u32 v46, $0x10;
	v23 =	vand.u32 $0xFFFF0000, v46  }
0xef: {  	[tilespmem:s14+$0x90] =	vst v22;
	v17 =	vshll.u32 v30, $0x10;
	v19 =	vmul.f32 v19, v20;
	v23 =	vmul.f32 v23, v25  }
0xf0: {  	v27 =	vld [tilespmem:s11+$0xFFFFFFD0];
	v20 =	vand.u32 $0xFFFF0000, v30;
	v25 =	vperm.xlane v16, v4;
	v30 =	vperm.xlane v9, v4;
	[tilespmem:s14+$0x0] =	vst v24  }
0xf1: {  	v24 =	vmul.f32 v17, v35;
	v20 =	vmul.f32 v20, v39;
	[tilespmem:s14+$0x1D0] =	vst v23;
	v23 =	vld [tilespmem:s11+$0xFFFFFF90]  }
0xf2: {  	[tilespmem:s14+$0x1C0] =	vst v19;
	v19 =	vperm.xlane v16, v3;
	v21 =	vshll.u32 v26, $0x10;
	v52 =	vshll.u32 v29, $0x10  }
0xf3: {  	v17 =	vld [tilespmem:s11+$0xF0];
	[tilespmem:s14+$0x100] =	vst v24;
	v22 =	vand.u32 $0xFFFF0000, v29;
	v29 =	vperm.xlane v11, v4;
	v21 =	vmul.f32 v21, v28  }
0xf4: {  	[tilespmem:s14+$0x110] =	vst v20;
	v24 =	vand.u32 $0xFFFF0000, v26;
	v26 =	vld [tilespmem:s11+$0x10];
	v28 =	vperm.xlane v15, v3;
	v20 =	vmul.f32 v22, v25  }
0xf5: {  	v19 =	vmul.f32 v52, v19;
	v25 =	vperm.xlane v13, v4;
	[tilespmem:s14+$0xFFFFFEA0] =	vst v21  }
0xf6: {  	v22 =	vshll.u32 v23, $0x10;
	v21 =	vand.u32 $0xFFFF0000, v27;
	[tilespmem:s14+$0xFFFFFE30] =	vst v20;
	v20 =	vmul.f32 v24, v30  }
0xf7: {  	v56 =	vld [tilespmem:s11+$0x90];
	[tilespmem:s14+$0xFFFFFE20] =	vst v19;
	v19 =	vand.u32 $0xFFFF0000, v23;
	v30 =	vperm.xlane v15, v4;
	v22 =	vmul.f32 v22, v31  }
0xf8: {  	v24 =	vshll.u32 v27, $0x10;
	v31 =	vperm.xlane v12, v5;
	v19 =	vmul.f32 v19, v50  }
0xf9: {  	v27 =	vshll.u32 v26, $0x10;
	v24 =	vmul.f32 v24, v51;
	[tilespmem:s14+$0xFFFFFEB0] =	vst v20;
	v20 =	vand.u32 $0xFFFF0000, v17  }
0xfa: {  	v23 =	vld [tilespmem:s11+$0x50];
	[tilespmem:s14+$0xFFFFFF20] =	vst v22;
	v22 =	vand.u32 $0xFFFF0000, v26;
	v26 =	vmul.f32 v27, v54;
	v54 =	vperm.xlane v10, v7  }
0xfb: {  	v18 =	vmul.f32 v20, v18;
	v20 =	vmul.f32 v21, v53  }
0xfc: {  	[tilespmem:s14+$0xFFFFFFA0] =	vst v24;
	v24 =	vshll.u32 v56, $0x10;
	v22 =	vmul.f32 v22, v29;
	v29 =	vperm.xlane v9, v6  }
0xfd: {  	[tilespmem:s14+$0xFFFFFF30] =	vst v19;
	v19 =	vld [tilespmem:s11+$0xFFFFFF20];
	v53 =	vperm.xlane v9, v8;
	v24 =	vmul.f32 v24, v28  }
0xfe: {  	[tilespmem:s14+$0x20] =	vst v26;
	v26 =	vperm.xlane v16, v6;
	v28 =	vperm.xlane v9, v5  }
0xff: {  	v27 =	vld [tilespmem:s11+$0xFFFFFF60];
	v9 =	vperm.xlane v15, v7;
	v21 =	vshll.u32 v23, $0x10;
	v23 =	vand.u32 $0xFFFF0000, v23  }
0x100: {  	[tilespmem:s14+$0xFFFFFFB0] =	vst v20;
	v20 =	vand.u32 $0xFFFF0000, v56;
	v21 =	vmul.f32 v21, v55;
	v23 =	vmul.f32 v23, v25  }
0x101: {  	[tilespmem:s14+$0x30] =	vst v22;
	v22 =	vld [tilespmem:s11+$0xFFFFFFA0];
	v25 =	vperm.xlane v16, v5;
	v20 =	vmul.f32 v20, v30  }
0x102: {  	s17 =	simm.s32 $0x3540;
	v30 =	vperm.xlane v10, v5;
	v16 =	vperm.xlane v16, v8;
	[tilespmem:s14+$0xA0] =	vst v21;
	v21 =	vshll.u32 v19, $0x10  }
0x103: {  	v43 =	vld [tilespmem:s17+$0xFFFFFFE0];
	[tilespmem:s14+$0xB0] =	vst v23;
	v19 =	vand.u32 $0xFFFF0000, v19;
	v23 =	vperm.xlane v10, v6;
	v10 =	vperm.xlane v13, v7  }
0x104: {  	v52 =	vld [tilespmem:s17+$0xFFFFFFD0];
	[tilespmem:s14+$0x130] =	vst v20;
	v20 =	vand.u32 $0xFFFF0000, v27;
	v21 =	vmul.f32 v21, v25;
	v19 =	vmul.f32 v19, v26  }
0x105: {  	[tilespmem:s14+$0x120] =	vst v24;
	v24 =	vld [tilespmem:s11+$0xFFFFFFE0];
	v25 =	vshll.u32 v27, $0x10;
	v26 =	vperm.xlane v12, v6;
	v20 =	vmul.f32 v20, v29  }
0x106: {  	v27 =	vld [tilespmem:s11+$0x20];
	v12 =	vperm.xlane v11, v8;
	v25 =	vmul.f32 v25, v28;
	v28 =	vshll.u32 v22, $0x10;
	[tilespmem:s14+$0xFFFFFE40] =	vst v21  }
0x107: {  	v57 =	vld [tilespmem:s11+$0x60];
	v22 =	vand.u32 $0xFFFF0000, v22;
	v21 =	vperm.xlane v11, v5;
	[tilespmem:s14+$0xFFFFFE50] =	vst v19;
	v19 =	vperm.xlane v11, v6  }
0x108: {  	s25 =	simm.s32 $0x3140;
	v29 =	vld [tilespmem:s11+$0xA0];
	v28 =	vmul.f32 v28, v30;
	v22 =	vmul.f32 v22, v23  }
0x109: {  	v55 =	vld [tilespmem:s25+$0xFFFFFFE0];
	[tilespmem:s14+$0xFFFFFED0] =	vst v20;
	v20 =	vperm.xlane v13, v6;
	v23 =	vperm.xlane v15, v5  }
0x10a: {  	v30 =	vshll.u32 v24, $0x10;
	v24 =	vand.u32 $0xFFFF0000, v24;
	[tilespmem:s14+$0xFFFFFEC0] =	vst v25;
	v25 =	vperm.xlane v13, v5;
	v58 =	vld [tilespmem:s11+$0xFFFFFF30]  }
0x10b: {  	v24 =	vmul.f32 v24, v26;
	v26 =	vld [tilespmem:s25+$0x30];
	[tilespmem:s14+$0xFFFFFF40] =	vst v28;
	v28 =	vperm.xlane v15, v6  }
0x10c: {  	v60 =	vld [tilespmem:s11+$0xFFFFFF70];
	[tilespmem:s14+$0xFFFFFF50] =	vst v22;
	v59 =	vshll.u32 v27, $0x10;
	v22 =	vand.u32 $0xFFFF0000, v27;
	v27 =	vshll.u32 v57, $0x10  }
0x10d: {  	v19 =	vmul.f32 v22, v19;
	v22 =	vmul.f32 v27, v25;
	v25 =	vld [tilespmem:s17+$0x30];
	v27 =	vand.u32 $0xFFFF0000, v29  }
0x10e: {  	v11 =	vperm.xlane v15, v8;
	v27 =	vmul.f32 v27, v28;
	v28 =	vld [tilespmem:s25+$0xFFFFFFD0]  }
0x10f: {  	v49 =	vld [tilespmem:s25+$0x0];
	v30 =	vmul.f32 v30, v31;
	v13 =	vperm.xlane v13, v8  }
0x110: {  	v15 =	vld [tilespmem:s17+$0x0];
	v32 =	vand.u32 $0xFFFF0000, v57;
	v61 =	vshll.u32 v29, $0x10;
	v21 =	vmul.f32 v59, v21  }
0x111: {  	v46 =	vld [tilespmem:s17+$0xFFFFFFF0];
	v20 =	vmul.f32 v32, v20;
	v23 =	vmul.f32 v61, v23;
	v56 =	vshll.u32 v58, $0x10  }
0x112: {  	v33 =	vand.u32 $0xFFFF0000, v58;
	v58 =	vadd.f32 v43, v55;
	v25 =	vadd.f32 v25, v26;
	v26 =	vld [tilespmem:s25+$0xFFFFFFF0]  }
0x113: {  	v31 =	vld [tilespmem:s11+$0xFFFFFFB0];
	v47 =	vshll.u32 v60, $0x10;
	v32 =	vmul.f32 v56, v62;
	v28 =	vadd.f32 v52, v28  }
0x114: {  	v57 =	vld [tilespmem:s25+$0x10];
	v35 =	vand.u32 $0xFFFF0000, v60;
	v16 =	vmul.f32 v33, v16;
	v48 =	vmul.f32 $2.000000030e-01, v25  }
0x115: {  	v29 =	vld [tilespmem:s17+$0xFFFFFFC0];
	v15 =	vadd.f32 v15, v49;
	v34 =	vmul.f32 v47, v63;
	v60 =	vmul.f32 $2.000000030e-01, v28  }
0x116: {  	[tilespmem:s14+$0xFFFFFFC0] =	vst v30;
	v59 =	vld [tilespmem:s17+$0x10];
	v30 =	vmul.f32 $2.000000030e-01, v58;
	v35 =	vmul.f32 v35, v53;
	v25 =	vmax.f32 v25, v48  }
0x117: {  	[tilespmem:s14+$0xFFFFFFD0] =	vst v24;
	v61 =	vld [tilespmem:s25+$0x20];
	v25 =	vmul.f32 $1.442695020e+00, v25;
	v26 =	vadd.f32 v46, v26;
	v24 =	vmax.f32 v28, v60  }
0x118: {  	[tilespmem:s14+$0x50] =	vst v19;
	v28 =	vld [tilespmem:s25+$0xFFFFFFC0];
	v19 =	vmul.f32 $1.442695020e+00, v24;
	v24 =	vmul.f32 $2.000000030e-01, v15  }
0x119: {  	[tilespmem:s14+$0x40] =	vst v21;
	v21 =	vmax.f32 v58, v30;
	(erf) = vpow2.f32 v25;
	v25 =	vld [tilespmem:s17+$0x20];
	v30 =	vmul.f32 $2.000000030e-01, v26  }
0x11a: {  	v17 =	vshll.u32 v17, $0x10;
	[tilespmem:s14+$0x1F0] =	vst v18;
	v21 =	vmul.f32 $1.442695020e+00, v21;
	(erf) = vpow2.f32 v19  }
0x11b: {  	[tilespmem:s14+$0xC0] =	vst v22;
	v15 =	vmax.f32 v15, v24;
	v22 =	vmax.f32 v26, v30;
	v26 =	vadd.f32 v59, v57  }
0x11c: {  	[tilespmem:s14+$0xD0] =	vst v20;
	v18 =	vshll.u32 v31, $0x10;
	v15 =	vmul.f32 $1.442695020e+00, v15;
	v20 =	vmul.f32 $1.442695020e+00, v22  }
0x11d: {  	[tilespmem:s14+$0x140] =	vst v23;
	(erf) = vpow2.f32 v21;
	v23 =	vadd.f32 v29, v28;
	v22 =	vmul.f32 $2.000000030e-01, v26  }
0x11e: {  	v18 =	vmul.f32 v18, v54;
	v19 =	vadd.f32 v25, v61;
	(erf) = vpow2.f32 v20  }
0x11f: {  	[tilespmem:s14+$0x150] =	vst v27;
	v25 =	vld [tilespmem:s11+$0xFFFFFFF0];
	v21 =	vmax.f32 v26, v22;
	v22 =	vmul.f32 $2.000000030e-01, v23;
	(erf) = vpow2.f32 v15  }
0x120: {  	[tilespmem:s14+$0xFFFFFE70] =	vst v16;
	v20 =	vand.u32 $0xFFFF0000, v31;
	v27 =	vmul.f32 $2.000000030e-01, v19;
	v16 =	vmul.f32 $1.442695020e+00, v21  }
0x121: {  	[tilespmem:s14+$0xFFFFFE60] =	vst v32;
	v20 =	vmul.f32 v20, v41;
	v26 =	vmul.f32 v17, v14;
	v15 =	vmax.f32 v23, v22  }
0x122: {  	[tilespmem:s14+$0xFFFFFEE0] =	vst v34;
	s25 =	simm.s32 $0x3940;
	v24 =	vpop (erf);
	v19 =	vmax.f32 v19, v27;
	(erf) = vpow2.f32 v16;
	v15 =	vmul.f32 $1.442695020e+00, v15  }
0x123: {  	s18 =	simm.s32 $0x380;
	v21 =	vld [tilespmem:s11+$0x30];
	[tilespmem:s25+$0x30] =	vst v24;
	v19 =	vmul.f32 $1.442695020e+00, v19;
	v14 =	vperm.xlane v24, v7  }
0x124: {  	[tilespmem:s14+$0xFFFFFF60] =	vst v18;
	v16 =	vshll.u32 v25, $0x10;
	v17 =	vperm.xlane v24, v1;
	v18 =	vperm.xlane v24, v2;
	v22 =	vld [tilespmem:s18+$0xC0]  }
0x125: {  	[tilespmem:s14+$0xFFFFFEF0] =	vst v35;
	v58 =	vperm.xlane v24, v3;
	v16 =	vmul.f32 v16, v42  }
0x126: {  	[tilespmem:s14+$0xFFFFFF70] =	vst v20;
	v50 =	vperm.xlane v24, v4;
	(erf) = vpow2.f32 v19;
	v19 =	vand.u32 $0xFFFF0000, v25  }
0x127: {  	v25 =	vpop (erf);
	(erf) = vpow2.f32 v15;
	v15 =	vmul.f32 v19, v44;
	[tilespmem:s14+$0xFFFFFFE0] =	vst v16  }
0x128: {  	v28 =	vld [tilespmem:s11+$0x70];
	v16 =	vshll.u32 v21, $0x10;
	[tilespmem:s25+$0xFFFFFFD0] =	vst v25;
	v30 =	vperm.xlane v25, v1;
	v23 =	vpop (erf);
	v32 =	vperm.xlane v25, v2  }
0x129: {  	v29 =	vmul.f32 v16, v45;
	[tilespmem:s25+$0xFFFFFFE0] =	vst v23;
	v33 =	vperm.xlane v23, v1;
	v16 =	vshll.u32 v22, $0x10  }
0x12a: {  	v31 =	vld [tilespmem:s18+$0xFFFFFF40];
	v34 =	vperm.xlane v23, v2;
	[tilespmem:s14+$0xFFFFFFF0] =	vst v15;
	v15 =	vand.u32 $0xFFFF0000, v22;
	v22 =	vpop (erf);
	v16 =	vmul.f32 v16, v17  }
0x12b: {  	v15 =	vmul.f32 v15, v18;
	v20 =	vpop (erf);
	v35 =	vperm.xlane v22, v1;
	[tilespmem:s25+$0xFFFFFFF0] =	vst v22  }
0x12c: {  	s19 =	simm.s32 $0x1680;
	v36 =	vperm.xlane v22, v2;
	v46 =	vperm.xlane v22, v4;
	[tilespmem:s25+$0x0] =	vst v20  }
0x12d: {  	v17 =	vand.u32 $0xFFFF0000, v28;
	v37 =	vperm.xlane v20, v1;
	v38 =	vperm.xlane v20, v2;
	v63 =	vld [tilespmem:s18+$0xFFFFFFC0];
	[tilespmem:s19+$0x180] =	vst v16  }
0x12e: {  	v18 =	vpop (erf);
	v49 =	vperm.xlane v20, v4;
	v16 =	vand.u32 $0xFFFF0000, v21;
	v21 =	vld [tilespmem:s18+$0xFFFFFF80];
	[tilespmem:s19+$0x190] =	vst v15;
	v15 =	vshll.u32 v28, $0x10  }
0x12f: {  	v54 =	vshll.u32 v31, $0x10;
	v42 =	vperm.xlane v18, v1;
	v43 =	vperm.xlane v18, v2;
	v55 =	vld [tilespmem:s18+$0x0]  }
0x130: {  	[tilespmem:s14+$0x1E0] =	vst v26;
	v26 =	vand.u32 $0xFFFF0000, v31;
	v62 =	vld [tilespmem:s18+$0xD0];
	v28 =	vmul.f32 v54, v30;
	v30 =	vperm.xlane v25, v3;
	v19 =	vpop (erf)  }
0x131: {  	[tilespmem:s25+$0x10] =	vst v18;
	v26 =	vmul.f32 v26, v32;
	v27 =	vpop (erf);
	v31 =	vperm.xlane v19, v1  }
0x132: {  	[tilespmem:s14+$0x60] =	vst v29;
	v51 =	vld [tilespmem:s18+$0x40];
	v44 =	vperm.xlane v19, v2;
	v57 =	vperm.xlane v27, v1  }
0x133: {  	[tilespmem:s19+$0xFFFFFE80] =	vst v28;
	v59 =	vperm.xlane v27, v2;
	v28 =	vshll.u32 v63, $0x10;
	v29 =	vshll.u32 v21, $0x10  }
0x134: {  	[tilespmem:s19+$0xFFFFFE90] =	vst v26;
	v21 =	vand.u32 $0xFFFF0000, v21;
	v26 =	vand.u32 $0xFFFF0000, v55;
	v28 =	vmul.f32 v28, v35  }
0x135: {  	[tilespmem:s25+$0xFFFFFFC0] =	vst v27;
	v60 =	vshll.u32 v62, $0x10;
	v39 =	vand.u32 $0xFFFF0000, v62;
	v29 =	vmul.f32 v29, v33  }
0x136: {  	[tilespmem:s25+$0x20] =	vst v19;
	v56 =	vld [tilespmem:s18+$0xFFFFFF00];
	v62 =	vshll.u32 v55, $0x10;
	v21 =	vmul.f32 v21, v34;
	v26 =	vmul.f32 v26, v38  }
0x137: {  	v61 =	vld [tilespmem:s18+$0x80];
	v53 =	vshll.u32 v51, $0x10;
	v47 =	vmul.f32 v60, v58;
	v39 =	vmul.f32 v39, v50;
	[tilespmem:s19+$0xFFFFFF80] =	vst v28  }
0x138: {  	v40 =	vand.u32 $0xFFFF0000, v63;
	v32 =	vmul.f32 v62, v37;
	v34 =	vmul.f32 v53, v42;
	[tilespmem:s19+$0xFFFFFF00] =	vst v29  }
0x139: {  	v54 =	vand.u32 $0xFFFF0000, v51;
	v42 =	vperm.xlane v25, v4;
	v29 =	vmul.f32 v40, v36;
	[tilespmem:s19+$0xFFFFFF10] =	vst v21  }
0x13a: {  	v36 =	vmul.f32 v54, v43;
	v21 =	vperm.xlane v24, v5;
	[tilespmem:s19+$0x10] =	vst v26  }
0x13b: {  	v55 =	vld [tilespmem:s18+$0xFFFFFF50];
	v40 =	vperm.xlane v27, v3;
	[tilespmem:s19+$0x1A0] =	vst v47;
	v63 =	vshll.u32 v56, $0x10;
	v45 =	vand.u32 $0xFFFF0000, v56  }
0x13c: {  	[tilespmem:s19+$0x1B0] =	vst v39;
	v60 =	vld [tilespmem:s18+$0xFFFFFF90];
	v56 =	vshll.u32 v61, $0x10;
	v47 =	vmul.f32 v63, v57;
	v50 =	vmul.f32 v45, v59  }
0x13d: {  	[tilespmem:s19+$0x0] =	vst v32;
	v52 =	vld [tilespmem:s18+$0xE0];
	v31 =	vmul.f32 v56, v31;
	v59 =	vperm.xlane v24, v6  }
0x13e: {  	[tilespmem:s19+$0xFFFFFF90] =	vst v29;
	v57 =	vand.u32 $0xFFFF0000, v61;
	v61 =	vperm.xlane v27, v4;
	v56 =	vperm.xlane v18, v3  }
0x13f: {  	v24 =	vperm.xlane v24, v8;
	v45 =	vperm.xlane v22, v5;
	[tilespmem:s19+$0xFFFFFE00] =	vst v47  }
0x140: {  	v39 =	vshll.u32 v55, $0x10;
	v62 =	vld [tilespmem:s18+$0xFFFFFFD0];
	v38 =	vmul.f32 v57, v44;
	v44 =	vperm.xlane v23, v4;
	[tilespmem:s19+$0xFFFFFE10] =	vst v50  }
0x141: {  	[tilespmem:s19+$0x80] =	vst v34;
	v33 =	vand.u32 $0xFFFF0000, v55;
	v30 =	vmul.f32 v39, v30;
	v47 =	vperm.xlane v20, v3;
	v58 =	vld [tilespmem:s18+$0xFFFFFF10]  }
0x142: {  	[tilespmem:s19+$0x100] =	vst v31;
	v31 =	vperm.xlane v19, v4;
	v41 =	vand.u32 $0xFFFF0000, v60;
	v28 =	vshll.u32 v52, $0x10  }
0x143: {  	v48 =	vld [tilespmem:s18+$0x10];
	[tilespmem:s19+$0x90] =	vst v36;
	v29 =	vand.u32 $0xFFFF0000, v52;
	v50 =	vmul.f32 v41, v44;
	v28 =	vmul.f32 v28, v21  }
0x144: {  	v57 =	vshll.u32 v60, $0x10;
	[tilespmem:s19+$0x110] =	vst v38;
	v52 =	vld [tilespmem:s18+$0x50];
	v41 =	vperm.xlane v25, v6;
	v29 =	vmul.f32 v29, v59  }
0x145: {  	v38 =	vld [tilespmem:s18+$0x90];
	v44 =	vperm.xlane v23, v6;
	v59 =	vperm.xlane v19, v3;
	v60 =	vshll.u32 v62, $0x10;
	[tilespmem:s19+$0x1C0] =	vst v28  }
0x146: {  	v28 =	vperm.xlane v23, v3;
	[tilespmem:s19+$0x1D0] =	vst v29;
	v29 =	vperm.xlane v22, v3;
	v63 =	vshll.u32 v58, $0x10  }
0x147: {  	v37 =	vand.u32 $0xFFFF0000, v58;
	v58 =	vperm.xlane v18, v4;
	v40 =	vmul.f32 v63, v40  }
0x148: {  	[tilespmem:s19+$0xFFFFFEA0] =	vst v30;
	v26 =	vld [tilespmem:s18+$0xF0];
	v32 =	vmul.f32 v37, v61;
	v61 =	vand.u32 $0xFFFF0000, v62;
	v63 =	vshll.u32 v48, $0x10  }
0x149: {  	[tilespmem:s19+$0xFFFFFF30] =	vst v50;
	v28 =	vmul.f32 v57, v28;
	v53 =	vshll.u32 v52, $0x10;
	v29 =	vmul.f32 v60, v29  }
0x14a: {  	v57 =	vand.u32 $0xFFFF0000, v38;
	v37 =	vmul.f32 v61, v46;
	v34 =	vmul.f32 v53, v56;
	[tilespmem:s19+$0xFFFFFE20] =	vst v40  }
0x14b: {  	v48 =	vand.u32 $0xFFFF0000, v48;
	v31 =	vmul.f32 v57, v31;
	v46 =	vperm.xlane v22, v6;
	[tilespmem:s19+$0xFFFFFE30] =	vst v32  }
0x14c: {  	v35 =	vld [tilespmem:s11+$0xB0];
	v54 =	vshll.u32 v38, $0x10;
	v40 =	vmul.f32 v63, v47;
	[tilespmem:s19+$0xFFFFFF20] =	vst v28;
	v28 =	vmul.f32 v48, v49  }
0x14d: {  	v32 =	vmul.f32 v54, v59;
	[tilespmem:s19+$0xFFFFFFA0] =	vst v29;
	v59 =	vperm.xlane v27, v6;
	v30 =	vld [tilespmem:s18+$0xFFFFFF20];
	v62 =	vand.u32 $0xFFFF0000, v26  }
0x14e: {  	v29 =	vld [tilespmem:s18+$0xFFFFFFA0];
	[tilespmem:s19+$0xFFFFFFB0] =	vst v37;
	v39 =	vmul.f32 v62, v24;
	v24 =	vmul.f32 v33, v42  }
0x14f: {  	v48 =	vperm.xlane v20, v6;
	v49 =	vperm.xlane v18, v5;
	[tilespmem:s19+$0x20] =	vst v40  }
0x150: {  	v37 =	vperm.xlane v25, v5;
	v40 =	vperm.xlane v23, v5;
	v61 =	vld [tilespmem:s18+$0xFFFFFFE0];
	[tilespmem:s19+$0xFFFFFEB0] =	vst v24;
	v24 =	vand.u32 $0xFFFF0000, v52  }
0x151: {  	v21 =	vshll.u32 v35, $0x10;
	[tilespmem:s19+$0xA0] =	vst v34;
	v42 =	vperm.xlane v20, v5;
	v55 =	vld [tilespmem:s18+$0xFFFFFF60];
	v56 =	vmul.f32 v24, v58  }
0x152: {  	[tilespmem:s19+$0x30] =	vst v28;
	v58 =	vperm.xlane v27, v5;
	v60 =	vshll.u32 v30, $0x10;
	v30 =	vand.u32 $0xFFFF0000, v30  }
0x153: {  	[tilespmem:s19+$0x130] =	vst v31;
	v47 =	vld [tilespmem:s18+$0x20];
	v63 =	vshll.u32 v29, $0x10;
	v29 =	vand.u32 $0xFFFF0000, v29;
	v30 =	vmul.f32 v30, v59  }
0x154: {  	[tilespmem:s19+$0x120] =	vst v32;
	v24 =	vand.u32 $0xFFFF0000, v35;
	v33 =	vmul.f32 v63, v40;
	v29 =	vmul.f32 v29, v44  }
0x155: {  	v57 =	vshll.u32 v61, $0x10;
	v59 =	vld [tilespmem:s18+$0xA0];
	[tilespmem:s19+$0xB0] =	vst v56;
	v56 =	vperm.xlane v19, v5;
	v31 =	vmul.f32 v60, v58  }
0x156: {  	[tilespmem:s19+$0x1F0] =	vst v39;
	v58 =	vand.u32 $0xFFFF0000, v61;
	v60 =	vperm.xlane v19, v6;
	v54 =	vld [tilespmem:s18+$0x60];
	v28 =	vshll.u32 v55, $0x10  }
0x157: {  	v36 =	vmul.f32 v57, v45;
	[tilespmem:s19+$0xFFFFFE50] =	vst v30;
	v62 =	vand.u32 $0xFFFF0000, v55;
	v28 =	vmul.f32 v28, v37  }
0x158: {  	v61 =	vshll.u32 v47, $0x10;
	v43 =	vmul.f32 v58, v46;
	[tilespmem:s19+$0xFFFFFE40] =	vst v31;
	v34 =	vmul.f32 v62, v41  }
0x159: {  	v42 =	vmul.f32 v61, v42;
	v31 =	vand.u32 $0xFFFF0000, v47;
	v55 =	vperm.xlane v18, v6;
	[tilespmem:s19+$0xFFFFFEC0] =	vst v28  }
0x15a: {  	v40 =	vmul.f32 v31, v48;
	v31 =	vperm.xlane v27, v8;
	v62 =	vld [tilespmem:s18+$0xFFFFFF30];
	v63 =	vshll.u32 v59, $0x10;
	[tilespmem:s19+$0xFFFFFED0] =	vst v34  }
0x15b: {  	[tilespmem:s19+$0xFFFFFF40] =	vst v33;
	v32 =	vmul.f32 v63, v56;
	v30 =	vshll.u32 v54, $0x10;
	v28 =	vand.u32 $0xFFFF0000, v54;
	v35 =	vld [tilespmem:s18+$0xFFFFFF70]  }
0x15c: {  	[tilespmem:s19+$0xFFFFFF50] =	vst v29;
	v37 =	vmul.f32 v30, v49;
	v38 =	vmul.f32 v28, v55  }
0x15d: {  	[tilespmem:s19+$0xFFFFFFC0] =	vst v36;
	v29 =	vld [tilespmem:s18+$0xFFFFFFB0];
	v30 =	vand.u32 $0xFFFF0000, v59;
	v28 =	vperm.xlane v27, v7;
	v27 =	vperm.xlane v25, v7  }
0x15e: {  	v26 =	vshll.u32 v26, $0x10;
	[tilespmem:s19+$0xFFFFFFD0] =	vst v43;
	v33 =	vmul.f32 v30, v60;
	v30 =	vperm.xlane v25, v8  }
0x15f: {  	s12 =	simm.s32 $0x31C0;
	s11 =	simm.s32 $0x8;
	[tilespmem:s19+$0x40] =	vst v42;
	v36 =	vld [tilespmem:s18+$0xFFFFFFF0];
	v25 =	vperm.xlane v23, v7;
	v34 =	vshll.u32 v62, $0x10;
	v39 =	vand.u32 $0xFFFF0000, v62  }
.LBB2_5:
0x160: {  	v41 =	vld [tilespmem:s12+$0x30];
	v42 =	vshll.u32 v35, $0x10;
	v23 =	vperm.xlane v23, v8;
	v43 =	vperm.xlane v22, v7;
	[tilespmem:s19+$0x50] =	vst v40;
	s17 =	sadd.s32 $0x80, s17  }
0x161: {  	v35 =	vand.u32 $0xFFFF0000, v35;
	v44 =	vperm.xlane v22, v8;
	v22 =	vperm.xlane v20, v7;
	v40 =	vld [tilespmem:s17+$0x30];
	[tilespmem:s19+$0xC0] =	vst v37  }
0x162: {  	v20 =	vperm.xlane v20, v8;
	v37 =	vld [tilespmem:s17+$0xFFFFFFC0];
	v45 =	vshll.u32 v29, $0x10;
	[tilespmem:s19+$0xD0] =	vst v38;
	v38 =	vperm.xlane v18, v7  }
0x163: {  	v29 =	vand.u32 $0xFFFF0000, v29;
	v18 =	vperm.xlane v18, v8;
	v46 =	vld [tilespmem:s12+$0xFFFFFFD0];
	[tilespmem:s19+$0x140] =	vst v32;
	v32 =	vperm.xlane v19, v7  }
0x164: {  	s11 =	sadd.s32 $0x8, s11;
	v19 =	vperm.xlane v19, v8;
	v47 =	vld [tilespmem:s17+$0xFFFFFFD0];
	v48 =	vshll.u32 v36, $0x10;
	v36 =	vand.u32 $0xFFFF0000, v36;
	[tilespmem:s19+$0x150] =	vst v33  }
0x165: {  	v28 =	vmul.f32 v34, v28;
	v31 =	vmul.f32 v39, v31;
	p0 =	slt.u32 s11, $0x38;
	v33 =	vld [tilespmem:s12+$0xFFFFFFE0]  }
0x166: {  	v27 =	vmul.f32 v42, v27;
	v30 =	vmul.f32 v35, v30;
	v34 =	vld [tilespmem:s17+$0xFFFFFFE0];
	v39 =	vadd.f32 v40, v41  }
0x167: {  	v25 =	vmul.f32 v45, v25;
	v23 =	vmul.f32 v29, v23;
	v35 =	vld [tilespmem:s12+$0xFFFFFFF0];
	[tilespmem:s19+$0xFFFFFE60] =	vst v28  }
0x168: {  	v28 =	vld [tilespmem:s17+$0xFFFFFFF0];
	v29 =	vmul.f32 $2.000000030e-01, v39;
	[tilespmem:s19+$0xFFFFFE70] =	vst v31;
	v31 =	vmul.f32 v48, v43  }
0x169: {  	v16 =	vmul.f32 v16, v12;
	v40 =	vadd.f32 v47, v46;
	v41 =	vld [tilespmem:s12+$0x0];
	[tilespmem:s19+$0xFFFFFEE0] =	vst v27;
	v27 =	vmul.f32 v36, v44  }
0x16a: {  	v15 =	vmul.f32 v15, v10;
	v17 =	vmul.f32 v17, v13;
	v36 =	vld [tilespmem:s17+$0x0];
	v39 =	vmax.f32 v39, v29;
	[tilespmem:s19+$0xFFFFFEF0] =	vst v30  }
0x16b: {  	v12 =	vmovc v20;
	v10 =	vmovc v38;
	v29 =	vmul.f32 $2.000000030e-01, v40;
	v30 =	vadd.f32 v34, v33;
	v33 =	vld [tilespmem:s12+$0x10];
	v34 =	vmul.f32 $1.442695020e+00, v39;
	[tilespmem:s19+$0xFFFFFF60] =	vst v25  }
0x16c: {  	v21 =	vmul.f32 v21, v9;
	v13 =	vmovc v18;
	v9 =	vmov v32;
	v20 =	vld [tilespmem:s17+$0x10];
	[tilespmem:s19+$0xFFFFFF70] =	vst v23;
	v23 =	vmul.f32 v24, v11  }
0x16d: {  	v11 =	vmovc v19;
	v18 =	vmul.f32 $2.000000030e-01, v30;
	v24 =	vadd.f32 v28, v35;
	v25 =	vld [tilespmem:s12+$0x20];
	(erf) = vpow2.f32 v34;
	[tilespmem:s19+$0xFFFFFFE0] =	vst v31  }
0x16e: {  	v14 =	vmul.f32 v26, v14;
	v19 =	vmax.f32 v40, v29;
	v28 =	vld [tilespmem:s17+$0x20];
	[tilespmem:s19+$0xFFFFFFF0] =	vst v27  }
0x16f: {  	v26 =	vld [tilespmem:s12+$0xFFFFFFC0];
	v18 =	vmax.f32 v30, v18;
	v27 =	vmul.f32 $2.000000030e-01, v24;
	v29 =	vadd.f32 v36, v41;
	[tilespmem:s14+$0x70] =	vst v16  }
0x170: {  	v16 =	vmul.f32 $1.442695020e+00, v19;
	v18 =	vmul.f32 $1.442695020e+00, v18;
	v19 =	vld [tilespmem:s18+$0x30];
	[tilespmem:s14+$0xE0] =	vst v15  }
0x171: {  	v15 =	vmax.f32 v24, v27;
	v24 =	vmul.f32 $2.000000030e-01, v29;
	v20 =	vadd.f32 v20, v33;
	v27 =	vld [tilespmem:s18+$0x70];
	[tilespmem:s14+$0xF0] =	vst v17  }
0x172: {  	v15 =	vmul.f32 $1.442695020e+00, v15;
	(erf) = vpow2.f32 v16;
	v30 =	vld [tilespmem:s18+$0xB0];
	[tilespmem:s14+$0x160] =	vst v21  }
0x173: {  	v16 =	vmax.f32 v29, v24;
	v17 =	vmul.f32 $2.000000030e-01, v20;
	v21 =	vadd.f32 v28, v25;
	[tilespmem:s14+$0x170] =	vst v23;
	s14 =	smov.u32 s19  }
0x174: {  	v23 =	vadd.f32 v37, v26;
	v16 =	vmul.f32 $1.442695020e+00, v16;
	(erf) = vpow2.f32 v18;
	[tilespmem:s19+$0x1E0] =	vst v14  }
0x175: {  	v14 =	vmax.f32 v20, v17;
	v17 =	vmul.f32 $2.000000030e-01, v21;
	(erf) = vpow2.f32 v15  }
0x176: {  	s25 =	sadd.s32 $0x80, s25;
	v20 =	vshll.u32 v19, $0x10;
	v15 =	vmul.f32 $2.000000030e-01, v23;
	v18 =	vmul.f32 $1.442695020e+00, v14;
	v26 =	vpop (erf)  }
0x177: {  	s18 =	sadd.s32 $0x200, s18;
	v17 =	vmax.f32 v21, v17;
	[tilespmem:s25+$0x30] =	vst v26;
	v14 =	vperm.xlane v26, v7;
	(erf) = vpow2.f32 v16  }
0x178: {  	v15 =	vmax.f32 v23, v15;
	v17 =	vmul.f32 $1.442695020e+00, v17;
	v28 =	vld [tilespmem:s18+$0xC0];
	(erf) = vpow2.f32 v18  }
0x179: {  	v16 =	vand.u32 $0xFFFF0000, v19;
	v18 =	vmul.f32 $1.442695020e+00, v15;
	v15 =	vshll.u32 v27, $0x10  }
0x17a: {  	v21 =	vshll.u32 v30, $0x10;
	(erf) = vpow2.f32 v17;
	v17 =	vand.u32 $0xFFFF0000, v27  }
0x17b: {  	v24 =	vand.u32 $0xFFFF0000, v30;
	(erf) = vpow2.f32 v18;
	v25 =	vpop (erf);
	v18 =	vmul.f32 v20, v22  }
0x17c: {  	v20 =	vperm.xlane v26, v1;
	[tilespmem:s25+$0xFFFFFFD0] =	vst v25;
	v19 =	vperm.xlane v25, v1  }
0x17d: {  	v30 =	vperm.xlane v26, v2;
	v29 =	vperm.xlane v25, v2;
	v27 =	vld [tilespmem:s18+$0xFFFFFF40];
	v32 =	vshll.u32 v28, $0x10;
	v23 =	vpop (erf);
	[tilespmem:s19+$0x60] =	vst v18  }
0x17e: {  	v18 =	vand.u32 $0xFFFF0000, v28;
	[tilespmem:s25+$0xFFFFFFE0] =	vst v23;
	v31 =	vperm.xlane v23, v1;
	v35 =	vmul.f32 v32, v20;
	v22 =	vpop (erf)  }
0x17f: {  	s19 =	sadd.s32 $0x400, s19;
	v32 =	vperm.xlane v23, v2;
	v37 =	vmul.f32 v18, v30;
	v28 =	vld [tilespmem:s18+$0xFFFFFF80];
	[tilespmem:s25+$0xFFFFFFF0] =	vst v22  }
0x180: {  	v33 =	vperm.xlane v22, v1;
	v34 =	vperm.xlane v22, v2;
	v30 =	vld [tilespmem:s18+$0xFFFFFFC0];
	[tilespmem:s19+$0x180] =	vst v35;
	v20 =	vpop (erf)  }
0x181: {  	v35 =	vperm.xlane v20, v1;
	v36 =	vperm.xlane v20, v2;
	[tilespmem:s19+$0x190] =	vst v37;
	v18 =	vpop (erf)  }
0x182: {  	v37 =	vshll.u32 v27, $0x10;
	[tilespmem:s25+$0x0] =	vst v20;
	v38 =	vperm.xlane v18, v1;
	v39 =	vperm.xlane v18, v2;
	v40 =	vld [tilespmem:s18+$0xD0]  }
0x183: {  	v42 =	vperm.xlane v25, v3;
	v41 =	vand.u32 $0xFFFF0000, v27;
	v37 =	vmul.f32 v37, v19;
	v43 =	vld [tilespmem:s18+$0x0];
	[tilespmem:s25+$0x10] =	vst v18;
	v19 =	vpop (erf)  }
0x184: {  	v44 =	vshll.u32 v28, $0x10;
	v45 =	vld [tilespmem:s18+$0x40];
	[tilespmem:s25+$0x20] =	vst v19;
	v46 =	vperm.xlane v19, v1;
	v47 =	vperm.xlane v19, v2;
	v27 =	vpop (erf)  }
0x185: {  	v28 =	vand.u32 $0xFFFF0000, v28;
	[tilespmem:s25+$0xFFFFFFC0] =	vst v27;
	v48 =	vperm.xlane v27, v1;
	v49 =	vperm.xlane v27, v2;
	v50 =	vld [tilespmem:s18+$0x80]  }
0x186: {  	v52 =	vperm.xlane v26, v3;
	v51 =	vld [tilespmem:s18+$0xFFFFFF00];
	[tilespmem:s19+$0xFFFFFE80] =	vst v37;
	v37 =	vshll.u32 v30, $0x10;
	v30 =	vand.u32 $0xFFFF0000, v30  }
0x187: {  	v53 =	vperm.xlane v26, v4;
	v29 =	vmul.f32 v41, v29;
	v41 =	vshll.u32 v40, $0x10  }
0x188: {  	v40 =	vand.u32 $0xFFFF0000, v40;
	v54 =	vshll.u32 v43, $0x10;
	v41 =	vmul.f32 v41, v52  }
0x189: {  	v40 =	vmul.f32 v40, v53;
	[tilespmem:s19+$0xFFFFFE90] =	vst v29;
	v29 =	vand.u32 $0xFFFF0000, v43;
	v43 =	vshll.u32 v45, $0x10  }
0x18a: {  	v45 =	vand.u32 $0xFFFF0000, v45;
	v52 =	vld [tilespmem:s18+$0xFFFFFF50];
	v53 =	vshll.u32 v50, $0x10;
	v50 =	vand.u32 $0xFFFF0000, v50;
	[tilespmem:s19+$0x1A0] =	vst v41  }
0x18b: {  	v31 =	vmul.f32 v44, v31;
	v41 =	vshll.u32 v51, $0x10;
	v51 =	vand.u32 $0xFFFF0000, v51;
	[tilespmem:s19+$0x1B0] =	vst v40  }
0x18c: {  	v40 =	vmul.f32 v41, v48;
	v41 =	vmul.f32 v51, v49;
	v44 =	vld [tilespmem:s18+$0xE0]  }
0x18d: {  	v28 =	vmul.f32 v28, v32;
	[tilespmem:s19+$0xFFFFFF00] =	vst v31;
	v31 =	vmul.f32 v37, v33  }
0x18e: {  	v30 =	vmul.f32 v30, v34;
	v32 =	vmul.f32 v54, v35;
	[tilespmem:s19+$0xFFFFFE00] =	vst v40  }
0x18f: {  	v29 =	vmul.f32 v29, v36;
	v34 =	vmul.f32 v43, v38;
	[tilespmem:s19+$0xFFFFFE10] =	vst v41;
	v33 =	vshll.u32 v52, $0x10  }
0x190: {  	v37 =	vperm.xlane v26, v5;
	v36 =	vand.u32 $0xFFFF0000, v52;
	v35 =	vld [tilespmem:s18+$0xFFFFFF10];
	[tilespmem:s19+$0xFFFFFF10] =	vst v28;
	v28 =	vmul.f32 v45, v39  }
0x191: {  	v40 =	vperm.xlane v26, v6;
	v38 =	vld [tilespmem:s18+$0xFFFFFF90];
	[tilespmem:s19+$0xFFFFFF80] =	vst v31;
	v31 =	vmul.f32 v53, v46;
	v39 =	vshll.u32 v44, $0x10  }
0x192: {  	v41 =	vand.u32 $0xFFFF0000, v44;
	[tilespmem:s19+$0xFFFFFF90] =	vst v30;
	v30 =	vmul.f32 v50, v47;
	v37 =	vmul.f32 v39, v37  }
0x193: {  	v39 =	vperm.xlane v27, v3;
	v43 =	vld [tilespmem:s18+$0xFFFFFFD0];
	[tilespmem:s19+$0x0] =	vst v32;
	v32 =	vmul.f32 v41, v40  }
0x194: {  	v40 =	vperm.xlane v27, v4;
	v41 =	vperm.xlane v25, v4;
	[tilespmem:s19+$0x1C0] =	vst v37  }
0x195: {  	v45 =	vperm.xlane v23, v4;
	v44 =	vperm.xlane v23, v3;
	v37 =	vshll.u32 v35, $0x10;
	[tilespmem:s19+$0x1D0] =	vst v32  }
0x196: {  	v46 =	vperm.xlane v22, v4;
	v32 =	vand.u32 $0xFFFF0000, v35;
	v35 =	vperm.xlane v22, v3;
	[tilespmem:s19+$0x10] =	vst v29;
	v29 =	vld [tilespmem:s18+$0xF0]  }
0x197: {  	v49 =	vperm.xlane v20, v3;
	v50 =	vperm.xlane v20, v4;
	v47 =	vshll.u32 v38, $0x10;
	v48 =	vld [tilespmem:s18+$0x10];
	[tilespmem:s19+$0x80] =	vst v34  }
0x198: {  	v34 =	vand.u32 $0xFFFF0000, v38;
	v38 =	vperm.xlane v18, v4;
	[tilespmem:s19+$0x90] =	vst v28;
	v28 =	vperm.xlane v18, v3  }
0x199: {  	v53 =	vperm.xlane v19, v4;
	v51 =	vshll.u32 v43, $0x10;
	v52 =	vld [tilespmem:s18+$0x50];
	[tilespmem:s19+$0x100] =	vst v31;
	v31 =	vperm.xlane v19, v3  }
0x19a: {  	v26 =	vperm.xlane v26, v8;
	v37 =	vmul.f32 v37, v39;
	v39 =	vand.u32 $0xFFFF0000, v43;
	[tilespmem:s19+$0x110] =	vst v30  }
0x19b: {  	v30 =	vmul.f32 v32, v40;
	v32 =	vmul.f32 v33, v42;
	v33 =	vld [tilespmem:s18+$0x90];
	v40 =	vand.u32 $0xFFFF0000, v29  }
0x19c: {  	[tilespmem:s19+$0xFFFFFE20] =	vst v37;
	v37 =	vshll.u32 v48, $0x10;
	v42 =	vand.u32 $0xFFFF0000, v48;
	v40 =	vmul.f32 v40, v26  }
0x19d: {  	v26 =	vshll.u32 v29, $0x10;
	[tilespmem:s19+$0xFFFFFE30] =	vst v30;
	v30 =	vmul.f32 v36, v41;
	v36 =	vmul.f32 v47, v44  }
0x19e: {  	v34 =	vmul.f32 v34, v45;
	v29 =	vld [tilespmem:s18+$0xFFFFFF20];
	v41 =	vshll.u32 v52, $0x10;
	v43 =	vand.u32 $0xFFFF0000, v52;
	[tilespmem:s19+$0x1F0] =	vst v40  }
0x19f: {  	[tilespmem:s19+$0xFFFFFEA0] =	vst v32;
	v32 =	vmul.f32 v51, v35;
	v35 =	vmul.f32 v39, v46  }
0x1a0: {  	[tilespmem:s19+$0xFFFFFEB0] =	vst v30;
	v30 =	vmul.f32 v37, v49;
	v37 =	vshll.u32 v33, $0x10;
	v33 =	vand.u32 $0xFFFF0000, v33  }
0x1a1: {  	v28 =	vmul.f32 v41, v28;
	v39 =	vld [tilespmem:s18+$0xFFFFFF60];
	[tilespmem:s19+$0xFFFFFF20] =	vst v36;
	v36 =	vmul.f32 v42, v50  }
0x1a2: {  	v31 =	vmul.f32 v37, v31;
	[tilespmem:s19+$0xFFFFFF30] =	vst v34;
	v34 =	vmul.f32 v43, v38  }
0x1a3: {  	v38 =	vperm.xlane v27, v5;
	v37 =	vshll.u32 v29, $0x10;
	v40 =	vld [tilespmem:s18+$0xFFFFFFA0];
	[tilespmem:s19+$0xFFFFFFA0] =	vst v32;
	v32 =	vmul.f32 v33, v53  }
0x1a4: {  	v41 =	vperm.xlane v25, v5;
	v29 =	vand.u32 $0xFFFF0000, v29;
	v33 =	vperm.xlane v27, v6;
	[tilespmem:s19+$0xFFFFFFB0] =	vst v35  }
0x1a5: {  	v42 =	vperm.xlane v23, v5;
	v35 =	vperm.xlane v25, v6;
	v43 =	vld [tilespmem:s18+$0xFFFFFFE0];
	[tilespmem:s19+$0x20] =	vst v30  }
0x1a6: {  	v45 =	vperm.xlane v22, v5;
	v44 =	vperm.xlane v23, v6;
	v30 =	vshll.u32 v39, $0x10;
	[tilespmem:s19+$0x30] =	vst v36  }
0x1a7: {  	v47 =	vperm.xlane v20, v5;
	v36 =	vand.u32 $0xFFFF0000, v39;
	v39 =	vperm.xlane v22, v6;
	v46 =	vld [tilespmem:s18+$0x20];
	[tilespmem:s19+$0xA0] =	vst v28  }
0x1a8: {  	v48 =	vperm.xlane v20, v6;
	v28 =	vshll.u32 v40, $0x10;
	[tilespmem:s19+$0xB0] =	vst v34;
	v34 =	vperm.xlane v18, v5  }
0x1a9: {  	v50 =	vperm.xlane v18, v6;
	v40 =	vand.u32 $0xFFFF0000, v40;
	v49 =	vld [tilespmem:s18+$0x60];
	[tilespmem:s19+$0x120] =	vst v31;
	v31 =	vperm.xlane v19, v5  }
0x1aa: {  	v52 =	vperm.xlane v19, v6;
	v51 =	vshll.u32 v43, $0x10;
	v43 =	vand.u32 $0xFFFF0000, v43;
	[tilespmem:s19+$0x130] =	vst v32  }
0x1ab: {  	v29 =	vmul.f32 v29, v33;
	v32 =	vmul.f32 v37, v38;
	v33 =	vld [tilespmem:s18+$0xA0]  }
0x1ac: {  	v30 =	vmul.f32 v30, v41;
	v37 =	vshll.u32 v46, $0x10;
	v38 =	vand.u32 $0xFFFF0000, v46  }
0x1ad: {  	v28 =	vmul.f32 v28, v42;
	[tilespmem:s19+$0xFFFFFE40] =	vst v32;
	v32 =	vmul.f32 v36, v35  }
0x1ae: {  	[tilespmem:s19+$0xFFFFFE50] =	vst v29;
	v29 =	vmul.f32 v40, v44;
	v36 =	vshll.u32 v49, $0x10;
	v41 =	vand.u32 $0xFFFF0000, v49  }
0x1af: {  	v39 =	vmul.f32 v43, v39;
	v42 =	vld [tilespmem:s18+$0xFFFFFF30];
	[tilespmem:s19+$0xFFFFFEC0] =	vst v30;
	v30 =	vmul.f32 v51, v45  }
0x1b0: {  	v43 =	vmul.f32 v37, v47;
	[tilespmem:s19+$0xFFFFFED0] =	vst v32;
	v32 =	vshll.u32 v33, $0x10;
	v33 =	vand.u32 $0xFFFF0000, v33  }
.Ltmp1:
0x1b1: {  	v40 =	vmul.f32 v38, v48;
	v37 =	vmul.f32 v36, v34;
	v35 =	vld [tilespmem:s18+$0xFFFFFF70];
	[tilespmem:s19+$0xFFFFFF40] =	vst v28;
	(pc) =	sbr.rel @p0 .LBB2_5-.Ltmp1, $4  }
0x1b2: {  	v38 =	vmul.f32 v41, v50;
	v32 =	vmul.f32 v32, v31;
	[tilespmem:s19+$0xFFFFFF50] =	vst v29  }
0x1b3: {  	v28 =	vperm.xlane v27, v7;
	v33 =	vmul.f32 v33, v52;
	v29 =	vld [tilespmem:s18+$0xFFFFFFB0];
	[tilespmem:s19+$0xFFFFFFC0] =	vst v30  }
0x1b4: {  	v31 =	vperm.xlane v27, v8;
	v27 =	vperm.xlane v25, v7;
	v34 =	vshll.u32 v42, $0x10;
	[tilespmem:s19+$0xFFFFFFD0] =	vst v39  }
0x1b5: {  	s12 =	sadd.s32 $0x80, s12;
	v30 =	vperm.xlane v25, v8;
	v25 =	vperm.xlane v23, v7;
	v39 =	vand.u32 $0xFFFF0000, v42;
	v36 =	vld [tilespmem:s18+$0xFFFFFFF0];
	[tilespmem:s19+$0x40] =	vst v43  }
0x1b6: {  	[tilespmem:s19+$0x50] =	vst v40  }
0x1b7: {  	[tilespmem:s19+$0xC0] =	vst v37  }
0x1b8: {  	[tilespmem:s19+$0xD0] =	vst v38  }
0x1b9: {  	[tilespmem:s19+$0x140] =	vst v32;
	v28 =	vmul.f32 v34, v28  }
0x1ba: {  	[tilespmem:s19+$0x150] =	vst v33;
	v31 =	vmul.f32 v39, v31  }
0x1bb: {  	v12 =	vmul.f32 v16, v12;
	[tilespmem:s19+$0xFFFFFE60] =	vst v28  }
0x1bc: {  	v10 =	vmul.f32 v15, v10;
	[tilespmem:s19+$0xFFFFFE70] =	vst v31  }
0x1bd: {  	v13 =	vmul.f32 v17, v13;
	[tilespmem:s14+$0x70] =	vst v12  }
0x1be: {  	v9 =	vmul.f32 v21, v9;
	[tilespmem:s14+$0xE0] =	vst v10  }
0x1bf: {  	v11 =	vmul.f32 v24, v11;
	[tilespmem:s14+$0xF0] =	vst v13  }
0x1c0: {  	v52 =	vshll.u32 v35, $0x10;
	v14 =	vmul.f32 v26, v14;
	[tilespmem:s14+$0x160] =	vst v9  }
0x1c1: {  	v53 =	vand.u32 $0xFFFF0000, v35;
	v27 =	vmul.f32 v52, v27;
	v16 =	vld [tilespmem:s18+$0x30];
	[tilespmem:s14+$0x170] =	vst v11  }
0x1c2: {  	v23 =	vperm.xlane v23, v8;
	v30 =	vmul.f32 v53, v30;
	v28 =	vshll.u32 v29, $0x10;
	[tilespmem:s19+$0x1E0] =	vst v14  }
0x1c3: {  	v31 =	vperm.xlane v22, v7;
	v29 =	vand.u32 $0xFFFF0000, v29;
	v12 =	vld [tilespmem:s18+$0x70];
	v25 =	vmul.f32 v28, v25;
	[tilespmem:s19+$0xFFFFFEE0] =	vst v27  }
0x1c4: {  	v22 =	vperm.xlane v22, v8;
	v23 =	vmul.f32 v29, v23;
	[tilespmem:s19+$0xFFFFFEF0] =	vst v30;
	v27 =	vshll.u32 v36, $0x10  }
0x1c5: {  	v10 =	vperm.xlane v20, v7;
	v13 =	vld [tilespmem:s18+$0xB0];
	v28 =	vand.u32 $0xFFFF0000, v36;
	v27 =	vmul.f32 v27, v31;
	[tilespmem:s19+$0xFFFFFF60] =	vst v25  }
0x1c6: {  	v15 =	vperm.xlane v20, v8;
	v22 =	vmul.f32 v28, v22;
	[tilespmem:s19+$0xFFFFFF70] =	vst v23;
	v9 =	vshll.u32 v16, $0x10  }
0x1c7: {  	v17 =	vperm.xlane v18, v7;
	v11 =	vand.u32 $0xFFFF0000, v16;
	[tilespmem:s19+$0xFFFFFFE0] =	vst v27;
	v9 =	vmul.f32 v9, v10  }
0x1c8: {  	[tilespmem:s19+$0xFFFFFFF0] =	vst v22;
	v10 =	vperm.xlane v18, v8;
	v14 =	vshll.u32 v12, $0x10;
	v11 =	vmul.f32 v11, v15  }
0x1c9: {  	v15 =	vperm.xlane v19, v7;
	v12 =	vand.u32 $0xFFFF0000, v12;
	[tilespmem:s19+$0x60] =	vst v9;
	v9 =	vmul.f32 v14, v17  }
0x1ca: {  	v16 =	vshll.u32 v13, $0x10;
	v14 =	vperm.xlane v19, v8;
	v10 =	vmul.f32 v12, v10;
	[tilespmem:s19+$0x70] =	vst v11  }
0x1cb: {  	v11 =	vand.u32 $0xFFFF0000, v13;
	v12 =	vmul.f32 v16, v15;
	[tilespmem:s19+$0xE0] =	vst v9  }
0x1cc: {  	v9 =	vmul.f32 v11, v14;
	[tilespmem:s19+$0xF0] =	vst v10  }
0x1cd: {  	[tilespmem:s19+$0x160] =	vst v12  }
0x1ce: {  	[tilespmem:s19+$0x170] =	vst v9  }
0x1cf: {  	[spmem:s4] =	stream.indirect.scatter.add.f32 [tilespmem:s21], [sflag:$0x3], $0x80, s24, s24, $0xb8;
	[tilespmem:$0x1DC80] =	vst v63  }
0x1d0: {  	_ = 	snop  }
0x1d1: {  	[spmem:s5] =	stream.indirect.scatter.add.f32 [tilespmem:s23], [sflag:$0x3], $0x10, s24, s24, $0xb8;
	[tilespmem:$0x1DC80] =	vst v63  }
0x1d2: {  	_ =	swait.ge [sflag:s29], $0x1000  }
0x1d3: {  	[sflag:s29] =	ssyncset.done $0x0  }
0x1d4: {  	[sflag:s29] =	ssyncadd.s32 $0xFFFFF000  }
0x1d5: {  	_ =	swait.ge [sflag:s29], $0x400  }
0x1d6: {  	[sflag:s29] =	ssyncset.done $0x0  }
0x1d7: {  	[sflag:s29] =	ssyncadd.s32 $0xFFFFFC00  }
0x1d8: {  	_ =	swait.ge [sflag:s29], $0x400  }
0x1d9: {  	[sflag:s29] =	ssyncset.done $0x0  }
0x1da: {  	s11 =	simm.s32 $0x6D40;
	[sflag:s29] =	ssyncadd.s32 $0xFFFFFC00  }
0x1db: {  	s12 =	simm.s32 $0x7140;
	v9 =	vld [tilespmem:s11+$0x30]  }
0x1dc: {  	v10 =	vld [tilespmem:s12+$0x30]  }
0x1dd: {  	v11 =	vld [tilespmem:s12+$0xFFFFFFC0]  }
0x1de: {  	v12 =	vld [tilespmem:s11+$0xFFFFFFD0]  }
0x1df: {  	v13 =	vld [tilespmem:s12+$0xFFFFFFD0]  }
0x1e0: {  	v14 =	vld [tilespmem:s11+$0xFFFFFFE0]  }
0x1e1: {  	v15 =	vld [tilespmem:s12+$0xFFFFFFE0]  }
0x1e2: {  	v16 =	vld [tilespmem:s12+$0xFFFFFFF0];
	v9 =	vadd.f32 v10, v9  }
0x1e3: {  	v18 =	vld [tilespmem:s11+$0x0]  }
0x1e4: {  	v10 =	vld [tilespmem:s11+$0xFFFFFFF0];
	v17 =	vmul.f32 $2.000000030e-01, v9  }
0x1e5: {  	v19 =	vld [tilespmem:s12+$0x0]  }
0x1e6: {  	v20 =	vld [tilespmem:s11+$0x20];
	v12 =	vadd.f32 v13, v12;
	v9 =	vmax.f32 v9, v17  }
0x1e7: {  	v13 =	vld [tilespmem:s11+$0x10];
	v9 =	vmul.f32 $1.442695020e+00, v9  }
0x1e8: {  	v14 =	vadd.f32 v15, v14;
	v15 =	vld [tilespmem:s12+$0x10];
	v17 =	vmul.f32 $2.000000030e-01, v12  }
0x1e9: {  	v10 =	vadd.f32 v16, v10;
	v16 =	vld [tilespmem:s12+$0x20];
	(erf) = vpow2.f32 v9  }
0x1ea: {  	v12 =	vmax.f32 v12, v17;
	v17 =	vld [tilespmem:s11+$0xFFFFFFC0];
	v9 =	vmul.f32 $2.000000030e-01, v14  }
0x1eb: {  	v12 =	vmul.f32 $1.442695020e+00, v12  }
0x1ec: {  	v18 =	vadd.f32 v19, v18;
	v9 =	vmax.f32 v14, v9;
	v14 =	vmul.f32 $2.000000030e-01, v10  }
0x1ed: {  	v13 =	vadd.f32 v15, v13;
	(erf) = vpow2.f32 v12;
	v9 =	vmul.f32 $1.442695020e+00, v9  }
0x1ee: {  	v12 =	vadd.f32 v16, v20;
	v10 =	vmax.f32 v10, v14;
	v14 =	vmul.f32 $2.000000030e-01, v18  }
0x1ef: {  	v15 =	vmul.f32 $2.000000030e-01, v13;
	v11 =	vadd.f32 v11, v17;
	v10 =	vmul.f32 $1.442695020e+00, v10  }
0x1f0: {  	v16 =	vmul.f32 $2.000000030e-01, v12;
	(erf) = vpow2.f32 v9;
	v14 =	vmax.f32 v18, v14  }
0x1f1: {  	v9 =	vmax.f32 v13, v15;
	v13 =	vmul.f32 $2.000000030e-01, v11;
	v14 =	vmul.f32 $1.442695020e+00, v14  }
0x1f2: {  	s19 =	simm.s32 $0x7540;
	v9 =	vmul.f32 $1.442695020e+00, v9;
	v18 =	vpop (erf);
	(erf) = vpow2.f32 v10;
	v10 =	vmax.f32 v12, v16  }
0x1f3: {  	s11 =	simm.s32 $0x3E00;
	v11 =	vmax.f32 v11, v13;
	[tilespmem:s19+$0x30] =	vst v18;
	(erf) = vpow2.f32 v14;
	v10 =	vmul.f32 $1.442695020e+00, v10  }
0x1f4: {  	v12 =	vld [tilespmem:s11+$0xC0];
	(erf) = vpow2.f32 v9;
	v9 =	vmul.f32 $1.442695020e+00, v11  }
0x1f5: {  	v13 =	vperm.xlane v18, v2  }
0x1f6: {  	(erf) = vpow2.f32 v10;
	v10 =	vperm.xlane v18, v1  }
0x1f7: {  	v14 =	vperm.xlane v18, v7;
	v55 =	vperm.xlane v18, v3  }
0x1f8: {  	v59 =	vperm.xlane v18, v4;
	(erf) = vpow2.f32 v9;
	v9 =	vpop (erf)  }
0x1f9: {  	v11 =	vshll.u32 v12, $0x10;
	v12 =	vand.u32 $0xFFFF0000, v12;
	v19 =	vperm.xlane v9, v1  }
0x1fa: {  	v20 =	vperm.xlane v9, v2;
	v11 =	vmul.f32 v11, v10;
	v10 =	vpop (erf)  }
0x1fb: {  	[tilespmem:s19+$0xFFFFFFD0] =	vst v9;
	v13 =	vmul.f32 v12, v13;
	v21 =	vperm.xlane v10, v1  }
0x1fc: {  	s14 =	simm.s32 $0x4F00;
	v17 =	vld [tilespmem:s11+$0xFFFFFF40];
	v22 =	vperm.xlane v10, v2;
	[tilespmem:s19+$0xFFFFFFE0] =	vst v10;
	v50 =	vperm.xlane v10, v4;
	v12 =	vpop (erf)  }
0x1fd: {  	v41 =	vperm.xlane v10, v8;
	[tilespmem:s14+$0x180] =	vst v11;
	v23 =	vperm.xlane v12, v1  }
0x1fe: {  	[tilespmem:s14+$0x190] =	vst v13;
	v30 =	vld [tilespmem:s11+$0xFFFFFF80];
	v25 =	vperm.xlane v12, v2;
	v51 =	vperm.xlane v12, v3  }
0x1ff: {  	v24 =	vld [tilespmem:s11+$0xD0];
	v53 =	vperm.xlane v12, v4;
	v42 =	vperm.xlane v12, v7;
	v11 =	vpop (erf)  }
0x200: {  	v13 =	vpop (erf);
	v26 =	vperm.xlane v11, v1;
	v27 =	vperm.xlane v11, v2  }
0x201: {  	[tilespmem:s19+$0xFFFFFFF0] =	vst v12;
	v28 =	vshll.u32 v17, $0x10;
	v29 =	vperm.xlane v13, v1;
	v31 =	vperm.xlane v13, v2  }
0x202: {  	v56 =	vld [tilespmem:s11+$0xFFFFFFC0];
	[tilespmem:s19+$0x0] =	vst v11;
	v17 =	vand.u32 $0xFFFF0000, v17;
	v15 =	vpop (erf);
	v19 =	vmul.f32 v28, v19;
	v28 =	vperm.xlane v9, v3  }
0x203: {  	[tilespmem:s19+$0x10] =	vst v13;
	v60 =	vld [tilespmem:s11+$0x0];
	v17 =	vmul.f32 v17, v20;
	v57 =	vperm.xlane v15, v1  }
0x204: {  	v16 =	vpop (erf);
	[tilespmem:s19+$0x20] =	vst v15;
	v61 =	vperm.xlane v15, v2;
	v62 =	vld [tilespmem:s11+$0x40];
	v20 =	vand.u32 $0xFFFF0000, v30;
	v58 =	vshll.u32 v24, $0x10  }
0x205: {  	[tilespmem:s19+$0xFFFFFFC0] =	vst v16;
	v24 =	vand.u32 $0xFFFF0000, v24;
	v63 =	vperm.xlane v16, v1;
	v20 =	vmul.f32 v20, v22  }
0x206: {  	[tilespmem:s14+$0xFFFFFE80] =	vst v19;
	v44 =	vperm.xlane v16, v2;
	v54 =	vld [tilespmem:s11+$0xFFFFFF00];
	v19 =	vmul.f32 v24, v59;
	v24 =	vshll.u32 v30, $0x10  }
0x207: {  	v33 =	vmul.f32 v58, v55;
	v47 =	vand.u32 $0xFFFF0000, v56;
	v21 =	vmul.f32 v24, v21;
	[tilespmem:s14+$0xFFFFFF10] =	vst v20  }
0x208: {  	v55 =	vperm.xlane v13, v3;
	v20 =	vperm.xlane v18, v5;
	[tilespmem:s14+$0x1B0] =	vst v19;
	v19 =	vshll.u32 v56, $0x10  }
0x209: {  	[tilespmem:s14+$0xFFFFFF00] =	vst v21;
	v21 =	vand.u32 $0xFFFF0000, v60;
	v49 =	vshll.u32 v62, $0x10;
	v19 =	vmul.f32 v19, v23  }
0x20a: {  	[tilespmem:s14+$0xFFFFFE90] =	vst v17;
	v22 =	vand.u32 $0xFFFF0000, v62;
	v23 =	vmul.f32 v47, v25;
	v25 =	vperm.xlane v18, v6  }
0x20b: {  	[tilespmem:s14+$0x1A0] =	vst v33;
	v18 =	vperm.xlane v18, v8;
	v62 =	vperm.xlane v16, v7;
	v45 =	vshll.u32 v54, $0x10  }
0x20c: {  	v46 =	vld [tilespmem:s11+$0xE0];
	v21 =	vmul.f32 v21, v27;
	v17 =	vand.u32 $0xFFFF0000, v54;
	[tilespmem:s14+$0xFFFFFF80] =	vst v19;
	v24 =	vmul.f32 v45, v63  }
0x20d: {  	v30 =	vld [tilespmem:s11+$0x80];
	v27 =	vmul.f32 v49, v29;
	[tilespmem:s14+$0xFFFFFF90] =	vst v23;
	v17 =	vmul.f32 v17, v44  }
0x20e: {  	v48 =	vshll.u32 v60, $0x10;
	v22 =	vmul.f32 v22, v31;
	v31 =	vperm.xlane v10, v3;
	[tilespmem:s14+$0xFFFFFE00] =	vst v24  }
0x20f: {  	v54 =	vperm.xlane v11, v3;
	[tilespmem:s14+$0xFFFFFE10] =	vst v17;
	v24 =	vmul.f32 v48, v26;
	v26 =	vld [tilespmem:s11+$0xFFFFFF50]  }
0x210: {  	[tilespmem:s14+$0x10] =	vst v21;
	v63 =	vperm.xlane v9, v7;
	v44 =	vperm.xlane v12, v8;
	v29 =	vld [tilespmem:s11+$0xFFFFFF10]  }
0x211: {  	[tilespmem:s14+$0x80] =	vst v27;
	v45 =	vperm.xlane v11, v7;
	v19 =	vshll.u32 v46, $0x10;
	v23 =	vand.u32 $0xFFFF0000, v46  }
0x212: {  	[tilespmem:s14+$0x90] =	vst v22;
	v17 =	vshll.u32 v30, $0x10;
	v19 =	vmul.f32 v19, v20;
	v23 =	vmul.f32 v23, v25  }
0x213: {  	v27 =	vld [tilespmem:s11+$0xFFFFFFD0];
	v20 =	vand.u32 $0xFFFF0000, v30;
	v25 =	vperm.xlane v16, v4;
	v30 =	vperm.xlane v9, v4;
	[tilespmem:s14+$0x0] =	vst v24  }
0x214: {  	v24 =	vmul.f32 v17, v57;
	v20 =	vmul.f32 v20, v61;
	[tilespmem:s14+$0x1D0] =	vst v23;
	v23 =	vld [tilespmem:s11+$0xFFFFFF90]  }
0x215: {  	[tilespmem:s14+$0x1C0] =	vst v19;
	v19 =	vperm.xlane v16, v3;
	v21 =	vshll.u32 v26, $0x10;
	v52 =	vshll.u32 v29, $0x10  }
0x216: {  	v17 =	vld [tilespmem:s11+$0xF0];
	[tilespmem:s14+$0x100] =	vst v24;
	v22 =	vand.u32 $0xFFFF0000, v29;
	v29 =	vperm.xlane v11, v4;
	v21 =	vmul.f32 v21, v28  }
0x217: {  	[tilespmem:s14+$0x110] =	vst v20;
	v24 =	vand.u32 $0xFFFF0000, v26;
	v26 =	vld [tilespmem:s11+$0x10];
	v28 =	vperm.xlane v15, v3;
	v20 =	vmul.f32 v22, v25  }
0x218: {  	v19 =	vmul.f32 v52, v19;
	v25 =	vperm.xlane v13, v4;
	[tilespmem:s14+$0xFFFFFEA0] =	vst v21  }
0x219: {  	v22 =	vshll.u32 v23, $0x10;
	v21 =	vand.u32 $0xFFFF0000, v27;
	[tilespmem:s14+$0xFFFFFE30] =	vst v20;
	v20 =	vmul.f32 v24, v30  }
0x21a: {  	v56 =	vld [tilespmem:s11+$0x90];
	[tilespmem:s14+$0xFFFFFE20] =	vst v19;
	v19 =	vand.u32 $0xFFFF0000, v23;
	v30 =	vperm.xlane v15, v4;
	v22 =	vmul.f32 v22, v31  }
0x21b: {  	v24 =	vshll.u32 v27, $0x10;
	v31 =	vperm.xlane v12, v5;
	v19 =	vmul.f32 v19, v50  }
0x21c: {  	v27 =	vshll.u32 v26, $0x10;
	v24 =	vmul.f32 v24, v51;
	[tilespmem:s14+$0xFFFFFEB0] =	vst v20;
	v20 =	vand.u32 $0xFFFF0000, v17  }
0x21d: {  	v23 =	vld [tilespmem:s11+$0x50];
	[tilespmem:s14+$0xFFFFFF20] =	vst v22;
	v22 =	vand.u32 $0xFFFF0000, v26;
	v26 =	vmul.f32 v27, v54;
	v54 =	vperm.xlane v10, v7  }
0x21e: {  	v18 =	vmul.f32 v20, v18;
	v20 =	vmul.f32 v21, v53  }
0x21f: {  	[tilespmem:s14+$0xFFFFFFA0] =	vst v24;
	v24 =	vshll.u32 v56, $0x10;
	v22 =	vmul.f32 v22, v29;
	v29 =	vperm.xlane v9, v6  }
0x220: {  	[tilespmem:s14+$0xFFFFFF30] =	vst v19;
	v19 =	vld [tilespmem:s11+$0xFFFFFF20];
	v53 =	vperm.xlane v9, v8;
	v24 =	vmul.f32 v24, v28  }
0x221: {  	[tilespmem:s14+$0x20] =	vst v26;
	v26 =	vperm.xlane v16, v6;
	v28 =	vperm.xlane v9, v5  }
0x222: {  	v27 =	vld [tilespmem:s11+$0xFFFFFF60];
	v9 =	vperm.xlane v15, v7;
	v21 =	vshll.u32 v23, $0x10;
	v23 =	vand.u32 $0xFFFF0000, v23  }
0x223: {  	[tilespmem:s14+$0xFFFFFFB0] =	vst v20;
	v20 =	vand.u32 $0xFFFF0000, v56;
	v21 =	vmul.f32 v21, v55;
	v23 =	vmul.f32 v23, v25  }
0x224: {  	[tilespmem:s14+$0x30] =	vst v22;
	v22 =	vld [tilespmem:s11+$0xFFFFFFA0];
	v25 =	vperm.xlane v16, v5;
	v20 =	vmul.f32 v20, v30  }
0x225: {  	s17 =	simm.s32 $0x71C0;
	v30 =	vperm.xlane v10, v5;
	v16 =	vperm.xlane v16, v8;
	[tilespmem:s14+$0xA0] =	vst v21;
	v21 =	vshll.u32 v19, $0x10  }
0x226: {  	v43 =	vld [tilespmem:s17+$0xFFFFFFE0];
	[tilespmem:s14+$0xB0] =	vst v23;
	v19 =	vand.u32 $0xFFFF0000, v19;
	v23 =	vperm.xlane v10, v6;
	v10 =	vperm.xlane v13, v7  }
0x227: {  	v52 =	vld [tilespmem:s17+$0xFFFFFFD0];
	[tilespmem:s14+$0x130] =	vst v20;
	v20 =	vand.u32 $0xFFFF0000, v27;
	v21 =	vmul.f32 v21, v25;
	v19 =	vmul.f32 v19, v26  }
0x228: {  	[tilespmem:s14+$0x120] =	vst v24;
	v24 =	vld [tilespmem:s11+$0xFFFFFFE0];
	v25 =	vshll.u32 v27, $0x10;
	v26 =	vperm.xlane v12, v6;
	v20 =	vmul.f32 v20, v29  }
0x229: {  	v27 =	vld [tilespmem:s11+$0x20];
	v12 =	vperm.xlane v11, v8;
	v25 =	vmul.f32 v25, v28;
	v28 =	vshll.u32 v22, $0x10;
	[tilespmem:s14+$0xFFFFFE40] =	vst v21  }
0x22a: {  	v57 =	vld [tilespmem:s11+$0x60];
	v22 =	vand.u32 $0xFFFF0000, v22;
	v21 =	vperm.xlane v11, v5;
	[tilespmem:s14+$0xFFFFFE50] =	vst v19;
	v19 =	vperm.xlane v11, v6  }
0x22b: {  	s25 =	simm.s32 $0x6DC0;
	v29 =	vld [tilespmem:s11+$0xA0];
	v28 =	vmul.f32 v28, v30;
	v22 =	vmul.f32 v22, v23  }
0x22c: {  	v55 =	vld [tilespmem:s25+$0xFFFFFFE0];
	[tilespmem:s14+$0xFFFFFED0] =	vst v20;
	v20 =	vperm.xlane v13, v6;
	v23 =	vperm.xlane v15, v5  }
0x22d: {  	v30 =	vshll.u32 v24, $0x10;
	v24 =	vand.u32 $0xFFFF0000, v24;
	[tilespmem:s14+$0xFFFFFEC0] =	vst v25;
	v25 =	vperm.xlane v13, v5;
	v58 =	vld [tilespmem:s11+$0xFFFFFF30]  }
0x22e: {  	v24 =	vmul.f32 v24, v26;
	v26 =	vld [tilespmem:s25+$0x30];
	[tilespmem:s14+$0xFFFFFF40] =	vst v28;
	v28 =	vperm.xlane v15, v6  }
0x22f: {  	v60 =	vld [tilespmem:s11+$0xFFFFFF70];
	[tilespmem:s14+$0xFFFFFF50] =	vst v22;
	v59 =	vshll.u32 v27, $0x10;
	v22 =	vand.u32 $0xFFFF0000, v27;
	v27 =	vshll.u32 v57, $0x10  }
0x230: {  	v19 =	vmul.f32 v22, v19;
	v22 =	vmul.f32 v27, v25;
	v25 =	vld [tilespmem:s17+$0x30];
	v27 =	vand.u32 $0xFFFF0000, v29  }
0x231: {  	v11 =	vperm.xlane v15, v8;
	v27 =	vmul.f32 v27, v28;
	v28 =	vld [tilespmem:s25+$0xFFFFFFD0]  }
0x232: {  	v49 =	vld [tilespmem:s25+$0x0];
	v30 =	vmul.f32 v30, v31;
	v13 =	vperm.xlane v13, v8  }
0x233: {  	v15 =	vld [tilespmem:s17+$0x0];
	v32 =	vand.u32 $0xFFFF0000, v57;
	v61 =	vshll.u32 v29, $0x10;
	v21 =	vmul.f32 v59, v21  }
0x234: {  	v46 =	vld [tilespmem:s17+$0xFFFFFFF0];
	v20 =	vmul.f32 v32, v20;
	v23 =	vmul.f32 v61, v23;
	v56 =	vshll.u32 v58, $0x10  }
0x235: {  	v33 =	vand.u32 $0xFFFF0000, v58;
	v58 =	vadd.f32 v43, v55;
	v25 =	vadd.f32 v25, v26;
	v26 =	vld [tilespmem:s25+$0xFFFFFFF0]  }
0x236: {  	v31 =	vld [tilespmem:s11+$0xFFFFFFB0];
	v47 =	vshll.u32 v60, $0x10;
	v32 =	vmul.f32 v56, v62;
	v28 =	vadd.f32 v52, v28  }
0x237: {  	v57 =	vld [tilespmem:s25+$0x10];
	v35 =	vand.u32 $0xFFFF0000, v60;
	v16 =	vmul.f32 v33, v16;
	v48 =	vmul.f32 $2.000000030e-01, v25  }
0x238: {  	v29 =	vld [tilespmem:s17+$0xFFFFFFC0];
	v15 =	vadd.f32 v15, v49;
	v34 =	vmul.f32 v47, v63;
	v60 =	vmul.f32 $2.000000030e-01, v28  }
0x239: {  	[tilespmem:s14+$0xFFFFFFC0] =	vst v30;
	v59 =	vld [tilespmem:s17+$0x10];
	v30 =	vmul.f32 $2.000000030e-01, v58;
	v35 =	vmul.f32 v35, v53;
	v25 =	vmax.f32 v25, v48  }
0x23a: {  	[tilespmem:s14+$0xFFFFFFD0] =	vst v24;
	v61 =	vld [tilespmem:s25+$0x20];
	v25 =	vmul.f32 $1.442695020e+00, v25;
	v26 =	vadd.f32 v46, v26;
	v24 =	vmax.f32 v28, v60  }
0x23b: {  	[tilespmem:s14+$0x50] =	vst v19;
	v28 =	vld [tilespmem:s25+$0xFFFFFFC0];
	v19 =	vmul.f32 $1.442695020e+00, v24;
	v24 =	vmul.f32 $2.000000030e-01, v15  }
0x23c: {  	[tilespmem:s14+$0x40] =	vst v21;
	v21 =	vmax.f32 v58, v30;
	(erf) = vpow2.f32 v25;
	v25 =	vld [tilespmem:s17+$0x20];
	v30 =	vmul.f32 $2.000000030e-01, v26  }
0x23d: {  	v17 =	vshll.u32 v17, $0x10;
	[tilespmem:s14+$0x1F0] =	vst v18;
	v21 =	vmul.f32 $1.442695020e+00, v21;
	(erf) = vpow2.f32 v19  }
0x23e: {  	[tilespmem:s14+$0xC0] =	vst v22;
	v15 =	vmax.f32 v15, v24;
	v22 =	vmax.f32 v26, v30;
	v26 =	vadd.f32 v59, v57  }
0x23f: {  	[tilespmem:s14+$0xD0] =	vst v20;
	v18 =	vshll.u32 v31, $0x10;
	v15 =	vmul.f32 $1.442695020e+00, v15;
	v20 =	vmul.f32 $1.442695020e+00, v22  }
0x240: {  	[tilespmem:s14+$0x140] =	vst v23;
	(erf) = vpow2.f32 v21;
	v23 =	vadd.f32 v29, v28;
	v22 =	vmul.f32 $2.000000030e-01, v26  }
0x241: {  	v18 =	vmul.f32 v18, v54;
	v19 =	vadd.f32 v25, v61;
	(erf) = vpow2.f32 v20  }
0x242: {  	[tilespmem:s14+$0x150] =	vst v27;
	v25 =	vld [tilespmem:s11+$0xFFFFFFF0];
	v21 =	vmax.f32 v26, v22;
	v22 =	vmul.f32 $2.000000030e-01, v23;
	(erf) = vpow2.f32 v15  }
0x243: {  	[tilespmem:s14+$0xFFFFFE70] =	vst v16;
	v20 =	vand.u32 $0xFFFF0000, v31;
	v27 =	vmul.f32 $2.000000030e-01, v19;
	v16 =	vmul.f32 $1.442695020e+00, v21  }
0x244: {  	[tilespmem:s14+$0xFFFFFE60] =	vst v32;
	v20 =	vmul.f32 v20, v41;
	v26 =	vmul.f32 v17, v14;
	v15 =	vmax.f32 v23, v22  }
0x245: {  	[tilespmem:s14+$0xFFFFFEE0] =	vst v34;
	s25 =	simm.s32 $0x75C0;
	v24 =	vpop (erf);
	v19 =	vmax.f32 v19, v27;
	(erf) = vpow2.f32 v16;
	v15 =	vmul.f32 $1.442695020e+00, v15  }
0x246: {  	s18 =	simm.s32 $0x4000;
	v21 =	vld [tilespmem:s11+$0x30];
	[tilespmem:s25+$0x30] =	vst v24;
	v19 =	vmul.f32 $1.442695020e+00, v19;
	v14 =	vperm.xlane v24, v7  }
0x247: {  	[tilespmem:s14+$0xFFFFFF60] =	vst v18;
	v16 =	vshll.u32 v25, $0x10;
	v17 =	vperm.xlane v24, v1;
	v18 =	vperm.xlane v24, v2;
	v22 =	vld [tilespmem:s18+$0xC0]  }
0x248: {  	[tilespmem:s14+$0xFFFFFEF0] =	vst v35;
	v58 =	vperm.xlane v24, v3;
	v16 =	vmul.f32 v16, v42  }
0x249: {  	[tilespmem:s14+$0xFFFFFF70] =	vst v20;
	v50 =	vperm.xlane v24, v4;
	(erf) = vpow2.f32 v19;
	v19 =	vand.u32 $0xFFFF0000, v25  }
0x24a: {  	v25 =	vpop (erf);
	(erf) = vpow2.f32 v15;
	v15 =	vmul.f32 v19, v44;
	[tilespmem:s14+$0xFFFFFFE0] =	vst v16  }
0x24b: {  	v28 =	vld [tilespmem:s11+$0x70];
	v16 =	vshll.u32 v21, $0x10;
	[tilespmem:s25+$0xFFFFFFD0] =	vst v25;
	v30 =	vperm.xlane v25, v1;
	v23 =	vpop (erf);
	v32 =	vperm.xlane v25, v2  }
0x24c: {  	v29 =	vmul.f32 v16, v45;
	[tilespmem:s25+$0xFFFFFFE0] =	vst v23;
	v33 =	vperm.xlane v23, v1;
	v16 =	vshll.u32 v22, $0x10  }
0x24d: {  	v31 =	vld [tilespmem:s18+$0xFFFFFF40];
	v34 =	vperm.xlane v23, v2;
	[tilespmem:s14+$0xFFFFFFF0] =	vst v15;
	v15 =	vand.u32 $0xFFFF0000, v22;
	v22 =	vpop (erf);
	v16 =	vmul.f32 v16, v17  }
0x24e: {  	v15 =	vmul.f32 v15, v18;
	v20 =	vpop (erf);
	v35 =	vperm.xlane v22, v1;
	[tilespmem:s25+$0xFFFFFFF0] =	vst v22  }
0x24f: {  	s19 =	simm.s32 $0x5300;
	v36 =	vperm.xlane v22, v2;
	v46 =	vperm.xlane v22, v4;
	[tilespmem:s25+$0x0] =	vst v20  }
0x250: {  	v17 =	vand.u32 $0xFFFF0000, v28;
	v37 =	vperm.xlane v20, v1;
	v38 =	vperm.xlane v20, v2;
	v63 =	vld [tilespmem:s18+$0xFFFFFFC0];
	[tilespmem:s19+$0x180] =	vst v16  }
0x251: {  	v18 =	vpop (erf);
	v49 =	vperm.xlane v20, v4;
	v16 =	vand.u32 $0xFFFF0000, v21;
	v21 =	vld [tilespmem:s18+$0xFFFFFF80];
	[tilespmem:s19+$0x190] =	vst v15;
	v15 =	vshll.u32 v28, $0x10  }
0x252: {  	v54 =	vshll.u32 v31, $0x10;
	v42 =	vperm.xlane v18, v1;
	v43 =	vperm.xlane v18, v2;
	v55 =	vld [tilespmem:s18+$0x0]  }
0x253: {  	[tilespmem:s14+$0x1E0] =	vst v26;
	v26 =	vand.u32 $0xFFFF0000, v31;
	v62 =	vld [tilespmem:s18+$0xD0];
	v28 =	vmul.f32 v54, v30;
	v30 =	vperm.xlane v25, v3;
	v19 =	vpop (erf)  }
0x254: {  	[tilespmem:s25+$0x10] =	vst v18;
	v26 =	vmul.f32 v26, v32;
	v27 =	vpop (erf);
	v31 =	vperm.xlane v19, v1  }
0x255: {  	[tilespmem:s14+$0x60] =	vst v29;
	v51 =	vld [tilespmem:s18+$0x40];
	v44 =	vperm.xlane v19, v2;
	v57 =	vperm.xlane v27, v1  }
0x256: {  	[tilespmem:s19+$0xFFFFFE80] =	vst v28;
	v59 =	vperm.xlane v27, v2;
	v28 =	vshll.u32 v63, $0x10;
	v29 =	vshll.u32 v21, $0x10  }
0x257: {  	[tilespmem:s19+$0xFFFFFE90] =	vst v26;
	v21 =	vand.u32 $0xFFFF0000, v21;
	v26 =	vand.u32 $0xFFFF0000, v55;
	v28 =	vmul.f32 v28, v35  }
0x258: {  	[tilespmem:s25+$0xFFFFFFC0] =	vst v27;
	v60 =	vshll.u32 v62, $0x10;
	v39 =	vand.u32 $0xFFFF0000, v62;
	v29 =	vmul.f32 v29, v33  }
0x259: {  	[tilespmem:s25+$0x20] =	vst v19;
	v56 =	vld [tilespmem:s18+$0xFFFFFF00];
	v62 =	vshll.u32 v55, $0x10;
	v21 =	vmul.f32 v21, v34;
	v26 =	vmul.f32 v26, v38  }
0x25a: {  	v61 =	vld [tilespmem:s18+$0x80];
	v53 =	vshll.u32 v51, $0x10;
	v47 =	vmul.f32 v60, v58;
	v39 =	vmul.f32 v39, v50;
	[tilespmem:s19+$0xFFFFFF80] =	vst v28  }
0x25b: {  	v40 =	vand.u32 $0xFFFF0000, v63;
	v32 =	vmul.f32 v62, v37;
	v34 =	vmul.f32 v53, v42;
	[tilespmem:s19+$0xFFFFFF00] =	vst v29  }
0x25c: {  	v54 =	vand.u32 $0xFFFF0000, v51;
	v42 =	vperm.xlane v25, v4;
	v29 =	vmul.f32 v40, v36;
	[tilespmem:s19+$0xFFFFFF10] =	vst v21  }
0x25d: {  	v36 =	vmul.f32 v54, v43;
	v21 =	vperm.xlane v24, v5;
	[tilespmem:s19+$0x10] =	vst v26  }
0x25e: {  	v55 =	vld [tilespmem:s18+$0xFFFFFF50];
	v40 =	vperm.xlane v27, v3;
	[tilespmem:s19+$0x1A0] =	vst v47;
	v63 =	vshll.u32 v56, $0x10;
	v45 =	vand.u32 $0xFFFF0000, v56  }
0x25f: {  	[tilespmem:s19+$0x1B0] =	vst v39;
	v60 =	vld [tilespmem:s18+$0xFFFFFF90];
	v56 =	vshll.u32 v61, $0x10;
	v47 =	vmul.f32 v63, v57;
	v50 =	vmul.f32 v45, v59  }
0x260: {  	[tilespmem:s19+$0x0] =	vst v32;
	v52 =	vld [tilespmem:s18+$0xE0];
	v31 =	vmul.f32 v56, v31;
	v59 =	vperm.xlane v24, v6  }
0x261: {  	[tilespmem:s19+$0xFFFFFF90] =	vst v29;
	v57 =	vand.u32 $0xFFFF0000, v61;
	v61 =	vperm.xlane v27, v4;
	v56 =	vperm.xlane v18, v3  }
0x262: {  	v24 =	vperm.xlane v24, v8;
	v45 =	vperm.xlane v22, v5;
	[tilespmem:s19+$0xFFFFFE00] =	vst v47  }
0x263: {  	v39 =	vshll.u32 v55, $0x10;
	v62 =	vld [tilespmem:s18+$0xFFFFFFD0];
	v38 =	vmul.f32 v57, v44;
	v44 =	vperm.xlane v23, v4;
	[tilespmem:s19+$0xFFFFFE10] =	vst v50  }
0x264: {  	[tilespmem:s19+$0x80] =	vst v34;
	v33 =	vand.u32 $0xFFFF0000, v55;
	v30 =	vmul.f32 v39, v30;
	v47 =	vperm.xlane v20, v3;
	v58 =	vld [tilespmem:s18+$0xFFFFFF10]  }
0x265: {  	[tilespmem:s19+$0x100] =	vst v31;
	v31 =	vperm.xlane v19, v4;
	v41 =	vand.u32 $0xFFFF0000, v60;
	v28 =	vshll.u32 v52, $0x10  }
0x266: {  	v48 =	vld [tilespmem:s18+$0x10];
	[tilespmem:s19+$0x90] =	vst v36;
	v29 =	vand.u32 $0xFFFF0000, v52;
	v50 =	vmul.f32 v41, v44;
	v28 =	vmul.f32 v28, v21  }
0x267: {  	v57 =	vshll.u32 v60, $0x10;
	[tilespmem:s19+$0x110] =	vst v38;
	v52 =	vld [tilespmem:s18+$0x50];
	v41 =	vperm.xlane v25, v6;
	v29 =	vmul.f32 v29, v59  }
0x268: {  	v38 =	vld [tilespmem:s18+$0x90];
	v44 =	vperm.xlane v23, v6;
	v59 =	vperm.xlane v19, v3;
	v60 =	vshll.u32 v62, $0x10;
	[tilespmem:s19+$0x1C0] =	vst v28  }
0x269: {  	v28 =	vperm.xlane v23, v3;
	[tilespmem:s19+$0x1D0] =	vst v29;
	v29 =	vperm.xlane v22, v3;
	v63 =	vshll.u32 v58, $0x10  }
0x26a: {  	v37 =	vand.u32 $0xFFFF0000, v58;
	v58 =	vperm.xlane v18, v4;
	v40 =	vmul.f32 v63, v40  }
0x26b: {  	[tilespmem:s19+$0xFFFFFEA0] =	vst v30;
	v26 =	vld [tilespmem:s18+$0xF0];
	v32 =	vmul.f32 v37, v61;
	v61 =	vand.u32 $0xFFFF0000, v62;
	v63 =	vshll.u32 v48, $0x10  }
0x26c: {  	[tilespmem:s19+$0xFFFFFF30] =	vst v50;
	v28 =	vmul.f32 v57, v28;
	v53 =	vshll.u32 v52, $0x10;
	v29 =	vmul.f32 v60, v29  }
0x26d: {  	v57 =	vand.u32 $0xFFFF0000, v38;
	v37 =	vmul.f32 v61, v46;
	v34 =	vmul.f32 v53, v56;
	[tilespmem:s19+$0xFFFFFE20] =	vst v40  }
0x26e: {  	v48 =	vand.u32 $0xFFFF0000, v48;
	v31 =	vmul.f32 v57, v31;
	v46 =	vperm.xlane v22, v6;
	[tilespmem:s19+$0xFFFFFE30] =	vst v32  }
0x26f: {  	v35 =	vld [tilespmem:s11+$0xB0];
	v54 =	vshll.u32 v38, $0x10;
	v40 =	vmul.f32 v63, v47;
	[tilespmem:s19+$0xFFFFFF20] =	vst v28;
	v28 =	vmul.f32 v48, v49  }
0x270: {  	v32 =	vmul.f32 v54, v59;
	[tilespmem:s19+$0xFFFFFFA0] =	vst v29;
	v59 =	vperm.xlane v27, v6;
	v30 =	vld [tilespmem:s18+$0xFFFFFF20];
	v62 =	vand.u32 $0xFFFF0000, v26  }
0x271: {  	v29 =	vld [tilespmem:s18+$0xFFFFFFA0];
	[tilespmem:s19+$0xFFFFFFB0] =	vst v37;
	v39 =	vmul.f32 v62, v24;
	v24 =	vmul.f32 v33, v42  }
0x272: {  	v48 =	vperm.xlane v20, v6;
	v49 =	vperm.xlane v18, v5;
	[tilespmem:s19+$0x20] =	vst v40  }
0x273: {  	v37 =	vperm.xlane v25, v5;
	v40 =	vperm.xlane v23, v5;
	v61 =	vld [tilespmem:s18+$0xFFFFFFE0];
	[tilespmem:s19+$0xFFFFFEB0] =	vst v24;
	v24 =	vand.u32 $0xFFFF0000, v52  }
0x274: {  	v21 =	vshll.u32 v35, $0x10;
	[tilespmem:s19+$0xA0] =	vst v34;
	v42 =	vperm.xlane v20, v5;
	v55 =	vld [tilespmem:s18+$0xFFFFFF60];
	v56 =	vmul.f32 v24, v58  }
0x275: {  	[tilespmem:s19+$0x30] =	vst v28;
	v58 =	vperm.xlane v27, v5;
	v60 =	vshll.u32 v30, $0x10;
	v30 =	vand.u32 $0xFFFF0000, v30  }
0x276: {  	[tilespmem:s19+$0x130] =	vst v31;
	v47 =	vld [tilespmem:s18+$0x20];
	v63 =	vshll.u32 v29, $0x10;
	v29 =	vand.u32 $0xFFFF0000, v29;
	v30 =	vmul.f32 v30, v59  }
0x277: {  	[tilespmem:s19+$0x120] =	vst v32;
	v24 =	vand.u32 $0xFFFF0000, v35;
	v33 =	vmul.f32 v63, v40;
	v29 =	vmul.f32 v29, v44  }
0x278: {  	v57 =	vshll.u32 v61, $0x10;
	v59 =	vld [tilespmem:s18+$0xA0];
	[tilespmem:s19+$0xB0] =	vst v56;
	v56 =	vperm.xlane v19, v5;
	v31 =	vmul.f32 v60, v58  }
0x279: {  	[tilespmem:s19+$0x1F0] =	vst v39;
	v58 =	vand.u32 $0xFFFF0000, v61;
	v60 =	vperm.xlane v19, v6;
	v54 =	vld [tilespmem:s18+$0x60];
	v28 =	vshll.u32 v55, $0x10  }
0x27a: {  	v36 =	vmul.f32 v57, v45;
	[tilespmem:s19+$0xFFFFFE50] =	vst v30;
	v62 =	vand.u32 $0xFFFF0000, v55;
	v28 =	vmul.f32 v28, v37  }
0x27b: {  	v61 =	vshll.u32 v47, $0x10;
	v43 =	vmul.f32 v58, v46;
	[tilespmem:s19+$0xFFFFFE40] =	vst v31;
	v34 =	vmul.f32 v62, v41  }
0x27c: {  	v42 =	vmul.f32 v61, v42;
	v31 =	vand.u32 $0xFFFF0000, v47;
	v55 =	vperm.xlane v18, v6;
	[tilespmem:s19+$0xFFFFFEC0] =	vst v28  }
0x27d: {  	v40 =	vmul.f32 v31, v48;
	v31 =	vperm.xlane v27, v8;
	v62 =	vld [tilespmem:s18+$0xFFFFFF30];
	v63 =	vshll.u32 v59, $0x10;
	[tilespmem:s19+$0xFFFFFED0] =	vst v34  }
0x27e: {  	[tilespmem:s19+$0xFFFFFF40] =	vst v33;
	v32 =	vmul.f32 v63, v56;
	v30 =	vshll.u32 v54, $0x10;
	v28 =	vand.u32 $0xFFFF0000, v54;
	v35 =	vld [tilespmem:s18+$0xFFFFFF70]  }
0x27f: {  	[tilespmem:s19+$0xFFFFFF50] =	vst v29;
	v37 =	vmul.f32 v30, v49;
	v38 =	vmul.f32 v28, v55  }
0x280: {  	[tilespmem:s19+$0xFFFFFFC0] =	vst v36;
	v29 =	vld [tilespmem:s18+$0xFFFFFFB0];
	v30 =	vand.u32 $0xFFFF0000, v59;
	v28 =	vperm.xlane v27, v7;
	v27 =	vperm.xlane v25, v7  }
0x281: {  	v26 =	vshll.u32 v26, $0x10;
	[tilespmem:s19+$0xFFFFFFD0] =	vst v43;
	v33 =	vmul.f32 v30, v60;
	v30 =	vperm.xlane v25, v8  }
0x282: {  	s12 =	simm.s32 $0x6E40;
	s11 =	simm.s32 $0x8;
	[tilespmem:s19+$0x40] =	vst v42;
	v36 =	vld [tilespmem:s18+$0xFFFFFFF0];
	v25 =	vperm.xlane v23, v7;
	v34 =	vshll.u32 v62, $0x10;
	v39 =	vand.u32 $0xFFFF0000, v62  }
.LBB2_7:
0x283: {  	v41 =	vld [tilespmem:s12+$0x30];
	v42 =	vshll.u32 v35, $0x10;
	v23 =	vperm.xlane v23, v8;
	v43 =	vperm.xlane v22, v7;
	[tilespmem:s19+$0x50] =	vst v40;
	s17 =	sadd.s32 $0x80, s17  }
0x284: {  	v35 =	vand.u32 $0xFFFF0000, v35;
	v44 =	vperm.xlane v22, v8;
	v22 =	vperm.xlane v20, v7;
	v40 =	vld [tilespmem:s17+$0x30];
	[tilespmem:s19+$0xC0] =	vst v37  }
0x285: {  	v20 =	vperm.xlane v20, v8;
	v37 =	vld [tilespmem:s17+$0xFFFFFFC0];
	v45 =	vshll.u32 v29, $0x10;
	[tilespmem:s19+$0xD0] =	vst v38;
	v38 =	vperm.xlane v18, v7  }
0x286: {  	v29 =	vand.u32 $0xFFFF0000, v29;
	v18 =	vperm.xlane v18, v8;
	v46 =	vld [tilespmem:s12+$0xFFFFFFD0];
	[tilespmem:s19+$0x140] =	vst v32;
	v32 =	vperm.xlane v19, v7  }
0x287: {  	s11 =	sadd.s32 $0x8, s11;
	v19 =	vperm.xlane v19, v8;
	v47 =	vld [tilespmem:s17+$0xFFFFFFD0];
	v48 =	vshll.u32 v36, $0x10;
	v36 =	vand.u32 $0xFFFF0000, v36;
	[tilespmem:s19+$0x150] =	vst v33  }
0x288: {  	v28 =	vmul.f32 v34, v28;
	v31 =	vmul.f32 v39, v31;
	p0 =	slt.u32 s11, $0x38;
	v33 =	vld [tilespmem:s12+$0xFFFFFFE0]  }
0x289: {  	v27 =	vmul.f32 v42, v27;
	v30 =	vmul.f32 v35, v30;
	v34 =	vld [tilespmem:s17+$0xFFFFFFE0];
	v39 =	vadd.f32 v40, v41  }
0x28a: {  	v25 =	vmul.f32 v45, v25;
	v23 =	vmul.f32 v29, v23;
	v35 =	vld [tilespmem:s12+$0xFFFFFFF0];
	[tilespmem:s19+$0xFFFFFE60] =	vst v28  }
0x28b: {  	v28 =	vld [tilespmem:s17+$0xFFFFFFF0];
	v29 =	vmul.f32 $2.000000030e-01, v39;
	[tilespmem:s19+$0xFFFFFE70] =	vst v31;
	v31 =	vmul.f32 v48, v43  }
0x28c: {  	v16 =	vmul.f32 v16, v12;
	v40 =	vadd.f32 v47, v46;
	v41 =	vld [tilespmem:s12+$0x0];
	[tilespmem:s19+$0xFFFFFEE0] =	vst v27;
	v27 =	vmul.f32 v36, v44  }
0x28d: {  	v15 =	vmul.f32 v15, v10;
	v17 =	vmul.f32 v17, v13;
	v36 =	vld [tilespmem:s17+$0x0];
	v39 =	vmax.f32 v39, v29;
	[tilespmem:s19+$0xFFFFFEF0] =	vst v30  }
0x28e: {  	v12 =	vmovc v20;
	v10 =	vmovc v38;
	v29 =	vmul.f32 $2.000000030e-01, v40;
	v30 =	vadd.f32 v34, v33;
	v33 =	vld [tilespmem:s12+$0x10];
	v34 =	vmul.f32 $1.442695020e+00, v39;
	[tilespmem:s19+$0xFFFFFF60] =	vst v25  }
0x28f: {  	v21 =	vmul.f32 v21, v9;
	v13 =	vmovc v18;
	v9 =	vmov v32;
	v20 =	vld [tilespmem:s17+$0x10];
	[tilespmem:s19+$0xFFFFFF70] =	vst v23;
	v23 =	vmul.f32 v24, v11  }
0x290: {  	v11 =	vmovc v19;
	v18 =	vmul.f32 $2.000000030e-01, v30;
	v24 =	vadd.f32 v28, v35;
	v25 =	vld [tilespmem:s12+$0x20];
	(erf) = vpow2.f32 v34;
	[tilespmem:s19+$0xFFFFFFE0] =	vst v31  }
0x291: {  	v14 =	vmul.f32 v26, v14;
	v19 =	vmax.f32 v40, v29;
	v28 =	vld [tilespmem:s17+$0x20];
	[tilespmem:s19+$0xFFFFFFF0] =	vst v27  }
0x292: {  	v26 =	vld [tilespmem:s12+$0xFFFFFFC0];
	v18 =	vmax.f32 v30, v18;
	v27 =	vmul.f32 $2.000000030e-01, v24;
	v29 =	vadd.f32 v36, v41;
	[tilespmem:s14+$0x70] =	vst v16  }
0x293: {  	v16 =	vmul.f32 $1.442695020e+00, v19;
	v18 =	vmul.f32 $1.442695020e+00, v18;
	v19 =	vld [tilespmem:s18+$0x30];
	[tilespmem:s14+$0xE0] =	vst v15  }
0x294: {  	v15 =	vmax.f32 v24, v27;
	v24 =	vmul.f32 $2.000000030e-01, v29;
	v20 =	vadd.f32 v20, v33;
	v27 =	vld [tilespmem:s18+$0x70];
	[tilespmem:s14+$0xF0] =	vst v17  }
0x295: {  	v15 =	vmul.f32 $1.442695020e+00, v15;
	(erf) = vpow2.f32 v16;
	v30 =	vld [tilespmem:s18+$0xB0];
	[tilespmem:s14+$0x160] =	vst v21  }
0x296: {  	v16 =	vmax.f32 v29, v24;
	v17 =	vmul.f32 $2.000000030e-01, v20;
	v21 =	vadd.f32 v28, v25;
	[tilespmem:s14+$0x170] =	vst v23;
	s14 =	smov.u32 s19  }
0x297: {  	v23 =	vadd.f32 v37, v26;
	v16 =	vmul.f32 $1.442695020e+00, v16;
	(erf) = vpow2.f32 v18;
	[tilespmem:s19+$0x1E0] =	vst v14  }
0x298: {  	v14 =	vmax.f32 v20, v17;
	v17 =	vmul.f32 $2.000000030e-01, v21;
	(erf) = vpow2.f32 v15  }
0x299: {  	s25 =	sadd.s32 $0x80, s25;
	v20 =	vshll.u32 v19, $0x10;
	v15 =	vmul.f32 $2.000000030e-01, v23;
	v18 =	vmul.f32 $1.442695020e+00, v14;
	v26 =	vpop (erf)  }
0x29a: {  	s18 =	sadd.s32 $0x200, s18;
	v17 =	vmax.f32 v21, v17;
	[tilespmem:s25+$0x30] =	vst v26;
	v14 =	vperm.xlane v26, v7;
	(erf) = vpow2.f32 v16  }
0x29b: {  	v15 =	vmax.f32 v23, v15;
	v17 =	vmul.f32 $1.442695020e+00, v17;
	v28 =	vld [tilespmem:s18+$0xC0];
	(erf) = vpow2.f32 v18  }
0x29c: {  	v16 =	vand.u32 $0xFFFF0000, v19;
	v18 =	vmul.f32 $1.442695020e+00, v15;
	v15 =	vshll.u32 v27, $0x10  }
0x29d: {  	v21 =	vshll.u32 v30, $0x10;
	(erf) = vpow2.f32 v17;
	v17 =	vand.u32 $0xFFFF0000, v27  }
0x29e: {  	v24 =	vand.u32 $0xFFFF0000, v30;
	(erf) = vpow2.f32 v18;
	v25 =	vpop (erf);
	v18 =	vmul.f32 v20, v22  }
0x29f: {  	v20 =	vperm.xlane v26, v1;
	[tilespmem:s25+$0xFFFFFFD0] =	vst v25;
	v19 =	vperm.xlane v25, v1  }
0x2a0: {  	v30 =	vperm.xlane v26, v2;
	v29 =	vperm.xlane v25, v2;
	v27 =	vld [tilespmem:s18+$0xFFFFFF40];
	v32 =	vshll.u32 v28, $0x10;
	v23 =	vpop (erf);
	[tilespmem:s19+$0x60] =	vst v18  }
0x2a1: {  	v18 =	vand.u32 $0xFFFF0000, v28;
	[tilespmem:s25+$0xFFFFFFE0] =	vst v23;
	v31 =	vperm.xlane v23, v1;
	v35 =	vmul.f32 v32, v20;
	v22 =	vpop (erf)  }
0x2a2: {  	s19 =	sadd.s32 $0x400, s19;
	v32 =	vperm.xlane v23, v2;
	v37 =	vmul.f32 v18, v30;
	v28 =	vld [tilespmem:s18+$0xFFFFFF80];
	[tilespmem:s25+$0xFFFFFFF0] =	vst v22  }
0x2a3: {  	v33 =	vperm.xlane v22, v1;
	v34 =	vperm.xlane v22, v2;
	v30 =	vld [tilespmem:s18+$0xFFFFFFC0];
	[tilespmem:s19+$0x180] =	vst v35;
	v20 =	vpop (erf)  }
0x2a4: {  	v35 =	vperm.xlane v20, v1;
	v36 =	vperm.xlane v20, v2;
	[tilespmem:s19+$0x190] =	vst v37;
	v18 =	vpop (erf)  }
0x2a5: {  	v37 =	vshll.u32 v27, $0x10;
	[tilespmem:s25+$0x0] =	vst v20;
	v38 =	vperm.xlane v18, v1;
	v39 =	vperm.xlane v18, v2;
	v40 =	vld [tilespmem:s18+$0xD0]  }
0x2a6: {  	v42 =	vperm.xlane v25, v3;
	v41 =	vand.u32 $0xFFFF0000, v27;
	v37 =	vmul.f32 v37, v19;
	v43 =	vld [tilespmem:s18+$0x0];
	[tilespmem:s25+$0x10] =	vst v18;
	v19 =	vpop (erf)  }
0x2a7: {  	v44 =	vshll.u32 v28, $0x10;
	v45 =	vld [tilespmem:s18+$0x40];
	[tilespmem:s25+$0x20] =	vst v19;
	v46 =	vperm.xlane v19, v1;
	v47 =	vperm.xlane v19, v2;
	v27 =	vpop (erf)  }
0x2a8: {  	v28 =	vand.u32 $0xFFFF0000, v28;
	[tilespmem:s25+$0xFFFFFFC0] =	vst v27;
	v48 =	vperm.xlane v27, v1;
	v49 =	vperm.xlane v27, v2;
	v50 =	vld [tilespmem:s18+$0x80]  }
0x2a9: {  	v52 =	vperm.xlane v26, v3;
	v51 =	vld [tilespmem:s18+$0xFFFFFF00];
	[tilespmem:s19+$0xFFFFFE80] =	vst v37;
	v37 =	vshll.u32 v30, $0x10;
	v30 =	vand.u32 $0xFFFF0000, v30  }
0x2aa: {  	v53 =	vperm.xlane v26, v4;
	v29 =	vmul.f32 v41, v29;
	v41 =	vshll.u32 v40, $0x10  }
0x2ab: {  	v40 =	vand.u32 $0xFFFF0000, v40;
	v54 =	vshll.u32 v43, $0x10;
	v41 =	vmul.f32 v41, v52  }
0x2ac: {  	v40 =	vmul.f32 v40, v53;
	[tilespmem:s19+$0xFFFFFE90] =	vst v29;
	v29 =	vand.u32 $0xFFFF0000, v43;
	v43 =	vshll.u32 v45, $0x10  }
0x2ad: {  	v45 =	vand.u32 $0xFFFF0000, v45;
	v52 =	vld [tilespmem:s18+$0xFFFFFF50];
	v53 =	vshll.u32 v50, $0x10;
	v50 =	vand.u32 $0xFFFF0000, v50;
	[tilespmem:s19+$0x1A0] =	vst v41  }
0x2ae: {  	v31 =	vmul.f32 v44, v31;
	v41 =	vshll.u32 v51, $0x10;
	v51 =	vand.u32 $0xFFFF0000, v51;
	[tilespmem:s19+$0x1B0] =	vst v40  }
0x2af: {  	v40 =	vmul.f32 v41, v48;
	v41 =	vmul.f32 v51, v49;
	v44 =	vld [tilespmem:s18+$0xE0]  }
0x2b0: {  	v28 =	vmul.f32 v28, v32;
	[tilespmem:s19+$0xFFFFFF00] =	vst v31;
	v31 =	vmul.f32 v37, v33  }
0x2b1: {  	v30 =	vmul.f32 v30, v34;
	v32 =	vmul.f32 v54, v35;
	[tilespmem:s19+$0xFFFFFE00] =	vst v40  }
0x2b2: {  	v29 =	vmul.f32 v29, v36;
	v34 =	vmul.f32 v43, v38;
	[tilespmem:s19+$0xFFFFFE10] =	vst v41;
	v33 =	vshll.u32 v52, $0x10  }
0x2b3: {  	v37 =	vperm.xlane v26, v5;
	v36 =	vand.u32 $0xFFFF0000, v52;
	v35 =	vld [tilespmem:s18+$0xFFFFFF10];
	[tilespmem:s19+$0xFFFFFF10] =	vst v28;
	v28 =	vmul.f32 v45, v39  }
0x2b4: {  	v40 =	vperm.xlane v26, v6;
	v38 =	vld [tilespmem:s18+$0xFFFFFF90];
	[tilespmem:s19+$0xFFFFFF80] =	vst v31;
	v31 =	vmul.f32 v53, v46;
	v39 =	vshll.u32 v44, $0x10  }
0x2b5: {  	v41 =	vand.u32 $0xFFFF0000, v44;
	[tilespmem:s19+$0xFFFFFF90] =	vst v30;
	v30 =	vmul.f32 v50, v47;
	v37 =	vmul.f32 v39, v37  }
0x2b6: {  	v39 =	vperm.xlane v27, v3;
	v43 =	vld [tilespmem:s18+$0xFFFFFFD0];
	[tilespmem:s19+$0x0] =	vst v32;
	v32 =	vmul.f32 v41, v40  }
0x2b7: {  	v40 =	vperm.xlane v27, v4;
	v41 =	vperm.xlane v25, v4;
	[tilespmem:s19+$0x1C0] =	vst v37  }
0x2b8: {  	v45 =	vperm.xlane v23, v4;
	v44 =	vperm.xlane v23, v3;
	v37 =	vshll.u32 v35, $0x10;
	[tilespmem:s19+$0x1D0] =	vst v32  }
0x2b9: {  	v46 =	vperm.xlane v22, v4;
	v32 =	vand.u32 $0xFFFF0000, v35;
	v35 =	vperm.xlane v22, v3;
	[tilespmem:s19+$0x10] =	vst v29;
	v29 =	vld [tilespmem:s18+$0xF0]  }
0x2ba: {  	v49 =	vperm.xlane v20, v3;
	v50 =	vperm.xlane v20, v4;
	v47 =	vshll.u32 v38, $0x10;
	v48 =	vld [tilespmem:s18+$0x10];
	[tilespmem:s19+$0x80] =	vst v34  }
0x2bb: {  	v34 =	vand.u32 $0xFFFF0000, v38;
	v38 =	vperm.xlane v18, v4;
	[tilespmem:s19+$0x90] =	vst v28;
	v28 =	vperm.xlane v18, v3  }
0x2bc: {  	v53 =	vperm.xlane v19, v4;
	v51 =	vshll.u32 v43, $0x10;
	v52 =	vld [tilespmem:s18+$0x50];
	[tilespmem:s19+$0x100] =	vst v31;
	v31 =	vperm.xlane v19, v3  }
0x2bd: {  	v26 =	vperm.xlane v26, v8;
	v37 =	vmul.f32 v37, v39;
	v39 =	vand.u32 $0xFFFF0000, v43;
	[tilespmem:s19+$0x110] =	vst v30  }
0x2be: {  	v30 =	vmul.f32 v32, v40;
	v32 =	vmul.f32 v33, v42;
	v33 =	vld [tilespmem:s18+$0x90];
	v40 =	vand.u32 $0xFFFF0000, v29  }
0x2bf: {  	[tilespmem:s19+$0xFFFFFE20] =	vst v37;
	v37 =	vshll.u32 v48, $0x10;
	v42 =	vand.u32 $0xFFFF0000, v48;
	v40 =	vmul.f32 v40, v26  }
0x2c0: {  	v26 =	vshll.u32 v29, $0x10;
	[tilespmem:s19+$0xFFFFFE30] =	vst v30;
	v30 =	vmul.f32 v36, v41;
	v36 =	vmul.f32 v47, v44  }
0x2c1: {  	v34 =	vmul.f32 v34, v45;
	v29 =	vld [tilespmem:s18+$0xFFFFFF20];
	v41 =	vshll.u32 v52, $0x10;
	v43 =	vand.u32 $0xFFFF0000, v52;
	[tilespmem:s19+$0x1F0] =	vst v40  }
0x2c2: {  	[tilespmem:s19+$0xFFFFFEA0] =	vst v32;
	v32 =	vmul.f32 v51, v35;
	v35 =	vmul.f32 v39, v46  }
0x2c3: {  	[tilespmem:s19+$0xFFFFFEB0] =	vst v30;
	v30 =	vmul.f32 v37, v49;
	v37 =	vshll.u32 v33, $0x10;
	v33 =	vand.u32 $0xFFFF0000, v33  }
0x2c4: {  	v28 =	vmul.f32 v41, v28;
	v39 =	vld [tilespmem:s18+$0xFFFFFF60];
	[tilespmem:s19+$0xFFFFFF20] =	vst v36;
	v36 =	vmul.f32 v42, v50  }
0x2c5: {  	v31 =	vmul.f32 v37, v31;
	[tilespmem:s19+$0xFFFFFF30] =	vst v34;
	v34 =	vmul.f32 v43, v38  }
0x2c6: {  	v38 =	vperm.xlane v27, v5;
	v37 =	vshll.u32 v29, $0x10;
	v40 =	vld [tilespmem:s18+$0xFFFFFFA0];
	[tilespmem:s19+$0xFFFFFFA0] =	vst v32;
	v32 =	vmul.f32 v33, v53  }
0x2c7: {  	v41 =	vperm.xlane v25, v5;
	v29 =	vand.u32 $0xFFFF0000, v29;
	v33 =	vperm.xlane v27, v6;
	[tilespmem:s19+$0xFFFFFFB0] =	vst v35  }
0x2c8: {  	v42 =	vperm.xlane v23, v5;
	v35 =	vperm.xlane v25, v6;
	v43 =	vld [tilespmem:s18+$0xFFFFFFE0];
	[tilespmem:s19+$0x20] =	vst v30  }
0x2c9: {  	v45 =	vperm.xlane v22, v5;
	v44 =	vperm.xlane v23, v6;
	v30 =	vshll.u32 v39, $0x10;
	[tilespmem:s19+$0x30] =	vst v36  }
0x2ca: {  	v47 =	vperm.xlane v20, v5;
	v36 =	vand.u32 $0xFFFF0000, v39;
	v39 =	vperm.xlane v22, v6;
	v46 =	vld [tilespmem:s18+$0x20];
	[tilespmem:s19+$0xA0] =	vst v28  }
0x2cb: {  	v48 =	vperm.xlane v20, v6;
	v28 =	vshll.u32 v40, $0x10;
	[tilespmem:s19+$0xB0] =	vst v34;
	v34 =	vperm.xlane v18, v5  }
0x2cc: {  	v50 =	vperm.xlane v18, v6;
	v40 =	vand.u32 $0xFFFF0000, v40;
	v49 =	vld [tilespmem:s18+$0x60];
	[tilespmem:s19+$0x120] =	vst v31;
	v31 =	vperm.xlane v19, v5  }
0x2cd: {  	v52 =	vperm.xlane v19, v6;
	v51 =	vshll.u32 v43, $0x10;
	v43 =	vand.u32 $0xFFFF0000, v43;
	[tilespmem:s19+$0x130] =	vst v32  }
0x2ce: {  	v29 =	vmul.f32 v29, v33;
	v32 =	vmul.f32 v37, v38;
	v33 =	vld [tilespmem:s18+$0xA0]  }
0x2cf: {  	v30 =	vmul.f32 v30, v41;
	v37 =	vshll.u32 v46, $0x10;
	v38 =	vand.u32 $0xFFFF0000, v46  }
0x2d0: {  	v28 =	vmul.f32 v28, v42;
	[tilespmem:s19+$0xFFFFFE40] =	vst v32;
	v32 =	vmul.f32 v36, v35  }
0x2d1: {  	[tilespmem:s19+$0xFFFFFE50] =	vst v29;
	v29 =	vmul.f32 v40, v44;
	v36 =	vshll.u32 v49, $0x10;
	v41 =	vand.u32 $0xFFFF0000, v49  }
0x2d2: {  	v39 =	vmul.f32 v43, v39;
	v42 =	vld [tilespmem:s18+$0xFFFFFF30];
	[tilespmem:s19+$0xFFFFFEC0] =	vst v30;
	v30 =	vmul.f32 v51, v45  }
0x2d3: {  	v43 =	vmul.f32 v37, v47;
	[tilespmem:s19+$0xFFFFFED0] =	vst v32;
	v32 =	vshll.u32 v33, $0x10;
	v33 =	vand.u32 $0xFFFF0000, v33  }
.Ltmp2:
0x2d4: {  	v40 =	vmul.f32 v38, v48;
	v37 =	vmul.f32 v36, v34;
	v35 =	vld [tilespmem:s18+$0xFFFFFF70];
	[tilespmem:s19+$0xFFFFFF40] =	vst v28;
	(pc) =	sbr.rel @p0 .LBB2_7-.Ltmp2, $4  }
0x2d5: {  	v38 =	vmul.f32 v41, v50;
	v32 =	vmul.f32 v32, v31;
	[tilespmem:s19+$0xFFFFFF50] =	vst v29  }
0x2d6: {  	v28 =	vperm.xlane v27, v7;
	v33 =	vmul.f32 v33, v52;
	v29 =	vld [tilespmem:s18+$0xFFFFFFB0];
	[tilespmem:s19+$0xFFFFFFC0] =	vst v30  }
0x2d7: {  	v31 =	vperm.xlane v27, v8;
	v27 =	vperm.xlane v25, v7;
	v34 =	vshll.u32 v42, $0x10;
	[tilespmem:s19+$0xFFFFFFD0] =	vst v39  }
0x2d8: {  	s12 =	sadd.s32 $0x80, s12;
	v30 =	vperm.xlane v25, v8;
	v25 =	vperm.xlane v23, v7;
	v39 =	vand.u32 $0xFFFF0000, v42;
	v36 =	vld [tilespmem:s18+$0xFFFFFFF0];
	[tilespmem:s19+$0x40] =	vst v43  }
0x2d9: {  	[tilespmem:s19+$0x50] =	vst v40  }
0x2da: {  	[tilespmem:s19+$0xC0] =	vst v37  }
0x2db: {  	[tilespmem:s19+$0xD0] =	vst v38  }
0x2dc: {  	[tilespmem:s19+$0x140] =	vst v32;
	v28 =	vmul.f32 v34, v28  }
0x2dd: {  	[tilespmem:s19+$0x150] =	vst v33;
	v31 =	vmul.f32 v39, v31  }
0x2de: {  	v12 =	vmul.f32 v16, v12;
	[tilespmem:s19+$0xFFFFFE60] =	vst v28  }
0x2df: {  	v10 =	vmul.f32 v15, v10;
	[tilespmem:s19+$0xFFFFFE70] =	vst v31  }
0x2e0: {  	v13 =	vmul.f32 v17, v13;
	[tilespmem:s14+$0x70] =	vst v12  }
0x2e1: {  	v9 =	vmul.f32 v21, v9;
	[tilespmem:s14+$0xE0] =	vst v10  }
0x2e2: {  	v11 =	vmul.f32 v24, v11;
	[tilespmem:s14+$0xF0] =	vst v13  }
0x2e3: {  	v46 =	vshll.u32 v35, $0x10;
	v14 =	vmul.f32 v26, v14;
	[tilespmem:s14+$0x160] =	vst v9  }
0x2e4: {  	v47 =	vand.u32 $0xFFFF0000, v35;
	v27 =	vmul.f32 v46, v27;
	v54 =	vld [tilespmem:s18+$0x30];
	[tilespmem:s14+$0x170] =	vst v11  }
0x2e5: {  	v23 =	vperm.xlane v23, v8;
	v30 =	vmul.f32 v47, v30;
	v48 =	vshll.u32 v29, $0x10;
	[tilespmem:s19+$0x1E0] =	vst v14  }
0x2e6: {  	v49 =	vperm.xlane v22, v7;
	v56 =	vld [tilespmem:s18+$0xB0];
	v50 =	vand.u32 $0xFFFF0000, v29;
	v25 =	vmul.f32 v48, v25;
	[tilespmem:s19+$0xFFFFFEE0] =	vst v27  }
0x2e7: {  	v51 =	vperm.xlane v22, v8;
	v55 =	vld [tilespmem:s18+$0x70];
	v23 =	vmul.f32 v50, v23;
	[tilespmem:s19+$0xFFFFFEF0] =	vst v30;
	v52 =	vshll.u32 v36, $0x10  }
0x2e8: {  	v10 =	vperm.xlane v20, v7;
	v53 =	vand.u32 $0xFFFF0000, v36;
	v27 =	vmul.f32 v52, v49;
	[tilespmem:s19+$0xFFFFFF60] =	vst v25  }
0x2e9: {  	v57 =	vperm.xlane v20, v8;
	v22 =	vmul.f32 v53, v51;
	[tilespmem:s19+$0xFFFFFF70] =	vst v23;
	v9 =	vshll.u32 v54, $0x10  }
0x2ea: {  	v60 =	vperm.xlane v19, v7;
	v11 =	vand.u32 $0xFFFF0000, v54;
	[tilespmem:s19+$0xFFFFFFE0] =	vst v27;
	v9 =	vmul.f32 v9, v10  }
0x2eb: {  	v58 =	vperm.xlane v18, v7;
	v62 =	vshll.u32 v56, $0x10;
	[tilespmem:s19+$0xFFFFFFF0] =	vst v22;
	v11 =	vmul.f32 v11, v57  }
0x2ec: {  	v59 =	vshll.u32 v55, $0x10;
	v10 =	vperm.xlane v18, v8;
	v63 =	vmul.f32 v62, v60;
	[tilespmem:s19+$0x60] =	vst v9  }
0x2ed: {  	v61 =	vperm.xlane v19, v8;
	v12 =	vand.u32 $0xFFFF0000, v55;
	v9 =	vmul.f32 v59, v58;
	[tilespmem:s19+$0x70] =	vst v11  }
0x2ee: {  	v10 =	vmul.f32 v12, v10;
	v11 =	vand.u32 $0xFFFF0000, v56;
	[tilespmem:s19+$0x160] =	vst v63  }
0x2ef: {  	[tilespmem:s19+$0xE0] =	vst v9;
	v9 =	vmul.f32 v11, v61  }
0x2f0: {  	[tilespmem:s19+$0xF0] =	vst v10  }
0x2f1: {  	p0 =	sge.u32 s13, s20;
	[tilespmem:s19+$0x170] =	vst v9  }
0x2f2: {  	[spmem:s4] =	stream.indirect.scatter.add.f32 [tilespmem:s30], [sflag:$0x4], $0x80, s26, s24, $0xb8;
	[tilespmem:$0x1DC80] =	vst v63  }
0x2f3: {  	s11 =	simm.s32 @!p0 $0x3  }
0x2f4: {  	[spmem:s5] =	stream.indirect.scatter.add.f32 [tilespmem:s31], [sflag:$0x4], $0x10, s26, s24, $0xb8;
	[tilespmem:$0x1DC80] =	vst v63  }
0x2f5: {  	_ =	swait.ge @!p0 [sflag:s11], $0x2000  }
0x2f6: {  	[sflag:s11] =	ssyncset.done @!p0 $0x0  }
0x2f7: {  	s12 =	sshll.u32 @!p0 s13, $0x7;
	[sflag:s11] =	ssyncadd.s32 @!p0 $0xFFFFE000  }
0x2f8: {  	s14 =	sadd.s32 @!p0 s12, s15;
	_ =	swait.ge @!p0 [sflag:s11], $0x400  }
0x2f9: {  	s14 =	sshrl.u32 @!p0 s14, $0x3;
	[sflag:s11] =	ssyncset.done @!p0 $0x0  }
0x2fa: {  	s17 =	simm.s32 @!p0 $0x0;
	[sflag:s11] =	ssyncadd.s32 @!p0 $0xFFFFFC00;
	s11 =	sadd.s32 @!p0 s7, s14  }
0x2fb: {  	[tilespmem:s17], [sflag:$0x5] =	stream.linear.gather @!p0 [hbm4b:s11+s17], $0x40, $0x38;
	[tilespmem:$0x1DC80] =	vst v63  }
0x2fc: {  	s11 =	simm.s32 @!p0 $0x5  }
0x2fd: {  	_ =	swait.ge @!p0 [sflag:s11], $0x40  }
0x2fe: {  	[sflag:s11] =	ssyncset.done @!p0 $0x0  }
0x2ff: {  	s18 =	simm.s32 @!p0 $0x40;
	s14 =	sadd.s32 @!p0 s8, s14;
	[sflag:s11] =	ssyncadd.s32 @!p0 $0xFFFFFFC0  }
0x300: {  	[tilespmem:s18], [sflag:$0x5] =	stream.linear.gather @!p0 [hbm4b:s14+s17], $0x40, $0x38;
	[tilespmem:$0x1DC80] =	vst v63  }
0x301: {  	_ =	swait.ge @!p0 [sflag:s11], $0x40  }
0x302: {  	[sflag:s11] =	ssyncset.done @!p0 $0x0  }
0x303: {  	s14 =	simm.s32 @!p0 $0x80;
	[sflag:s11] =	ssyncadd.s32 @!p0 $0xFFFFFFC0  }
0x304: {  	[tilespmem:s14], [sflag:$0x1] =	stream.indirect.gather @!p0 [hbm4b:s9+s18], $0x40, s17, s18, $0xb8;
	[tilespmem:$0x1DC80] =	vst v63  }
0x305: {  	s14 =	simm.s32 @!p0 $0x3080  }
0x306: {  	[tilespmem:s14], [sflag:$0x1] =	stream.indirect.gather @!p0 [hbm4b:s1+s18], $0x10, s17, s18, $0xb8;
	[tilespmem:$0x1DC80] =	vst v63  }
0x307: {  	s14 =	simm.s32 @!p0 $0x3480  }
0x308: {  	[tilespmem:s14], [sflag:$0x1] =	stream.indirect.gather @!p0 [hbm4b:s2+s18], $0x10, s18, s18, $0xb8;
	[tilespmem:$0x1DC80] =	vst v63  }
0x309: {  	s14 =	simm.s32 @!p0 $0x4  }
0x30a: {  	_ =	swait.ge @!p0 [sflag:s14], $0x2000  }
0x30b: {  	[sflag:s14] =	ssyncset.done @!p0 $0x0  }
0x30c: {  	[sflag:s14] =	ssyncadd.s32 @!p0 $0xFFFFE000  }
0x30d: {  	s12 =	sadd.s32 @!p0 s12, s16;
	_ =	swait.ge @!p0 [sflag:s14], $0x400  }
0x30e: {  	s12 =	sshrl.u32 @!p0 s12, $0x3;
	[sflag:s14] =	ssyncset.done @!p0 $0x0  }
0x30f: {  	s19 =	simm.s32 @!p0 $0x3C80;
	[sflag:s14] =	ssyncadd.s32 @!p0 $0xFFFFFC00;
	s14 =	sadd.s32 @!p0 s7, s12  }
0x310: {  	[tilespmem:s19], [sflag:$0x5] =	stream.linear.gather @!p0 [hbm4b:s14+s17], $0x40, $0x38;
	[tilespmem:$0x1DC80] =	vst v63  }
0x311: {  	_ =	swait.ge @!p0 [sflag:s11], $0x40  }
0x312: {  	[sflag:s11] =	ssyncset.done @!p0 $0x0  }
0x313: {  	s12 =	sadd.s32 @!p0 s8, s12;
	s14 =	simm.s32 @!p0 $0x3CC0;
	[sflag:s11] =	ssyncadd.s32 @!p0 $0xFFFFFFC0  }
0x314: {  	[tilespmem:s14], [sflag:$0x5] =	stream.linear.gather @!p0 [hbm4b:s12+s17], $0x40, $0x38;
	[tilespmem:$0x1DC80] =	vst v63  }
0x315: {  	_ =	swait.ge @!p0 [sflag:s11], $0x40  }
0x316: {  	[sflag:s11] =	ssyncset.done @!p0 $0x0  }
0x317: {  	[sflag:s11] =	ssyncadd.s32 @!p0 $0xFFFFFFC0;
	s11 =	simm.s32 @!p0 $0x3D00  }
0x318: {  	[tilespmem:s11], [sflag:$0x2] =	stream.indirect.gather @!p0 [hbm4b:s9+s18], $0x40, s19, s18, $0xb8;
	[tilespmem:$0x1DC80] =	vst v63  }
0x319: {  	s11 =	simm.s32 @!p0 $0x6D00  }
0x31a: {  	[tilespmem:s11], [sflag:$0x2] =	stream.indirect.gather @!p0 [hbm4b:s1+s18], $0x10, s19, s18, $0xb8;
	[tilespmem:$0x1DC80] =	vst v63  }
0x31b: {  	s13 =	sadd.s32 $0x1, s13;
	s11 =	simm.s32 @!p0 $0x7100  }
0x31c: {  	[tilespmem:s11], [sflag:$0x2] =	stream.indirect.gather @!p0 [hbm4b:s2+s18], $0x10, s14, s18, $0xb8;
	[tilespmem:$0x1DC80] =	vst v63  }
0x31d: {  	p0 =	sne.s32 s13, s10  }
.Ltmp3:
0x31e: {  	_ = 	snop;
	(pc) =	sbr.rel @p0 .LBB2_4-.Ltmp3, $1  }
0x31f: {  	_ =	sdelay $0x3  }
0x320: {  	_ =	swait.ge [sflag:s3], $0x2000  }
0x321: {  	[sflag:s3] =	ssyncset.done $0x0  }
0x322: {  	[sflag:s3] =	ssyncadd.s32 $0xFFFFE000  }
0x323: {  	_ =	swait.ge [sflag:s3], $0x400  }
0x324: {  	[sflag:s3] =	ssyncset.done $0x0  }
0x325: {  	[sflag:s3] =	ssyncadd.s32 $0xFFFFFC00  }
0x326: {  	_ =	swait.ge [sflag:s0], $0x2000  }
0x327: {  	[sflag:s0] =	ssyncset.done $0x0  }
0x328: {  	[sflag:s0] =	ssyncadd.s32 $0xFFFFE000  }
0x329: {  	_ =	swait.ge [sflag:s0], $0x400  }
0x32a: {  	[sflag:s0] =	ssyncset.done $0x0  }
0x32b: {  	[sflag:s0] =	ssyncadd.s32 $0xFFFFFC00  }
0x32c: {  	s11 =	stileid.u32;
	[bflag:$0x0] =	sbarrier.arrive $0xFFFF  }
0x32d: {  	s11 =	sshll.u32 s11, $0x6;
	s18 =	rddreg [dreg:$0x6]  }
0x32e: {  	s11 =	sor.u32 $0x1C05, s11;
	s13 =	rddreg [dreg:$0x1e];
	s12 =	sshrl.u32 s18, $0x3  }
0x32f: {  	[hbm:s13], [sflag:s11] =	dma.local [spmem:s12], $0x2780  }
0x330: {  	_ =	swait.ge [sflag:s22], $0x2780  }
0x331: {  	[sflag:s22] =	ssyncset.done $0x0;
	s19 =	rddreg [dreg:$0x7]  }
0x332: {  	s17 =	rddreg [dreg:$0x1f];
	[sflag:s22] =	ssyncadd.s32 $0xFFFFD880;
	s14 =	sshrl.u32 s19, $0x3  }
0x333: {  	[hbm:s17], [sflag:s11] =	dma.local [spmem:s14], $0x4F0  }
0x334: {  	_ =	swait.ge [sflag:s22], $0x4F0  }
0x335: {  	s25 =	sld [smem:$0x7FD];
	_ =	sdelay $0x1  }
0x336: {  	s6 =	sadd.s32 $0x1, s6  }
0x337: {  	p0 =	sne.s32 s6, s25  }
.Ltmp4:
0x338: {  	_ = 	snop;
	(pc) =	sbr.rel @p0 .LBB2_1-.Ltmp4, $3  }
0x339: {  	_ =	sdelay $0x1  }
0x33a: {  	[sflag:s22] =	ssyncset.done $0x0  }
0x33b: {  	[sflag:s22] =	ssyncadd.s32 $0xFFFFFB10  }
0x33c: {  	_ =	sfence.sel $0x180000  }
0x33d: {  	[bflag:$0x0] =	sbarrier.arrive $0xFFFF  }
0x33e: {  	_ =	strace $0x90000047  }
0x33f: {  	s0 =	stileid.u32;
	[bflag:$0x2] =	sbarrier.arrive $0xFFFF  }
0x340: {  	p0 =	sne.s32 s0, $0x0;
	s0 =	rddreg [dreg:$0x5]  }
0x341: {  	s0 =	sadd.s32 @!p0 $0x100000, s0  }
0x342: {  	[sflag:s0] =	ssyncadd.tile.s32 @!p0 $0x1;
	_ =	shalt  }
.Lfunc_end2:
_tile_overlayer_lowered:
.L_overlay_start_2:
0x343: {  	(tag) =	ssettag $0x2  }
0x344: {  	s0 =	rddreg [dreg:$0x0];
	s2 =	stileid.u32  }
0x345: {  	s1 =	rddreg [dreg:$0x1];
	p0 =	sne.s32 s2, $0x0  }
0x346: {  	s3 =	rddreg [dreg:$0x2];
	[bflag:$0x3] =	sbarrier.arrive $0xFFFF;
	s2 =	simm.s32 @!p0 $0x1C05  }
0x347: {  	[timem:s3], [sflag:s2] =	dma.local @!p0 [hbm:s0], s1  }
0x348: {  	s0 =	simm.s32 @!p0 $0x5  }
0x349: {  	_ =	swait.ge @!p0 [sflag:s0], s1  }
0x34a: {  	s1 =	ssub.s32 @!p0 $0x0, s1;
	[sflag:s0] =	ssyncset.done @!p0 $0x0  }
0x34b: {  	[sflag:s0] =	ssyncadd.s32 @!p0 s1  }
0x34c: {  	[bflag:$0x3] =	sbarrier.arrive $0xFFFF  }
0x34d: {  	_ =	shalt  }

</sc_bundles>
